<compile_context>
chip_gen: v7x
topology: tpu7x:2x2x1
jax: 0.10.2.dev20260603
libtpu: 0.0.44.dev20260713+nightly
codegen_flags: <defaults>
</compile_context>

<pallas_src>
import functools

import jax
import jax.numpy as jnp
from jax import lax
from jax.experimental import pallas as pl
from jax.experimental.pallas import tpu as pltpu
from jax.experimental.pallas import tpu_sc as plsc

_N = 16384
_K = max(1, int(0.7 * _N))
_NSUB = 16
_CHUNK = _N // _NSUB
_NV = _CHUNK // 16


_GATHER_DNUMS = lax.GatherDimensionNumbers(
    offset_dims=(), collapsed_slice_dims=(0,), start_index_map=(0,))


def _shuf(v, idx):
    return lax.gather(v, idx[:, None], _GATHER_DNUMS, (1,),
                      mode=lax.GatherScatterMode.PROMISE_IN_BOUNDS)


def _iota():
    return lax.iota(jnp.int32, 16)


def _fold4(v):
    i = _iota()
    v = v + _shuf(v, i ^ 1)
    return v + _shuf(v, i ^ 2)


def _splat_sum(v):
    i = _iota()
    for b in (1, 2, 4, 8):
        v = v + _shuf(v, i ^ b)
    return v


def _splat_max(v):
    i = _iota()
    for b in (1, 2, 4, 8):
        v = jnp.maximum(v, _shuf(v, i ^ b))
    return v


def _sc_body(x_hbm, t0_hbm, t1_hbm, out_hbm,
             xv, lossv, t0v, t1v, bitsv, pub_f, sh_f, sh_f2, sh_f3, g_f,
             g_f2, g_f3, outv):
    c = lax.axis_index("c")
    s = lax.axis_index("s")

    @pl.when(c == 0)
    def _():
        base = s * _CHUNK
        pltpu.sync_copy(x_hbm.at[pl.ds(base, _CHUNK)], xv)
        pltpu.sync_copy(t0_hbm.at[pl.ds(base, _CHUNK)], t0v)
        pltpu.sync_copy(t1_hbm.at[pl.ds(base, _CHUNK)], t1v)

        @plsc.parallel_loop(0, _NV, unroll=4)
        def _loss_loop(i):
            sl = pl.ds(i * 16, 16)
            xx = xv[sl]
            ax = jnp.abs(xx)
            z = jnp.exp(-ax)
            w = z / (z + 2.0)
            u = w * w
            p = jnp.float32(1.0 / 13.0)
            for d in (11.0, 9.0, 7.0, 5.0, 3.0):
                p = jnp.float32(1.0 / d) + u * p
            l1p = 2.0 * w * (1.0 + u * p)
            lin = jnp.where(t1v[sl] > t0v[sl],
                            jnp.maximum(-xx, 0.0), jnp.maximum(xx, 0.0))
            loss = lin + l1p
            lossv[sl] = loss
            bitsv[sl] = lax.bitcast_convert_type(loss, jnp.int32)

        kvec = jnp.full((16,), float(_K), jnp.float32)
        ii = _iota()
        idx_g4 = (ii & 3) * 4
        lane_lt4 = ii < 4
        lane_lt8 = ii < 8
        lane_lt12 = ii < 12
        bcast0 = jnp.zeros((16,), jnp.int32)
        bcast4 = jnp.full((16,), 4, jnp.int32)
        bcast8 = jnp.full((16,), 8, jnp.int32)
        lo = jnp.zeros((16,), jnp.int32)
        srow = pl.ds(s * 16, 16)

        def count_lt(thr):
            z = jnp.zeros((16,), jnp.float32)

            @plsc.parallel_loop(0, _NV, unroll=8, carry=z)
            def acc_out(j, acc):
                b = bitsv[pl.ds(j * 16, 16)]
                return acc + jnp.where(b < thr, 1.0, 0.0)

            return acc_out

        def count3_lt(tA, tB, tC):
            z = jnp.zeros((16,), jnp.float32)

            @plsc.parallel_loop(0, _NV, unroll=8, carry=(z, z, z))
            def accs_out(j, accs):
                aA, aB, aC = accs
                b = bitsv[pl.ds(j * 16, 16)]
                aA = aA + jnp.where(b < tA, 1.0, 0.0)
                aB = aB + jnp.where(b < tB, 1.0, 0.0)
                aC = aC + jnp.where(b < tC, 1.0, 0.0)
                return aA, aB, aC

            return accs_out

        def exchange(pub, parity, sh, g):
            pub_f[...] = pub
            off = parity * (_NSUB * 16)
            pltpu.sync_copy(pub_f, sh.at[pl.ds(off + s * 16, 16)])
            plsc.subcore_barrier()
            pltpu.sync_copy(sh.at[pl.ds(off, _NSUB * 16)], g)
            tot = jnp.zeros((16,), jnp.float32)
            for r in range(_NSUB):
                tot = tot + g[pl.ds(r * 16, 16)]
            return _fold4(tot)

        q0 = 1 << 30
        accA = count_lt(lo + jnp.int32(q0))
        pub = jnp.where(lane_lt4, _shuf(_fold4(accA), idx_g4), 0.0)
        t4 = exchange(pub, 0, sh_f, g_f)
        cA = _shuf(t4, bcast0)
        lo = lo + jnp.where(cA < kvec, jnp.int32(q0), 0)

        for r in range(8):
            q = jnp.int32(1 << (28 - 2 * r))
            accA, accB, accC = count3_lt(lo + q, lo + 2 * q, lo + 3 * q)
            pub = jnp.where(
                lane_lt4, _shuf(_fold4(accA), idx_g4),
                jnp.where(lane_lt8, _shuf(_fold4(accB), idx_g4),
                          jnp.where(lane_lt12, _shuf(_fold4(accC), idx_g4),
                                    0.0)))
            t4 = exchange(pub, (r + 1) % 2, sh_f, g_f)
            cA = _shuf(t4, bcast0)
            cB = _shuf(t4, bcast4)
            cC = _shuf(t4, bcast8)
            lo = (lo + jnp.where(cA < kvec, q, 0)
                  + jnp.where(cB < kvec, q, 0)
                  + jnp.where(cC < kvec, q, 0))

        thr_bits = lo + jnp.int32(1 << 14)

        zf = jnp.zeros((16,), jnp.float32)

        @plsc.parallel_loop(0, _NV, unroll=8, carry=(zf, zf, zf))
        def _final_accs(j, acc):
            sacc, cacc, macc = acc
            sl = pl.ds(j * 16, 16)
            b = bitsv[sl]
            lv = lossv[sl]
            m = b < thr_bits
            sacc = sacc + jnp.where(m, lv, 0.0)
            cacc = cacc + jnp.where(m, 1.0, 0.0)
            macc = jnp.maximum(macc, jnp.where(b <= thr_bits, lv, 0.0))
            return sacc, cacc, macc

        sbv, cbv, mbv = _final_accs
        pub_f[...] = sbv
        pltpu.sync_copy(pub_f, sh_f2.at[srow])
        pub_f[...] = cbv
        pltpu.sync_copy(pub_f, sh_f3.at[srow])
        pub_f[...] = mbv
        pltpu.sync_copy(pub_f, sh_f.at[srow])
        plsc.subcore_barrier()

        @pl.when(s == 0)
        def _():
            pltpu.sync_copy(sh_f2.at[pl.ds(0, _NSUB * 16)], g_f)
            pltpu.sync_copy(sh_f3.at[pl.ds(0, _NSUB * 16)], g_f2)
            pltpu.sync_copy(sh_f.at[pl.ds(0, _NSUB * 16)], g_f3)
            stot = jnp.zeros((16,), jnp.float32)
            ctot = jnp.zeros((16,), jnp.float32)
            mtot = jnp.zeros((16,), jnp.float32)
            for r in range(_NSUB):
                stot = stot + g_f[pl.ds(r * 16, 16)]
                ctot = ctot + g_f2[pl.ds(r * 16, 16)]
                mtot = jnp.maximum(mtot, g_f3[pl.ds(r * 16, 16)])
            sb = _splat_sum(stot)
            cb = _splat_sum(ctot)
            thrv = _splat_max(mtot)
            total = sb + thrv * (kvec - cb)
            outv[...] = total / jnp.float32(_K)
            pltpu.sync_copy(outv, out_hbm)


_sc_call = functools.partial(
    pl.kernel,
    out_type=jax.ShapeDtypeStruct((16,), jnp.float32),
    mesh=plsc.VectorSubcoreMesh(core_axis_name="c", subcore_axis_name="s", num_cores=1),
    scratch_types=[
        pltpu.VMEM((_CHUNK,), jnp.float32),
        pltpu.VMEM((_CHUNK,), jnp.float32),
        pltpu.VMEM((_CHUNK,), jnp.float32),
        pltpu.VMEM((_CHUNK,), jnp.float32),
        pltpu.VMEM((_CHUNK,), jnp.int32),
        pltpu.VMEM((16,), jnp.float32),
        pltpu.VMEM_SHARED((2 * _NSUB * 16,), jnp.float32),
        pltpu.VMEM_SHARED((_NSUB * 16,), jnp.float32),
        pltpu.VMEM_SHARED((_NSUB * 16,), jnp.float32),
        pltpu.VMEM((_NSUB * 16,), jnp.float32),
        pltpu.VMEM((_NSUB * 16,), jnp.float32),
        pltpu.VMEM((_NSUB * 16,), jnp.float32),
        pltpu.VMEM((16,), jnp.float32),
    ],
)(_sc_body)


def kernel(logits, targets, batchs):
    x = logits.reshape(_N)
    t0 = targets[:, 0]
    t1 = targets[:, 1]
    out = _sc_call(x, t0, t1)
    return out[0]

# --- scband reference (transcript-rebuilt; emitter-appended) ---
"""Pipeline reference for scband-splbceloss-15951508537901 (READ-ONLY COPY).

The authoritative reference and input builder live on the scoring server;
editing this copy changes nothing except your own understanding.
"""

import jax, jax.numpy as jnp
import numpy as np

KEEP_RATIO = 0.7


def setup_inputs(seed: int = 0) -> dict:
    key = jax.random.key(seed)
    k1, k2 = jax.random.split(key)
    logits = jax.random.normal(k1, (16384, 1), dtype=jnp.float32)
    targets = jax.random.uniform(k2, (16384, 2), dtype=jnp.float32)
    batchs = 16384  # unused by the loss, but part of the forward signature
    return {"logits": logits, "targets": targets, "batchs": batchs}


def _bce_with_logits(x, t):
    # Numerically stable BCEWithLogits, reduction='none'
    return jnp.maximum(x, 0.0) - x * t + jnp.log1p(jnp.exp(-jnp.abs(x)))


def reference(logits, targets, batchs):
    t = targets
    if t.ndim == 2:
        lab = jnp.argmax(t, axis=1)
        t = (lab != 0).astype(jnp.float32)
    x = logits
    if x.ndim == 2:
        x = jnp.squeeze(x, axis=-1)
    losses = _bce_with_logits(x, t)
    B = losses.size
    k = max(1, int(KEEP_RATIO * B))
    # torch.topk(losses, k, largest=False) -> top_k of negated losses
    _, idx = jax.lax.top_k(-losses, k)
    selected = losses[idx]
    return selected.mean()

if __name__ == "__main__":
    import jax
    _d = setup_inputs()
    print(jax.jit(kernel)(*tuple(_d.values())))

</pallas_src>

<mosaic_0001>
#map = affine_map<(d0, d1) -> (0)>
module attributes {stable_mosaic.version = 14 : i64} {
  func.func @_sc_body(%arg0: i32, %arg1: i32, %arg2: memref<16384xf32, #tpu.memory_space<hbm>>, %arg3: memref<16384xf32, #tpu.memory_space<hbm>>, %arg4: memref<16384xf32, #tpu.memory_space<hbm>>, %arg5: memref<16xf32, #tpu.memory_space<hbm>>, %arg6: memref<1024xf32, #tpu.memory_space<vmem>>, %arg7: memref<1024xf32, #tpu.memory_space<vmem>>, %arg8: memref<1024xf32, #tpu.memory_space<vmem>>, %arg9: memref<1024xf32, #tpu.memory_space<vmem>>, %arg10: memref<1024xi32, #tpu.memory_space<vmem>>, %arg11: memref<16xf32, #tpu.memory_space<vmem>>, %arg12: memref<512xf32, #tpu.memory_space<vmem_shared>>, %arg13: memref<256xf32, #tpu.memory_space<vmem_shared>>, %arg14: memref<256xf32, #tpu.memory_space<vmem_shared>>, %arg15: memref<256xf32, #tpu.memory_space<vmem>>, %arg16: memref<256xf32, #tpu.memory_space<vmem>>, %arg17: memref<256xf32, #tpu.memory_space<vmem>>, %arg18: memref<16xf32, #tpu.memory_space<vmem>>) attributes {dimension_semantics = [#tpu.dimension_semantics<core_parallel>, #tpu.dimension_semantics<subcore_parallel>], iteration_bounds = array<i64: 1, 16>, scalar_prefetch = 0 : i64, scratch_operands = 13 : i64, tpu.core_type = #tpu.core_type<sc_vector_subcore>, window_params = [{transform_indices = #map}, {transform_indices = #map}, {transform_indices = #map}, {transform_indices = #map}]} {
    %eq3A = arith.constant 0 : i32
    %eq3A_0 = arith.cmpi eq, %arg0, %eq3A : i32
    %convert_element_type3A = arith.extui %eq3A_0 : i1 to i32
    %cond3A = arith.constant 0 : i32
    %cond3A_1 = arith.cmpi ne, %convert_element_type3A, %cond3A : i32
    scf.if %cond3A_1 {
      %mul3A = arith.constant 1024 : i32
      %mul3A_2 = arith.muli %arg1, %mul3A : i32
      "tpu.region"() ({
        %run_scoped3A = tpu.sem_alloc : memref<!tpu.dma_semaphore, #tpu.memory_space<semaphore_mem>>
        %dma_start3A = tpu.memref_slice %arg2[%mul3A_2] : memref<16384xf32, #tpu.memory_space<hbm>> -> memref<1024xf32, #tpu.memory_space<hbm>>
        %dma_start3A_1762 = tpu.memref_slice %arg2[%mul3A_2] : memref<16384xf32, #tpu.memory_space<hbm>> -> memref<1024xf32, #tpu.memory_space<hbm>>
        tpu.enqueue_dma source(%dma_start3A_1762 : memref<1024xf32, #tpu.memory_space<hbm>>) target(%arg6 : memref<1024xf32, #tpu.memory_space<vmem>>) target_semaphore(%run_scoped3A : memref<!tpu.dma_semaphore, #tpu.memory_space<semaphore_mem>>)
        %dma_wait3A = tpu.memref_slice %arg2[%mul3A_2] : memref<16384xf32, #tpu.memory_space<hbm>> -> memref<1024xf32, #tpu.memory_space<hbm>>
        %dma_wait3A_1763 = tpu.memref_slice %arg2[%mul3A_2] : memref<16384xf32, #tpu.memory_space<hbm>> -> memref<1024xf32, #tpu.memory_space<hbm>>
        tpu.wait_dma2 semaphore(%run_scoped3A : memref<!tpu.dma_semaphore, #tpu.memory_space<semaphore_mem>>) src(%dma_wait3A_1763 : memref<1024xf32, #tpu.memory_space<hbm>>) dst(%arg6 : memref<1024xf32, #tpu.memory_space<vmem>>)
        tpu.yield
      }) : () -> ()
      "tpu.region"() ({
        %run_scoped3A = tpu.sem_alloc : memref<!tpu.dma_semaphore, #tpu.memory_space<semaphore_mem>>
        %dma_start3A = tpu.memref_slice %arg3[%mul3A_2] : memref<16384xf32, #tpu.memory_space<hbm>> -> memref<1024xf32, #tpu.memory_space<hbm>>
        %dma_start3A_1762 = tpu.memref_slice %arg3[%mul3A_2] : memref<16384xf32, #tpu.memory_space<hbm>> -> memref<1024xf32, #tpu.memory_space<hbm>>
        tpu.enqueue_dma source(%dma_start3A_1762 : memref<1024xf32, #tpu.memory_space<hbm>>) target(%arg8 : memref<1024xf32, #tpu.memory_space<vmem>>) target_semaphore(%run_scoped3A : memref<!tpu.dma_semaphore, #tpu.memory_space<semaphore_mem>>)
        %dma_wait3A = tpu.memref_slice %arg3[%mul3A_2] : memref<16384xf32, #tpu.memory_space<hbm>> -> memref<1024xf32, #tpu.memory_space<hbm>>
        %dma_wait3A_1763 = tpu.memref_slice %arg3[%mul3A_2] : memref<16384xf32, #tpu.memory_space<hbm>> -> memref<1024xf32, #tpu.memory_space<hbm>>
        tpu.wait_dma2 semaphore(%run_scoped3A : memref<!tpu.dma_semaphore, #tpu.memory_space<semaphore_mem>>) src(%dma_wait3A_1763 : memref<1024xf32, #tpu.memory_space<hbm>>) dst(%arg8 : memref<1024xf32, #tpu.memory_space<vmem>>)
        tpu.yield
      }) : () -> ()
      "tpu.region"() ({
        %run_scoped3A = tpu.sem_alloc : memref<!tpu.dma_semaphore, #tpu.memory_space<semaphore_mem>>
        %dma_start3A = tpu.memref_slice %arg4[%mul3A_2] : memref<16384xf32, #tpu.memory_space<hbm>> -> memref<1024xf32, #tpu.memory_space<hbm>>
        %dma_start3A_1762 = tpu.memref_slice %arg4[%mul3A_2] : memref<16384xf32, #tpu.memory_space<hbm>> -> memref<1024xf32, #tpu.memory_space<hbm>>
        tpu.enqueue_dma source(%dma_start3A_1762 : memref<1024xf32, #tpu.memory_space<hbm>>) target(%arg9 : memref<1024xf32, #tpu.memory_space<vmem>>) target_semaphore(%run_scoped3A : memref<!tpu.dma_semaphore, #tpu.memory_space<semaphore_mem>>)
        %dma_wait3A = tpu.memref_slice %arg4[%mul3A_2] : memref<16384xf32, #tpu.memory_space<hbm>> -> memref<1024xf32, #tpu.memory_space<hbm>>
        %dma_wait3A_1763 = tpu.memref_slice %arg4[%mul3A_2] : memref<16384xf32, #tpu.memory_space<hbm>> -> memref<1024xf32, #tpu.memory_space<hbm>>
        tpu.wait_dma2 semaphore(%run_scoped3A : memref<!tpu.dma_semaphore, #tpu.memory_space<semaphore_mem>>) src(%dma_wait3A_1763 : memref<1024xf32, #tpu.memory_space<hbm>>) dst(%arg9 : memref<1024xf32, #tpu.memory_space<vmem>>)
        tpu.yield
      }) : () -> ()
      %parallel_loop3A = arith.constant 0 : i32
      %parallel_loop3A_3 = arith.constant 64 : i32
      %parallel_loop3A_4 = arith.constant 1 : i32
      scf.for %parallel_loop3A_1762 = %parallel_loop3A to %parallel_loop3A_3 step %parallel_loop3A_4  : i32 {
        %parallel_loop3A_1763 = arith.constant 16 : i32
        %parallel_loop3A_1764 = arith.muli %parallel_loop3A_1762, %parallel_loop3A_1763 : i32
        %parallel_loop3A_1765 = arith.index_cast %parallel_loop3A_1764 : i32 to index
        %parallel_loop3A_1766 = tpu.vector_load %arg6[%parallel_loop3A_1765] {strides = array<i32>} : memref<1024xf32, #tpu.memory_space<vmem>>, vector<16xf32>,
        %parallel_loop3A_1767 = vector.shape_cast %parallel_loop3A_1766 : vector<16xf32> to vector<16xf32>
        %parallel_loop3A_1768 = math.absf %parallel_loop3A_1767 : vector<16xf32>
        %parallel_loop3A_1769 = arith.constant 0.000000e+00 : f32
        %parallel_loop3A_1770 = vector.broadcast %parallel_loop3A_1769 : f32 to vector<16xf32>
        %parallel_loop3A_1771 = arith.subf %parallel_loop3A_1770, %parallel_loop3A_1768 : vector<16xf32>
        %parallel_loop3A_1772 = math.exp %parallel_loop3A_1771 : vector<16xf32>
        %parallel_loop3A_1773 = arith.constant 2.000000e+00 : f32
        %parallel_loop3A_1774 = vector.broadcast %parallel_loop3A_1773 : f32 to vector<16xf32>
        %parallel_loop3A_1775 = arith.addf %parallel_loop3A_1772, %parallel_loop3A_1774 : vector<16xf32>
        %parallel_loop3A_1776 = arith.divf %parallel_loop3A_1772, %parallel_loop3A_1775 : vector<16xf32>
        %parallel_loop3A_1777 = arith.mulf %parallel_loop3A_1776, %parallel_loop3A_1776 : vector<16xf32>
        %parallel_loop3A_1778 = arith.constant 0.0769230798 : f32
        %parallel_loop3A_1779 = vector.broadcast %parallel_loop3A_1778 : f32 to vector<16xf32>
        %parallel_loop3A_1780 = arith.mulf %parallel_loop3A_1777, %parallel_loop3A_1779 : vector<16xf32>
        %parallel_loop3A_1781 = arith.constant 0.0909090936 : f32
        %parallel_loop3A_1782 = vector.broadcast %parallel_loop3A_1781 : f32 to vector<16xf32>
        %parallel_loop3A_1783 = arith.addf %parallel_loop3A_1782, %parallel_loop3A_1780 : vector<16xf32>
        %parallel_loop3A_1784 = arith.mulf %parallel_loop3A_1777, %parallel_loop3A_1783 : vector<16xf32>
        %parallel_loop3A_1785 = arith.constant 0.111111112 : f32
        %parallel_loop3A_1786 = vector.broadcast %parallel_loop3A_1785 : f32 to vector<16xf32>
        %parallel_loop3A_1787 = arith.addf %parallel_loop3A_1786, %parallel_loop3A_1784 : vector<16xf32>
        %parallel_loop3A_1788 = arith.mulf %parallel_loop3A_1777, %parallel_loop3A_1787 : vector<16xf32>
        %parallel_loop3A_1789 = arith.constant 0.142857149 : f32
        %parallel_loop3A_1790 = vector.broadcast %parallel_loop3A_1789 : f32 to vector<16xf32>
        %parallel_loop3A_1791 = arith.addf %parallel_loop3A_1790, %parallel_loop3A_1788 : vector<16xf32>
        %parallel_loop3A_1792 = arith.mulf %parallel_loop3A_1777, %parallel_loop3A_1791 : vector<16xf32>
        %parallel_loop3A_1793 = arith.constant 2.000000e-01 : f32
        %parallel_loop3A_1794 = vector.broadcast %parallel_loop3A_1793 : f32 to vector<16xf32>
        %parallel_loop3A_1795 = arith.addf %parallel_loop3A_1794, %parallel_loop3A_1792 : vector<16xf32>
        %parallel_loop3A_1796 = arith.mulf %parallel_loop3A_1777, %parallel_loop3A_1795 : vector<16xf32>
        %parallel_loop3A_1797 = arith.constant 0.333333343 : f32
        %parallel_loop3A_1798 = vector.broadcast %parallel_loop3A_1797 : f32 to vector<16xf32>
        %parallel_loop3A_1799 = arith.addf %parallel_loop3A_1798, %parallel_loop3A_1796 : vector<16xf32>
        %parallel_loop3A_1800 = arith.constant 2.000000e+00 : f32
        %parallel_loop3A_1801 = vector.broadcast %parallel_loop3A_1800 : f32 to vector<16xf32>
        %parallel_loop3A_1802 = arith.mulf %parallel_loop3A_1801, %parallel_loop3A_1776 : vector<16xf32>
        %parallel_loop3A_1803 = arith.mulf %parallel_loop3A_1777, %parallel_loop3A_1799 : vector<16xf32>
        %parallel_loop3A_1804 = arith.constant 1.000000e+00 : f32
        %parallel_loop3A_1805 = vector.broadcast %parallel_loop3A_1804 : f32 to vector<16xf32>
        %parallel_loop3A_1806 = arith.addf %parallel_loop3A_1805, %parallel_loop3A_1803 : vector<16xf32>
        %parallel_loop3A_1807 = arith.mulf %parallel_loop3A_1802, %parallel_loop3A_1806 : vector<16xf32>
        %parallel_loop3A_1808 = arith.index_cast %parallel_loop3A_1764 : i32 to index
        %parallel_loop3A_1809 = tpu.vector_load %arg9[%parallel_loop3A_1808] {strides = array<i32>} : memref<1024xf32, #tpu.memory_space<vmem>>, vector<16xf32>,
        %parallel_loop3A_1810 = vector.shape_cast %parallel_loop3A_1809 : vector<16xf32> to vector<16xf32>
        %parallel_loop3A_1811 = arith.index_cast %parallel_loop3A_1764 : i32 to index
        %parallel_loop3A_1812 = tpu.vector_load %arg8[%parallel_loop3A_1811] {strides = array<i32>} : memref<1024xf32, #tpu.memory_space<vmem>>, vector<16xf32>,
        %parallel_loop3A_1813 = vector.shape_cast %parallel_loop3A_1812 : vector<16xf32> to vector<16xf32>
        %parallel_loop3A_1814 = arith.cmpf ogt, %parallel_loop3A_1810, %parallel_loop3A_1813 : vector<16xf32>
        %parallel_loop3A_1815 = arith.constant 0.000000e+00 : f32
        %parallel_loop3A_1816 = vector.broadcast %parallel_loop3A_1815 : f32 to vector<16xf32>
        %parallel_loop3A_1817 = arith.subf %parallel_loop3A_1816, %parallel_loop3A_1767 : vector<16xf32>
        %parallel_loop3A_1818 = arith.constant 0.000000e+00 : f32
        %parallel_loop3A_1819 = vector.broadcast %parallel_loop3A_1818 : f32 to vector<16xf32>
        %parallel_loop3A_1820 = arith.maximumf %parallel_loop3A_1817, %parallel_loop3A_1819 : vector<16xf32>
        %parallel_loop3A_1821 = arith.constant 0.000000e+00 : f32
        %parallel_loop3A_1822 = vector.broadcast %parallel_loop3A_1821 : f32 to vector<16xf32>
        %parallel_loop3A_1823 = arith.maximumf %parallel_loop3A_1767, %parallel_loop3A_1822 : vector<16xf32>
        %parallel_loop3A_1824 = arith.select %parallel_loop3A_1814, %parallel_loop3A_1820, %parallel_loop3A_1823 : vector<16xi1>, vector<16xf32>
        %parallel_loop3A_1825 = arith.addf %parallel_loop3A_1824, %parallel_loop3A_1807 : vector<16xf32>
        %parallel_loop3A_1826 = arith.index_cast %parallel_loop3A_1764 : i32 to index
        %parallel_loop3A_1827 = tpu.vector_load %arg7[%parallel_loop3A_1826] {strides = array<i32>} : memref<1024xf32, #tpu.memory_space<vmem>>, vector<16xf32>,
        %parallel_loop3A_1828 = vector.shape_cast %parallel_loop3A_1827 : vector<16xf32> to vector<16xf32>
        %parallel_loop3A_1829 = vector.shape_cast %parallel_loop3A_1825 : vector<16xf32> to vector<16xf32>
        tpu.vector_store %arg7[%parallel_loop3A_1826], %parallel_loop3A_1829 {strides = array<i32>} : memref<1024xf32, #tpu.memory_space<vmem>>, vector<16xf32>,
        %parallel_loop3A_1830 = tpu.bitcast %parallel_loop3A_1825 : vector<16xf32> -> vector<16xi32>
        %parallel_loop3A_1831 = arith.index_cast %parallel_loop3A_1764 : i32 to index
        %parallel_loop3A_1832 = tpu.vector_load %arg10[%parallel_loop3A_1831] {strides = array<i32>} : memref<1024xi32, #tpu.memory_space<vmem>>, vector<16xi32>,
        %parallel_loop3A_1833 = vector.shape_cast %parallel_loop3A_1832 : vector<16xi32> to vector<16xi32>
        %parallel_loop3A_1834 = vector.shape_cast %parallel_loop3A_1830 : vector<16xi32> to vector<16xi32>
        tpu.vector_store %arg10[%parallel_loop3A_1831], %parallel_loop3A_1834 {strides = array<i32>} : memref<1024xi32, #tpu.memory_space<vmem>>, vector<16xi32>,
      } {sc.loop_unroll_factor = 4 : i64, sc.parallel_access}
      %broadcast_in_dim3A = arith.constant 1.146800e+04 : f32
      %broadcast_in_dim3A_5 = vector.broadcast %broadcast_in_dim3A : f32 to vector<16xf32>
      %iota3A = tpu.iota {dimensions = array<i32: 0>} : vector<16xi32>
      %and3A = arith.constant 3 : i32
      %and3A_6 = vector.broadcast %and3A : i32 to vector<16xi32>
      %and3A_7 = arith.andi %iota3A, %and3A_6 : vector<16xi32>
      %mul3A_8 = arith.constant 4 : i32
      %mul3A_9 = vector.broadcast %mul3A_8 : i32 to vector<16xi32>
      %mul3A_10 = arith.muli %and3A_7, %mul3A_9 : vector<16xi32>
      %lt3A = arith.constant 4 : i32
      %lt3A_11 = vector.broadcast %lt3A : i32 to vector<16xi32>
      %lt3A_12 = arith.cmpi slt, %iota3A, %lt3A_11 : vector<16xi32>
      %lt3A_13 = arith.constant 8 : i32
      %lt3A_14 = vector.broadcast %lt3A_13 : i32 to vector<16xi32>
      %lt3A_15 = arith.cmpi slt, %iota3A, %lt3A_14 : vector<16xi32>
      %lt3A_16 = arith.constant 12 : i32
      %lt3A_17 = vector.broadcast %lt3A_16 : i32 to vector<16xi32>
      %lt3A_18 = arith.cmpi slt, %iota3A, %lt3A_17 : vector<16xi32>
      %broadcast_in_dim3A_19 = arith.constant 0 : i32
      %broadcast_in_dim3A_20 = vector.broadcast %broadcast_in_dim3A_19 : i32 to vector<16xi32>
      %broadcast_in_dim3A_21 = arith.constant 4 : i32
      %broadcast_in_dim3A_22 = vector.broadcast %broadcast_in_dim3A_21 : i32 to vector<16xi32>
      %broadcast_in_dim3A_23 = arith.constant 8 : i32
      %broadcast_in_dim3A_24 = vector.broadcast %broadcast_in_dim3A_23 : i32 to vector<16xi32>
      %broadcast_in_dim3A_25 = arith.constant 0 : i32
      %broadcast_in_dim3A_26 = vector.broadcast %broadcast_in_dim3A_25 : i32 to vector<16xi32>
      %mul3A_27 = arith.constant 16 : i32
      %mul3A_28 = arith.muli %arg1, %mul3A_27 : i32
      %add3A = arith.constant 1073741824 : i32
      %add3A_29 = vector.broadcast %add3A : i32 to vector<16xi32>
      %add3A_30 = arith.addi %broadcast_in_dim3A_26, %add3A_29 : vector<16xi32>
      %broadcast_in_dim3A_31 = arith.constant 0.000000e+00 : f32
      %broadcast_in_dim3A_32 = vector.broadcast %broadcast_in_dim3A_31 : f32 to vector<16xf32>
      %parallel_loop3A_33 = arith.constant 0 : i32
      %parallel_loop3A_34 = arith.constant 64 : i32
      %parallel_loop3A_35 = arith.constant 1 : i32
      %parallel_loop3A_36 = scf.for %parallel_loop3A_1762 = %parallel_loop3A_33 to %parallel_loop3A_34 step %parallel_loop3A_35 iter_args(%parallel_loop3A_1763 = %broadcast_in_dim3A_32) -> (vector<16xf32>)  : i32 {
        %parallel_loop3A_1764 = arith.constant 16 : i32
        %parallel_loop3A_1765 = arith.muli %parallel_loop3A_1762, %parallel_loop3A_1764 : i32
        %parallel_loop3A_1766 = arith.index_cast %parallel_loop3A_1765 : i32 to index
        %parallel_loop3A_1767 = tpu.vector_load %arg10[%parallel_loop3A_1766] {strides = array<i32>} : memref<1024xi32, #tpu.memory_space<vmem>>, vector<16xi32>,
        %parallel_loop3A_1768 = vector.shape_cast %parallel_loop3A_1767 : vector<16xi32> to vector<16xi32>
        %parallel_loop3A_1769 = arith.cmpi slt, %parallel_loop3A_1768, %add3A_30 : vector<16xi32>
        %parallel_loop3A_1770 = arith.constant 1.000000e+00 : f32
        %parallel_loop3A_1771 = arith.constant 0.000000e+00 : f32
        %parallel_loop3A_1772 = vector.broadcast %parallel_loop3A_1770 : f32 to vector<16xf32>
        %parallel_loop3A_1773 = vector.broadcast %parallel_loop3A_1771 : f32 to vector<16xf32>
        %parallel_loop3A_1774 = arith.select %parallel_loop3A_1769, %parallel_loop3A_1772, %parallel_loop3A_1773 : vector<16xi1>, vector<16xf32>
        %parallel_loop3A_1775 = arith.addf %parallel_loop3A_1763, %parallel_loop3A_1774 : vector<16xf32>
        scf.yield %parallel_loop3A_1775 : vector<16xf32>
      } {sc.loop_unroll_factor = 8 : i64, sc.parallel_access}
      %iota3A_37 = tpu.iota {dimensions = array<i32: 0>} : vector<16xi32>
      %xor3A = arith.constant 1 : i32
      %xor3A_38 = vector.broadcast %xor3A : i32 to vector<16xi32>
      %xor3A_39 = arith.xori %iota3A_37, %xor3A_38 : vector<16xi32>
      %broadcast_in_dim3A_40 = vector.shape_cast %xor3A_39 : vector<16xi32> to vector<16x1xi32>
      %gather3A = vector.shape_cast %broadcast_in_dim3A_40 : vector<16x1xi32> to vector<16xi32>
      %gather3A_41 = tpu.dynamic_gather %parallel_loop3A_36[%gather3A] in [0] : vector<16xf32>, vector<16xi32> -> vector<16xf32>
      %add3A_42 = arith.addf %parallel_loop3A_36, %gather3A_41 : vector<16xf32>
      %xor3A_43 = arith.constant 2 : i32
      %xor3A_44 = vector.broadcast %xor3A_43 : i32 to vector<16xi32>
      %xor3A_45 = arith.xori %iota3A_37, %xor3A_44 : vector<16xi32>
      %broadcast_in_dim3A_46 = vector.shape_cast %xor3A_45 : vector<16xi32> to vector<16x1xi32>
      %gather3A_47 = vector.shape_cast %broadcast_in_dim3A_46 : vector<16x1xi32> to vector<16xi32>
      %gather3A_48 = tpu.dynamic_gather %add3A_42[%gather3A_47] in [0] : vector<16xf32>, vector<16xi32> -> vector<16xf32>
      %add3A_49 = arith.addf %add3A_42, %gather3A_48 : vector<16xf32>
      %broadcast_in_dim3A_50 = vector.shape_cast %mul3A_10 : vector<16xi32> to vector<16x1xi32>
      %gather3A_51 = vector.shape_cast %broadcast_in_dim3A_50 : vector<16x1xi32> to vector<16xi32>
      %gather3A_52 = tpu.dynamic_gather %add3A_49[%gather3A_51] in [0] : vector<16xf32>, vector<16xi32> -> vector<16xf32>
      %jit3A = arith.constant 0.000000e+00 : f32
      %broadcast_in_dim3A_53 = vector.broadcast %jit3A : f32 to vector<16xf32>
      %select_n3A = arith.select %lt3A_12, %gather3A_52, %broadcast_in_dim3A_53 : vector<16xi1>, vector<16xf32>
      %swap3A = arith.constant 0 : index
      %swap3A_54 = tpu.vector_load %arg11[%swap3A] {strides = array<i32>} : memref<16xf32, #tpu.memory_space<vmem>>, vector<16xf32>,
      %swap3A_55 = vector.shape_cast %swap3A_54 : vector<16xf32> to vector<16xf32>
      %swap3A_56 = vector.shape_cast %select_n3A : vector<16xf32> to vector<16xf32>
      tpu.vector_store %arg11[%swap3A], %swap3A_56 {strides = array<i32>} : memref<16xf32, #tpu.memory_space<vmem>>, vector<16xf32>,
      %mul3A_57 = arith.constant 16 : i32
      %mul3A_58 = arith.muli %arg1, %mul3A_57 : i32
      %add3A_59 = arith.constant 0 : i32
      %add3A_60 = arith.addi %add3A_59, %mul3A_58 : i32
      "tpu.region"() ({
        %run_scoped3A = tpu.sem_alloc : memref<!tpu.dma_semaphore, #tpu.memory_space<semaphore_mem>>
        %dma_start3A = tpu.memref_slice %arg12[%add3A_60] : memref<512xf32, #tpu.memory_space<vmem_shared>> -> memref<16xf32, #tpu.memory_space<vmem_shared>>
        %dma_start3A_1762 = tpu.memref_slice %arg12[%add3A_60] : memref<512xf32, #tpu.memory_space<vmem_shared>> -> memref<16xf32, #tpu.memory_space<vmem_shared>>
        tpu.enqueue_dma source(%arg11 : memref<16xf32, #tpu.memory_space<vmem>>) target(%dma_start3A_1762 : memref<16xf32, #tpu.memory_space<vmem_shared>>) target_semaphore(%run_scoped3A : memref<!tpu.dma_semaphore, #tpu.memory_space<semaphore_mem>>)
        %dma_wait3A = tpu.memref_slice %arg12[%add3A_60] : memref<512xf32, #tpu.memory_space<vmem_shared>> -> memref<16xf32, #tpu.memory_space<vmem_shared>>
        %dma_wait3A_1763 = tpu.memref_slice %arg12[%add3A_60] : memref<512xf32, #tpu.memory_space<vmem_shared>> -> memref<16xf32, #tpu.memory_space<vmem_shared>>
        tpu.wait_dma2 semaphore(%run_scoped3A : memref<!tpu.dma_semaphore, #tpu.memory_space<semaphore_mem>>) src(%arg11 : memref<16xf32, #tpu.memory_space<vmem>>) dst(%dma_wait3A_1763 : memref<16xf32, #tpu.memory_space<vmem_shared>>)
        tpu.yield
      }) : () -> ()
      %barrier3A = arith.constant 0 : index
      tpu.barrier barrier_id(%barrier3A)
      "tpu.region"() ({
        %run_scoped3A = tpu.sem_alloc : memref<!tpu.dma_semaphore, #tpu.memory_space<semaphore_mem>>
        %dma_start3A = arith.constant 0 : i32
        %dma_start3A_1762 = tpu.memref_slice %arg12[%dma_start3A] : memref<512xf32, #tpu.memory_space<vmem_shared>> -> memref<256xf32, #tpu.memory_space<vmem_shared>>
        %dma_start3A_1763 = arith.constant 0 : i32
        %dma_start3A_1764 = tpu.memref_slice %arg12[%dma_start3A_1763] : memref<512xf32, #tpu.memory_space<vmem_shared>> -> memref<256xf32, #tpu.memory_space<vmem_shared>>
        tpu.enqueue_dma source(%dma_start3A_1764 : memref<256xf32, #tpu.memory_space<vmem_shared>>) target(%arg15 : memref<256xf32, #tpu.memory_space<vmem>>) target_semaphore(%run_scoped3A : memref<!tpu.dma_semaphore, #tpu.memory_space<semaphore_mem>>)
        %dma_wait3A = arith.constant 0 : i32
        %dma_wait3A_1765 = tpu.memref_slice %arg12[%dma_wait3A] : memref<512xf32, #tpu.memory_space<vmem_shared>> -> memref<256xf32, #tpu.memory_space<vmem_shared>>
        %dma_wait3A_1766 = arith.constant 0 : i32
        %dma_wait3A_1767 = tpu.memref_slice %arg12[%dma_wait3A_1766] : memref<512xf32, #tpu.memory_space<vmem_shared>> -> memref<256xf32, #tpu.memory_space<vmem_shared>>
        tpu.wait_dma2 semaphore(%run_scoped3A : memref<!tpu.dma_semaphore, #tpu.memory_space<semaphore_mem>>) src(%dma_wait3A_1767 : memref<256xf32, #tpu.memory_space<vmem_shared>>) dst(%arg15 : memref<256xf32, #tpu.memory_space<vmem>>)
        tpu.yield
      }) : () -> ()
      %broadcast_in_dim3A_61 = arith.constant 0.000000e+00 : f32
      %broadcast_in_dim3A_62 = vector.broadcast %broadcast_in_dim3A_61 : f32 to vector<16xf32>
      %get3A = arith.constant 0 : index
      %get3A_63 = tpu.vector_load %arg15[%get3A] {strides = array<i32>} : memref<256xf32, #tpu.memory_space<vmem>>, vector<16xf32>,
      %get3A_64 = vector.shape_cast %get3A_63 : vector<16xf32> to vector<16xf32>
      %add3A_65 = arith.addf %broadcast_in_dim3A_62, %get3A_64 : vector<16xf32>
      %get3A_66 = arith.constant 16 : index
      %get3A_67 = tpu.vector_load %arg15[%get3A_66] {strides = array<i32>} : memref<256xf32, #tpu.memory_space<vmem>>, vector<16xf32>,
      %get3A_68 = vector.shape_cast %get3A_67 : vector<16xf32> to vector<16xf32>
      %add3A_69 = arith.addf %add3A_65, %get3A_68 : vector<16xf32>
      %get3A_70 = arith.constant 32 : index
      %get3A_71 = tpu.vector_load %arg15[%get3A_70] {strides = array<i32>} : memref<256xf32, #tpu.memory_space<vmem>>, vector<16xf32>,
      %get3A_72 = vector.shape_cast %get3A_71 : vector<16xf32> to vector<16xf32>
      %add3A_73 = arith.addf %add3A_69, %get3A_72 : vector<16xf32>
      %get3A_74 = arith.constant 48 : index
      %get3A_75 = tpu.vector_load %arg15[%get3A_74] {strides = array<i32>} : memref<256xf32, #tpu.memory_space<vmem>>, vector<16xf32>,
      %get3A_76 = vector.shape_cast %get3A_75 : vector<16xf32> to vector<16xf32>
      %add3A_77 = arith.addf %add3A_73, %get3A_76 : vector<16xf32>
      %get3A_78 = arith.constant 64 : index
      %get3A_79 = tpu.vector_load %arg15[%get3A_78] {strides = array<i32>} : memref<256xf32, #tpu.memory_space<vmem>>, vector<16xf32>,
      %get3A_80 = vector.shape_cast %get3A_79 : vector<16xf32> to vector<16xf32>
      %add3A_81 = arith.addf %add3A_77, %get3A_80 : vector<16xf32>
      %get3A_82 = arith.constant 80 : index
      %get3A_83 = tpu.vector_load %arg15[%get3A_82] {strides = array<i32>} : memref<256xf32, #tpu.memory_space<vmem>>, vector<16xf32>,
      %get3A_84 = vector.shape_cast %get3A_83 : vector<16xf32> to vector<16xf32>
      %add3A_85 = arith.addf %add3A_81, %get3A_84 : vector<16xf32>
      %get3A_86 = arith.constant 96 : index
      %get3A_87 = tpu.vector_load %arg15[%get3A_86] {strides = array<i32>} : memref<256xf32, #tpu.memory_space<vmem>>, vector<16xf32>,
      %get3A_88 = vector.shape_cast %get3A_87 : vector<16xf32> to vector<16xf32>
      %add3A_89 = arith.addf %add3A_85, %get3A_88 : vector<16xf32>
      %get3A_90 = arith.constant 112 : index
      %get3A_91 = tpu.vector_load %arg15[%get3A_90] {strides = array<i32>} : memref<256xf32, #tpu.memory_space<vmem>>, vector<16xf32>,
      %get3A_92 = vector.shape_cast %get3A_91 : vector<16xf32> to vector<16xf32>
      %add3A_93 = arith.addf %add3A_89, %get3A_92 : vector<16xf32>
      %get3A_94 = arith.constant 128 : index
      %get3A_95 = tpu.vector_load %arg15[%get3A_94] {strides = array<i32>} : memref<256xf32, #tpu.memory_space<vmem>>, vector<16xf32>,
      %get3A_96 = vector.shape_cast %get3A_95 : vector<16xf32> to vector<16xf32>
      %add3A_97 = arith.addf %add3A_93, %get3A_96 : vector<16xf32>
      %get3A_98 = arith.constant 144 : index
      %get3A_99 = tpu.vector_load %arg15[%get3A_98] {strides = array<i32>} : memref<256xf32, #tpu.memory_space<vmem>>, vector<16xf32>,
      %get3A_100 = vector.shape_cast %get3A_99 : vector<16xf32> to vector<16xf32>
      %add3A_101 = arith.addf %add3A_97, %get3A_100 : vector<16xf32>
      %get3A_102 = arith.constant 160 : index
      %get3A_103 = tpu.vector_load %arg15[%get3A_102] {strides = array<i32>} : memref<256xf32, #tpu.memory_space<vmem>>, vector<16xf32>,
      %get3A_104 = vector.shape_cast %get3A_103 : vector<16xf32> to vector<16xf32>
      %add3A_105 = arith.addf %add3A_101, %get3A_104 : vector<16xf32>
      %get3A_106 = arith.constant 176 : index
      %get3A_107 = tpu.vector_load %arg15[%get3A_106] {strides = array<i32>} : memref<256xf32, #tpu.memory_space<vmem>>, vector<16xf32>,
      %get3A_108 = vector.shape_cast %get3A_107 : vector<16xf32> to vector<16xf32>
      %add3A_109 = arith.addf %add3A_105, %get3A_108 : vector<16xf32>
      %get3A_110 = arith.constant 192 : index
      %get3A_111 = tpu.vector_load %arg15[%get3A_110] {strides = array<i32>} : memref<256xf32, #tpu.memory_space<vmem>>, vector<16xf32>,
      %get3A_112 = vector.shape_cast %get3A_111 : vector<16xf32> to vector<16xf32>
      %add3A_113 = arith.addf %add3A_109, %get3A_112 : vector<16xf32>
      %get3A_114 = arith.constant 208 : index
      %get3A_115 = tpu.vector_load %arg15[%get3A_114] {strides = array<i32>} : memref<256xf32, #tpu.memory_space<vmem>>, vector<16xf32>,
      %get3A_116 = vector.shape_cast %get3A_115 : vector<16xf32> to vector<16xf32>
      %add3A_117 = arith.addf %add3A_113, %get3A_116 : vector<16xf32>
      %get3A_118 = arith.constant 224 : index
      %get3A_119 = tpu.vector_load %arg15[%get3A_118] {strides = array<i32>} : memref<256xf32, #tpu.memory_space<vmem>>, vector<16xf32>,
      %get3A_120 = vector.shape_cast %get3A_119 : vector<16xf32> to vector<16xf32>
      %add3A_121 = arith.addf %add3A_117, %get3A_120 : vector<16xf32>
      %get3A_122 = arith.constant 240 : index
      %get3A_123 = tpu.vector_load %arg15[%get3A_122] {strides = array<i32>} : memref<256xf32, #tpu.memory_space<vmem>>, vector<16xf32>,
      %get3A_124 = vector.shape_cast %get3A_123 : vector<16xf32> to vector<16xf32>
      %add3A_125 = arith.addf %add3A_121, %get3A_124 : vector<16xf32>
      %iota3A_126 = tpu.iota {dimensions = array<i32: 0>} : vector<16xi32>
      %xor3A_127 = arith.constant 1 : i32
      %xor3A_128 = vector.broadcast %xor3A_127 : i32 to vector<16xi32>
      %xor3A_129 = arith.xori %iota3A_126, %xor3A_128 : vector<16xi32>
      %broadcast_in_dim3A_130 = vector.shape_cast %xor3A_129 : vector<16xi32> to vector<16x1xi32>
      %gather3A_131 = vector.shape_cast %broadcast_in_dim3A_130 : vector<16x1xi32> to vector<16xi32>
      %gather3A_132 = tpu.dynamic_gather %add3A_125[%gather3A_131] in [0] : vector<16xf32>, vector<16xi32> -> vector<16xf32>
      %add3A_133 = arith.addf %add3A_125, %gather3A_132 : vector<16xf32>
      %xor3A_134 = arith.constant 2 : i32
      %xor3A_135 = vector.broadcast %xor3A_134 : i32 to vector<16xi32>
      %xor3A_136 = arith.xori %iota3A_126, %xor3A_135 : vector<16xi32>
      %broadcast_in_dim3A_137 = vector.shape_cast %xor3A_136 : vector<16xi32> to vector<16x1xi32>
      %gather3A_138 = vector.shape_cast %broadcast_in_dim3A_137 : vector<16x1xi32> to vector<16xi32>
      %gather3A_139 = tpu.dynamic_gather %add3A_133[%gather3A_138] in [0] : vector<16xf32>, vector<16xi32> -> vector<16xf32>
      %add3A_140 = arith.addf %add3A_133, %gather3A_139 : vector<16xf32>
      %broadcast_in_dim3A_141 = vector.shape_cast %broadcast_in_dim3A_20 : vector<16xi32> to vector<16x1xi32>
      %gather3A_142 = vector.shape_cast %broadcast_in_dim3A_141 : vector<16x1xi32> to vector<16xi32>
      %gather3A_143 = tpu.dynamic_gather %add3A_140[%gather3A_142] in [0] : vector<16xf32>, vector<16xi32> -> vector<16xf32>
      %lt3A_144 = arith.cmpf olt, %gather3A_143, %broadcast_in_dim3A_5 : vector<16xf32>
      %jit3A_145 = arith.constant 1073741824 : i32
      %jit3A_146 = arith.constant 0 : i32
      %broadcast_in_dim3A_147 = vector.broadcast %jit3A_145 : i32 to vector<16xi32>
      %broadcast_in_dim3A_148 = vector.broadcast %jit3A_146 : i32 to vector<16xi32>
      %select_n3A_149 = arith.select %lt3A_144, %broadcast_in_dim3A_147, %broadcast_in_dim3A_148 : vector<16xi1>, vector<16xi32>
      %add3A_150 = arith.addi %broadcast_in_dim3A_26, %select_n3A_149 : vector<16xi32>
      %add3A_151 = arith.constant 268435456 : i32
      %add3A_152 = vector.broadcast %add3A_151 : i32 to vector<16xi32>
      %add3A_153 = arith.addi %add3A_150, %add3A_152 : vector<16xi32>
      %mul3A_154 = arith.constant 2 : i32
      %mul3A_155 = arith.constant 268435456 : i32
      %mul3A_156 = arith.muli %mul3A_154, %mul3A_155 : i32
      %add3A_157 = vector.broadcast %mul3A_156 : i32 to vector<16xi32>
      %add3A_158 = arith.addi %add3A_150, %add3A_157 : vector<16xi32>
      %mul3A_159 = arith.constant 3 : i32
      %mul3A_160 = arith.constant 268435456 : i32
      %mul3A_161 = arith.muli %mul3A_159, %mul3A_160 : i32
      %add3A_162 = vector.broadcast %mul3A_161 : i32 to vector<16xi32>
      %add3A_163 = arith.addi %add3A_150, %add3A_162 : vector<16xi32>
      %broadcast_in_dim3A_164 = arith.constant 0.000000e+00 : f32
      %broadcast_in_dim3A_165 = vector.broadcast %broadcast_in_dim3A_164 : f32 to vector<16xf32>
      %parallel_loop3A_166 = arith.constant 0 : i32
      %parallel_loop3A_167 = arith.constant 64 : i32
      %parallel_loop3A_168 = arith.constant 1 : i32
      %parallel_loop3A_169:3 = scf.for %parallel_loop3A_1762 = %parallel_loop3A_166 to %parallel_loop3A_167 step %parallel_loop3A_168 iter_args(%parallel_loop3A_1763 = %broadcast_in_dim3A_165, %parallel_loop3A_1764 = %broadcast_in_dim3A_165, %parallel_loop3A_1765 = %broadcast_in_dim3A_165) -> (vector<16xf32>, vector<16xf32>, vector<16xf32>)  : i32 {
        %parallel_loop3A_1766 = arith.constant 16 : i32
        %parallel_loop3A_1767 = arith.muli %parallel_loop3A_1762, %parallel_loop3A_1766 : i32
        %parallel_loop3A_1768 = arith.index_cast %parallel_loop3A_1767 : i32 to index
        %parallel_loop3A_1769 = tpu.vector_load %arg10[%parallel_loop3A_1768] {strides = array<i32>} : memref<1024xi32, #tpu.memory_space<vmem>>, vector<16xi32>,
        %parallel_loop3A_1770 = vector.shape_cast %parallel_loop3A_1769 : vector<16xi32> to vector<16xi32>
        %parallel_loop3A_1771 = arith.cmpi slt, %parallel_loop3A_1770, %add3A_153 : vector<16xi32>
        %parallel_loop3A_1772 = arith.constant 1.000000e+00 : f32
        %parallel_loop3A_1773 = arith.constant 0.000000e+00 : f32
        %parallel_loop3A_1774 = vector.broadcast %parallel_loop3A_1772 : f32 to vector<16xf32>
        %parallel_loop3A_1775 = vector.broadcast %parallel_loop3A_1773 : f32 to vector<16xf32>
        %parallel_loop3A_1776 = arith.select %parallel_loop3A_1771, %parallel_loop3A_1774, %parallel_loop3A_1775 : vector<16xi1>, vector<16xf32>
        %parallel_loop3A_1777 = arith.addf %parallel_loop3A_1763, %parallel_loop3A_1776 : vector<16xf32>
        %parallel_loop3A_1778 = arith.cmpi slt, %parallel_loop3A_1770, %add3A_158 : vector<16xi32>
        %parallel_loop3A_1779 = arith.constant 1.000000e+00 : f32
        %parallel_loop3A_1780 = arith.constant 0.000000e+00 : f32
        %parallel_loop3A_1781 = vector.broadcast %parallel_loop3A_1779 : f32 to vector<16xf32>
        %parallel_loop3A_1782 = vector.broadcast %parallel_loop3A_1780 : f32 to vector<16xf32>
        %parallel_loop3A_1783 = arith.select %parallel_loop3A_1778, %parallel_loop3A_1781, %parallel_loop3A_1782 : vector<16xi1>, vector<16xf32>
        %parallel_loop3A_1784 = arith.addf %parallel_loop3A_1764, %parallel_loop3A_1783 : vector<16xf32>
        %parallel_loop3A_1785 = arith.cmpi slt, %parallel_loop3A_1770, %add3A_163 : vector<16xi32>
        %parallel_loop3A_1786 = arith.constant 1.000000e+00 : f32
        %parallel_loop3A_1787 = arith.constant 0.000000e+00 : f32
        %parallel_loop3A_1788 = vector.broadcast %parallel_loop3A_1786 : f32 to vector<16xf32>
        %parallel_loop3A_1789 = vector.broadcast %parallel_loop3A_1787 : f32 to vector<16xf32>
        %parallel_loop3A_1790 = arith.select %parallel_loop3A_1785, %parallel_loop3A_1788, %parallel_loop3A_1789 : vector<16xi1>, vector<16xf32>
        %parallel_loop3A_1791 = arith.addf %parallel_loop3A_1765, %parallel_loop3A_1790 : vector<16xf32>
        scf.yield %parallel_loop3A_1777, %parallel_loop3A_1784, %parallel_loop3A_1791 : vector<16xf32>, vector<16xf32>, vector<16xf32>
      } {sc.loop_unroll_factor = 8 : i64, sc.parallel_access}
      %iota3A_170 = tpu.iota {dimensions = array<i32: 0>} : vector<16xi32>
      %xor3A_171 = arith.constant 1 : i32
      %xor3A_172 = vector.broadcast %xor3A_171 : i32 to vector<16xi32>
      %xor3A_173 = arith.xori %iota3A_170, %xor3A_172 : vector<16xi32>
      %broadcast_in_dim3A_174 = vector.shape_cast %xor3A_173 : vector<16xi32> to vector<16x1xi32>
      %gather3A_175 = vector.shape_cast %broadcast_in_dim3A_174 : vector<16x1xi32> to vector<16xi32>
      %gather3A_176 = tpu.dynamic_gather %parallel_loop3A_169#0[%gather3A_175] in [0] : vector<16xf32>, vector<16xi32> -> vector<16xf32>
      %add3A_177 = arith.addf %parallel_loop3A_169#0, %gather3A_176 : vector<16xf32>
      %xor3A_178 = arith.constant 2 : i32
      %xor3A_179 = vector.broadcast %xor3A_178 : i32 to vector<16xi32>
      %xor3A_180 = arith.xori %iota3A_170, %xor3A_179 : vector<16xi32>
      %broadcast_in_dim3A_181 = vector.shape_cast %xor3A_180 : vector<16xi32> to vector<16x1xi32>
      %gather3A_182 = vector.shape_cast %broadcast_in_dim3A_181 : vector<16x1xi32> to vector<16xi32>
      %gather3A_183 = tpu.dynamic_gather %add3A_177[%gather3A_182] in [0] : vector<16xf32>, vector<16xi32> -> vector<16xf32>
      %add3A_184 = arith.addf %add3A_177, %gather3A_183 : vector<16xf32>
      %broadcast_in_dim3A_185 = vector.shape_cast %mul3A_10 : vector<16xi32> to vector<16x1xi32>
      %gather3A_186 = vector.shape_cast %broadcast_in_dim3A_185 : vector<16x1xi32> to vector<16xi32>
      %gather3A_187 = tpu.dynamic_gather %add3A_184[%gather3A_186] in [0] : vector<16xf32>, vector<16xi32> -> vector<16xf32>
      %iota3A_188 = tpu.iota {dimensions = array<i32: 0>} : vector<16xi32>
      %xor3A_189 = arith.constant 1 : i32
      %xor3A_190 = vector.broadcast %xor3A_189 : i32 to vector<16xi32>
      %xor3A_191 = arith.xori %iota3A_188, %xor3A_190 : vector<16xi32>
      %broadcast_in_dim3A_192 = vector.shape_cast %xor3A_191 : vector<16xi32> to vector<16x1xi32>
      %gather3A_193 = vector.shape_cast %broadcast_in_dim3A_192 : vector<16x1xi32> to vector<16xi32>
      %gather3A_194 = tpu.dynamic_gather %parallel_loop3A_169#1[%gather3A_193] in [0] : vector<16xf32>, vector<16xi32> -> vector<16xf32>
      %add3A_195 = arith.addf %parallel_loop3A_169#1, %gather3A_194 : vector<16xf32>
      %xor3A_196 = arith.constant 2 : i32
      %xor3A_197 = vector.broadcast %xor3A_196 : i32 to vector<16xi32>
      %xor3A_198 = arith.xori %iota3A_188, %xor3A_197 : vector<16xi32>
      %broadcast_in_dim3A_199 = vector.shape_cast %xor3A_198 : vector<16xi32> to vector<16x1xi32>
      %gather3A_200 = vector.shape_cast %broadcast_in_dim3A_199 : vector<16x1xi32> to vector<16xi32>
      %gather3A_201 = tpu.dynamic_gather %add3A_195[%gather3A_200] in [0] : vector<16xf32>, vector<16xi32> -> vector<16xf32>
      %add3A_202 = arith.addf %add3A_195, %gather3A_201 : vector<16xf32>
      %broadcast_in_dim3A_203 = vector.shape_cast %mul3A_10 : vector<16xi32> to vector<16x1xi32>
      %gather3A_204 = vector.shape_cast %broadcast_in_dim3A_203 : vector<16x1xi32> to vector<16xi32>
      %gather3A_205 = tpu.dynamic_gather %add3A_202[%gather3A_204] in [0] : vector<16xf32>, vector<16xi32> -> vector<16xf32>
      %iota3A_206 = tpu.iota {dimensions = array<i32: 0>} : vector<16xi32>
      %xor3A_207 = arith.constant 1 : i32
      %xor3A_208 = vector.broadcast %xor3A_207 : i32 to vector<16xi32>
      %xor3A_209 = arith.xori %iota3A_206, %xor3A_208 : vector<16xi32>
      %broadcast_in_dim3A_210 = vector.shape_cast %xor3A_209 : vector<16xi32> to vector<16x1xi32>
      %gather3A_211 = vector.shape_cast %broadcast_in_dim3A_210 : vector<16x1xi32> to vector<16xi32>
      %gather3A_212 = tpu.dynamic_gather %parallel_loop3A_169#2[%gather3A_211] in [0] : vector<16xf32>, vector<16xi32> -> vector<16xf32>
      %add3A_213 = arith.addf %parallel_loop3A_169#2, %gather3A_212 : vector<16xf32>
      %xor3A_214 = arith.constant 2 : i32
      %xor3A_215 = vector.broadcast %xor3A_214 : i32 to vector<16xi32>
      %xor3A_216 = arith.xori %iota3A_206, %xor3A_215 : vector<16xi32>
      %broadcast_in_dim3A_217 = vector.shape_cast %xor3A_216 : vector<16xi32> to vector<16x1xi32>
      %gather3A_218 = vector.shape_cast %broadcast_in_dim3A_217 : vector<16x1xi32> to vector<16xi32>
      %gather3A_219 = tpu.dynamic_gather %add3A_213[%gather3A_218] in [0] : vector<16xf32>, vector<16xi32> -> vector<16xf32>
      %add3A_220 = arith.addf %add3A_213, %gather3A_219 : vector<16xf32>
      %broadcast_in_dim3A_221 = vector.shape_cast %mul3A_10 : vector<16xi32> to vector<16x1xi32>
      %gather3A_222 = vector.shape_cast %broadcast_in_dim3A_221 : vector<16x1xi32> to vector<16xi32>
      %gather3A_223 = tpu.dynamic_gather %add3A_220[%gather3A_222] in [0] : vector<16xf32>, vector<16xi32> -> vector<16xf32>
      %jit3A_224 = arith.constant 0.000000e+00 : f32
      %broadcast_in_dim3A_225 = vector.broadcast %jit3A_224 : f32 to vector<16xf32>
      %select_n3A_226 = arith.select %lt3A_18, %gather3A_223, %broadcast_in_dim3A_225 : vector<16xi1>, vector<16xf32>
      %select_n3A_227 = arith.select %lt3A_15, %gather3A_205, %select_n3A_226 : vector<16xi1>, vector<16xf32>
      %select_n3A_228 = arith.select %lt3A_12, %gather3A_187, %select_n3A_227 : vector<16xi1>, vector<16xf32>
      %swap3A_229 = arith.constant 0 : index
      %swap3A_230 = tpu.vector_load %arg11[%swap3A_229] {strides = array<i32>} : memref<16xf32, #tpu.memory_space<vmem>>, vector<16xf32>,
      %swap3A_231 = vector.shape_cast %swap3A_230 : vector<16xf32> to vector<16xf32>
      %swap3A_232 = vector.shape_cast %select_n3A_228 : vector<16xf32> to vector<16xf32>
      tpu.vector_store %arg11[%swap3A_229], %swap3A_232 {strides = array<i32>} : memref<16xf32, #tpu.memory_space<vmem>>, vector<16xf32>,
      %mul3A_233 = arith.constant 16 : i32
      %mul3A_234 = arith.muli %arg1, %mul3A_233 : i32
      %add3A_235 = arith.constant 256 : i32
      %add3A_236 = arith.addi %add3A_235, %mul3A_234 : i32
      "tpu.region"() ({
        %run_scoped3A = tpu.sem_alloc : memref<!tpu.dma_semaphore, #tpu.memory_space<semaphore_mem>>
        %dma_start3A = tpu.memref_slice %arg12[%add3A_236] : memref<512xf32, #tpu.memory_space<vmem_shared>> -> memref<16xf32, #tpu.memory_space<vmem_shared>>
        %dma_start3A_1762 = tpu.memref_slice %arg12[%add3A_236] : memref<512xf32, #tpu.memory_space<vmem_shared>> -> memref<16xf32, #tpu.memory_space<vmem_shared>>
        tpu.enqueue_dma source(%arg11 : memref<16xf32, #tpu.memory_space<vmem>>) target(%dma_start3A_1762 : memref<16xf32, #tpu.memory_space<vmem_shared>>) target_semaphore(%run_scoped3A : memref<!tpu.dma_semaphore, #tpu.memory_space<semaphore_mem>>)
        %dma_wait3A = tpu.memref_slice %arg12[%add3A_236] : memref<512xf32, #tpu.memory_space<vmem_shared>> -> memref<16xf32, #tpu.memory_space<vmem_shared>>
        %dma_wait3A_1763 = tpu.memref_slice %arg12[%add3A_236] : memref<512xf32, #tpu.memory_space<vmem_shared>> -> memref<16xf32, #tpu.memory_space<vmem_shared>>
        tpu.wait_dma2 semaphore(%run_scoped3A : memref<!tpu.dma_semaphore, #tpu.memory_space<semaphore_mem>>) src(%arg11 : memref<16xf32, #tpu.memory_space<vmem>>) dst(%dma_wait3A_1763 : memref<16xf32, #tpu.memory_space<vmem_shared>>)
        tpu.yield
      }) : () -> ()
      %barrier3A_237 = arith.constant 0 : index
      tpu.barrier barrier_id(%barrier3A_237)
      "tpu.region"() ({
        %run_scoped3A = tpu.sem_alloc : memref<!tpu.dma_semaphore, #tpu.memory_space<semaphore_mem>>
        %dma_start3A = arith.constant 256 : i32
        %dma_start3A_1762 = tpu.memref_slice %arg12[%dma_start3A] : memref<512xf32, #tpu.memory_space<vmem_shared>> -> memref<256xf32, #tpu.memory_space<vmem_shared>>
        %dma_start3A_1763 = arith.constant 256 : i32
        %dma_start3A_1764 = tpu.memref_slice %arg12[%dma_start3A_1763] : memref<512xf32, #tpu.memory_space<vmem_shared>> -> memref<256xf32, #tpu.memory_space<vmem_shared>>
        tpu.enqueue_dma source(%dma_start3A_1764 : memref<256xf32, #tpu.memory_space<vmem_shared>>) target(%arg15 : memref<256xf32, #tpu.memory_space<vmem>>) target_semaphore(%run_scoped3A : memref<!tpu.dma_semaphore, #tpu.memory_space<semaphore_mem>>)
        %dma_wait3A = arith.constant 256 : i32
        %dma_wait3A_1765 = tpu.memref_slice %arg12[%dma_wait3A] : memref<512xf32, #tpu.memory_space<vmem_shared>> -> memref<256xf32, #tpu.memory_space<vmem_shared>>
        %dma_wait3A_1766 = arith.constant 256 : i32
        %dma_wait3A_1767 = tpu.memref_slice %arg12[%dma_wait3A_1766] : memref<512xf32, #tpu.memory_space<vmem_shared>> -> memref<256xf32, #tpu.memory_space<vmem_shared>>
        tpu.wait_dma2 semaphore(%run_scoped3A : memref<!tpu.dma_semaphore, #tpu.memory_space<semaphore_mem>>) src(%dma_wait3A_1767 : memref<256xf32, #tpu.memory_space<vmem_shared>>) dst(%arg15 : memref<256xf32, #tpu.memory_space<vmem>>)
        tpu.yield
      }) : () -> ()
      %broadcast_in_dim3A_238 = arith.constant 0.000000e+00 : f32
      %broadcast_in_dim3A_239 = vector.broadcast %broadcast_in_dim3A_238 : f32 to vector<16xf32>
      %get3A_240 = arith.constant 0 : index
      %get3A_241 = tpu.vector_load %arg15[%get3A_240] {strides = array<i32>} : memref<256xf32, #tpu.memory_space<vmem>>, vector<16xf32>,
      %get3A_242 = vector.shape_cast %get3A_241 : vector<16xf32> to vector<16xf32>
      %add3A_243 = arith.addf %broadcast_in_dim3A_239, %get3A_242 : vector<16xf32>
      %get3A_244 = arith.constant 16 : index
      %get3A_245 = tpu.vector_load %arg15[%get3A_244] {strides = array<i32>} : memref<256xf32, #tpu.memory_space<vmem>>, vector<16xf32>,
      %get3A_246 = vector.shape_cast %get3A_245 : vector<16xf32> to vector<16xf32>
      %add3A_247 = arith.addf %add3A_243, %get3A_246 : vector<16xf32>
      %get3A_248 = arith.constant 32 : index
      %get3A_249 = tpu.vector_load %arg15[%get3A_248] {strides = array<i32>} : memref<256xf32, #tpu.memory_space<vmem>>, vector<16xf32>,
      %get3A_250 = vector.shape_cast %get3A_249 : vector<16xf32> to vector<16xf32>
      %add3A_251 = arith.addf %add3A_247, %get3A_250 : vector<16xf32>
      %get3A_252 = arith.constant 48 : index
      %get3A_253 = tpu.vector_load %arg15[%get3A_252] {strides = array<i32>} : memref<256xf32, #tpu.memory_space<vmem>>, vector<16xf32>,
      %get3A_254 = vector.shape_cast %get3A_253 : vector<16xf32> to vector<16xf32>
      %add3A_255 = arith.addf %add3A_251, %get3A_254 : vector<16xf32>
      %get3A_256 = arith.constant 64 : index
      %get3A_257 = tpu.vector_load %arg15[%get3A_256] {strides = array<i32>} : memref<256xf32, #tpu.memory_space<vmem>>, vector<16xf32>,
      %get3A_258 = vector.shape_cast %get3A_257 : vector<16xf32> to vector<16xf32>
      %add3A_259 = arith.addf %add3A_255, %get3A_258 : vector<16xf32>
      %get3A_260 = arith.constant 80 : index
      %get3A_261 = tpu.vector_load %arg15[%get3A_260] {strides = array<i32>} : memref<256xf32, #tpu.memory_space<vmem>>, vector<16xf32>,
      %get3A_262 = vector.shape_cast %get3A_261 : vector<16xf32> to vector<16xf32>
      %add3A_263 = arith.addf %add3A_259, %get3A_262 : vector<16xf32>
      %get3A_264 = arith.constant 96 : index
      %get3A_265 = tpu.vector_load %arg15[%get3A_264] {strides = array<i32>} : memref<256xf32, #tpu.memory_space<vmem>>, vector<16xf32>,
      %get3A_266 = vector.shape_cast %get3A_265 : vector<16xf32> to vector<16xf32>
      %add3A_267 = arith.addf %add3A_263, %get3A_266 : vector<16xf32>
      %get3A_268 = arith.constant 112 : index
      %get3A_269 = tpu.vector_load %arg15[%get3A_268] {strides = array<i32>} : memref<256xf32, #tpu.memory_space<vmem>>, vector<16xf32>,
      %get3A_270 = vector.shape_cast %get3A_269 : vector<16xf32> to vector<16xf32>
      %add3A_271 = arith.addf %add3A_267, %get3A_270 : vector<16xf32>
      %get3A_272 = arith.constant 128 : index
      %get3A_273 = tpu.vector_load %arg15[%get3A_272] {strides = array<i32>} : memref<256xf32, #tpu.memory_space<vmem>>, vector<16xf32>,
      %get3A_274 = vector.shape_cast %get3A_273 : vector<16xf32> to vector<16xf32>
      %add3A_275 = arith.addf %add3A_271, %get3A_274 : vector<16xf32>
      %get3A_276 = arith.constant 144 : index
      %get3A_277 = tpu.vector_load %arg15[%get3A_276] {strides = array<i32>} : memref<256xf32, #tpu.memory_space<vmem>>, vector<16xf32>,
      %get3A_278 = vector.shape_cast %get3A_277 : vector<16xf32> to vector<16xf32>
      %add3A_279 = arith.addf %add3A_275, %get3A_278 : vector<16xf32>
      %get3A_280 = arith.constant 160 : index
      %get3A_281 = tpu.vector_load %arg15[%get3A_280] {strides = array<i32>} : memref<256xf32, #tpu.memory_space<vmem>>, vector<16xf32>,
      %get3A_282 = vector.shape_cast %get3A_281 : vector<16xf32> to vector<16xf32>
      %add3A_283 = arith.addf %add3A_279, %get3A_282 : vector<16xf32>
      %get3A_284 = arith.constant 176 : index
      %get3A_285 = tpu.vector_load %arg15[%get3A_284] {strides = array<i32>} : memref<256xf32, #tpu.memory_space<vmem>>, vector<16xf32>,
      %get3A_286 = vector.shape_cast %get3A_285 : vector<16xf32> to vector<16xf32>
      %add3A_287 = arith.addf %add3A_283, %get3A_286 : vector<16xf32>
      %get3A_288 = arith.constant 192 : index
      %get3A_289 = tpu.vector_load %arg15[%get3A_288] {strides = array<i32>} : memref<256xf32, #tpu.memory_space<vmem>>, vector<16xf32>,
      %get3A_290 = vector.shape_cast %get3A_289 : vector<16xf32> to vector<16xf32>
      %add3A_291 = arith.addf %add3A_287, %get3A_290 : vector<16xf32>
      %get3A_292 = arith.constant 208 : index
      %get3A_293 = tpu.vector_load %arg15[%get3A_292] {strides = array<i32>} : memref<256xf32, #tpu.memory_space<vmem>>, vector<16xf32>,
      %get3A_294 = vector.shape_cast %get3A_293 : vector<16xf32> to vector<16xf32>
      %add3A_295 = arith.addf %add3A_291, %get3A_294 : vector<16xf32>
      %get3A_296 = arith.constant 224 : index
      %get3A_297 = tpu.vector_load %arg15[%get3A_296] {strides = array<i32>} : memref<256xf32, #tpu.memory_space<vmem>>, vector<16xf32>,
      %get3A_298 = vector.shape_cast %get3A_297 : vector<16xf32> to vector<16xf32>
      %add3A_299 = arith.addf %add3A_295, %get3A_298 : vector<16xf32>
      %get3A_300 = arith.constant 240 : index
      %get3A_301 = tpu.vector_load %arg15[%get3A_300] {strides = array<i32>} : memref<256xf32, #tpu.memory_space<vmem>>, vector<16xf32>,
      %get3A_302 = vector.shape_cast %get3A_301 : vector<16xf32> to vector<16xf32>
      %add3A_303 = arith.addf %add3A_299, %get3A_302 : vector<16xf32>
      %iota3A_304 = tpu.iota {dimensions = array<i32: 0>} : vector<16xi32>
      %xor3A_305 = arith.constant 1 : i32
      %xor3A_306 = vector.broadcast %xor3A_305 : i32 to vector<16xi32>
      %xor3A_307 = arith.xori %iota3A_304, %xor3A_306 : vector<16xi32>
      %broadcast_in_dim3A_308 = vector.shape_cast %xor3A_307 : vector<16xi32> to vector<16x1xi32>
      %gather3A_309 = vector.shape_cast %broadcast_in_dim3A_308 : vector<16x1xi32> to vector<16xi32>
      %gather3A_310 = tpu.dynamic_gather %add3A_303[%gather3A_309] in [0] : vector<16xf32>, vector<16xi32> -> vector<16xf32>
      %add3A_311 = arith.addf %add3A_303, %gather3A_310 : vector<16xf32>
      %xor3A_312 = arith.constant 2 : i32
      %xor3A_313 = vector.broadcast %xor3A_312 : i32 to vector<16xi32>
      %xor3A_314 = arith.xori %iota3A_304, %xor3A_313 : vector<16xi32>
      %broadcast_in_dim3A_315 = vector.shape_cast %xor3A_314 : vector<16xi32> to vector<16x1xi32>
      %gather3A_316 = vector.shape_cast %broadcast_in_dim3A_315 : vector<16x1xi32> to vector<16xi32>
      %gather3A_317 = tpu.dynamic_gather %add3A_311[%gather3A_316] in [0] : vector<16xf32>, vector<16xi32> -> vector<16xf32>
      %add3A_318 = arith.addf %add3A_311, %gather3A_317 : vector<16xf32>
      %broadcast_in_dim3A_319 = vector.shape_cast %broadcast_in_dim3A_20 : vector<16xi32> to vector<16x1xi32>
      %gather3A_320 = vector.shape_cast %broadcast_in_dim3A_319 : vector<16x1xi32> to vector<16xi32>
      %gather3A_321 = tpu.dynamic_gather %add3A_318[%gather3A_320] in [0] : vector<16xf32>, vector<16xi32> -> vector<16xf32>
      %broadcast_in_dim3A_322 = vector.shape_cast %broadcast_in_dim3A_22 : vector<16xi32> to vector<16x1xi32>
      %gather3A_323 = vector.shape_cast %broadcast_in_dim3A_322 : vector<16x1xi32> to vector<16xi32>
      %gather3A_324 = tpu.dynamic_gather %add3A_318[%gather3A_323] in [0] : vector<16xf32>, vector<16xi32> -> vector<16xf32>
      %broadcast_in_dim3A_325 = vector.shape_cast %broadcast_in_dim3A_24 : vector<16xi32> to vector<16x1xi32>
      %gather3A_326 = vector.shape_cast %broadcast_in_dim3A_325 : vector<16x1xi32> to vector<16xi32>
      %gather3A_327 = tpu.dynamic_gather %add3A_318[%gather3A_326] in [0] : vector<16xf32>, vector<16xi32> -> vector<16xf32>
      %lt3A_328 = arith.cmpf olt, %gather3A_321, %broadcast_in_dim3A_5 : vector<16xf32>
      %jit3A_329 = arith.constant 268435456 : i32
      %jit3A_330 = arith.constant 0 : i32
      %broadcast_in_dim3A_331 = vector.broadcast %jit3A_329 : i32 to vector<16xi32>
      %broadcast_in_dim3A_332 = vector.broadcast %jit3A_330 : i32 to vector<16xi32>
      %select_n3A_333 = arith.select %lt3A_328, %broadcast_in_dim3A_331, %broadcast_in_dim3A_332 : vector<16xi1>, vector<16xi32>
      %add3A_334 = arith.addi %add3A_150, %select_n3A_333 : vector<16xi32>
      %lt3A_335 = arith.cmpf olt, %gather3A_324, %broadcast_in_dim3A_5 : vector<16xf32>
      %jit3A_336 = arith.constant 268435456 : i32
      %jit3A_337 = arith.constant 0 : i32
      %broadcast_in_dim3A_338 = vector.broadcast %jit3A_336 : i32 to vector<16xi32>
      %broadcast_in_dim3A_339 = vector.broadcast %jit3A_337 : i32 to vector<16xi32>
      %select_n3A_340 = arith.select %lt3A_335, %broadcast_in_dim3A_338, %broadcast_in_dim3A_339 : vector<16xi1>, vector<16xi32>
      %add3A_341 = arith.addi %add3A_334, %select_n3A_340 : vector<16xi32>
      %lt3A_342 = arith.cmpf olt, %gather3A_327, %broadcast_in_dim3A_5 : vector<16xf32>
      %jit3A_343 = arith.constant 268435456 : i32
      %jit3A_344 = arith.constant 0 : i32
      %broadcast_in_dim3A_345 = vector.broadcast %jit3A_343 : i32 to vector<16xi32>
      %broadcast_in_dim3A_346 = vector.broadcast %jit3A_344 : i32 to vector<16xi32>
      %select_n3A_347 = arith.select %lt3A_342, %broadcast_in_dim3A_345, %broadcast_in_dim3A_346 : vector<16xi1>, vector<16xi32>
      %add3A_348 = arith.addi %add3A_341, %select_n3A_347 : vector<16xi32>
      %add3A_349 = arith.constant 67108864 : i32
      %add3A_350 = vector.broadcast %add3A_349 : i32 to vector<16xi32>
      %add3A_351 = arith.addi %add3A_348, %add3A_350 : vector<16xi32>
      %mul3A_352 = arith.constant 2 : i32
      %mul3A_353 = arith.constant 67108864 : i32
      %mul3A_354 = arith.muli %mul3A_352, %mul3A_353 : i32
      %add3A_355 = vector.broadcast %mul3A_354 : i32 to vector<16xi32>
      %add3A_356 = arith.addi %add3A_348, %add3A_355 : vector<16xi32>
      %mul3A_357 = arith.constant 3 : i32
      %mul3A_358 = arith.constant 67108864 : i32
      %mul3A_359 = arith.muli %mul3A_357, %mul3A_358 : i32
      %add3A_360 = vector.broadcast %mul3A_359 : i32 to vector<16xi32>
      %add3A_361 = arith.addi %add3A_348, %add3A_360 : vector<16xi32>
      %broadcast_in_dim3A_362 = arith.constant 0.000000e+00 : f32
      %broadcast_in_dim3A_363 = vector.broadcast %broadcast_in_dim3A_362 : f32 to vector<16xf32>
      %parallel_loop3A_364 = arith.constant 0 : i32
      %parallel_loop3A_365 = arith.constant 64 : i32
      %parallel_loop3A_366 = arith.constant 1 : i32
      %parallel_loop3A_367:3 = scf.for %parallel_loop3A_1762 = %parallel_loop3A_364 to %parallel_loop3A_365 step %parallel_loop3A_366 iter_args(%parallel_loop3A_1763 = %broadcast_in_dim3A_363, %parallel_loop3A_1764 = %broadcast_in_dim3A_363, %parallel_loop3A_1765 = %broadcast_in_dim3A_363) -> (vector<16xf32>, vector<16xf32>, vector<16xf32>)  : i32 {
        %parallel_loop3A_1766 = arith.constant 16 : i32
        %parallel_loop3A_1767 = arith.muli %parallel_loop3A_1762, %parallel_loop3A_1766 : i32
        %parallel_loop3A_1768 = arith.index_cast %parallel_loop3A_1767 : i32 to index
        %parallel_loop3A_1769 = tpu.vector_load %arg10[%parallel_loop3A_1768] {strides = array<i32>} : memref<1024xi32, #tpu.memory_space<vmem>>, vector<16xi32>,
        %parallel_loop3A_1770 = vector.shape_cast %parallel_loop3A_1769 : vector<16xi32> to vector<16xi32>
        %parallel_loop3A_1771 = arith.cmpi slt, %parallel_loop3A_1770, %add3A_351 : vector<16xi32>
        %parallel_loop3A_1772 = arith.constant 1.000000e+00 : f32
        %parallel_loop3A_1773 = arith.constant 0.000000e+00 : f32
        %parallel_loop3A_1774 = vector.broadcast %parallel_loop3A_1772 : f32 to vector<16xf32>
        %parallel_loop3A_1775 = vector.broadcast %parallel_loop3A_1773 : f32 to vector<16xf32>
        %parallel_loop3A_1776 = arith.select %parallel_loop3A_1771, %parallel_loop3A_1774, %parallel_loop3A_1775 : vector<16xi1>, vector<16xf32>
        %parallel_loop3A_1777 = arith.addf %parallel_loop3A_1763, %parallel_loop3A_1776 : vector<16xf32>
        %parallel_loop3A_1778 = arith.cmpi slt, %parallel_loop3A_1770, %add3A_356 : vector<16xi32>
        %parallel_loop3A_1779 = arith.constant 1.000000e+00 : f32
        %parallel_loop3A_1780 = arith.constant 0.000000e+00 : f32
        %parallel_loop3A_1781 = vector.broadcast %parallel_loop3A_1779 : f32 to vector<16xf32>
        %parallel_loop3A_1782 = vector.broadcast %parallel_loop3A_1780 : f32 to vector<16xf32>
        %parallel_loop3A_1783 = arith.select %parallel_loop3A_1778, %parallel_loop3A_1781, %parallel_loop3A_1782 : vector<16xi1>, vector<16xf32>
        %parallel_loop3A_1784 = arith.addf %parallel_loop3A_1764, %parallel_loop3A_1783 : vector<16xf32>
        %parallel_loop3A_1785 = arith.cmpi slt, %parallel_loop3A_1770, %add3A_361 : vector<16xi32>
        %parallel_loop3A_1786 = arith.constant 1.000000e+00 : f32
        %parallel_loop3A_1787 = arith.constant 0.000000e+00 : f32
        %parallel_loop3A_1788 = vector.broadcast %parallel_loop3A_1786 : f32 to vector<16xf32>
        %parallel_loop3A_1789 = vector.broadcast %parallel_loop3A_1787 : f32 to vector<16xf32>
        %parallel_loop3A_1790 = arith.select %parallel_loop3A_1785, %parallel_loop3A_1788, %parallel_loop3A_1789 : vector<16xi1>, vector<16xf32>
        %parallel_loop3A_1791 = arith.addf %parallel_loop3A_1765, %parallel_loop3A_1790 : vector<16xf32>
        scf.yield %parallel_loop3A_1777, %parallel_loop3A_1784, %parallel_loop3A_1791 : vector<16xf32>, vector<16xf32>, vector<16xf32>
      } {sc.loop_unroll_factor = 8 : i64, sc.parallel_access}
      %iota3A_368 = tpu.iota {dimensions = array<i32: 0>} : vector<16xi32>
      %xor3A_369 = arith.constant 1 : i32
      %xor3A_370 = vector.broadcast %xor3A_369 : i32 to vector<16xi32>
      %xor3A_371 = arith.xori %iota3A_368, %xor3A_370 : vector<16xi32>
      %broadcast_in_dim3A_372 = vector.shape_cast %xor3A_371 : vector<16xi32> to vector<16x1xi32>
      %gather3A_373 = vector.shape_cast %broadcast_in_dim3A_372 : vector<16x1xi32> to vector<16xi32>
      %gather3A_374 = tpu.dynamic_gather %parallel_loop3A_367#0[%gather3A_373] in [0] : vector<16xf32>, vector<16xi32> -> vector<16xf32>
      %add3A_375 = arith.addf %parallel_loop3A_367#0, %gather3A_374 : vector<16xf32>
      %xor3A_376 = arith.constant 2 : i32
      %xor3A_377 = vector.broadcast %xor3A_376 : i32 to vector<16xi32>
      %xor3A_378 = arith.xori %iota3A_368, %xor3A_377 : vector<16xi32>
      %broadcast_in_dim3A_379 = vector.shape_cast %xor3A_378 : vector<16xi32> to vector<16x1xi32>
      %gather3A_380 = vector.shape_cast %broadcast_in_dim3A_379 : vector<16x1xi32> to vector<16xi32>
      %gather3A_381 = tpu.dynamic_gather %add3A_375[%gather3A_380] in [0] : vector<16xf32>, vector<16xi32> -> vector<16xf32>
      %add3A_382 = arith.addf %add3A_375, %gather3A_381 : vector<16xf32>
      %broadcast_in_dim3A_383 = vector.shape_cast %mul3A_10 : vector<16xi32> to vector<16x1xi32>
      %gather3A_384 = vector.shape_cast %broadcast_in_dim3A_383 : vector<16x1xi32> to vector<16xi32>
      %gather3A_385 = tpu.dynamic_gather %add3A_382[%gather3A_384] in [0] : vector<16xf32>, vector<16xi32> -> vector<16xf32>
      %iota3A_386 = tpu.iota {dimensions = array<i32: 0>} : vector<16xi32>
      %xor3A_387 = arith.constant 1 : i32
      %xor3A_388 = vector.broadcast %xor3A_387 : i32 to vector<16xi32>
      %xor3A_389 = arith.xori %iota3A_386, %xor3A_388 : vector<16xi32>
      %broadcast_in_dim3A_390 = vector.shape_cast %xor3A_389 : vector<16xi32> to vector<16x1xi32>
      %gather3A_391 = vector.shape_cast %broadcast_in_dim3A_390 : vector<16x1xi32> to vector<16xi32>
      %gather3A_392 = tpu.dynamic_gather %parallel_loop3A_367#1[%gather3A_391] in [0] : vector<16xf32>, vector<16xi32> -> vector<16xf32>
      %add3A_393 = arith.addf %parallel_loop3A_367#1, %gather3A_392 : vector<16xf32>
      %xor3A_394 = arith.constant 2 : i32
      %xor3A_395 = vector.broadcast %xor3A_394 : i32 to vector<16xi32>
      %xor3A_396 = arith.xori %iota3A_386, %xor3A_395 : vector<16xi32>
      %broadcast_in_dim3A_397 = vector.shape_cast %xor3A_396 : vector<16xi32> to vector<16x1xi32>
      %gather3A_398 = vector.shape_cast %broadcast_in_dim3A_397 : vector<16x1xi32> to vector<16xi32>
      %gather3A_399 = tpu.dynamic_gather %add3A_393[%gather3A_398] in [0] : vector<16xf32>, vector<16xi32> -> vector<16xf32>
      %add3A_400 = arith.addf %add3A_393, %gather3A_399 : vector<16xf32>
      %broadcast_in_dim3A_401 = vector.shape_cast %mul3A_10 : vector<16xi32> to vector<16x1xi32>
      %gather3A_402 = vector.shape_cast %broadcast_in_dim3A_401 : vector<16x1xi32> to vector<16xi32>
      %gather3A_403 = tpu.dynamic_gather %add3A_400[%gather3A_402] in [0] : vector<16xf32>, vector<16xi32> -> vector<16xf32>
      %iota3A_404 = tpu.iota {dimensions = array<i32: 0>} : vector<16xi32>
      %xor3A_405 = arith.constant 1 : i32
      %xor3A_406 = vector.broadcast %xor3A_405 : i32 to vector<16xi32>
      %xor3A_407 = arith.xori %iota3A_404, %xor3A_406 : vector<16xi32>
      %broadcast_in_dim3A_408 = vector.shape_cast %xor3A_407 : vector<16xi32> to vector<16x1xi32>
      %gather3A_409 = vector.shape_cast %broadcast_in_dim3A_408 : vector<16x1xi32> to vector<16xi32>
      %gather3A_410 = tpu.dynamic_gather %parallel_loop3A_367#2[%gather3A_409] in [0] : vector<16xf32>, vector<16xi32> -> vector<16xf32>
      %add3A_411 = arith.addf %parallel_loop3A_367#2, %gather3A_410 : vector<16xf32>
      %xor3A_412 = arith.constant 2 : i32
      %xor3A_413 = vector.broadcast %xor3A_412 : i32 to vector<16xi32>
      %xor3A_414 = arith.xori %iota3A_404, %xor3A_413 : vector<16xi32>
      %broadcast_in_dim3A_415 = vector.shape_cast %xor3A_414 : vector<16xi32> to vector<16x1xi32>
      %gather3A_416 = vector.shape_cast %broadcast_in_dim3A_415 : vector<16x1xi32> to vector<16xi32>
      %gather3A_417 = tpu.dynamic_gather %add3A_411[%gather3A_416] in [0] : vector<16xf32>, vector<16xi32> -> vector<16xf32>
      %add3A_418 = arith.addf %add3A_411, %gather3A_417 : vector<16xf32>
      %broadcast_in_dim3A_419 = vector.shape_cast %mul3A_10 : vector<16xi32> to vector<16x1xi32>
      %gather3A_420 = vector.shape_cast %broadcast_in_dim3A_419 : vector<16x1xi32> to vector<16xi32>
      %gather3A_421 = tpu.dynamic_gather %add3A_418[%gather3A_420] in [0] : vector<16xf32>, vector<16xi32> -> vector<16xf32>
      %jit3A_422 = arith.constant 0.000000e+00 : f32
      %broadcast_in_dim3A_423 = vector.broadcast %jit3A_422 : f32 to vector<16xf32>
      %select_n3A_424 = arith.select %lt3A_18, %gather3A_421, %broadcast_in_dim3A_423 : vector<16xi1>, vector<16xf32>
      %select_n3A_425 = arith.select %lt3A_15, %gather3A_403, %select_n3A_424 : vector<16xi1>, vector<16xf32>
      %select_n3A_426 = arith.select %lt3A_12, %gather3A_385, %select_n3A_425 : vector<16xi1>, vector<16xf32>
      %swap3A_427 = arith.constant 0 : index
      %swap3A_428 = tpu.vector_load %arg11[%swap3A_427] {strides = array<i32>} : memref<16xf32, #tpu.memory_space<vmem>>, vector<16xf32>,
      %swap3A_429 = vector.shape_cast %swap3A_428 : vector<16xf32> to vector<16xf32>
      %swap3A_430 = vector.shape_cast %select_n3A_426 : vector<16xf32> to vector<16xf32>
      tpu.vector_store %arg11[%swap3A_427], %swap3A_430 {strides = array<i32>} : memref<16xf32, #tpu.memory_space<vmem>>, vector<16xf32>,
      %mul3A_431 = arith.constant 16 : i32
      %mul3A_432 = arith.muli %arg1, %mul3A_431 : i32
      %add3A_433 = arith.constant 0 : i32
      %add3A_434 = arith.addi %add3A_433, %mul3A_432 : i32
      "tpu.region"() ({
        %run_scoped3A = tpu.sem_alloc : memref<!tpu.dma_semaphore, #tpu.memory_space<semaphore_mem>>
        %dma_start3A = tpu.memref_slice %arg12[%add3A_434] : memref<512xf32, #tpu.memory_space<vmem_shared>> -> memref<16xf32, #tpu.memory_space<vmem_shared>>
        %dma_start3A_1762 = tpu.memref_slice %arg12[%add3A_434] : memref<512xf32, #tpu.memory_space<vmem_shared>> -> memref<16xf32, #tpu.memory_space<vmem_shared>>
        tpu.enqueue_dma source(%arg11 : memref<16xf32, #tpu.memory_space<vmem>>) target(%dma_start3A_1762 : memref<16xf32, #tpu.memory_space<vmem_shared>>) target_semaphore(%run_scoped3A : memref<!tpu.dma_semaphore, #tpu.memory_space<semaphore_mem>>)
        %dma_wait3A = tpu.memref_slice %arg12[%add3A_434] : memref<512xf32, #tpu.memory_space<vmem_shared>> -> memref<16xf32, #tpu.memory_space<vmem_shared>>
        %dma_wait3A_1763 = tpu.memref_slice %arg12[%add3A_434] : memref<512xf32, #tpu.memory_space<vmem_shared>> -> memref<16xf32, #tpu.memory_space<vmem_shared>>
        tpu.wait_dma2 semaphore(%run_scoped3A : memref<!tpu.dma_semaphore, #tpu.memory_space<semaphore_mem>>) src(%arg11 : memref<16xf32, #tpu.memory_space<vmem>>) dst(%dma_wait3A_1763 : memref<16xf32, #tpu.memory_space<vmem_shared>>)
        tpu.yield
      }) : () -> ()
      %barrier3A_435 = arith.constant 0 : index
      tpu.barrier barrier_id(%barrier3A_435)
      "tpu.region"() ({
        %run_scoped3A = tpu.sem_alloc : memref<!tpu.dma_semaphore, #tpu.memory_space<semaphore_mem>>
        %dma_start3A = arith.constant 0 : i32
        %dma_start3A_1762 = tpu.memref_slice %arg12[%dma_start3A] : memref<512xf32, #tpu.memory_space<vmem_shared>> -> memref<256xf32, #tpu.memory_space<vmem_shared>>
        %dma_start3A_1763 = arith.constant 0 : i32
        %dma_start3A_1764 = tpu.memref_slice %arg12[%dma_start3A_1763] : memref<512xf32, #tpu.memory_space<vmem_shared>> -> memref<256xf32, #tpu.memory_space<vmem_shared>>
        tpu.enqueue_dma source(%dma_start3A_1764 : memref<256xf32, #tpu.memory_space<vmem_shared>>) target(%arg15 : memref<256xf32, #tpu.memory_space<vmem>>) target_semaphore(%run_scoped3A : memref<!tpu.dma_semaphore, #tpu.memory_space<semaphore_mem>>)
        %dma_wait3A = arith.constant 0 : i32
        %dma_wait3A_1765 = tpu.memref_slice %arg12[%dma_wait3A] : memref<512xf32, #tpu.memory_space<vmem_shared>> -> memref<256xf32, #tpu.memory_space<vmem_shared>>
        %dma_wait3A_1766 = arith.constant 0 : i32
        %dma_wait3A_1767 = tpu.memref_slice %arg12[%dma_wait3A_1766] : memref<512xf32, #tpu.memory_space<vmem_shared>> -> memref<256xf32, #tpu.memory_space<vmem_shared>>
        tpu.wait_dma2 semaphore(%run_scoped3A : memref<!tpu.dma_semaphore, #tpu.memory_space<semaphore_mem>>) src(%dma_wait3A_1767 : memref<256xf32, #tpu.memory_space<vmem_shared>>) dst(%arg15 : memref<256xf32, #tpu.memory_space<vmem>>)
        tpu.yield
      }) : () -> ()
      %broadcast_in_dim3A_436 = arith.constant 0.000000e+00 : f32
      %broadcast_in_dim3A_437 = vector.broadcast %broadcast_in_dim3A_436 : f32 to vector<16xf32>
      %get3A_438 = arith.constant 0 : index
      %get3A_439 = tpu.vector_load %arg15[%get3A_438] {strides = array<i32>} : memref<256xf32, #tpu.memory_space<vmem>>, vector<16xf32>,
      %get3A_440 = vector.shape_cast %get3A_439 : vector<16xf32> to vector<16xf32>
      %add3A_441 = arith.addf %broadcast_in_dim3A_437, %get3A_440 : vector<16xf32>
      %get3A_442 = arith.constant 16 : index
      %get3A_443 = tpu.vector_load %arg15[%get3A_442] {strides = array<i32>} : memref<256xf32, #tpu.memory_space<vmem>>, vector<16xf32>,
      %get3A_444 = vector.shape_cast %get3A_443 : vector<16xf32> to vector<16xf32>
      %add3A_445 = arith.addf %add3A_441, %get3A_444 : vector<16xf32>
      %get3A_446 = arith.constant 32 : index
      %get3A_447 = tpu.vector_load %arg15[%get3A_446] {strides = array<i32>} : memref<256xf32, #tpu.memory_space<vmem>>, vector<16xf32>,
      %get3A_448 = vector.shape_cast %get3A_447 : vector<16xf32> to vector<16xf32>
      %add3A_449 = arith.addf %add3A_445, %get3A_448 : vector<16xf32>
      %get3A_450 = arith.constant 48 : index
      %get3A_451 = tpu.vector_load %arg15[%get3A_450] {strides = array<i32>} : memref<256xf32, #tpu.memory_space<vmem>>, vector<16xf32>,
      %get3A_452 = vector.shape_cast %get3A_451 : vector<16xf32> to vector<16xf32>
      %add3A_453 = arith.addf %add3A_449, %get3A_452 : vector<16xf32>
      %get3A_454 = arith.constant 64 : index
      %get3A_455 = tpu.vector_load %arg15[%get3A_454] {strides = array<i32>} : memref<256xf32, #tpu.memory_space<vmem>>, vector<16xf32>,
      %get3A_456 = vector.shape_cast %get3A_455 : vector<16xf32> to vector<16xf32>
      %add3A_457 = arith.addf %add3A_453, %get3A_456 : vector<16xf32>
      %get3A_458 = arith.constant 80 : index
      %get3A_459 = tpu.vector_load %arg15[%get3A_458] {strides = array<i32>} : memref<256xf32, #tpu.memory_space<vmem>>, vector<16xf32>,
      %get3A_460 = vector.shape_cast %get3A_459 : vector<16xf32> to vector<16xf32>
      %add3A_461 = arith.addf %add3A_457, %get3A_460 : vector<16xf32>
      %get3A_462 = arith.constant 96 : index
      %get3A_463 = tpu.vector_load %arg15[%get3A_462] {strides = array<i32>} : memref<256xf32, #tpu.memory_space<vmem>>, vector<16xf32>,
      %get3A_464 = vector.shape_cast %get3A_463 : vector<16xf32> to vector<16xf32>
      %add3A_465 = arith.addf %add3A_461, %get3A_464 : vector<16xf32>
      %get3A_466 = arith.constant 112 : index
      %get3A_467 = tpu.vector_load %arg15[%get3A_466] {strides = array<i32>} : memref<256xf32, #tpu.memory_space<vmem>>, vector<16xf32>,
      %get3A_468 = vector.shape_cast %get3A_467 : vector<16xf32> to vector<16xf32>
      %add3A_469 = arith.addf %add3A_465, %get3A_468 : vector<16xf32>
      %get3A_470 = arith.constant 128 : index
      %get3A_471 = tpu.vector_load %arg15[%get3A_470] {strides = array<i32>} : memref<256xf32, #tpu.memory_space<vmem>>, vector<16xf32>,
      %get3A_472 = vector.shape_cast %get3A_471 : vector<16xf32> to vector<16xf32>
      %add3A_473 = arith.addf %add3A_469, %get3A_472 : vector<16xf32>
      %get3A_474 = arith.constant 144 : index
      %get3A_475 = tpu.vector_load %arg15[%get3A_474] {strides = array<i32>} : memref<256xf32, #tpu.memory_space<vmem>>, vector<16xf32>,
      %get3A_476 = vector.shape_cast %get3A_475 : vector<16xf32> to vector<16xf32>
      %add3A_477 = arith.addf %add3A_473, %get3A_476 : vector<16xf32>
      %get3A_478 = arith.constant 160 : index
      %get3A_479 = tpu.vector_load %arg15[%get3A_478] {strides = array<i32>} : memref<256xf32, #tpu.memory_space<vmem>>, vector<16xf32>,
      %get3A_480 = vector.shape_cast %get3A_479 : vector<16xf32> to vector<16xf32>
      %add3A_481 = arith.addf %add3A_477, %get3A_480 : vector<16xf32>
      %get3A_482 = arith.constant 176 : index
      %get3A_483 = tpu.vector_load %arg15[%get3A_482] {strides = array<i32>} : memref<256xf32, #tpu.memory_space<vmem>>, vector<16xf32>,
      %get3A_484 = vector.shape_cast %get3A_483 : vector<16xf32> to vector<16xf32>
      %add3A_485 = arith.addf %add3A_481, %get3A_484 : vector<16xf32>
      %get3A_486 = arith.constant 192 : index
      %get3A_487 = tpu.vector_load %arg15[%get3A_486] {strides = array<i32>} : memref<256xf32, #tpu.memory_space<vmem>>, vector<16xf32>,
      %get3A_488 = vector.shape_cast %get3A_487 : vector<16xf32> to vector<16xf32>
      %add3A_489 = arith.addf %add3A_485, %get3A_488 : vector<16xf32>
      %get3A_490 = arith.constant 208 : index
      %get3A_491 = tpu.vector_load %arg15[%get3A_490] {strides = array<i32>} : memref<256xf32, #tpu.memory_space<vmem>>, vector<16xf32>,
      %get3A_492 = vector.shape_cast %get3A_491 : vector<16xf32> to vector<16xf32>
      %add3A_493 = arith.addf %add3A_489, %get3A_492 : vector<16xf32>
      %get3A_494 = arith.constant 224 : index
      %get3A_495 = tpu.vector_load %arg15[%get3A_494] {strides = array<i32>} : memref<256xf32, #tpu.memory_space<vmem>>, vector<16xf32>,
      %get3A_496 = vector.shape_cast %get3A_495 : vector<16xf32> to vector<16xf32>
      %add3A_497 = arith.addf %add3A_493, %get3A_496 : vector<16xf32>
      %get3A_498 = arith.constant 240 : index
      %get3A_499 = tpu.vector_load %arg15[%get3A_498] {strides = array<i32>} : memref<256xf32, #tpu.memory_space<vmem>>, vector<16xf32>,
      %get3A_500 = vector.shape_cast %get3A_499 : vector<16xf32> to vector<16xf32>
      %add3A_501 = arith.addf %add3A_497, %get3A_500 : vector<16xf32>
      %iota3A_502 = tpu.iota {dimensions = array<i32: 0>} : vector<16xi32>
      %xor3A_503 = arith.constant 1 : i32
      %xor3A_504 = vector.broadcast %xor3A_503 : i32 to vector<16xi32>
      %xor3A_505 = arith.xori %iota3A_502, %xor3A_504 : vector<16xi32>
      %broadcast_in_dim3A_506 = vector.shape_cast %xor3A_505 : vector<16xi32> to vector<16x1xi32>
      %gather3A_507 = vector.shape_cast %broadcast_in_dim3A_506 : vector<16x1xi32> to vector<16xi32>
      %gather3A_508 = tpu.dynamic_gather %add3A_501[%gather3A_507] in [0] : vector<16xf32>, vector<16xi32> -> vector<16xf32>
      %add3A_509 = arith.addf %add3A_501, %gather3A_508 : vector<16xf32>
      %xor3A_510 = arith.constant 2 : i32
      %xor3A_511 = vector.broadcast %xor3A_510 : i32 to vector<16xi32>
      %xor3A_512 = arith.xori %iota3A_502, %xor3A_511 : vector<16xi32>
      %broadcast_in_dim3A_513 = vector.shape_cast %xor3A_512 : vector<16xi32> to vector<16x1xi32>
      %gather3A_514 = vector.shape_cast %broadcast_in_dim3A_513 : vector<16x1xi32> to vector<16xi32>
      %gather3A_515 = tpu.dynamic_gather %add3A_509[%gather3A_514] in [0] : vector<16xf32>, vector<16xi32> -> vector<16xf32>
      %add3A_516 = arith.addf %add3A_509, %gather3A_515 : vector<16xf32>
      %broadcast_in_dim3A_517 = vector.shape_cast %broadcast_in_dim3A_20 : vector<16xi32> to vector<16x1xi32>
      %gather3A_518 = vector.shape_cast %broadcast_in_dim3A_517 : vector<16x1xi32> to vector<16xi32>
      %gather3A_519 = tpu.dynamic_gather %add3A_516[%gather3A_518] in [0] : vector<16xf32>, vector<16xi32> -> vector<16xf32>
      %broadcast_in_dim3A_520 = vector.shape_cast %broadcast_in_dim3A_22 : vector<16xi32> to vector<16x1xi32>
      %gather3A_521 = vector.shape_cast %broadcast_in_dim3A_520 : vector<16x1xi32> to vector<16xi32>
      %gather3A_522 = tpu.dynamic_gather %add3A_516[%gather3A_521] in [0] : vector<16xf32>, vector<16xi32> -> vector<16xf32>
      %broadcast_in_dim3A_523 = vector.shape_cast %broadcast_in_dim3A_24 : vector<16xi32> to vector<16x1xi32>
      %gather3A_524 = vector.shape_cast %broadcast_in_dim3A_523 : vector<16x1xi32> to vector<16xi32>
      %gather3A_525 = tpu.dynamic_gather %add3A_516[%gather3A_524] in [0] : vector<16xf32>, vector<16xi32> -> vector<16xf32>
      %lt3A_526 = arith.cmpf olt, %gather3A_519, %broadcast_in_dim3A_5 : vector<16xf32>
      %jit3A_527 = arith.constant 67108864 : i32
      %jit3A_528 = arith.constant 0 : i32
      %broadcast_in_dim3A_529 = vector.broadcast %jit3A_527 : i32 to vector<16xi32>
      %broadcast_in_dim3A_530 = vector.broadcast %jit3A_528 : i32 to vector<16xi32>
      %select_n3A_531 = arith.select %lt3A_526, %broadcast_in_dim3A_529, %broadcast_in_dim3A_530 : vector<16xi1>, vector<16xi32>
      %add3A_532 = arith.addi %add3A_348, %select_n3A_531 : vector<16xi32>
      %lt3A_533 = arith.cmpf olt, %gather3A_522, %broadcast_in_dim3A_5 : vector<16xf32>
      %jit3A_534 = arith.constant 67108864 : i32
      %jit3A_535 = arith.constant 0 : i32
      %broadcast_in_dim3A_536 = vector.broadcast %jit3A_534 : i32 to vector<16xi32>
      %broadcast_in_dim3A_537 = vector.broadcast %jit3A_535 : i32 to vector<16xi32>
      %select_n3A_538 = arith.select %lt3A_533, %broadcast_in_dim3A_536, %broadcast_in_dim3A_537 : vector<16xi1>, vector<16xi32>
      %add3A_539 = arith.addi %add3A_532, %select_n3A_538 : vector<16xi32>
      %lt3A_540 = arith.cmpf olt, %gather3A_525, %broadcast_in_dim3A_5 : vector<16xf32>
      %jit3A_541 = arith.constant 67108864 : i32
      %jit3A_542 = arith.constant 0 : i32
      %broadcast_in_dim3A_543 = vector.broadcast %jit3A_541 : i32 to vector<16xi32>
      %broadcast_in_dim3A_544 = vector.broadcast %jit3A_542 : i32 to vector<16xi32>
      %select_n3A_545 = arith.select %lt3A_540, %broadcast_in_dim3A_543, %broadcast_in_dim3A_544 : vector<16xi1>, vector<16xi32>
      %add3A_546 = arith.addi %add3A_539, %select_n3A_545 : vector<16xi32>
      %add3A_547 = arith.constant 16777216 : i32
      %add3A_548 = vector.broadcast %add3A_547 : i32 to vector<16xi32>
      %add3A_549 = arith.addi %add3A_546, %add3A_548 : vector<16xi32>
      %mul3A_550 = arith.constant 2 : i32
      %mul3A_551 = arith.constant 16777216 : i32
      %mul3A_552 = arith.muli %mul3A_550, %mul3A_551 : i32
      %add3A_553 = vector.broadcast %mul3A_552 : i32 to vector<16xi32>
      %add3A_554 = arith.addi %add3A_546, %add3A_553 : vector<16xi32>
      %mul3A_555 = arith.constant 3 : i32
      %mul3A_556 = arith.constant 16777216 : i32
      %mul3A_557 = arith.muli %mul3A_555, %mul3A_556 : i32
      %add3A_558 = vector.broadcast %mul3A_557 : i32 to vector<16xi32>
      %add3A_559 = arith.addi %add3A_546, %add3A_558 : vector<16xi32>
      %broadcast_in_dim3A_560 = arith.constant 0.000000e+00 : f32
      %broadcast_in_dim3A_561 = vector.broadcast %broadcast_in_dim3A_560 : f32 to vector<16xf32>
      %parallel_loop3A_562 = arith.constant 0 : i32
      %parallel_loop3A_563 = arith.constant 64 : i32
      %parallel_loop3A_564 = arith.constant 1 : i32
      %parallel_loop3A_565:3 = scf.for %parallel_loop3A_1762 = %parallel_loop3A_562 to %parallel_loop3A_563 step %parallel_loop3A_564 iter_args(%parallel_loop3A_1763 = %broadcast_in_dim3A_561, %parallel_loop3A_1764 = %broadcast_in_dim3A_561, %parallel_loop3A_1765 = %broadcast_in_dim3A_561) -> (vector<16xf32>, vector<16xf32>, vector<16xf32>)  : i32 {
        %parallel_loop3A_1766 = arith.constant 16 : i32
        %parallel_loop3A_1767 = arith.muli %parallel_loop3A_1762, %parallel_loop3A_1766 : i32
        %parallel_loop3A_1768 = arith.index_cast %parallel_loop3A_1767 : i32 to index
        %parallel_loop3A_1769 = tpu.vector_load %arg10[%parallel_loop3A_1768] {strides = array<i32>} : memref<1024xi32, #tpu.memory_space<vmem>>, vector<16xi32>,
        %parallel_loop3A_1770 = vector.shape_cast %parallel_loop3A_1769 : vector<16xi32> to vector<16xi32>
        %parallel_loop3A_1771 = arith.cmpi slt, %parallel_loop3A_1770, %add3A_549 : vector<16xi32>
        %parallel_loop3A_1772 = arith.constant 1.000000e+00 : f32
        %parallel_loop3A_1773 = arith.constant 0.000000e+00 : f32
        %parallel_loop3A_1774 = vector.broadcast %parallel_loop3A_1772 : f32 to vector<16xf32>
        %parallel_loop3A_1775 = vector.broadcast %parallel_loop3A_1773 : f32 to vector<16xf32>
        %parallel_loop3A_1776 = arith.select %parallel_loop3A_1771, %parallel_loop3A_1774, %parallel_loop3A_1775 : vector<16xi1>, vector<16xf32>
        %parallel_loop3A_1777 = arith.addf %parallel_loop3A_1763, %parallel_loop3A_1776 : vector<16xf32>
        %parallel_loop3A_1778 = arith.cmpi slt, %parallel_loop3A_1770, %add3A_554 : vector<16xi32>
        %parallel_loop3A_1779 = arith.constant 1.000000e+00 : f32
        %parallel_loop3A_1780 = arith.constant 0.000000e+00 : f32
        %parallel_loop3A_1781 = vector.broadcast %parallel_loop3A_1779 : f32 to vector<16xf32>
        %parallel_loop3A_1782 = vector.broadcast %parallel_loop3A_1780 : f32 to vector<16xf32>
        %parallel_loop3A_1783 = arith.select %parallel_loop3A_1778, %parallel_loop3A_1781, %parallel_loop3A_1782 : vector<16xi1>, vector<16xf32>
        %parallel_loop3A_1784 = arith.addf %parallel_loop3A_1764, %parallel_loop3A_1783 : vector<16xf32>
        %parallel_loop3A_1785 = arith.cmpi slt, %parallel_loop3A_1770, %add3A_559 : vector<16xi32>
        %parallel_loop3A_1786 = arith.constant 1.000000e+00 : f32
        %parallel_loop3A_1787 = arith.constant 0.000000e+00 : f32
        %parallel_loop3A_1788 = vector.broadcast %parallel_loop3A_1786 : f32 to vector<16xf32>
        %parallel_loop3A_1789 = vector.broadcast %parallel_loop3A_1787 : f32 to vector<16xf32>
        %parallel_loop3A_1790 = arith.select %parallel_loop3A_1785, %parallel_loop3A_1788, %parallel_loop3A_1789 : vector<16xi1>, vector<16xf32>
        %parallel_loop3A_1791 = arith.addf %parallel_loop3A_1765, %parallel_loop3A_1790 : vector<16xf32>
        scf.yield %parallel_loop3A_1777, %parallel_loop3A_1784, %parallel_loop3A_1791 : vector<16xf32>, vector<16xf32>, vector<16xf32>
      } {sc.loop_unroll_factor = 8 : i64, sc.parallel_access}
      %iota3A_566 = tpu.iota {dimensions = array<i32: 0>} : vector<16xi32>
      %xor3A_567 = arith.constant 1 : i32
      %xor3A_568 = vector.broadcast %xor3A_567 : i32 to vector<16xi32>
      %xor3A_569 = arith.xori %iota3A_566, %xor3A_568 : vector<16xi32>
      %broadcast_in_dim3A_570 = vector.shape_cast %xor3A_569 : vector<16xi32> to vector<16x1xi32>
      %gather3A_571 = vector.shape_cast %broadcast_in_dim3A_570 : vector<16x1xi32> to vector<16xi32>
      %gather3A_572 = tpu.dynamic_gather %parallel_loop3A_565#0[%gather3A_571] in [0] : vector<16xf32>, vector<16xi32> -> vector<16xf32>
      %add3A_573 = arith.addf %parallel_loop3A_565#0, %gather3A_572 : vector<16xf32>
      %xor3A_574 = arith.constant 2 : i32
      %xor3A_575 = vector.broadcast %xor3A_574 : i32 to vector<16xi32>
      %xor3A_576 = arith.xori %iota3A_566, %xor3A_575 : vector<16xi32>
      %broadcast_in_dim3A_577 = vector.shape_cast %xor3A_576 : vector<16xi32> to vector<16x1xi32>
      %gather3A_578 = vector.shape_cast %broadcast_in_dim3A_577 : vector<16x1xi32> to vector<16xi32>
      %gather3A_579 = tpu.dynamic_gather %add3A_573[%gather3A_578] in [0] : vector<16xf32>, vector<16xi32> -> vector<16xf32>
      %add3A_580 = arith.addf %add3A_573, %gather3A_579 : vector<16xf32>
      %broadcast_in_dim3A_581 = vector.shape_cast %mul3A_10 : vector<16xi32> to vector<16x1xi32>
      %gather3A_582 = vector.shape_cast %broadcast_in_dim3A_581 : vector<16x1xi32> to vector<16xi32>
      %gather3A_583 = tpu.dynamic_gather %add3A_580[%gather3A_582] in [0] : vector<16xf32>, vector<16xi32> -> vector<16xf32>
      %iota3A_584 = tpu.iota {dimensions = array<i32: 0>} : vector<16xi32>
      %xor3A_585 = arith.constant 1 : i32
      %xor3A_586 = vector.broadcast %xor3A_585 : i32 to vector<16xi32>
      %xor3A_587 = arith.xori %iota3A_584, %xor3A_586 : vector<16xi32>
      %broadcast_in_dim3A_588 = vector.shape_cast %xor3A_587 : vector<16xi32> to vector<16x1xi32>
      %gather3A_589 = vector.shape_cast %broadcast_in_dim3A_588 : vector<16x1xi32> to vector<16xi32>
      %gather3A_590 = tpu.dynamic_gather %parallel_loop3A_565#1[%gather3A_589] in [0] : vector<16xf32>, vector<16xi32> -> vector<16xf32>
      %add3A_591 = arith.addf %parallel_loop3A_565#1, %gather3A_590 : vector<16xf32>
      %xor3A_592 = arith.constant 2 : i32
      %xor3A_593 = vector.broadcast %xor3A_592 : i32 to vector<16xi32>
      %xor3A_594 = arith.xori %iota3A_584, %xor3A_593 : vector<16xi32>
      %broadcast_in_dim3A_595 = vector.shape_cast %xor3A_594 : vector<16xi32> to vector<16x1xi32>
      %gather3A_596 = vector.shape_cast %broadcast_in_dim3A_595 : vector<16x1xi32> to vector<16xi32>
      %gather3A_597 = tpu.dynamic_gather %add3A_591[%gather3A_596] in [0] : vector<16xf32>, vector<16xi32> -> vector<16xf32>
      %add3A_598 = arith.addf %add3A_591, %gather3A_597 : vector<16xf32>
      %broadcast_in_dim3A_599 = vector.shape_cast %mul3A_10 : vector<16xi32> to vector<16x1xi32>
      %gather3A_600 = vector.shape_cast %broadcast_in_dim3A_599 : vector<16x1xi32> to vector<16xi32>
      %gather3A_601 = tpu.dynamic_gather %add3A_598[%gather3A_600] in [0] : vector<16xf32>, vector<16xi32> -> vector<16xf32>
      %iota3A_602 = tpu.iota {dimensions = array<i32: 0>} : vector<16xi32>
      %xor3A_603 = arith.constant 1 : i32
      %xor3A_604 = vector.broadcast %xor3A_603 : i32 to vector<16xi32>
      %xor3A_605 = arith.xori %iota3A_602, %xor3A_604 : vector<16xi32>
      %broadcast_in_dim3A_606 = vector.shape_cast %xor3A_605 : vector<16xi32> to vector<16x1xi32>
      %gather3A_607 = vector.shape_cast %broadcast_in_dim3A_606 : vector<16x1xi32> to vector<16xi32>
      %gather3A_608 = tpu.dynamic_gather %parallel_loop3A_565#2[%gather3A_607] in [0] : vector<16xf32>, vector<16xi32> -> vector<16xf32>
      %add3A_609 = arith.addf %parallel_loop3A_565#2, %gather3A_608 : vector<16xf32>
      %xor3A_610 = arith.constant 2 : i32
      %xor3A_611 = vector.broadcast %xor3A_610 : i32 to vector<16xi32>
      %xor3A_612 = arith.xori %iota3A_602, %xor3A_611 : vector<16xi32>
      %broadcast_in_dim3A_613 = vector.shape_cast %xor3A_612 : vector<16xi32> to vector<16x1xi32>
      %gather3A_614 = vector.shape_cast %broadcast_in_dim3A_613 : vector<16x1xi32> to vector<16xi32>
      %gather3A_615 = tpu.dynamic_gather %add3A_609[%gather3A_614] in [0] : vector<16xf32>, vector<16xi32> -> vector<16xf32>
      %add3A_616 = arith.addf %add3A_609, %gather3A_615 : vector<16xf32>
      %broadcast_in_dim3A_617 = vector.shape_cast %mul3A_10 : vector<16xi32> to vector<16x1xi32>
      %gather3A_618 = vector.shape_cast %broadcast_in_dim3A_617 : vector<16x1xi32> to vector<16xi32>
      %gather3A_619 = tpu.dynamic_gather %add3A_616[%gather3A_618] in [0] : vector<16xf32>, vector<16xi32> -> vector<16xf32>
      %jit3A_620 = arith.constant 0.000000e+00 : f32
      %broadcast_in_dim3A_621 = vector.broadcast %jit3A_620 : f32 to vector<16xf32>
      %select_n3A_622 = arith.select %lt3A_18, %gather3A_619, %broadcast_in_dim3A_621 : vector<16xi1>, vector<16xf32>
      %select_n3A_623 = arith.select %lt3A_15, %gather3A_601, %select_n3A_622 : vector<16xi1>, vector<16xf32>
      %select_n3A_624 = arith.select %lt3A_12, %gather3A_583, %select_n3A_623 : vector<16xi1>, vector<16xf32>
      %swap3A_625 = arith.constant 0 : index
      %swap3A_626 = tpu.vector_load %arg11[%swap3A_625] {strides = array<i32>} : memref<16xf32, #tpu.memory_space<vmem>>, vector<16xf32>,
      %swap3A_627 = vector.shape_cast %swap3A_626 : vector<16xf32> to vector<16xf32>
      %swap3A_628 = vector.shape_cast %select_n3A_624 : vector<16xf32> to vector<16xf32>
      tpu.vector_store %arg11[%swap3A_625], %swap3A_628 {strides = array<i32>} : memref<16xf32, #tpu.memory_space<vmem>>, vector<16xf32>,
      %mul3A_629 = arith.constant 16 : i32
      %mul3A_630 = arith.muli %arg1, %mul3A_629 : i32
      %add3A_631 = arith.constant 256 : i32
      %add3A_632 = arith.addi %add3A_631, %mul3A_630 : i32
      "tpu.region"() ({
        %run_scoped3A = tpu.sem_alloc : memref<!tpu.dma_semaphore, #tpu.memory_space<semaphore_mem>>
        %dma_start3A = tpu.memref_slice %arg12[%add3A_632] : memref<512xf32, #tpu.memory_space<vmem_shared>> -> memref<16xf32, #tpu.memory_space<vmem_shared>>
        %dma_start3A_1762 = tpu.memref_slice %arg12[%add3A_632] : memref<512xf32, #tpu.memory_space<vmem_shared>> -> memref<16xf32, #tpu.memory_space<vmem_shared>>
        tpu.enqueue_dma source(%arg11 : memref<16xf32, #tpu.memory_space<vmem>>) target(%dma_start3A_1762 : memref<16xf32, #tpu.memory_space<vmem_shared>>) target_semaphore(%run_scoped3A : memref<!tpu.dma_semaphore, #tpu.memory_space<semaphore_mem>>)
        %dma_wait3A = tpu.memref_slice %arg12[%add3A_632] : memref<512xf32, #tpu.memory_space<vmem_shared>> -> memref<16xf32, #tpu.memory_space<vmem_shared>>
        %dma_wait3A_1763 = tpu.memref_slice %arg12[%add3A_632] : memref<512xf32, #tpu.memory_space<vmem_shared>> -> memref<16xf32, #tpu.memory_space<vmem_shared>>
        tpu.wait_dma2 semaphore(%run_scoped3A : memref<!tpu.dma_semaphore, #tpu.memory_space<semaphore_mem>>) src(%arg11 : memref<16xf32, #tpu.memory_space<vmem>>) dst(%dma_wait3A_1763 : memref<16xf32, #tpu.memory_space<vmem_shared>>)
        tpu.yield
      }) : () -> ()
      %barrier3A_633 = arith.constant 0 : index
      tpu.barrier barrier_id(%barrier3A_633)
      "tpu.region"() ({
        %run_scoped3A = tpu.sem_alloc : memref<!tpu.dma_semaphore, #tpu.memory_space<semaphore_mem>>
        %dma_start3A = arith.constant 256 : i32
        %dma_start3A_1762 = tpu.memref_slice %arg12[%dma_start3A] : memref<512xf32, #tpu.memory_space<vmem_shared>> -> memref<256xf32, #tpu.memory_space<vmem_shared>>
        %dma_start3A_1763 = arith.constant 256 : i32
        %dma_start3A_1764 = tpu.memref_slice %arg12[%dma_start3A_1763] : memref<512xf32, #tpu.memory_space<vmem_shared>> -> memref<256xf32, #tpu.memory_space<vmem_shared>>
        tpu.enqueue_dma source(%dma_start3A_1764 : memref<256xf32, #tpu.memory_space<vmem_shared>>) target(%arg15 : memref<256xf32, #tpu.memory_space<vmem>>) target_semaphore(%run_scoped3A : memref<!tpu.dma_semaphore, #tpu.memory_space<semaphore_mem>>)
        %dma_wait3A = arith.constant 256 : i32
        %dma_wait3A_1765 = tpu.memref_slice %arg12[%dma_wait3A] : memref<512xf32, #tpu.memory_space<vmem_shared>> -> memref<256xf32, #tpu.memory_space<vmem_shared>>
        %dma_wait3A_1766 = arith.constant 256 : i32
        %dma_wait3A_1767 = tpu.memref_slice %arg12[%dma_wait3A_1766] : memref<512xf32, #tpu.memory_space<vmem_shared>> -> memref<256xf32, #tpu.memory_space<vmem_shared>>
        tpu.wait_dma2 semaphore(%run_scoped3A : memref<!tpu.dma_semaphore, #tpu.memory_space<semaphore_mem>>) src(%dma_wait3A_1767 : memref<256xf32, #tpu.memory_space<vmem_shared>>) dst(%arg15 : memref<256xf32, #tpu.memory_space<vmem>>)
        tpu.yield
      }) : () -> ()
      %broadcast_in_dim3A_634 = arith.constant 0.000000e+00 : f32
      %broadcast_in_dim3A_635 = vector.broadcast %broadcast_in_dim3A_634 : f32 to vector<16xf32>
      %get3A_636 = arith.constant 0 : index
      %get3A_637 = tpu.vector_load %arg15[%get3A_636] {strides = array<i32>} : memref<256xf32, #tpu.memory_space<vmem>>, vector<16xf32>,
      %get3A_638 = vector.shape_cast %get3A_637 : vector<16xf32> to vector<16xf32>
      %add3A_639 = arith.addf %broadcast_in_dim3A_635, %get3A_638 : vector<16xf32>
      %get3A_640 = arith.constant 16 : index
      %get3A_641 = tpu.vector_load %arg15[%get3A_640] {strides = array<i32>} : memref<256xf32, #tpu.memory_space<vmem>>, vector<16xf32>,
      %get3A_642 = vector.shape_cast %get3A_641 : vector<16xf32> to vector<16xf32>
      %add3A_643 = arith.addf %add3A_639, %get3A_642 : vector<16xf32>
      %get3A_644 = arith.constant 32 : index
      %get3A_645 = tpu.vector_load %arg15[%get3A_644] {strides = array<i32>} : memref<256xf32, #tpu.memory_space<vmem>>, vector<16xf32>,
      %get3A_646 = vector.shape_cast %get3A_645 : vector<16xf32> to vector<16xf32>
      %add3A_647 = arith.addf %add3A_643, %get3A_646 : vector<16xf32>
      %get3A_648 = arith.constant 48 : index
      %get3A_649 = tpu.vector_load %arg15[%get3A_648] {strides = array<i32>} : memref<256xf32, #tpu.memory_space<vmem>>, vector<16xf32>,
      %get3A_650 = vector.shape_cast %get3A_649 : vector<16xf32> to vector<16xf32>
      %add3A_651 = arith.addf %add3A_647, %get3A_650 : vector<16xf32>
      %get3A_652 = arith.constant 64 : index
      %get3A_653 = tpu.vector_load %arg15[%get3A_652] {strides = array<i32>} : memref<256xf32, #tpu.memory_space<vmem>>, vector<16xf32>,
      %get3A_654 = vector.shape_cast %get3A_653 : vector<16xf32> to vector<16xf32>
      %add3A_655 = arith.addf %add3A_651, %get3A_654 : vector<16xf32>
      %get3A_656 = arith.constant 80 : index
      %get3A_657 = tpu.vector_load %arg15[%get3A_656] {strides = array<i32>} : memref<256xf32, #tpu.memory_space<vmem>>, vector<16xf32>,
      %get3A_658 = vector.shape_cast %get3A_657 : vector<16xf32> to vector<16xf32>
      %add3A_659 = arith.addf %add3A_655, %get3A_658 : vector<16xf32>
      %get3A_660 = arith.constant 96 : index
      %get3A_661 = tpu.vector_load %arg15[%get3A_660] {strides = array<i32>} : memref<256xf32, #tpu.memory_space<vmem>>, vector<16xf32>,
      %get3A_662 = vector.shape_cast %get3A_661 : vector<16xf32> to vector<16xf32>
      %add3A_663 = arith.addf %add3A_659, %get3A_662 : vector<16xf32>
      %get3A_664 = arith.constant 112 : index
      %get3A_665 = tpu.vector_load %arg15[%get3A_664] {strides = array<i32>} : memref<256xf32, #tpu.memory_space<vmem>>, vector<16xf32>,
      %get3A_666 = vector.shape_cast %get3A_665 : vector<16xf32> to vector<16xf32>
      %add3A_667 = arith.addf %add3A_663, %get3A_666 : vector<16xf32>
      %get3A_668 = arith.constant 128 : index
      %get3A_669 = tpu.vector_load %arg15[%get3A_668] {strides = array<i32>} : memref<256xf32, #tpu.memory_space<vmem>>, vector<16xf32>,
      %get3A_670 = vector.shape_cast %get3A_669 : vector<16xf32> to vector<16xf32>
      %add3A_671 = arith.addf %add3A_667, %get3A_670 : vector<16xf32>
      %get3A_672 = arith.constant 144 : index
      %get3A_673 = tpu.vector_load %arg15[%get3A_672] {strides = array<i32>} : memref<256xf32, #tpu.memory_space<vmem>>, vector<16xf32>,
      %get3A_674 = vector.shape_cast %get3A_673 : vector<16xf32> to vector<16xf32>
      %add3A_675 = arith.addf %add3A_671, %get3A_674 : vector<16xf32>
      %get3A_676 = arith.constant 160 : index
      %get3A_677 = tpu.vector_load %arg15[%get3A_676] {strides = array<i32>} : memref<256xf32, #tpu.memory_space<vmem>>, vector<16xf32>,
      %get3A_678 = vector.shape_cast %get3A_677 : vector<16xf32> to vector<16xf32>
      %add3A_679 = arith.addf %add3A_675, %get3A_678 : vector<16xf32>
      %get3A_680 = arith.constant 176 : index
      %get3A_681 = tpu.vector_load %arg15[%get3A_680] {strides = array<i32>} : memref<256xf32, #tpu.memory_space<vmem>>, vector<16xf32>,
      %get3A_682 = vector.shape_cast %get3A_681 : vector<16xf32> to vector<16xf32>
      %add3A_683 = arith.addf %add3A_679, %get3A_682 : vector<16xf32>
      %get3A_684 = arith.constant 192 : index
      %get3A_685 = tpu.vector_load %arg15[%get3A_684] {strides = array<i32>} : memref<256xf32, #tpu.memory_space<vmem>>, vector<16xf32>,
      %get3A_686 = vector.shape_cast %get3A_685 : vector<16xf32> to vector<16xf32>
      %add3A_687 = arith.addf %add3A_683, %get3A_686 : vector<16xf32>
      %get3A_688 = arith.constant 208 : index
      %get3A_689 = tpu.vector_load %arg15[%get3A_688] {strides = array<i32>} : memref<256xf32, #tpu.memory_space<vmem>>, vector<16xf32>,
      %get3A_690 = vector.shape_cast %get3A_689 : vector<16xf32> to vector<16xf32>
      %add3A_691 = arith.addf %add3A_687, %get3A_690 : vector<16xf32>
      %get3A_692 = arith.constant 224 : index
      %get3A_693 = tpu.vector_load %arg15[%get3A_692] {strides = array<i32>} : memref<256xf32, #tpu.memory_space<vmem>>, vector<16xf32>,
      %get3A_694 = vector.shape_cast %get3A_693 : vector<16xf32> to vector<16xf32>
      %add3A_695 = arith.addf %add3A_691, %get3A_694 : vector<16xf32>
      %get3A_696 = arith.constant 240 : index
      %get3A_697 = tpu.vector_load %arg15[%get3A_696] {strides = array<i32>} : memref<256xf32, #tpu.memory_space<vmem>>, vector<16xf32>,
      %get3A_698 = vector.shape_cast %get3A_697 : vector<16xf32> to vector<16xf32>
      %add3A_699 = arith.addf %add3A_695, %get3A_698 : vector<16xf32>
      %iota3A_700 = tpu.iota {dimensions = array<i32: 0>} : vector<16xi32>
      %xor3A_701 = arith.constant 1 : i32
      %xor3A_702 = vector.broadcast %xor3A_701 : i32 to vector<16xi32>
      %xor3A_703 = arith.xori %iota3A_700, %xor3A_702 : vector<16xi32>
      %broadcast_in_dim3A_704 = vector.shape_cast %xor3A_703 : vector<16xi32> to vector<16x1xi32>
      %gather3A_705 = vector.shape_cast %broadcast_in_dim3A_704 : vector<16x1xi32> to vector<16xi32>
      %gather3A_706 = tpu.dynamic_gather %add3A_699[%gather3A_705] in [0] : vector<16xf32>, vector<16xi32> -> vector<16xf32>
      %add3A_707 = arith.addf %add3A_699, %gather3A_706 : vector<16xf32>
      %xor3A_708 = arith.constant 2 : i32
      %xor3A_709 = vector.broadcast %xor3A_708 : i32 to vector<16xi32>
      %xor3A_710 = arith.xori %iota3A_700, %xor3A_709 : vector<16xi32>
      %broadcast_in_dim3A_711 = vector.shape_cast %xor3A_710 : vector<16xi32> to vector<16x1xi32>
      %gather3A_712 = vector.shape_cast %broadcast_in_dim3A_711 : vector<16x1xi32> to vector<16xi32>
      %gather3A_713 = tpu.dynamic_gather %add3A_707[%gather3A_712] in [0] : vector<16xf32>, vector<16xi32> -> vector<16xf32>
      %add3A_714 = arith.addf %add3A_707, %gather3A_713 : vector<16xf32>
      %broadcast_in_dim3A_715 = vector.shape_cast %broadcast_in_dim3A_20 : vector<16xi32> to vector<16x1xi32>
      %gather3A_716 = vector.shape_cast %broadcast_in_dim3A_715 : vector<16x1xi32> to vector<16xi32>
      %gather3A_717 = tpu.dynamic_gather %add3A_714[%gather3A_716] in [0] : vector<16xf32>, vector<16xi32> -> vector<16xf32>
      %broadcast_in_dim3A_718 = vector.shape_cast %broadcast_in_dim3A_22 : vector<16xi32> to vector<16x1xi32>
      %gather3A_719 = vector.shape_cast %broadcast_in_dim3A_718 : vector<16x1xi32> to vector<16xi32>
      %gather3A_720 = tpu.dynamic_gather %add3A_714[%gather3A_719] in [0] : vector<16xf32>, vector<16xi32> -> vector<16xf32>
      %broadcast_in_dim3A_721 = vector.shape_cast %broadcast_in_dim3A_24 : vector<16xi32> to vector<16x1xi32>
      %gather3A_722 = vector.shape_cast %broadcast_in_dim3A_721 : vector<16x1xi32> to vector<16xi32>
      %gather3A_723 = tpu.dynamic_gather %add3A_714[%gather3A_722] in [0] : vector<16xf32>, vector<16xi32> -> vector<16xf32>
      %lt3A_724 = arith.cmpf olt, %gather3A_717, %broadcast_in_dim3A_5 : vector<16xf32>
      %jit3A_725 = arith.constant 16777216 : i32
      %jit3A_726 = arith.constant 0 : i32
      %broadcast_in_dim3A_727 = vector.broadcast %jit3A_725 : i32 to vector<16xi32>
      %broadcast_in_dim3A_728 = vector.broadcast %jit3A_726 : i32 to vector<16xi32>
      %select_n3A_729 = arith.select %lt3A_724, %broadcast_in_dim3A_727, %broadcast_in_dim3A_728 : vector<16xi1>, vector<16xi32>
      %add3A_730 = arith.addi %add3A_546, %select_n3A_729 : vector<16xi32>
      %lt3A_731 = arith.cmpf olt, %gather3A_720, %broadcast_in_dim3A_5 : vector<16xf32>
      %jit3A_732 = arith.constant 16777216 : i32
      %jit3A_733 = arith.constant 0 : i32
      %broadcast_in_dim3A_734 = vector.broadcast %jit3A_732 : i32 to vector<16xi32>
      %broadcast_in_dim3A_735 = vector.broadcast %jit3A_733 : i32 to vector<16xi32>
      %select_n3A_736 = arith.select %lt3A_731, %broadcast_in_dim3A_734, %broadcast_in_dim3A_735 : vector<16xi1>, vector<16xi32>
      %add3A_737 = arith.addi %add3A_730, %select_n3A_736 : vector<16xi32>
      %lt3A_738 = arith.cmpf olt, %gather3A_723, %broadcast_in_dim3A_5 : vector<16xf32>
      %jit3A_739 = arith.constant 16777216 : i32
      %jit3A_740 = arith.constant 0 : i32
      %broadcast_in_dim3A_741 = vector.broadcast %jit3A_739 : i32 to vector<16xi32>
      %broadcast_in_dim3A_742 = vector.broadcast %jit3A_740 : i32 to vector<16xi32>
      %select_n3A_743 = arith.select %lt3A_738, %broadcast_in_dim3A_741, %broadcast_in_dim3A_742 : vector<16xi1>, vector<16xi32>
      %add3A_744 = arith.addi %add3A_737, %select_n3A_743 : vector<16xi32>
      %add3A_745 = arith.constant 4194304 : i32
      %add3A_746 = vector.broadcast %add3A_745 : i32 to vector<16xi32>
      %add3A_747 = arith.addi %add3A_744, %add3A_746 : vector<16xi32>
      %mul3A_748 = arith.constant 2 : i32
      %mul3A_749 = arith.constant 4194304 : i32
      %mul3A_750 = arith.muli %mul3A_748, %mul3A_749 : i32
      %add3A_751 = vector.broadcast %mul3A_750 : i32 to vector<16xi32>
      %add3A_752 = arith.addi %add3A_744, %add3A_751 : vector<16xi32>
      %mul3A_753 = arith.constant 3 : i32
      %mul3A_754 = arith.constant 4194304 : i32
      %mul3A_755 = arith.muli %mul3A_753, %mul3A_754 : i32
      %add3A_756 = vector.broadcast %mul3A_755 : i32 to vector<16xi32>
      %add3A_757 = arith.addi %add3A_744, %add3A_756 : vector<16xi32>
      %broadcast_in_dim3A_758 = arith.constant 0.000000e+00 : f32
      %broadcast_in_dim3A_759 = vector.broadcast %broadcast_in_dim3A_758 : f32 to vector<16xf32>
      %parallel_loop3A_760 = arith.constant 0 : i32
      %parallel_loop3A_761 = arith.constant 64 : i32
      %parallel_loop3A_762 = arith.constant 1 : i32
      %parallel_loop3A_763:3 = scf.for %parallel_loop3A_1762 = %parallel_loop3A_760 to %parallel_loop3A_761 step %parallel_loop3A_762 iter_args(%parallel_loop3A_1763 = %broadcast_in_dim3A_759, %parallel_loop3A_1764 = %broadcast_in_dim3A_759, %parallel_loop3A_1765 = %broadcast_in_dim3A_759) -> (vector<16xf32>, vector<16xf32>, vector<16xf32>)  : i32 {
        %parallel_loop3A_1766 = arith.constant 16 : i32
        %parallel_loop3A_1767 = arith.muli %parallel_loop3A_1762, %parallel_loop3A_1766 : i32
        %parallel_loop3A_1768 = arith.index_cast %parallel_loop3A_1767 : i32 to index
        %parallel_loop3A_1769 = tpu.vector_load %arg10[%parallel_loop3A_1768] {strides = array<i32>} : memref<1024xi32, #tpu.memory_space<vmem>>, vector<16xi32>,
        %parallel_loop3A_1770 = vector.shape_cast %parallel_loop3A_1769 : vector<16xi32> to vector<16xi32>
        %parallel_loop3A_1771 = arith.cmpi slt, %parallel_loop3A_1770, %add3A_747 : vector<16xi32>
        %parallel_loop3A_1772 = arith.constant 1.000000e+00 : f32
        %parallel_loop3A_1773 = arith.constant 0.000000e+00 : f32
        %parallel_loop3A_1774 = vector.broadcast %parallel_loop3A_1772 : f32 to vector<16xf32>
        %parallel_loop3A_1775 = vector.broadcast %parallel_loop3A_1773 : f32 to vector<16xf32>
        %parallel_loop3A_1776 = arith.select %parallel_loop3A_1771, %parallel_loop3A_1774, %parallel_loop3A_1775 : vector<16xi1>, vector<16xf32>
        %parallel_loop3A_1777 = arith.addf %parallel_loop3A_1763, %parallel_loop3A_1776 : vector<16xf32>
        %parallel_loop3A_1778 = arith.cmpi slt, %parallel_loop3A_1770, %add3A_752 : vector<16xi32>
        %parallel_loop3A_1779 = arith.constant 1.000000e+00 : f32
        %parallel_loop3A_1780 = arith.constant 0.000000e+00 : f32
        %parallel_loop3A_1781 = vector.broadcast %parallel_loop3A_1779 : f32 to vector<16xf32>
        %parallel_loop3A_1782 = vector.broadcast %parallel_loop3A_1780 : f32 to vector<16xf32>
        %parallel_loop3A_1783 = arith.select %parallel_loop3A_1778, %parallel_loop3A_1781, %parallel_loop3A_1782 : vector<16xi1>, vector<16xf32>
        %parallel_loop3A_1784 = arith.addf %parallel_loop3A_1764, %parallel_loop3A_1783 : vector<16xf32>
        %parallel_loop3A_1785 = arith.cmpi slt, %parallel_loop3A_1770, %add3A_757 : vector<16xi32>
        %parallel_loop3A_1786 = arith.constant 1.000000e+00 : f32
        %parallel_loop3A_1787 = arith.constant 0.000000e+00 : f32
        %parallel_loop3A_1788 = vector.broadcast %parallel_loop3A_1786 : f32 to vector<16xf32>
        %parallel_loop3A_1789 = vector.broadcast %parallel_loop3A_1787 : f32 to vector<16xf32>
        %parallel_loop3A_1790 = arith.select %parallel_loop3A_1785, %parallel_loop3A_1788, %parallel_loop3A_1789 : vector<16xi1>, vector<16xf32>
        %parallel_loop3A_1791 = arith.addf %parallel_loop3A_1765, %parallel_loop3A_1790 : vector<16xf32>
        scf.yield %parallel_loop3A_1777, %parallel_loop3A_1784, %parallel_loop3A_1791 : vector<16xf32>, vector<16xf32>, vector<16xf32>
      } {sc.loop_unroll_factor = 8 : i64, sc.parallel_access}
      %iota3A_764 = tpu.iota {dimensions = array<i32: 0>} : vector<16xi32>
      %xor3A_765 = arith.constant 1 : i32
      %xor3A_766 = vector.broadcast %xor3A_765 : i32 to vector<16xi32>
      %xor3A_767 = arith.xori %iota3A_764, %xor3A_766 : vector<16xi32>
      %broadcast_in_dim3A_768 = vector.shape_cast %xor3A_767 : vector<16xi32> to vector<16x1xi32>
      %gather3A_769 = vector.shape_cast %broadcast_in_dim3A_768 : vector<16x1xi32> to vector<16xi32>
      %gather3A_770 = tpu.dynamic_gather %parallel_loop3A_763#0[%gather3A_769] in [0] : vector<16xf32>, vector<16xi32> -> vector<16xf32>
      %add3A_771 = arith.addf %parallel_loop3A_763#0, %gather3A_770 : vector<16xf32>
      %xor3A_772 = arith.constant 2 : i32
      %xor3A_773 = vector.broadcast %xor3A_772 : i32 to vector<16xi32>
      %xor3A_774 = arith.xori %iota3A_764, %xor3A_773 : vector<16xi32>
      %broadcast_in_dim3A_775 = vector.shape_cast %xor3A_774 : vector<16xi32> to vector<16x1xi32>
      %gather3A_776 = vector.shape_cast %broadcast_in_dim3A_775 : vector<16x1xi32> to vector<16xi32>
      %gather3A_777 = tpu.dynamic_gather %add3A_771[%gather3A_776] in [0] : vector<16xf32>, vector<16xi32> -> vector<16xf32>
      %add3A_778 = arith.addf %add3A_771, %gather3A_777 : vector<16xf32>
      %broadcast_in_dim3A_779 = vector.shape_cast %mul3A_10 : vector<16xi32> to vector<16x1xi32>
      %gather3A_780 = vector.shape_cast %broadcast_in_dim3A_779 : vector<16x1xi32> to vector<16xi32>
      %gather3A_781 = tpu.dynamic_gather %add3A_778[%gather3A_780] in [0] : vector<16xf32>, vector<16xi32> -> vector<16xf32>
      %iota3A_782 = tpu.iota {dimensions = array<i32: 0>} : vector<16xi32>
      %xor3A_783 = arith.constant 1 : i32
      %xor3A_784 = vector.broadcast %xor3A_783 : i32 to vector<16xi32>
      %xor3A_785 = arith.xori %iota3A_782, %xor3A_784 : vector<16xi32>
      %broadcast_in_dim3A_786 = vector.shape_cast %xor3A_785 : vector<16xi32> to vector<16x1xi32>
      %gather3A_787 = vector.shape_cast %broadcast_in_dim3A_786 : vector<16x1xi32> to vector<16xi32>
      %gather3A_788 = tpu.dynamic_gather %parallel_loop3A_763#1[%gather3A_787] in [0] : vector<16xf32>, vector<16xi32> -> vector<16xf32>
      %add3A_789 = arith.addf %parallel_loop3A_763#1, %gather3A_788 : vector<16xf32>
      %xor3A_790 = arith.constant 2 : i32
      %xor3A_791 = vector.broadcast %xor3A_790 : i32 to vector<16xi32>
      %xor3A_792 = arith.xori %iota3A_782, %xor3A_791 : vector<16xi32>
      %broadcast_in_dim3A_793 = vector.shape_cast %xor3A_792 : vector<16xi32> to vector<16x1xi32>
      %gather3A_794 = vector.shape_cast %broadcast_in_dim3A_793 : vector<16x1xi32> to vector<16xi32>
      %gather3A_795 = tpu.dynamic_gather %add3A_789[%gather3A_794] in [0] : vector<16xf32>, vector<16xi32> -> vector<16xf32>
      %add3A_796 = arith.addf %add3A_789, %gather3A_795 : vector<16xf32>
      %broadcast_in_dim3A_797 = vector.shape_cast %mul3A_10 : vector<16xi32> to vector<16x1xi32>
      %gather3A_798 = vector.shape_cast %broadcast_in_dim3A_797 : vector<16x1xi32> to vector<16xi32>
      %gather3A_799 = tpu.dynamic_gather %add3A_796[%gather3A_798] in [0] : vector<16xf32>, vector<16xi32> -> vector<16xf32>
      %iota3A_800 = tpu.iota {dimensions = array<i32: 0>} : vector<16xi32>
      %xor3A_801 = arith.constant 1 : i32
      %xor3A_802 = vector.broadcast %xor3A_801 : i32 to vector<16xi32>
      %xor3A_803 = arith.xori %iota3A_800, %xor3A_802 : vector<16xi32>
      %broadcast_in_dim3A_804 = vector.shape_cast %xor3A_803 : vector<16xi32> to vector<16x1xi32>
      %gather3A_805 = vector.shape_cast %broadcast_in_dim3A_804 : vector<16x1xi32> to vector<16xi32>
      %gather3A_806 = tpu.dynamic_gather %parallel_loop3A_763#2[%gather3A_805] in [0] : vector<16xf32>, vector<16xi32> -> vector<16xf32>
      %add3A_807 = arith.addf %parallel_loop3A_763#2, %gather3A_806 : vector<16xf32>
      %xor3A_808 = arith.constant 2 : i32
      %xor3A_809 = vector.broadcast %xor3A_808 : i32 to vector<16xi32>
      %xor3A_810 = arith.xori %iota3A_800, %xor3A_809 : vector<16xi32>
      %broadcast_in_dim3A_811 = vector.shape_cast %xor3A_810 : vector<16xi32> to vector<16x1xi32>
      %gather3A_812 = vector.shape_cast %broadcast_in_dim3A_811 : vector<16x1xi32> to vector<16xi32>
      %gather3A_813 = tpu.dynamic_gather %add3A_807[%gather3A_812] in [0] : vector<16xf32>, vector<16xi32> -> vector<16xf32>
      %add3A_814 = arith.addf %add3A_807, %gather3A_813 : vector<16xf32>
      %broadcast_in_dim3A_815 = vector.shape_cast %mul3A_10 : vector<16xi32> to vector<16x1xi32>
      %gather3A_816 = vector.shape_cast %broadcast_in_dim3A_815 : vector<16x1xi32> to vector<16xi32>
      %gather3A_817 = tpu.dynamic_gather %add3A_814[%gather3A_816] in [0] : vector<16xf32>, vector<16xi32> -> vector<16xf32>
      %jit3A_818 = arith.constant 0.000000e+00 : f32
      %broadcast_in_dim3A_819 = vector.broadcast %jit3A_818 : f32 to vector<16xf32>
      %select_n3A_820 = arith.select %lt3A_18, %gather3A_817, %broadcast_in_dim3A_819 : vector<16xi1>, vector<16xf32>
      %select_n3A_821 = arith.select %lt3A_15, %gather3A_799, %select_n3A_820 : vector<16xi1>, vector<16xf32>
      %select_n3A_822 = arith.select %lt3A_12, %gather3A_781, %select_n3A_821 : vector<16xi1>, vector<16xf32>
      %swap3A_823 = arith.constant 0 : index
      %swap3A_824 = tpu.vector_load %arg11[%swap3A_823] {strides = array<i32>} : memref<16xf32, #tpu.memory_space<vmem>>, vector<16xf32>,
      %swap3A_825 = vector.shape_cast %swap3A_824 : vector<16xf32> to vector<16xf32>
      %swap3A_826 = vector.shape_cast %select_n3A_822 : vector<16xf32> to vector<16xf32>
      tpu.vector_store %arg11[%swap3A_823], %swap3A_826 {strides = array<i32>} : memref<16xf32, #tpu.memory_space<vmem>>, vector<16xf32>,
      %mul3A_827 = arith.constant 16 : i32
      %mul3A_828 = arith.muli %arg1, %mul3A_827 : i32
      %add3A_829 = arith.constant 0 : i32
      %add3A_830 = arith.addi %add3A_829, %mul3A_828 : i32
      "tpu.region"() ({
        %run_scoped3A = tpu.sem_alloc : memref<!tpu.dma_semaphore, #tpu.memory_space<semaphore_mem>>
        %dma_start3A = tpu.memref_slice %arg12[%add3A_830] : memref<512xf32, #tpu.memory_space<vmem_shared>> -> memref<16xf32, #tpu.memory_space<vmem_shared>>
        %dma_start3A_1762 = tpu.memref_slice %arg12[%add3A_830] : memref<512xf32, #tpu.memory_space<vmem_shared>> -> memref<16xf32, #tpu.memory_space<vmem_shared>>
        tpu.enqueue_dma source(%arg11 : memref<16xf32, #tpu.memory_space<vmem>>) target(%dma_start3A_1762 : memref<16xf32, #tpu.memory_space<vmem_shared>>) target_semaphore(%run_scoped3A : memref<!tpu.dma_semaphore, #tpu.memory_space<semaphore_mem>>)
        %dma_wait3A = tpu.memref_slice %arg12[%add3A_830] : memref<512xf32, #tpu.memory_space<vmem_shared>> -> memref<16xf32, #tpu.memory_space<vmem_shared>>
        %dma_wait3A_1763 = tpu.memref_slice %arg12[%add3A_830] : memref<512xf32, #tpu.memory_space<vmem_shared>> -> memref<16xf32, #tpu.memory_space<vmem_shared>>
        tpu.wait_dma2 semaphore(%run_scoped3A : memref<!tpu.dma_semaphore, #tpu.memory_space<semaphore_mem>>) src(%arg11 : memref<16xf32, #tpu.memory_space<vmem>>) dst(%dma_wait3A_1763 : memref<16xf32, #tpu.memory_space<vmem_shared>>)
        tpu.yield
      }) : () -> ()
      %barrier3A_831 = arith.constant 0 : index
      tpu.barrier barrier_id(%barrier3A_831)
      "tpu.region"() ({
        %run_scoped3A = tpu.sem_alloc : memref<!tpu.dma_semaphore, #tpu.memory_space<semaphore_mem>>
        %dma_start3A = arith.constant 0 : i32
        %dma_start3A_1762 = tpu.memref_slice %arg12[%dma_start3A] : memref<512xf32, #tpu.memory_space<vmem_shared>> -> memref<256xf32, #tpu.memory_space<vmem_shared>>
        %dma_start3A_1763 = arith.constant 0 : i32
        %dma_start3A_1764 = tpu.memref_slice %arg12[%dma_start3A_1763] : memref<512xf32, #tpu.memory_space<vmem_shared>> -> memref<256xf32, #tpu.memory_space<vmem_shared>>
        tpu.enqueue_dma source(%dma_start3A_1764 : memref<256xf32, #tpu.memory_space<vmem_shared>>) target(%arg15 : memref<256xf32, #tpu.memory_space<vmem>>) target_semaphore(%run_scoped3A : memref<!tpu.dma_semaphore, #tpu.memory_space<semaphore_mem>>)
        %dma_wait3A = arith.constant 0 : i32
        %dma_wait3A_1765 = tpu.memref_slice %arg12[%dma_wait3A] : memref<512xf32, #tpu.memory_space<vmem_shared>> -> memref<256xf32, #tpu.memory_space<vmem_shared>>
        %dma_wait3A_1766 = arith.constant 0 : i32
        %dma_wait3A_1767 = tpu.memref_slice %arg12[%dma_wait3A_1766] : memref<512xf32, #tpu.memory_space<vmem_shared>> -> memref<256xf32, #tpu.memory_space<vmem_shared>>
        tpu.wait_dma2 semaphore(%run_scoped3A : memref<!tpu.dma_semaphore, #tpu.memory_space<semaphore_mem>>) src(%dma_wait3A_1767 : memref<256xf32, #tpu.memory_space<vmem_shared>>) dst(%arg15 : memref<256xf32, #tpu.memory_space<vmem>>)
        tpu.yield
      }) : () -> ()
      %broadcast_in_dim3A_832 = arith.constant 0.000000e+00 : f32
      %broadcast_in_dim3A_833 = vector.broadcast %broadcast_in_dim3A_832 : f32 to vector<16xf32>
      %get3A_834 = arith.constant 0 : index
      %get3A_835 = tpu.vector_load %arg15[%get3A_834] {strides = array<i32>} : memref<256xf32, #tpu.memory_space<vmem>>, vector<16xf32>,
      %get3A_836 = vector.shape_cast %get3A_835 : vector<16xf32> to vector<16xf32>
      %add3A_837 = arith.addf %broadcast_in_dim3A_833, %get3A_836 : vector<16xf32>
      %get3A_838 = arith.constant 16 : index
      %get3A_839 = tpu.vector_load %arg15[%get3A_838] {strides = array<i32>} : memref<256xf32, #tpu.memory_space<vmem>>, vector<16xf32>,
      %get3A_840 = vector.shape_cast %get3A_839 : vector<16xf32> to vector<16xf32>
      %add3A_841 = arith.addf %add3A_837, %get3A_840 : vector<16xf32>
      %get3A_842 = arith.constant 32 : index
      %get3A_843 = tpu.vector_load %arg15[%get3A_842] {strides = array<i32>} : memref<256xf32, #tpu.memory_space<vmem>>, vector<16xf32>,
      %get3A_844 = vector.shape_cast %get3A_843 : vector<16xf32> to vector<16xf32>
      %add3A_845 = arith.addf %add3A_841, %get3A_844 : vector<16xf32>
      %get3A_846 = arith.constant 48 : index
      %get3A_847 = tpu.vector_load %arg15[%get3A_846] {strides = array<i32>} : memref<256xf32, #tpu.memory_space<vmem>>, vector<16xf32>,
      %get3A_848 = vector.shape_cast %get3A_847 : vector<16xf32> to vector<16xf32>
      %add3A_849 = arith.addf %add3A_845, %get3A_848 : vector<16xf32>
      %get3A_850 = arith.constant 64 : index
      %get3A_851 = tpu.vector_load %arg15[%get3A_850] {strides = array<i32>} : memref<256xf32, #tpu.memory_space<vmem>>, vector<16xf32>,
      %get3A_852 = vector.shape_cast %get3A_851 : vector<16xf32> to vector<16xf32>
      %add3A_853 = arith.addf %add3A_849, %get3A_852 : vector<16xf32>
      %get3A_854 = arith.constant 80 : index
      %get3A_855 = tpu.vector_load %arg15[%get3A_854] {strides = array<i32>} : memref<256xf32, #tpu.memory_space<vmem>>, vector<16xf32>,
      %get3A_856 = vector.shape_cast %get3A_855 : vector<16xf32> to vector<16xf32>
      %add3A_857 = arith.addf %add3A_853, %get3A_856 : vector<16xf32>
      %get3A_858 = arith.constant 96 : index
      %get3A_859 = tpu.vector_load %arg15[%get3A_858] {strides = array<i32>} : memref<256xf32, #tpu.memory_space<vmem>>, vector<16xf32>,
      %get3A_860 = vector.shape_cast %get3A_859 : vector<16xf32> to vector<16xf32>
      %add3A_861 = arith.addf %add3A_857, %get3A_860 : vector<16xf32>
      %get3A_862 = arith.constant 112 : index
      %get3A_863 = tpu.vector_load %arg15[%get3A_862] {strides = array<i32>} : memref<256xf32, #tpu.memory_space<vmem>>, vector<16xf32>,
      %get3A_864 = vector.shape_cast %get3A_863 : vector<16xf32> to vector<16xf32>
      %add3A_865 = arith.addf %add3A_861, %get3A_864 : vector<16xf32>
      %get3A_866 = arith.constant 128 : index
      %get3A_867 = tpu.vector_load %arg15[%get3A_866] {strides = array<i32>} : memref<256xf32, #tpu.memory_space<vmem>>, vector<16xf32>,
      %get3A_868 = vector.shape_cast %get3A_867 : vector<16xf32> to vector<16xf32>
      %add3A_869 = arith.addf %add3A_865, %get3A_868 : vector<16xf32>
      %get3A_870 = arith.constant 144 : index
      %get3A_871 = tpu.vector_load %arg15[%get3A_870] {strides = array<i32>} : memref<256xf32, #tpu.memory_space<vmem>>, vector<16xf32>,
      %get3A_872 = vector.shape_cast %get3A_871 : vector<16xf32> to vector<16xf32>
      %add3A_873 = arith.addf %add3A_869, %get3A_872 : vector<16xf32>
      %get3A_874 = arith.constant 160 : index
      %get3A_875 = tpu.vector_load %arg15[%get3A_874] {strides = array<i32>} : memref<256xf32, #tpu.memory_space<vmem>>, vector<16xf32>,
      %get3A_876 = vector.shape_cast %get3A_875 : vector<16xf32> to vector<16xf32>
      %add3A_877 = arith.addf %add3A_873, %get3A_876 : vector<16xf32>
      %get3A_878 = arith.constant 176 : index
      %get3A_879 = tpu.vector_load %arg15[%get3A_878] {strides = array<i32>} : memref<256xf32, #tpu.memory_space<vmem>>, vector<16xf32>,
      %get3A_880 = vector.shape_cast %get3A_879 : vector<16xf32> to vector<16xf32>
      %add3A_881 = arith.addf %add3A_877, %get3A_880 : vector<16xf32>
      %get3A_882 = arith.constant 192 : index
      %get3A_883 = tpu.vector_load %arg15[%get3A_882] {strides = array<i32>} : memref<256xf32, #tpu.memory_space<vmem>>, vector<16xf32>,
      %get3A_884 = vector.shape_cast %get3A_883 : vector<16xf32> to vector<16xf32>
      %add3A_885 = arith.addf %add3A_881, %get3A_884 : vector<16xf32>
      %get3A_886 = arith.constant 208 : index
      %get3A_887 = tpu.vector_load %arg15[%get3A_886] {strides = array<i32>} : memref<256xf32, #tpu.memory_space<vmem>>, vector<16xf32>,
      %get3A_888 = vector.shape_cast %get3A_887 : vector<16xf32> to vector<16xf32>
      %add3A_889 = arith.addf %add3A_885, %get3A_888 : vector<16xf32>
      %get3A_890 = arith.constant 224 : index
      %get3A_891 = tpu.vector_load %arg15[%get3A_890] {strides = array<i32>} : memref<256xf32, #tpu.memory_space<vmem>>, vector<16xf32>,
      %get3A_892 = vector.shape_cast %get3A_891 : vector<16xf32> to vector<16xf32>
      %add3A_893 = arith.addf %add3A_889, %get3A_892 : vector<16xf32>
      %get3A_894 = arith.constant 240 : index
      %get3A_895 = tpu.vector_load %arg15[%get3A_894] {strides = array<i32>} : memref<256xf32, #tpu.memory_space<vmem>>, vector<16xf32>,
      %get3A_896 = vector.shape_cast %get3A_895 : vector<16xf32> to vector<16xf32>
      %add3A_897 = arith.addf %add3A_893, %get3A_896 : vector<16xf32>
      %iota3A_898 = tpu.iota {dimensions = array<i32: 0>} : vector<16xi32>
      %xor3A_899 = arith.constant 1 : i32
      %xor3A_900 = vector.broadcast %xor3A_899 : i32 to vector<16xi32>
      %xor3A_901 = arith.xori %iota3A_898, %xor3A_900 : vector<16xi32>
      %broadcast_in_dim3A_902 = vector.shape_cast %xor3A_901 : vector<16xi32> to vector<16x1xi32>
      %gather3A_903 = vector.shape_cast %broadcast_in_dim3A_902 : vector<16x1xi32> to vector<16xi32>
      %gather3A_904 = tpu.dynamic_gather %add3A_897[%gather3A_903] in [0] : vector<16xf32>, vector<16xi32> -> vector<16xf32>
      %add3A_905 = arith.addf %add3A_897, %gather3A_904 : vector<16xf32>
      %xor3A_906 = arith.constant 2 : i32
      %xor3A_907 = vector.broadcast %xor3A_906 : i32 to vector<16xi32>
      %xor3A_908 = arith.xori %iota3A_898, %xor3A_907 : vector<16xi32>
      %broadcast_in_dim3A_909 = vector.shape_cast %xor3A_908 : vector<16xi32> to vector<16x1xi32>
      %gather3A_910 = vector.shape_cast %broadcast_in_dim3A_909 : vector<16x1xi32> to vector<16xi32>
      %gather3A_911 = tpu.dynamic_gather %add3A_905[%gather3A_910] in [0] : vector<16xf32>, vector<16xi32> -> vector<16xf32>
      %add3A_912 = arith.addf %add3A_905, %gather3A_911 : vector<16xf32>
      %broadcast_in_dim3A_913 = vector.shape_cast %broadcast_in_dim3A_20 : vector<16xi32> to vector<16x1xi32>
      %gather3A_914 = vector.shape_cast %broadcast_in_dim3A_913 : vector<16x1xi32> to vector<16xi32>
      %gather3A_915 = tpu.dynamic_gather %add3A_912[%gather3A_914] in [0] : vector<16xf32>, vector<16xi32> -> vector<16xf32>
      %broadcast_in_dim3A_916 = vector.shape_cast %broadcast_in_dim3A_22 : vector<16xi32> to vector<16x1xi32>
      %gather3A_917 = vector.shape_cast %broadcast_in_dim3A_916 : vector<16x1xi32> to vector<16xi32>
      %gather3A_918 = tpu.dynamic_gather %add3A_912[%gather3A_917] in [0] : vector<16xf32>, vector<16xi32> -> vector<16xf32>
      %broadcast_in_dim3A_919 = vector.shape_cast %broadcast_in_dim3A_24 : vector<16xi32> to vector<16x1xi32>
      %gather3A_920 = vector.shape_cast %broadcast_in_dim3A_919 : vector<16x1xi32> to vector<16xi32>
      %gather3A_921 = tpu.dynamic_gather %add3A_912[%gather3A_920] in [0] : vector<16xf32>, vector<16xi32> -> vector<16xf32>
      %lt3A_922 = arith.cmpf olt, %gather3A_915, %broadcast_in_dim3A_5 : vector<16xf32>
      %jit3A_923 = arith.constant 4194304 : i32
      %jit3A_924 = arith.constant 0 : i32
      %broadcast_in_dim3A_925 = vector.broadcast %jit3A_923 : i32 to vector<16xi32>
      %broadcast_in_dim3A_926 = vector.broadcast %jit3A_924 : i32 to vector<16xi32>
      %select_n3A_927 = arith.select %lt3A_922, %broadcast_in_dim3A_925, %broadcast_in_dim3A_926 : vector<16xi1>, vector<16xi32>
      %add3A_928 = arith.addi %add3A_744, %select_n3A_927 : vector<16xi32>
      %lt3A_929 = arith.cmpf olt, %gather3A_918, %broadcast_in_dim3A_5 : vector<16xf32>
      %jit3A_930 = arith.constant 4194304 : i32
      %jit3A_931 = arith.constant 0 : i32
      %broadcast_in_dim3A_932 = vector.broadcast %jit3A_930 : i32 to vector<16xi32>
      %broadcast_in_dim3A_933 = vector.broadcast %jit3A_931 : i32 to vector<16xi32>
      %select_n3A_934 = arith.select %lt3A_929, %broadcast_in_dim3A_932, %broadcast_in_dim3A_933 : vector<16xi1>, vector<16xi32>
      %add3A_935 = arith.addi %add3A_928, %select_n3A_934 : vector<16xi32>
      %lt3A_936 = arith.cmpf olt, %gather3A_921, %broadcast_in_dim3A_5 : vector<16xf32>
      %jit3A_937 = arith.constant 4194304 : i32
      %jit3A_938 = arith.constant 0 : i32
      %broadcast_in_dim3A_939 = vector.broadcast %jit3A_937 : i32 to vector<16xi32>
      %broadcast_in_dim3A_940 = vector.broadcast %jit3A_938 : i32 to vector<16xi32>
      %select_n3A_941 = arith.select %lt3A_936, %broadcast_in_dim3A_939, %broadcast_in_dim3A_940 : vector<16xi1>, vector<16xi32>
      %add3A_942 = arith.addi %add3A_935, %select_n3A_941 : vector<16xi32>
      %add3A_943 = arith.constant 1048576 : i32
      %add3A_944 = vector.broadcast %add3A_943 : i32 to vector<16xi32>
      %add3A_945 = arith.addi %add3A_942, %add3A_944 : vector<16xi32>
      %mul3A_946 = arith.constant 2 : i32
      %mul3A_947 = arith.constant 1048576 : i32
      %mul3A_948 = arith.muli %mul3A_946, %mul3A_947 : i32
      %add3A_949 = vector.broadcast %mul3A_948 : i32 to vector<16xi32>
      %add3A_950 = arith.addi %add3A_942, %add3A_949 : vector<16xi32>
      %mul3A_951 = arith.constant 3 : i32
      %mul3A_952 = arith.constant 1048576 : i32
      %mul3A_953 = arith.muli %mul3A_951, %mul3A_952 : i32
      %add3A_954 = vector.broadcast %mul3A_953 : i32 to vector<16xi32>
      %add3A_955 = arith.addi %add3A_942, %add3A_954 : vector<16xi32>
      %broadcast_in_dim3A_956 = arith.constant 0.000000e+00 : f32
      %broadcast_in_dim3A_957 = vector.broadcast %broadcast_in_dim3A_956 : f32 to vector<16xf32>
      %parallel_loop3A_958 = arith.constant 0 : i32
      %parallel_loop3A_959 = arith.constant 64 : i32
      %parallel_loop3A_960 = arith.constant 1 : i32
      %parallel_loop3A_961:3 = scf.for %parallel_loop3A_1762 = %parallel_loop3A_958 to %parallel_loop3A_959 step %parallel_loop3A_960 iter_args(%parallel_loop3A_1763 = %broadcast_in_dim3A_957, %parallel_loop3A_1764 = %broadcast_in_dim3A_957, %parallel_loop3A_1765 = %broadcast_in_dim3A_957) -> (vector<16xf32>, vector<16xf32>, vector<16xf32>)  : i32 {
        %parallel_loop3A_1766 = arith.constant 16 : i32
        %parallel_loop3A_1767 = arith.muli %parallel_loop3A_1762, %parallel_loop3A_1766 : i32
        %parallel_loop3A_1768 = arith.index_cast %parallel_loop3A_1767 : i32 to index
        %parallel_loop3A_1769 = tpu.vector_load %arg10[%parallel_loop3A_1768] {strides = array<i32>} : memref<1024xi32, #tpu.memory_space<vmem>>, vector<16xi32>,
        %parallel_loop3A_1770 = vector.shape_cast %parallel_loop3A_1769 : vector<16xi32> to vector<16xi32>
        %parallel_loop3A_1771 = arith.cmpi slt, %parallel_loop3A_1770, %add3A_945 : vector<16xi32>
        %parallel_loop3A_1772 = arith.constant 1.000000e+00 : f32
        %parallel_loop3A_1773 = arith.constant 0.000000e+00 : f32
        %parallel_loop3A_1774 = vector.broadcast %parallel_loop3A_1772 : f32 to vector<16xf32>
        %parallel_loop3A_1775 = vector.broadcast %parallel_loop3A_1773 : f32 to vector<16xf32>
        %parallel_loop3A_1776 = arith.select %parallel_loop3A_1771, %parallel_loop3A_1774, %parallel_loop3A_1775 : vector<16xi1>, vector<16xf32>
        %parallel_loop3A_1777 = arith.addf %parallel_loop3A_1763, %parallel_loop3A_1776 : vector<16xf32>
        %parallel_loop3A_1778 = arith.cmpi slt, %parallel_loop3A_1770, %add3A_950 : vector<16xi32>
        %parallel_loop3A_1779 = arith.constant 1.000000e+00 : f32
        %parallel_loop3A_1780 = arith.constant 0.000000e+00 : f32
        %parallel_loop3A_1781 = vector.broadcast %parallel_loop3A_1779 : f32 to vector<16xf32>
        %parallel_loop3A_1782 = vector.broadcast %parallel_loop3A_1780 : f32 to vector<16xf32>
        %parallel_loop3A_1783 = arith.select %parallel_loop3A_1778, %parallel_loop3A_1781, %parallel_loop3A_1782 : vector<16xi1>, vector<16xf32>
        %parallel_loop3A_1784 = arith.addf %parallel_loop3A_1764, %parallel_loop3A_1783 : vector<16xf32>
        %parallel_loop3A_1785 = arith.cmpi slt, %parallel_loop3A_1770, %add3A_955 : vector<16xi32>
        %parallel_loop3A_1786 = arith.constant 1.000000e+00 : f32
        %parallel_loop3A_1787 = arith.constant 0.000000e+00 : f32
        %parallel_loop3A_1788 = vector.broadcast %parallel_loop3A_1786 : f32 to vector<16xf32>
        %parallel_loop3A_1789 = vector.broadcast %parallel_loop3A_1787 : f32 to vector<16xf32>
        %parallel_loop3A_1790 = arith.select %parallel_loop3A_1785, %parallel_loop3A_1788, %parallel_loop3A_1789 : vector<16xi1>, vector<16xf32>
        %parallel_loop3A_1791 = arith.addf %parallel_loop3A_1765, %parallel_loop3A_1790 : vector<16xf32>
        scf.yield %parallel_loop3A_1777, %parallel_loop3A_1784, %parallel_loop3A_1791 : vector<16xf32>, vector<16xf32>, vector<16xf32>
      } {sc.loop_unroll_factor = 8 : i64, sc.parallel_access}
      %iota3A_962 = tpu.iota {dimensions = array<i32: 0>} : vector<16xi32>
      %xor3A_963 = arith.constant 1 : i32
      %xor3A_964 = vector.broadcast %xor3A_963 : i32 to vector<16xi32>
      %xor3A_965 = arith.xori %iota3A_962, %xor3A_964 : vector<16xi32>
      %broadcast_in_dim3A_966 = vector.shape_cast %xor3A_965 : vector<16xi32> to vector<16x1xi32>
      %gather3A_967 = vector.shape_cast %broadcast_in_dim3A_966 : vector<16x1xi32> to vector<16xi32>
      %gather3A_968 = tpu.dynamic_gather %parallel_loop3A_961#0[%gather3A_967] in [0] : vector<16xf32>, vector<16xi32> -> vector<16xf32>
      %add3A_969 = arith.addf %parallel_loop3A_961#0, %gather3A_968 : vector<16xf32>
      %xor3A_970 = arith.constant 2 : i32
      %xor3A_971 = vector.broadcast %xor3A_970 : i32 to vector<16xi32>
      %xor3A_972 = arith.xori %iota3A_962, %xor3A_971 : vector<16xi32>
      %broadcast_in_dim3A_973 = vector.shape_cast %xor3A_972 : vector<16xi32> to vector<16x1xi32>
      %gather3A_974 = vector.shape_cast %broadcast_in_dim3A_973 : vector<16x1xi32> to vector<16xi32>
      %gather3A_975 = tpu.dynamic_gather %add3A_969[%gather3A_974] in [0] : vector<16xf32>, vector<16xi32> -> vector<16xf32>
      %add3A_976 = arith.addf %add3A_969, %gather3A_975 : vector<16xf32>
      %broadcast_in_dim3A_977 = vector.shape_cast %mul3A_10 : vector<16xi32> to vector<16x1xi32>
      %gather3A_978 = vector.shape_cast %broadcast_in_dim3A_977 : vector<16x1xi32> to vector<16xi32>
      %gather3A_979 = tpu.dynamic_gather %add3A_976[%gather3A_978] in [0] : vector<16xf32>, vector<16xi32> -> vector<16xf32>
      %iota3A_980 = tpu.iota {dimensions = array<i32: 0>} : vector<16xi32>
      %xor3A_981 = arith.constant 1 : i32
      %xor3A_982 = vector.broadcast %xor3A_981 : i32 to vector<16xi32>
      %xor3A_983 = arith.xori %iota3A_980, %xor3A_982 : vector<16xi32>
      %broadcast_in_dim3A_984 = vector.shape_cast %xor3A_983 : vector<16xi32> to vector<16x1xi32>
      %gather3A_985 = vector.shape_cast %broadcast_in_dim3A_984 : vector<16x1xi32> to vector<16xi32>
      %gather3A_986 = tpu.dynamic_gather %parallel_loop3A_961#1[%gather3A_985] in [0] : vector<16xf32>, vector<16xi32> -> vector<16xf32>
      %add3A_987 = arith.addf %parallel_loop3A_961#1, %gather3A_986 : vector<16xf32>
      %xor3A_988 = arith.constant 2 : i32
      %xor3A_989 = vector.broadcast %xor3A_988 : i32 to vector<16xi32>
      %xor3A_990 = arith.xori %iota3A_980, %xor3A_989 : vector<16xi32>
      %broadcast_in_dim3A_991 = vector.shape_cast %xor3A_990 : vector<16xi32> to vector<16x1xi32>
      %gather3A_992 = vector.shape_cast %broadcast_in_dim3A_991 : vector<16x1xi32> to vector<16xi32>
      %gather3A_993 = tpu.dynamic_gather %add3A_987[%gather3A_992] in [0] : vector<16xf32>, vector<16xi32> -> vector<16xf32>
      %add3A_994 = arith.addf %add3A_987, %gather3A_993 : vector<16xf32>
      %broadcast_in_dim3A_995 = vector.shape_cast %mul3A_10 : vector<16xi32> to vector<16x1xi32>
      %gather3A_996 = vector.shape_cast %broadcast_in_dim3A_995 : vector<16x1xi32> to vector<16xi32>
      %gather3A_997 = tpu.dynamic_gather %add3A_994[%gather3A_996] in [0] : vector<16xf32>, vector<16xi32> -> vector<16xf32>
      %iota3A_998 = tpu.iota {dimensions = array<i32: 0>} : vector<16xi32>
      %xor3A_999 = arith.constant 1 : i32
      %xor3A_1000 = vector.broadcast %xor3A_999 : i32 to vector<16xi32>
      %xor3A_1001 = arith.xori %iota3A_998, %xor3A_1000 : vector<16xi32>
      %broadcast_in_dim3A_1002 = vector.shape_cast %xor3A_1001 : vector<16xi32> to vector<16x1xi32>
      %gather3A_1003 = vector.shape_cast %broadcast_in_dim3A_1002 : vector<16x1xi32> to vector<16xi32>
      %gather3A_1004 = tpu.dynamic_gather %parallel_loop3A_961#2[%gather3A_1003] in [0] : vector<16xf32>, vector<16xi32> -> vector<16xf32>
      %add3A_1005 = arith.addf %parallel_loop3A_961#2, %gather3A_1004 : vector<16xf32>
      %xor3A_1006 = arith.constant 2 : i32
      %xor3A_1007 = vector.broadcast %xor3A_1006 : i32 to vector<16xi32>
      %xor3A_1008 = arith.xori %iota3A_998, %xor3A_1007 : vector<16xi32>
      %broadcast_in_dim3A_1009 = vector.shape_cast %xor3A_1008 : vector<16xi32> to vector<16x1xi32>
      %gather3A_1010 = vector.shape_cast %broadcast_in_dim3A_1009 : vector<16x1xi32> to vector<16xi32>
      %gather3A_1011 = tpu.dynamic_gather %add3A_1005[%gather3A_1010] in [0] : vector<16xf32>, vector<16xi32> -> vector<16xf32>
      %add3A_1012 = arith.addf %add3A_1005, %gather3A_1011 : vector<16xf32>
      %broadcast_in_dim3A_1013 = vector.shape_cast %mul3A_10 : vector<16xi32> to vector<16x1xi32>
      %gather3A_1014 = vector.shape_cast %broadcast_in_dim3A_1013 : vector<16x1xi32> to vector<16xi32>
      %gather3A_1015 = tpu.dynamic_gather %add3A_1012[%gather3A_1014] in [0] : vector<16xf32>, vector<16xi32> -> vector<16xf32>
      %jit3A_1016 = arith.constant 0.000000e+00 : f32
      %broadcast_in_dim3A_1017 = vector.broadcast %jit3A_1016 : f32 to vector<16xf32>
      %select_n3A_1018 = arith.select %lt3A_18, %gather3A_1015, %broadcast_in_dim3A_1017 : vector<16xi1>, vector<16xf32>
      %select_n3A_1019 = arith.select %lt3A_15, %gather3A_997, %select_n3A_1018 : vector<16xi1>, vector<16xf32>
      %select_n3A_1020 = arith.select %lt3A_12, %gather3A_979, %select_n3A_1019 : vector<16xi1>, vector<16xf32>
      %swap3A_1021 = arith.constant 0 : index
      %swap3A_1022 = tpu.vector_load %arg11[%swap3A_1021] {strides = array<i32>} : memref<16xf32, #tpu.memory_space<vmem>>, vector<16xf32>,
      %swap3A_1023 = vector.shape_cast %swap3A_1022 : vector<16xf32> to vector<16xf32>
      %swap3A_1024 = vector.shape_cast %select_n3A_1020 : vector<16xf32> to vector<16xf32>
      tpu.vector_store %arg11[%swap3A_1021], %swap3A_1024 {strides = array<i32>} : memref<16xf32, #tpu.memory_space<vmem>>, vector<16xf32>,
      %mul3A_1025 = arith.constant 16 : i32
      %mul3A_1026 = arith.muli %arg1, %mul3A_1025 : i32
      %add3A_1027 = arith.constant 256 : i32
      %add3A_1028 = arith.addi %add3A_1027, %mul3A_1026 : i32
      "tpu.region"() ({
        %run_scoped3A = tpu.sem_alloc : memref<!tpu.dma_semaphore, #tpu.memory_space<semaphore_mem>>
        %dma_start3A = tpu.memref_slice %arg12[%add3A_1028] : memref<512xf32, #tpu.memory_space<vmem_shared>> -> memref<16xf32, #tpu.memory_space<vmem_shared>>
        %dma_start3A_1762 = tpu.memref_slice %arg12[%add3A_1028] : memref<512xf32, #tpu.memory_space<vmem_shared>> -> memref<16xf32, #tpu.memory_space<vmem_shared>>
        tpu.enqueue_dma source(%arg11 : memref<16xf32, #tpu.memory_space<vmem>>) target(%dma_start3A_1762 : memref<16xf32, #tpu.memory_space<vmem_shared>>) target_semaphore(%run_scoped3A : memref<!tpu.dma_semaphore, #tpu.memory_space<semaphore_mem>>)
        %dma_wait3A = tpu.memref_slice %arg12[%add3A_1028] : memref<512xf32, #tpu.memory_space<vmem_shared>> -> memref<16xf32, #tpu.memory_space<vmem_shared>>
        %dma_wait3A_1763 = tpu.memref_slice %arg12[%add3A_1028] : memref<512xf32, #tpu.memory_space<vmem_shared>> -> memref<16xf32, #tpu.memory_space<vmem_shared>>
        tpu.wait_dma2 semaphore(%run_scoped3A : memref<!tpu.dma_semaphore, #tpu.memory_space<semaphore_mem>>) src(%arg11 : memref<16xf32, #tpu.memory_space<vmem>>) dst(%dma_wait3A_1763 : memref<16xf32, #tpu.memory_space<vmem_shared>>)
        tpu.yield
      }) : () -> ()
      %barrier3A_1029 = arith.constant 0 : index
      tpu.barrier barrier_id(%barrier3A_1029)
      "tpu.region"() ({
        %run_scoped3A = tpu.sem_alloc : memref<!tpu.dma_semaphore, #tpu.memory_space<semaphore_mem>>
        %dma_start3A = arith.constant 256 : i32
        %dma_start3A_1762 = tpu.memref_slice %arg12[%dma_start3A] : memref<512xf32, #tpu.memory_space<vmem_shared>> -> memref<256xf32, #tpu.memory_space<vmem_shared>>
        %dma_start3A_1763 = arith.constant 256 : i32
        %dma_start3A_1764 = tpu.memref_slice %arg12[%dma_start3A_1763] : memref<512xf32, #tpu.memory_space<vmem_shared>> -> memref<256xf32, #tpu.memory_space<vmem_shared>>
        tpu.enqueue_dma source(%dma_start3A_1764 : memref<256xf32, #tpu.memory_space<vmem_shared>>) target(%arg15 : memref<256xf32, #tpu.memory_space<vmem>>) target_semaphore(%run_scoped3A : memref<!tpu.dma_semaphore, #tpu.memory_space<semaphore_mem>>)
        %dma_wait3A = arith.constant 256 : i32
        %dma_wait3A_1765 = tpu.memref_slice %arg12[%dma_wait3A] : memref<512xf32, #tpu.memory_space<vmem_shared>> -> memref<256xf32, #tpu.memory_space<vmem_shared>>
        %dma_wait3A_1766 = arith.constant 256 : i32
        %dma_wait3A_1767 = tpu.memref_slice %arg12[%dma_wait3A_1766] : memref<512xf32, #tpu.memory_space<vmem_shared>> -> memref<256xf32, #tpu.memory_space<vmem_shared>>
        tpu.wait_dma2 semaphore(%run_scoped3A : memref<!tpu.dma_semaphore, #tpu.memory_space<semaphore_mem>>) src(%dma_wait3A_1767 : memref<256xf32, #tpu.memory_space<vmem_shared>>) dst(%arg15 : memref<256xf32, #tpu.memory_space<vmem>>)
        tpu.yield
      }) : () -> ()
      %broadcast_in_dim3A_1030 = arith.constant 0.000000e+00 : f32
      %broadcast_in_dim3A_1031 = vector.broadcast %broadcast_in_dim3A_1030 : f32 to vector<16xf32>
      %get3A_1032 = arith.constant 0 : index
      %get3A_1033 = tpu.vector_load %arg15[%get3A_1032] {strides = array<i32>} : memref<256xf32, #tpu.memory_space<vmem>>, vector<16xf32>,
      %get3A_1034 = vector.shape_cast %get3A_1033 : vector<16xf32> to vector<16xf32>
      %add3A_1035 = arith.addf %broadcast_in_dim3A_1031, %get3A_1034 : vector<16xf32>
      %get3A_1036 = arith.constant 16 : index
      %get3A_1037 = tpu.vector_load %arg15[%get3A_1036] {strides = array<i32>} : memref<256xf32, #tpu.memory_space<vmem>>, vector<16xf32>,
      %get3A_1038 = vector.shape_cast %get3A_1037 : vector<16xf32> to vector<16xf32>
      %add3A_1039 = arith.addf %add3A_1035, %get3A_1038 : vector<16xf32>
      %get3A_1040 = arith.constant 32 : index
      %get3A_1041 = tpu.vector_load %arg15[%get3A_1040] {strides = array<i32>} : memref<256xf32, #tpu.memory_space<vmem>>, vector<16xf32>,
      %get3A_1042 = vector.shape_cast %get3A_1041 : vector<16xf32> to vector<16xf32>
      %add3A_1043 = arith.addf %add3A_1039, %get3A_1042 : vector<16xf32>
      %get3A_1044 = arith.constant 48 : index
      %get3A_1045 = tpu.vector_load %arg15[%get3A_1044] {strides = array<i32>} : memref<256xf32, #tpu.memory_space<vmem>>, vector<16xf32>,
      %get3A_1046 = vector.shape_cast %get3A_1045 : vector<16xf32> to vector<16xf32>
      %add3A_1047 = arith.addf %add3A_1043, %get3A_1046 : vector<16xf32>
      %get3A_1048 = arith.constant 64 : index
      %get3A_1049 = tpu.vector_load %arg15[%get3A_1048] {strides = array<i32>} : memref<256xf32, #tpu.memory_space<vmem>>, vector<16xf32>,
      %get3A_1050 = vector.shape_cast %get3A_1049 : vector<16xf32> to vector<16xf32>
      %add3A_1051 = arith.addf %add3A_1047, %get3A_1050 : vector<16xf32>
      %get3A_1052 = arith.constant 80 : index
      %get3A_1053 = tpu.vector_load %arg15[%get3A_1052] {strides = array<i32>} : memref<256xf32, #tpu.memory_space<vmem>>, vector<16xf32>,
      %get3A_1054 = vector.shape_cast %get3A_1053 : vector<16xf32> to vector<16xf32>
      %add3A_1055 = arith.addf %add3A_1051, %get3A_1054 : vector<16xf32>
      %get3A_1056 = arith.constant 96 : index
      %get3A_1057 = tpu.vector_load %arg15[%get3A_1056] {strides = array<i32>} : memref<256xf32, #tpu.memory_space<vmem>>, vector<16xf32>,
      %get3A_1058 = vector.shape_cast %get3A_1057 : vector<16xf32> to vector<16xf32>
      %add3A_1059 = arith.addf %add3A_1055, %get3A_1058 : vector<16xf32>
      %get3A_1060 = arith.constant 112 : index
      %get3A_1061 = tpu.vector_load %arg15[%get3A_1060] {strides = array<i32>} : memref<256xf32, #tpu.memory_space<vmem>>, vector<16xf32>,
      %get3A_1062 = vector.shape_cast %get3A_1061 : vector<16xf32> to vector<16xf32>
      %add3A_1063 = arith.addf %add3A_1059, %get3A_1062 : vector<16xf32>
      %get3A_1064 = arith.constant 128 : index
      %get3A_1065 = tpu.vector_load %arg15[%get3A_1064] {strides = array<i32>} : memref<256xf32, #tpu.memory_space<vmem>>, vector<16xf32>,
      %get3A_1066 = vector.shape_cast %get3A_1065 : vector<16xf32> to vector<16xf32>
      %add3A_1067 = arith.addf %add3A_1063, %get3A_1066 : vector<16xf32>
      %get3A_1068 = arith.constant 144 : index
      %get3A_1069 = tpu.vector_load %arg15[%get3A_1068] {strides = array<i32>} : memref<256xf32, #tpu.memory_space<vmem>>, vector<16xf32>,
      %get3A_1070 = vector.shape_cast %get3A_1069 : vector<16xf32> to vector<16xf32>
      %add3A_1071 = arith.addf %add3A_1067, %get3A_1070 : vector<16xf32>
      %get3A_1072 = arith.constant 160 : index
      %get3A_1073 = tpu.vector_load %arg15[%get3A_1072] {strides = array<i32>} : memref<256xf32, #tpu.memory_space<vmem>>, vector<16xf32>,
      %get3A_1074 = vector.shape_cast %get3A_1073 : vector<16xf32> to vector<16xf32>
      %add3A_1075 = arith.addf %add3A_1071, %get3A_1074 : vector<16xf32>
      %get3A_1076 = arith.constant 176 : index
      %get3A_1077 = tpu.vector_load %arg15[%get3A_1076] {strides = array<i32>} : memref<256xf32, #tpu.memory_space<vmem>>, vector<16xf32>,
      %get3A_1078 = vector.shape_cast %get3A_1077 : vector<16xf32> to vector<16xf32>
      %add3A_1079 = arith.addf %add3A_1075, %get3A_1078 : vector<16xf32>
      %get3A_1080 = arith.constant 192 : index
      %get3A_1081 = tpu.vector_load %arg15[%get3A_1080] {strides = array<i32>} : memref<256xf32, #tpu.memory_space<vmem>>, vector<16xf32>,
      %get3A_1082 = vector.shape_cast %get3A_1081 : vector<16xf32> to vector<16xf32>
      %add3A_1083 = arith.addf %add3A_1079, %get3A_1082 : vector<16xf32>
      %get3A_1084 = arith.constant 208 : index
      %get3A_1085 = tpu.vector_load %arg15[%get3A_1084] {strides = array<i32>} : memref<256xf32, #tpu.memory_space<vmem>>, vector<16xf32>,
      %get3A_1086 = vector.shape_cast %get3A_1085 : vector<16xf32> to vector<16xf32>
      %add3A_1087 = arith.addf %add3A_1083, %get3A_1086 : vector<16xf32>
      %get3A_1088 = arith.constant 224 : index
      %get3A_1089 = tpu.vector_load %arg15[%get3A_1088] {strides = array<i32>} : memref<256xf32, #tpu.memory_space<vmem>>, vector<16xf32>,
      %get3A_1090 = vector.shape_cast %get3A_1089 : vector<16xf32> to vector<16xf32>
      %add3A_1091 = arith.addf %add3A_1087, %get3A_1090 : vector<16xf32>
      %get3A_1092 = arith.constant 240 : index
      %get3A_1093 = tpu.vector_load %arg15[%get3A_1092] {strides = array<i32>} : memref<256xf32, #tpu.memory_space<vmem>>, vector<16xf32>,
      %get3A_1094 = vector.shape_cast %get3A_1093 : vector<16xf32> to vector<16xf32>
      %add3A_1095 = arith.addf %add3A_1091, %get3A_1094 : vector<16xf32>
      %iota3A_1096 = tpu.iota {dimensions = array<i32: 0>} : vector<16xi32>
      %xor3A_1097 = arith.constant 1 : i32
      %xor3A_1098 = vector.broadcast %xor3A_1097 : i32 to vector<16xi32>
      %xor3A_1099 = arith.xori %iota3A_1096, %xor3A_1098 : vector<16xi32>
      %broadcast_in_dim3A_1100 = vector.shape_cast %xor3A_1099 : vector<16xi32> to vector<16x1xi32>
      %gather3A_1101 = vector.shape_cast %broadcast_in_dim3A_1100 : vector<16x1xi32> to vector<16xi32>
      %gather3A_1102 = tpu.dynamic_gather %add3A_1095[%gather3A_1101] in [0] : vector<16xf32>, vector<16xi32> -> vector<16xf32>
      %add3A_1103 = arith.addf %add3A_1095, %gather3A_1102 : vector<16xf32>
      %xor3A_1104 = arith.constant 2 : i32
      %xor3A_1105 = vector.broadcast %xor3A_1104 : i32 to vector<16xi32>
      %xor3A_1106 = arith.xori %iota3A_1096, %xor3A_1105 : vector<16xi32>
      %broadcast_in_dim3A_1107 = vector.shape_cast %xor3A_1106 : vector<16xi32> to vector<16x1xi32>
      %gather3A_1108 = vector.shape_cast %broadcast_in_dim3A_1107 : vector<16x1xi32> to vector<16xi32>
      %gather3A_1109 = tpu.dynamic_gather %add3A_1103[%gather3A_1108] in [0] : vector<16xf32>, vector<16xi32> -> vector<16xf32>
      %add3A_1110 = arith.addf %add3A_1103, %gather3A_1109 : vector<16xf32>
      %broadcast_in_dim3A_1111 = vector.shape_cast %broadcast_in_dim3A_20 : vector<16xi32> to vector<16x1xi32>
      %gather3A_1112 = vector.shape_cast %broadcast_in_dim3A_1111 : vector<16x1xi32> to vector<16xi32>
      %gather3A_1113 = tpu.dynamic_gather %add3A_1110[%gather3A_1112] in [0] : vector<16xf32>, vector<16xi32> -> vector<16xf32>
      %broadcast_in_dim3A_1114 = vector.shape_cast %broadcast_in_dim3A_22 : vector<16xi32> to vector<16x1xi32>
      %gather3A_1115 = vector.shape_cast %broadcast_in_dim3A_1114 : vector<16x1xi32> to vector<16xi32>
      %gather3A_1116 = tpu.dynamic_gather %add3A_1110[%gather3A_1115] in [0] : vector<16xf32>, vector<16xi32> -> vector<16xf32>
      %broadcast_in_dim3A_1117 = vector.shape_cast %broadcast_in_dim3A_24 : vector<16xi32> to vector<16x1xi32>
      %gather3A_1118 = vector.shape_cast %broadcast_in_dim3A_1117 : vector<16x1xi32> to vector<16xi32>
      %gather3A_1119 = tpu.dynamic_gather %add3A_1110[%gather3A_1118] in [0] : vector<16xf32>, vector<16xi32> -> vector<16xf32>
      %lt3A_1120 = arith.cmpf olt, %gather3A_1113, %broadcast_in_dim3A_5 : vector<16xf32>
      %jit3A_1121 = arith.constant 1048576 : i32
      %jit3A_1122 = arith.constant 0 : i32
      %broadcast_in_dim3A_1123 = vector.broadcast %jit3A_1121 : i32 to vector<16xi32>
      %broadcast_in_dim3A_1124 = vector.broadcast %jit3A_1122 : i32 to vector<16xi32>
      %select_n3A_1125 = arith.select %lt3A_1120, %broadcast_in_dim3A_1123, %broadcast_in_dim3A_1124 : vector<16xi1>, vector<16xi32>
      %add3A_1126 = arith.addi %add3A_942, %select_n3A_1125 : vector<16xi32>
      %lt3A_1127 = arith.cmpf olt, %gather3A_1116, %broadcast_in_dim3A_5 : vector<16xf32>
      %jit3A_1128 = arith.constant 1048576 : i32
      %jit3A_1129 = arith.constant 0 : i32
      %broadcast_in_dim3A_1130 = vector.broadcast %jit3A_1128 : i32 to vector<16xi32>
      %broadcast_in_dim3A_1131 = vector.broadcast %jit3A_1129 : i32 to vector<16xi32>
      %select_n3A_1132 = arith.select %lt3A_1127, %broadcast_in_dim3A_1130, %broadcast_in_dim3A_1131 : vector<16xi1>, vector<16xi32>
      %add3A_1133 = arith.addi %add3A_1126, %select_n3A_1132 : vector<16xi32>
      %lt3A_1134 = arith.cmpf olt, %gather3A_1119, %broadcast_in_dim3A_5 : vector<16xf32>
      %jit3A_1135 = arith.constant 1048576 : i32
      %jit3A_1136 = arith.constant 0 : i32
      %broadcast_in_dim3A_1137 = vector.broadcast %jit3A_1135 : i32 to vector<16xi32>
      %broadcast_in_dim3A_1138 = vector.broadcast %jit3A_1136 : i32 to vector<16xi32>
      %select_n3A_1139 = arith.select %lt3A_1134, %broadcast_in_dim3A_1137, %broadcast_in_dim3A_1138 : vector<16xi1>, vector<16xi32>
      %add3A_1140 = arith.addi %add3A_1133, %select_n3A_1139 : vector<16xi32>
      %add3A_1141 = arith.constant 262144 : i32
      %add3A_1142 = vector.broadcast %add3A_1141 : i32 to vector<16xi32>
      %add3A_1143 = arith.addi %add3A_1140, %add3A_1142 : vector<16xi32>
      %mul3A_1144 = arith.constant 2 : i32
      %mul3A_1145 = arith.constant 262144 : i32
      %mul3A_1146 = arith.muli %mul3A_1144, %mul3A_1145 : i32
      %add3A_1147 = vector.broadcast %mul3A_1146 : i32 to vector<16xi32>
      %add3A_1148 = arith.addi %add3A_1140, %add3A_1147 : vector<16xi32>
      %mul3A_1149 = arith.constant 3 : i32
      %mul3A_1150 = arith.constant 262144 : i32
      %mul3A_1151 = arith.muli %mul3A_1149, %mul3A_1150 : i32
      %add3A_1152 = vector.broadcast %mul3A_1151 : i32 to vector<16xi32>
      %add3A_1153 = arith.addi %add3A_1140, %add3A_1152 : vector<16xi32>
      %broadcast_in_dim3A_1154 = arith.constant 0.000000e+00 : f32
      %broadcast_in_dim3A_1155 = vector.broadcast %broadcast_in_dim3A_1154 : f32 to vector<16xf32>
      %parallel_loop3A_1156 = arith.constant 0 : i32
      %parallel_loop3A_1157 = arith.constant 64 : i32
      %parallel_loop3A_1158 = arith.constant 1 : i32
      %parallel_loop3A_1159:3 = scf.for %parallel_loop3A_1762 = %parallel_loop3A_1156 to %parallel_loop3A_1157 step %parallel_loop3A_1158 iter_args(%parallel_loop3A_1763 = %broadcast_in_dim3A_1155, %parallel_loop3A_1764 = %broadcast_in_dim3A_1155, %parallel_loop3A_1765 = %broadcast_in_dim3A_1155) -> (vector<16xf32>, vector<16xf32>, vector<16xf32>)  : i32 {
        %parallel_loop3A_1766 = arith.constant 16 : i32
        %parallel_loop3A_1767 = arith.muli %parallel_loop3A_1762, %parallel_loop3A_1766 : i32
        %parallel_loop3A_1768 = arith.index_cast %parallel_loop3A_1767 : i32 to index
        %parallel_loop3A_1769 = tpu.vector_load %arg10[%parallel_loop3A_1768] {strides = array<i32>} : memref<1024xi32, #tpu.memory_space<vmem>>, vector<16xi32>,
        %parallel_loop3A_1770 = vector.shape_cast %parallel_loop3A_1769 : vector<16xi32> to vector<16xi32>
        %parallel_loop3A_1771 = arith.cmpi slt, %parallel_loop3A_1770, %add3A_1143 : vector<16xi32>
        %parallel_loop3A_1772 = arith.constant 1.000000e+00 : f32
        %parallel_loop3A_1773 = arith.constant 0.000000e+00 : f32
        %parallel_loop3A_1774 = vector.broadcast %parallel_loop3A_1772 : f32 to vector<16xf32>
        %parallel_loop3A_1775 = vector.broadcast %parallel_loop3A_1773 : f32 to vector<16xf32>
        %parallel_loop3A_1776 = arith.select %parallel_loop3A_1771, %parallel_loop3A_1774, %parallel_loop3A_1775 : vector<16xi1>, vector<16xf32>
        %parallel_loop3A_1777 = arith.addf %parallel_loop3A_1763, %parallel_loop3A_1776 : vector<16xf32>
        %parallel_loop3A_1778 = arith.cmpi slt, %parallel_loop3A_1770, %add3A_1148 : vector<16xi32>
        %parallel_loop3A_1779 = arith.constant 1.000000e+00 : f32
        %parallel_loop3A_1780 = arith.constant 0.000000e+00 : f32
        %parallel_loop3A_1781 = vector.broadcast %parallel_loop3A_1779 : f32 to vector<16xf32>
        %parallel_loop3A_1782 = vector.broadcast %parallel_loop3A_1780 : f32 to vector<16xf32>
        %parallel_loop3A_1783 = arith.select %parallel_loop3A_1778, %parallel_loop3A_1781, %parallel_loop3A_1782 : vector<16xi1>, vector<16xf32>
        %parallel_loop3A_1784 = arith.addf %parallel_loop3A_1764, %parallel_loop3A_1783 : vector<16xf32>
        %parallel_loop3A_1785 = arith.cmpi slt, %parallel_loop3A_1770, %add3A_1153 : vector<16xi32>
        %parallel_loop3A_1786 = arith.constant 1.000000e+00 : f32
        %parallel_loop3A_1787 = arith.constant 0.000000e+00 : f32
        %parallel_loop3A_1788 = vector.broadcast %parallel_loop3A_1786 : f32 to vector<16xf32>
        %parallel_loop3A_1789 = vector.broadcast %parallel_loop3A_1787 : f32 to vector<16xf32>
        %parallel_loop3A_1790 = arith.select %parallel_loop3A_1785, %parallel_loop3A_1788, %parallel_loop3A_1789 : vector<16xi1>, vector<16xf32>
        %parallel_loop3A_1791 = arith.addf %parallel_loop3A_1765, %parallel_loop3A_1790 : vector<16xf32>
        scf.yield %parallel_loop3A_1777, %parallel_loop3A_1784, %parallel_loop3A_1791 : vector<16xf32>, vector<16xf32>, vector<16xf32>
      } {sc.loop_unroll_factor = 8 : i64, sc.parallel_access}
      %iota3A_1160 = tpu.iota {dimensions = array<i32: 0>} : vector<16xi32>
      %xor3A_1161 = arith.constant 1 : i32
      %xor3A_1162 = vector.broadcast %xor3A_1161 : i32 to vector<16xi32>
      %xor3A_1163 = arith.xori %iota3A_1160, %xor3A_1162 : vector<16xi32>
      %broadcast_in_dim3A_1164 = vector.shape_cast %xor3A_1163 : vector<16xi32> to vector<16x1xi32>
      %gather3A_1165 = vector.shape_cast %broadcast_in_dim3A_1164 : vector<16x1xi32> to vector<16xi32>
      %gather3A_1166 = tpu.dynamic_gather %parallel_loop3A_1159#0[%gather3A_1165] in [0] : vector<16xf32>, vector<16xi32> -> vector<16xf32>
      %add3A_1167 = arith.addf %parallel_loop3A_1159#0, %gather3A_1166 : vector<16xf32>
      %xor3A_1168 = arith.constant 2 : i32
      %xor3A_1169 = vector.broadcast %xor3A_1168 : i32 to vector<16xi32>
      %xor3A_1170 = arith.xori %iota3A_1160, %xor3A_1169 : vector<16xi32>
      %broadcast_in_dim3A_1171 = vector.shape_cast %xor3A_1170 : vector<16xi32> to vector<16x1xi32>
      %gather3A_1172 = vector.shape_cast %broadcast_in_dim3A_1171 : vector<16x1xi32> to vector<16xi32>
      %gather3A_1173 = tpu.dynamic_gather %add3A_1167[%gather3A_1172] in [0] : vector<16xf32>, vector<16xi32> -> vector<16xf32>
      %add3A_1174 = arith.addf %add3A_1167, %gather3A_1173 : vector<16xf32>
      %broadcast_in_dim3A_1175 = vector.shape_cast %mul3A_10 : vector<16xi32> to vector<16x1xi32>
      %gather3A_1176 = vector.shape_cast %broadcast_in_dim3A_1175 : vector<16x1xi32> to vector<16xi32>
      %gather3A_1177 = tpu.dynamic_gather %add3A_1174[%gather3A_1176] in [0] : vector<16xf32>, vector<16xi32> -> vector<16xf32>
      %iota3A_1178 = tpu.iota {dimensions = array<i32: 0>} : vector<16xi32>
      %xor3A_1179 = arith.constant 1 : i32
      %xor3A_1180 = vector.broadcast %xor3A_1179 : i32 to vector<16xi32>
      %xor3A_1181 = arith.xori %iota3A_1178, %xor3A_1180 : vector<16xi32>
      %broadcast_in_dim3A_1182 = vector.shape_cast %xor3A_1181 : vector<16xi32> to vector<16x1xi32>
      %gather3A_1183 = vector.shape_cast %broadcast_in_dim3A_1182 : vector<16x1xi32> to vector<16xi32>
      %gather3A_1184 = tpu.dynamic_gather %parallel_loop3A_1159#1[%gather3A_1183] in [0] : vector<16xf32>, vector<16xi32> -> vector<16xf32>
      %add3A_1185 = arith.addf %parallel_loop3A_1159#1, %gather3A_1184 : vector<16xf32>
      %xor3A_1186 = arith.constant 2 : i32
      %xor3A_1187 = vector.broadcast %xor3A_1186 : i32 to vector<16xi32>
      %xor3A_1188 = arith.xori %iota3A_1178, %xor3A_1187 : vector<16xi32>
      %broadcast_in_dim3A_1189 = vector.shape_cast %xor3A_1188 : vector<16xi32> to vector<16x1xi32>
      %gather3A_1190 = vector.shape_cast %broadcast_in_dim3A_1189 : vector<16x1xi32> to vector<16xi32>
      %gather3A_1191 = tpu.dynamic_gather %add3A_1185[%gather3A_1190] in [0] : vector<16xf32>, vector<16xi32> -> vector<16xf32>
      %add3A_1192 = arith.addf %add3A_1185, %gather3A_1191 : vector<16xf32>
      %broadcast_in_dim3A_1193 = vector.shape_cast %mul3A_10 : vector<16xi32> to vector<16x1xi32>
      %gather3A_1194 = vector.shape_cast %broadcast_in_dim3A_1193 : vector<16x1xi32> to vector<16xi32>
      %gather3A_1195 = tpu.dynamic_gather %add3A_1192[%gather3A_1194] in [0] : vector<16xf32>, vector<16xi32> -> vector<16xf32>
      %iota3A_1196 = tpu.iota {dimensions = array<i32: 0>} : vector<16xi32>
      %xor3A_1197 = arith.constant 1 : i32
      %xor3A_1198 = vector.broadcast %xor3A_1197 : i32 to vector<16xi32>
      %xor3A_1199 = arith.xori %iota3A_1196, %xor3A_1198 : vector<16xi32>
      %broadcast_in_dim3A_1200 = vector.shape_cast %xor3A_1199 : vector<16xi32> to vector<16x1xi32>
      %gather3A_1201 = vector.shape_cast %broadcast_in_dim3A_1200 : vector<16x1xi32> to vector<16xi32>
      %gather3A_1202 = tpu.dynamic_gather %parallel_loop3A_1159#2[%gather3A_1201] in [0] : vector<16xf32>, vector<16xi32> -> vector<16xf32>
      %add3A_1203 = arith.addf %parallel_loop3A_1159#2, %gather3A_1202 : vector<16xf32>
      %xor3A_1204 = arith.constant 2 : i32
      %xor3A_1205 = vector.broadcast %xor3A_1204 : i32 to vector<16xi32>
      %xor3A_1206 = arith.xori %iota3A_1196, %xor3A_1205 : vector<16xi32>
      %broadcast_in_dim3A_1207 = vector.shape_cast %xor3A_1206 : vector<16xi32> to vector<16x1xi32>
      %gather3A_1208 = vector.shape_cast %broadcast_in_dim3A_1207 : vector<16x1xi32> to vector<16xi32>
      %gather3A_1209 = tpu.dynamic_gather %add3A_1203[%gather3A_1208] in [0] : vector<16xf32>, vector<16xi32> -> vector<16xf32>
      %add3A_1210 = arith.addf %add3A_1203, %gather3A_1209 : vector<16xf32>
      %broadcast_in_dim3A_1211 = vector.shape_cast %mul3A_10 : vector<16xi32> to vector<16x1xi32>
      %gather3A_1212 = vector.shape_cast %broadcast_in_dim3A_1211 : vector<16x1xi32> to vector<16xi32>
      %gather3A_1213 = tpu.dynamic_gather %add3A_1210[%gather3A_1212] in [0] : vector<16xf32>, vector<16xi32> -> vector<16xf32>
      %jit3A_1214 = arith.constant 0.000000e+00 : f32
      %broadcast_in_dim3A_1215 = vector.broadcast %jit3A_1214 : f32 to vector<16xf32>
      %select_n3A_1216 = arith.select %lt3A_18, %gather3A_1213, %broadcast_in_dim3A_1215 : vector<16xi1>, vector<16xf32>
      %select_n3A_1217 = arith.select %lt3A_15, %gather3A_1195, %select_n3A_1216 : vector<16xi1>, vector<16xf32>
      %select_n3A_1218 = arith.select %lt3A_12, %gather3A_1177, %select_n3A_1217 : vector<16xi1>, vector<16xf32>
      %swap3A_1219 = arith.constant 0 : index
      %swap3A_1220 = tpu.vector_load %arg11[%swap3A_1219] {strides = array<i32>} : memref<16xf32, #tpu.memory_space<vmem>>, vector<16xf32>,
      %swap3A_1221 = vector.shape_cast %swap3A_1220 : vector<16xf32> to vector<16xf32>
      %swap3A_1222 = vector.shape_cast %select_n3A_1218 : vector<16xf32> to vector<16xf32>
      tpu.vector_store %arg11[%swap3A_1219], %swap3A_1222 {strides = array<i32>} : memref<16xf32, #tpu.memory_space<vmem>>, vector<16xf32>,
      %mul3A_1223 = arith.constant 16 : i32
      %mul3A_1224 = arith.muli %arg1, %mul3A_1223 : i32
      %add3A_1225 = arith.constant 0 : i32
      %add3A_1226 = arith.addi %add3A_1225, %mul3A_1224 : i32
      "tpu.region"() ({
        %run_scoped3A = tpu.sem_alloc : memref<!tpu.dma_semaphore, #tpu.memory_space<semaphore_mem>>
        %dma_start3A = tpu.memref_slice %arg12[%add3A_1226] : memref<512xf32, #tpu.memory_space<vmem_shared>> -> memref<16xf32, #tpu.memory_space<vmem_shared>>
        %dma_start3A_1762 = tpu.memref_slice %arg12[%add3A_1226] : memref<512xf32, #tpu.memory_space<vmem_shared>> -> memref<16xf32, #tpu.memory_space<vmem_shared>>
        tpu.enqueue_dma source(%arg11 : memref<16xf32, #tpu.memory_space<vmem>>) target(%dma_start3A_1762 : memref<16xf32, #tpu.memory_space<vmem_shared>>) target_semaphore(%run_scoped3A : memref<!tpu.dma_semaphore, #tpu.memory_space<semaphore_mem>>)
        %dma_wait3A = tpu.memref_slice %arg12[%add3A_1226] : memref<512xf32, #tpu.memory_space<vmem_shared>> -> memref<16xf32, #tpu.memory_space<vmem_shared>>
        %dma_wait3A_1763 = tpu.memref_slice %arg12[%add3A_1226] : memref<512xf32, #tpu.memory_space<vmem_shared>> -> memref<16xf32, #tpu.memory_space<vmem_shared>>
        tpu.wait_dma2 semaphore(%run_scoped3A : memref<!tpu.dma_semaphore, #tpu.memory_space<semaphore_mem>>) src(%arg11 : memref<16xf32, #tpu.memory_space<vmem>>) dst(%dma_wait3A_1763 : memref<16xf32, #tpu.memory_space<vmem_shared>>)
        tpu.yield
      }) : () -> ()
      %barrier3A_1227 = arith.constant 0 : index
      tpu.barrier barrier_id(%barrier3A_1227)
      "tpu.region"() ({
        %run_scoped3A = tpu.sem_alloc : memref<!tpu.dma_semaphore, #tpu.memory_space<semaphore_mem>>
        %dma_start3A = arith.constant 0 : i32
        %dma_start3A_1762 = tpu.memref_slice %arg12[%dma_start3A] : memref<512xf32, #tpu.memory_space<vmem_shared>> -> memref<256xf32, #tpu.memory_space<vmem_shared>>
        %dma_start3A_1763 = arith.constant 0 : i32
        %dma_start3A_1764 = tpu.memref_slice %arg12[%dma_start3A_1763] : memref<512xf32, #tpu.memory_space<vmem_shared>> -> memref<256xf32, #tpu.memory_space<vmem_shared>>
        tpu.enqueue_dma source(%dma_start3A_1764 : memref<256xf32, #tpu.memory_space<vmem_shared>>) target(%arg15 : memref<256xf32, #tpu.memory_space<vmem>>) target_semaphore(%run_scoped3A : memref<!tpu.dma_semaphore, #tpu.memory_space<semaphore_mem>>)
        %dma_wait3A = arith.constant 0 : i32
        %dma_wait3A_1765 = tpu.memref_slice %arg12[%dma_wait3A] : memref<512xf32, #tpu.memory_space<vmem_shared>> -> memref<256xf32, #tpu.memory_space<vmem_shared>>
        %dma_wait3A_1766 = arith.constant 0 : i32
        %dma_wait3A_1767 = tpu.memref_slice %arg12[%dma_wait3A_1766] : memref<512xf32, #tpu.memory_space<vmem_shared>> -> memref<256xf32, #tpu.memory_space<vmem_shared>>
        tpu.wait_dma2 semaphore(%run_scoped3A : memref<!tpu.dma_semaphore, #tpu.memory_space<semaphore_mem>>) src(%dma_wait3A_1767 : memref<256xf32, #tpu.memory_space<vmem_shared>>) dst(%arg15 : memref<256xf32, #tpu.memory_space<vmem>>)
        tpu.yield
      }) : () -> ()
      %broadcast_in_dim3A_1228 = arith.constant 0.000000e+00 : f32
      %broadcast_in_dim3A_1229 = vector.broadcast %broadcast_in_dim3A_1228 : f32 to vector<16xf32>
      %get3A_1230 = arith.constant 0 : index
      %get3A_1231 = tpu.vector_load %arg15[%get3A_1230] {strides = array<i32>} : memref<256xf32, #tpu.memory_space<vmem>>, vector<16xf32>,
      %get3A_1232 = vector.shape_cast %get3A_1231 : vector<16xf32> to vector<16xf32>
      %add3A_1233 = arith.addf %broadcast_in_dim3A_1229, %get3A_1232 : vector<16xf32>
      %get3A_1234 = arith.constant 16 : index
      %get3A_1235 = tpu.vector_load %arg15[%get3A_1234] {strides = array<i32>} : memref<256xf32, #tpu.memory_space<vmem>>, vector<16xf32>,
      %get3A_1236 = vector.shape_cast %get3A_1235 : vector<16xf32> to vector<16xf32>
      %add3A_1237 = arith.addf %add3A_1233, %get3A_1236 : vector<16xf32>
      %get3A_1238 = arith.constant 32 : index
      %get3A_1239 = tpu.vector_load %arg15[%get3A_1238] {strides = array<i32>} : memref<256xf32, #tpu.memory_space<vmem>>, vector<16xf32>,
      %get3A_1240 = vector.shape_cast %get3A_1239 : vector<16xf32> to vector<16xf32>
      %add3A_1241 = arith.addf %add3A_1237, %get3A_1240 : vector<16xf32>
      %get3A_1242 = arith.constant 48 : index
      %get3A_1243 = tpu.vector_load %arg15[%get3A_1242] {strides = array<i32>} : memref<256xf32, #tpu.memory_space<vmem>>, vector<16xf32>,
      %get3A_1244 = vector.shape_cast %get3A_1243 : vector<16xf32> to vector<16xf32>
      %add3A_1245 = arith.addf %add3A_1241, %get3A_1244 : vector<16xf32>
      %get3A_1246 = arith.constant 64 : index
      %get3A_1247 = tpu.vector_load %arg15[%get3A_1246] {strides = array<i32>} : memref<256xf32, #tpu.memory_space<vmem>>, vector<16xf32>,
      %get3A_1248 = vector.shape_cast %get3A_1247 : vector<16xf32> to vector<16xf32>
      %add3A_1249 = arith.addf %add3A_1245, %get3A_1248 : vector<16xf32>
      %get3A_1250 = arith.constant 80 : index
      %get3A_1251 = tpu.vector_load %arg15[%get3A_1250] {strides = array<i32>} : memref<256xf32, #tpu.memory_space<vmem>>, vector<16xf32>,
      %get3A_1252 = vector.shape_cast %get3A_1251 : vector<16xf32> to vector<16xf32>
      %add3A_1253 = arith.addf %add3A_1249, %get3A_1252 : vector<16xf32>
      %get3A_1254 = arith.constant 96 : index
      %get3A_1255 = tpu.vector_load %arg15[%get3A_1254] {strides = array<i32>} : memref<256xf32, #tpu.memory_space<vmem>>, vector<16xf32>,
      %get3A_1256 = vector.shape_cast %get3A_1255 : vector<16xf32> to vector<16xf32>
      %add3A_1257 = arith.addf %add3A_1253, %get3A_1256 : vector<16xf32>
      %get3A_1258 = arith.constant 112 : index
      %get3A_1259 = tpu.vector_load %arg15[%get3A_1258] {strides = array<i32>} : memref<256xf32, #tpu.memory_space<vmem>>, vector<16xf32>,
      %get3A_1260 = vector.shape_cast %get3A_1259 : vector<16xf32> to vector<16xf32>
      %add3A_1261 = arith.addf %add3A_1257, %get3A_1260 : vector<16xf32>
      %get3A_1262 = arith.constant 128 : index
      %get3A_1263 = tpu.vector_load %arg15[%get3A_1262] {strides = array<i32>} : memref<256xf32, #tpu.memory_space<vmem>>, vector<16xf32>,
      %get3A_1264 = vector.shape_cast %get3A_1263 : vector<16xf32> to vector<16xf32>
      %add3A_1265 = arith.addf %add3A_1261, %get3A_1264 : vector<16xf32>
      %get3A_1266 = arith.constant 144 : index
      %get3A_1267 = tpu.vector_load %arg15[%get3A_1266] {strides = array<i32>} : memref<256xf32, #tpu.memory_space<vmem>>, vector<16xf32>,
      %get3A_1268 = vector.shape_cast %get3A_1267 : vector<16xf32> to vector<16xf32>
      %add3A_1269 = arith.addf %add3A_1265, %get3A_1268 : vector<16xf32>
      %get3A_1270 = arith.constant 160 : index
      %get3A_1271 = tpu.vector_load %arg15[%get3A_1270] {strides = array<i32>} : memref<256xf32, #tpu.memory_space<vmem>>, vector<16xf32>,
      %get3A_1272 = vector.shape_cast %get3A_1271 : vector<16xf32> to vector<16xf32>
      %add3A_1273 = arith.addf %add3A_1269, %get3A_1272 : vector<16xf32>
      %get3A_1274 = arith.constant 176 : index
      %get3A_1275 = tpu.vector_load %arg15[%get3A_1274] {strides = array<i32>} : memref<256xf32, #tpu.memory_space<vmem>>, vector<16xf32>,
      %get3A_1276 = vector.shape_cast %get3A_1275 : vector<16xf32> to vector<16xf32>
      %add3A_1277 = arith.addf %add3A_1273, %get3A_1276 : vector<16xf32>
      %get3A_1278 = arith.constant 192 : index
      %get3A_1279 = tpu.vector_load %arg15[%get3A_1278] {strides = array<i32>} : memref<256xf32, #tpu.memory_space<vmem>>, vector<16xf32>,
      %get3A_1280 = vector.shape_cast %get3A_1279 : vector<16xf32> to vector<16xf32>
      %add3A_1281 = arith.addf %add3A_1277, %get3A_1280 : vector<16xf32>
      %get3A_1282 = arith.constant 208 : index
      %get3A_1283 = tpu.vector_load %arg15[%get3A_1282] {strides = array<i32>} : memref<256xf32, #tpu.memory_space<vmem>>, vector<16xf32>,
      %get3A_1284 = vector.shape_cast %get3A_1283 : vector<16xf32> to vector<16xf32>
      %add3A_1285 = arith.addf %add3A_1281, %get3A_1284 : vector<16xf32>
      %get3A_1286 = arith.constant 224 : index
      %get3A_1287 = tpu.vector_load %arg15[%get3A_1286] {strides = array<i32>} : memref<256xf32, #tpu.memory_space<vmem>>, vector<16xf32>,
      %get3A_1288 = vector.shape_cast %get3A_1287 : vector<16xf32> to vector<16xf32>
      %add3A_1289 = arith.addf %add3A_1285, %get3A_1288 : vector<16xf32>
      %get3A_1290 = arith.constant 240 : index
      %get3A_1291 = tpu.vector_load %arg15[%get3A_1290] {strides = array<i32>} : memref<256xf32, #tpu.memory_space<vmem>>, vector<16xf32>,
      %get3A_1292 = vector.shape_cast %get3A_1291 : vector<16xf32> to vector<16xf32>
      %add3A_1293 = arith.addf %add3A_1289, %get3A_1292 : vector<16xf32>
      %iota3A_1294 = tpu.iota {dimensions = array<i32: 0>} : vector<16xi32>
      %xor3A_1295 = arith.constant 1 : i32
      %xor3A_1296 = vector.broadcast %xor3A_1295 : i32 to vector<16xi32>
      %xor3A_1297 = arith.xori %iota3A_1294, %xor3A_1296 : vector<16xi32>
      %broadcast_in_dim3A_1298 = vector.shape_cast %xor3A_1297 : vector<16xi32> to vector<16x1xi32>
      %gather3A_1299 = vector.shape_cast %broadcast_in_dim3A_1298 : vector<16x1xi32> to vector<16xi32>
      %gather3A_1300 = tpu.dynamic_gather %add3A_1293[%gather3A_1299] in [0] : vector<16xf32>, vector<16xi32> -> vector<16xf32>
      %add3A_1301 = arith.addf %add3A_1293, %gather3A_1300 : vector<16xf32>
      %xor3A_1302 = arith.constant 2 : i32
      %xor3A_1303 = vector.broadcast %xor3A_1302 : i32 to vector<16xi32>
      %xor3A_1304 = arith.xori %iota3A_1294, %xor3A_1303 : vector<16xi32>
      %broadcast_in_dim3A_1305 = vector.shape_cast %xor3A_1304 : vector<16xi32> to vector<16x1xi32>
      %gather3A_1306 = vector.shape_cast %broadcast_in_dim3A_1305 : vector<16x1xi32> to vector<16xi32>
      %gather3A_1307 = tpu.dynamic_gather %add3A_1301[%gather3A_1306] in [0] : vector<16xf32>, vector<16xi32> -> vector<16xf32>
      %add3A_1308 = arith.addf %add3A_1301, %gather3A_1307 : vector<16xf32>
      %broadcast_in_dim3A_1309 = vector.shape_cast %broadcast_in_dim3A_20 : vector<16xi32> to vector<16x1xi32>
      %gather3A_1310 = vector.shape_cast %broadcast_in_dim3A_1309 : vector<16x1xi32> to vector<16xi32>
      %gather3A_1311 = tpu.dynamic_gather %add3A_1308[%gather3A_1310] in [0] : vector<16xf32>, vector<16xi32> -> vector<16xf32>
      %broadcast_in_dim3A_1312 = vector.shape_cast %broadcast_in_dim3A_22 : vector<16xi32> to vector<16x1xi32>
      %gather3A_1313 = vector.shape_cast %broadcast_in_dim3A_1312 : vector<16x1xi32> to vector<16xi32>
      %gather3A_1314 = tpu.dynamic_gather %add3A_1308[%gather3A_1313] in [0] : vector<16xf32>, vector<16xi32> -> vector<16xf32>
      %broadcast_in_dim3A_1315 = vector.shape_cast %broadcast_in_dim3A_24 : vector<16xi32> to vector<16x1xi32>
      %gather3A_1316 = vector.shape_cast %broadcast_in_dim3A_1315 : vector<16x1xi32> to vector<16xi32>
      %gather3A_1317 = tpu.dynamic_gather %add3A_1308[%gather3A_1316] in [0] : vector<16xf32>, vector<16xi32> -> vector<16xf32>
      %lt3A_1318 = arith.cmpf olt, %gather3A_1311, %broadcast_in_dim3A_5 : vector<16xf32>
      %jit3A_1319 = arith.constant 262144 : i32
      %jit3A_1320 = arith.constant 0 : i32
      %broadcast_in_dim3A_1321 = vector.broadcast %jit3A_1319 : i32 to vector<16xi32>
      %broadcast_in_dim3A_1322 = vector.broadcast %jit3A_1320 : i32 to vector<16xi32>
      %select_n3A_1323 = arith.select %lt3A_1318, %broadcast_in_dim3A_1321, %broadcast_in_dim3A_1322 : vector<16xi1>, vector<16xi32>
      %add3A_1324 = arith.addi %add3A_1140, %select_n3A_1323 : vector<16xi32>
      %lt3A_1325 = arith.cmpf olt, %gather3A_1314, %broadcast_in_dim3A_5 : vector<16xf32>
      %jit3A_1326 = arith.constant 262144 : i32
      %jit3A_1327 = arith.constant 0 : i32
      %broadcast_in_dim3A_1328 = vector.broadcast %jit3A_1326 : i32 to vector<16xi32>
      %broadcast_in_dim3A_1329 = vector.broadcast %jit3A_1327 : i32 to vector<16xi32>
      %select_n3A_1330 = arith.select %lt3A_1325, %broadcast_in_dim3A_1328, %broadcast_in_dim3A_1329 : vector<16xi1>, vector<16xi32>
      %add3A_1331 = arith.addi %add3A_1324, %select_n3A_1330 : vector<16xi32>
      %lt3A_1332 = arith.cmpf olt, %gather3A_1317, %broadcast_in_dim3A_5 : vector<16xf32>
      %jit3A_1333 = arith.constant 262144 : i32
      %jit3A_1334 = arith.constant 0 : i32
      %broadcast_in_dim3A_1335 = vector.broadcast %jit3A_1333 : i32 to vector<16xi32>
      %broadcast_in_dim3A_1336 = vector.broadcast %jit3A_1334 : i32 to vector<16xi32>
      %select_n3A_1337 = arith.select %lt3A_1332, %broadcast_in_dim3A_1335, %broadcast_in_dim3A_1336 : vector<16xi1>, vector<16xi32>
      %add3A_1338 = arith.addi %add3A_1331, %select_n3A_1337 : vector<16xi32>
      %add3A_1339 = arith.constant 65536 : i32
      %add3A_1340 = vector.broadcast %add3A_1339 : i32 to vector<16xi32>
      %add3A_1341 = arith.addi %add3A_1338, %add3A_1340 : vector<16xi32>
      %mul3A_1342 = arith.constant 2 : i32
      %mul3A_1343 = arith.constant 65536 : i32
      %mul3A_1344 = arith.muli %mul3A_1342, %mul3A_1343 : i32
      %add3A_1345 = vector.broadcast %mul3A_1344 : i32 to vector<16xi32>
      %add3A_1346 = arith.addi %add3A_1338, %add3A_1345 : vector<16xi32>
      %mul3A_1347 = arith.constant 3 : i32
      %mul3A_1348 = arith.constant 65536 : i32
      %mul3A_1349 = arith.muli %mul3A_1347, %mul3A_1348 : i32
      %add3A_1350 = vector.broadcast %mul3A_1349 : i32 to vector<16xi32>
      %add3A_1351 = arith.addi %add3A_1338, %add3A_1350 : vector<16xi32>
      %broadcast_in_dim3A_1352 = arith.constant 0.000000e+00 : f32
      %broadcast_in_dim3A_1353 = vector.broadcast %broadcast_in_dim3A_1352 : f32 to vector<16xf32>
      %parallel_loop3A_1354 = arith.constant 0 : i32
      %parallel_loop3A_1355 = arith.constant 64 : i32
      %parallel_loop3A_1356 = arith.constant 1 : i32
      %parallel_loop3A_1357:3 = scf.for %parallel_loop3A_1762 = %parallel_loop3A_1354 to %parallel_loop3A_1355 step %parallel_loop3A_1356 iter_args(%parallel_loop3A_1763 = %broadcast_in_dim3A_1353, %parallel_loop3A_1764 = %broadcast_in_dim3A_1353, %parallel_loop3A_1765 = %broadcast_in_dim3A_1353) -> (vector<16xf32>, vector<16xf32>, vector<16xf32>)  : i32 {
        %parallel_loop3A_1766 = arith.constant 16 : i32
        %parallel_loop3A_1767 = arith.muli %parallel_loop3A_1762, %parallel_loop3A_1766 : i32
        %parallel_loop3A_1768 = arith.index_cast %parallel_loop3A_1767 : i32 to index
        %parallel_loop3A_1769 = tpu.vector_load %arg10[%parallel_loop3A_1768] {strides = array<i32>} : memref<1024xi32, #tpu.memory_space<vmem>>, vector<16xi32>,
        %parallel_loop3A_1770 = vector.shape_cast %parallel_loop3A_1769 : vector<16xi32> to vector<16xi32>
        %parallel_loop3A_1771 = arith.cmpi slt, %parallel_loop3A_1770, %add3A_1341 : vector<16xi32>
        %parallel_loop3A_1772 = arith.constant 1.000000e+00 : f32
        %parallel_loop3A_1773 = arith.constant 0.000000e+00 : f32
        %parallel_loop3A_1774 = vector.broadcast %parallel_loop3A_1772 : f32 to vector<16xf32>
        %parallel_loop3A_1775 = vector.broadcast %parallel_loop3A_1773 : f32 to vector<16xf32>
        %parallel_loop3A_1776 = arith.select %parallel_loop3A_1771, %parallel_loop3A_1774, %parallel_loop3A_1775 : vector<16xi1>, vector<16xf32>
        %parallel_loop3A_1777 = arith.addf %parallel_loop3A_1763, %parallel_loop3A_1776 : vector<16xf32>
        %parallel_loop3A_1778 = arith.cmpi slt, %parallel_loop3A_1770, %add3A_1346 : vector<16xi32>
        %parallel_loop3A_1779 = arith.constant 1.000000e+00 : f32
        %parallel_loop3A_1780 = arith.constant 0.000000e+00 : f32
        %parallel_loop3A_1781 = vector.broadcast %parallel_loop3A_1779 : f32 to vector<16xf32>
        %parallel_loop3A_1782 = vector.broadcast %parallel_loop3A_1780 : f32 to vector<16xf32>
        %parallel_loop3A_1783 = arith.select %parallel_loop3A_1778, %parallel_loop3A_1781, %parallel_loop3A_1782 : vector<16xi1>, vector<16xf32>
        %parallel_loop3A_1784 = arith.addf %parallel_loop3A_1764, %parallel_loop3A_1783 : vector<16xf32>
        %parallel_loop3A_1785 = arith.cmpi slt, %parallel_loop3A_1770, %add3A_1351 : vector<16xi32>
        %parallel_loop3A_1786 = arith.constant 1.000000e+00 : f32
        %parallel_loop3A_1787 = arith.constant 0.000000e+00 : f32
        %parallel_loop3A_1788 = vector.broadcast %parallel_loop3A_1786 : f32 to vector<16xf32>
        %parallel_loop3A_1789 = vector.broadcast %parallel_loop3A_1787 : f32 to vector<16xf32>
        %parallel_loop3A_1790 = arith.select %parallel_loop3A_1785, %parallel_loop3A_1788, %parallel_loop3A_1789 : vector<16xi1>, vector<16xf32>
        %parallel_loop3A_1791 = arith.addf %parallel_loop3A_1765, %parallel_loop3A_1790 : vector<16xf32>
        scf.yield %parallel_loop3A_1777, %parallel_loop3A_1784, %parallel_loop3A_1791 : vector<16xf32>, vector<16xf32>, vector<16xf32>
      } {sc.loop_unroll_factor = 8 : i64, sc.parallel_access}
      %iota3A_1358 = tpu.iota {dimensions = array<i32: 0>} : vector<16xi32>
      %xor3A_1359 = arith.constant 1 : i32
      %xor3A_1360 = vector.broadcast %xor3A_1359 : i32 to vector<16xi32>
      %xor3A_1361 = arith.xori %iota3A_1358, %xor3A_1360 : vector<16xi32>
      %broadcast_in_dim3A_1362 = vector.shape_cast %xor3A_1361 : vector<16xi32> to vector<16x1xi32>
      %gather3A_1363 = vector.shape_cast %broadcast_in_dim3A_1362 : vector<16x1xi32> to vector<16xi32>
      %gather3A_1364 = tpu.dynamic_gather %parallel_loop3A_1357#0[%gather3A_1363] in [0] : vector<16xf32>, vector<16xi32> -> vector<16xf32>
      %add3A_1365 = arith.addf %parallel_loop3A_1357#0, %gather3A_1364 : vector<16xf32>
      %xor3A_1366 = arith.constant 2 : i32
      %xor3A_1367 = vector.broadcast %xor3A_1366 : i32 to vector<16xi32>
      %xor3A_1368 = arith.xori %iota3A_1358, %xor3A_1367 : vector<16xi32>
      %broadcast_in_dim3A_1369 = vector.shape_cast %xor3A_1368 : vector<16xi32> to vector<16x1xi32>
      %gather3A_1370 = vector.shape_cast %broadcast_in_dim3A_1369 : vector<16x1xi32> to vector<16xi32>
      %gather3A_1371 = tpu.dynamic_gather %add3A_1365[%gather3A_1370] in [0] : vector<16xf32>, vector<16xi32> -> vector<16xf32>
      %add3A_1372 = arith.addf %add3A_1365, %gather3A_1371 : vector<16xf32>
      %broadcast_in_dim3A_1373 = vector.shape_cast %mul3A_10 : vector<16xi32> to vector<16x1xi32>
      %gather3A_1374 = vector.shape_cast %broadcast_in_dim3A_1373 : vector<16x1xi32> to vector<16xi32>
      %gather3A_1375 = tpu.dynamic_gather %add3A_1372[%gather3A_1374] in [0] : vector<16xf32>, vector<16xi32> -> vector<16xf32>
      %iota3A_1376 = tpu.iota {dimensions = array<i32: 0>} : vector<16xi32>
      %xor3A_1377 = arith.constant 1 : i32
      %xor3A_1378 = vector.broadcast %xor3A_1377 : i32 to vector<16xi32>
      %xor3A_1379 = arith.xori %iota3A_1376, %xor3A_1378 : vector<16xi32>
      %broadcast_in_dim3A_1380 = vector.shape_cast %xor3A_1379 : vector<16xi32> to vector<16x1xi32>
      %gather3A_1381 = vector.shape_cast %broadcast_in_dim3A_1380 : vector<16x1xi32> to vector<16xi32>
      %gather3A_1382 = tpu.dynamic_gather %parallel_loop3A_1357#1[%gather3A_1381] in [0] : vector<16xf32>, vector<16xi32> -> vector<16xf32>
      %add3A_1383 = arith.addf %parallel_loop3A_1357#1, %gather3A_1382 : vector<16xf32>
      %xor3A_1384 = arith.constant 2 : i32
      %xor3A_1385 = vector.broadcast %xor3A_1384 : i32 to vector<16xi32>
      %xor3A_1386 = arith.xori %iota3A_1376, %xor3A_1385 : vector<16xi32>
      %broadcast_in_dim3A_1387 = vector.shape_cast %xor3A_1386 : vector<16xi32> to vector<16x1xi32>
      %gather3A_1388 = vector.shape_cast %broadcast_in_dim3A_1387 : vector<16x1xi32> to vector<16xi32>
      %gather3A_1389 = tpu.dynamic_gather %add3A_1383[%gather3A_1388] in [0] : vector<16xf32>, vector<16xi32> -> vector<16xf32>
      %add3A_1390 = arith.addf %add3A_1383, %gather3A_1389 : vector<16xf32>
      %broadcast_in_dim3A_1391 = vector.shape_cast %mul3A_10 : vector<16xi32> to vector<16x1xi32>
      %gather3A_1392 = vector.shape_cast %broadcast_in_dim3A_1391 : vector<16x1xi32> to vector<16xi32>
      %gather3A_1393 = tpu.dynamic_gather %add3A_1390[%gather3A_1392] in [0] : vector<16xf32>, vector<16xi32> -> vector<16xf32>
      %iota3A_1394 = tpu.iota {dimensions = array<i32: 0>} : vector<16xi32>
      %xor3A_1395 = arith.constant 1 : i32
      %xor3A_1396 = vector.broadcast %xor3A_1395 : i32 to vector<16xi32>
      %xor3A_1397 = arith.xori %iota3A_1394, %xor3A_1396 : vector<16xi32>
      %broadcast_in_dim3A_1398 = vector.shape_cast %xor3A_1397 : vector<16xi32> to vector<16x1xi32>
      %gather3A_1399 = vector.shape_cast %broadcast_in_dim3A_1398 : vector<16x1xi32> to vector<16xi32>
      %gather3A_1400 = tpu.dynamic_gather %parallel_loop3A_1357#2[%gather3A_1399] in [0] : vector<16xf32>, vector<16xi32> -> vector<16xf32>
      %add3A_1401 = arith.addf %parallel_loop3A_1357#2, %gather3A_1400 : vector<16xf32>
      %xor3A_1402 = arith.constant 2 : i32
      %xor3A_1403 = vector.broadcast %xor3A_1402 : i32 to vector<16xi32>
      %xor3A_1404 = arith.xori %iota3A_1394, %xor3A_1403 : vector<16xi32>
      %broadcast_in_dim3A_1405 = vector.shape_cast %xor3A_1404 : vector<16xi32> to vector<16x1xi32>
      %gather3A_1406 = vector.shape_cast %broadcast_in_dim3A_1405 : vector<16x1xi32> to vector<16xi32>
      %gather3A_1407 = tpu.dynamic_gather %add3A_1401[%gather3A_1406] in [0] : vector<16xf32>, vector<16xi32> -> vector<16xf32>
      %add3A_1408 = arith.addf %add3A_1401, %gather3A_1407 : vector<16xf32>
      %broadcast_in_dim3A_1409 = vector.shape_cast %mul3A_10 : vector<16xi32> to vector<16x1xi32>
      %gather3A_1410 = vector.shape_cast %broadcast_in_dim3A_1409 : vector<16x1xi32> to vector<16xi32>
      %gather3A_1411 = tpu.dynamic_gather %add3A_1408[%gather3A_1410] in [0] : vector<16xf32>, vector<16xi32> -> vector<16xf32>
      %jit3A_1412 = arith.constant 0.000000e+00 : f32
      %broadcast_in_dim3A_1413 = vector.broadcast %jit3A_1412 : f32 to vector<16xf32>
      %select_n3A_1414 = arith.select %lt3A_18, %gather3A_1411, %broadcast_in_dim3A_1413 : vector<16xi1>, vector<16xf32>
      %select_n3A_1415 = arith.select %lt3A_15, %gather3A_1393, %select_n3A_1414 : vector<16xi1>, vector<16xf32>
      %select_n3A_1416 = arith.select %lt3A_12, %gather3A_1375, %select_n3A_1415 : vector<16xi1>, vector<16xf32>
      %swap3A_1417 = arith.constant 0 : index
      %swap3A_1418 = tpu.vector_load %arg11[%swap3A_1417] {strides = array<i32>} : memref<16xf32, #tpu.memory_space<vmem>>, vector<16xf32>,
      %swap3A_1419 = vector.shape_cast %swap3A_1418 : vector<16xf32> to vector<16xf32>
      %swap3A_1420 = vector.shape_cast %select_n3A_1416 : vector<16xf32> to vector<16xf32>
      tpu.vector_store %arg11[%swap3A_1417], %swap3A_1420 {strides = array<i32>} : memref<16xf32, #tpu.memory_space<vmem>>, vector<16xf32>,
      %mul3A_1421 = arith.constant 16 : i32
      %mul3A_1422 = arith.muli %arg1, %mul3A_1421 : i32
      %add3A_1423 = arith.constant 256 : i32
      %add3A_1424 = arith.addi %add3A_1423, %mul3A_1422 : i32
      "tpu.region"() ({
        %run_scoped3A = tpu.sem_alloc : memref<!tpu.dma_semaphore, #tpu.memory_space<semaphore_mem>>
        %dma_start3A = tpu.memref_slice %arg12[%add3A_1424] : memref<512xf32, #tpu.memory_space<vmem_shared>> -> memref<16xf32, #tpu.memory_space<vmem_shared>>
        %dma_start3A_1762 = tpu.memref_slice %arg12[%add3A_1424] : memref<512xf32, #tpu.memory_space<vmem_shared>> -> memref<16xf32, #tpu.memory_space<vmem_shared>>
        tpu.enqueue_dma source(%arg11 : memref<16xf32, #tpu.memory_space<vmem>>) target(%dma_start3A_1762 : memref<16xf32, #tpu.memory_space<vmem_shared>>) target_semaphore(%run_scoped3A : memref<!tpu.dma_semaphore, #tpu.memory_space<semaphore_mem>>)
        %dma_wait3A = tpu.memref_slice %arg12[%add3A_1424] : memref<512xf32, #tpu.memory_space<vmem_shared>> -> memref<16xf32, #tpu.memory_space<vmem_shared>>
        %dma_wait3A_1763 = tpu.memref_slice %arg12[%add3A_1424] : memref<512xf32, #tpu.memory_space<vmem_shared>> -> memref<16xf32, #tpu.memory_space<vmem_shared>>
        tpu.wait_dma2 semaphore(%run_scoped3A : memref<!tpu.dma_semaphore, #tpu.memory_space<semaphore_mem>>) src(%arg11 : memref<16xf32, #tpu.memory_space<vmem>>) dst(%dma_wait3A_1763 : memref<16xf32, #tpu.memory_space<vmem_shared>>)
        tpu.yield
      }) : () -> ()
      %barrier3A_1425 = arith.constant 0 : index
      tpu.barrier barrier_id(%barrier3A_1425)
      "tpu.region"() ({
        %run_scoped3A = tpu.sem_alloc : memref<!tpu.dma_semaphore, #tpu.memory_space<semaphore_mem>>
        %dma_start3A = arith.constant 256 : i32
        %dma_start3A_1762 = tpu.memref_slice %arg12[%dma_start3A] : memref<512xf32, #tpu.memory_space<vmem_shared>> -> memref<256xf32, #tpu.memory_space<vmem_shared>>
        %dma_start3A_1763 = arith.constant 256 : i32
        %dma_start3A_1764 = tpu.memref_slice %arg12[%dma_start3A_1763] : memref<512xf32, #tpu.memory_space<vmem_shared>> -> memref<256xf32, #tpu.memory_space<vmem_shared>>
        tpu.enqueue_dma source(%dma_start3A_1764 : memref<256xf32, #tpu.memory_space<vmem_shared>>) target(%arg15 : memref<256xf32, #tpu.memory_space<vmem>>) target_semaphore(%run_scoped3A : memref<!tpu.dma_semaphore, #tpu.memory_space<semaphore_mem>>)
        %dma_wait3A = arith.constant 256 : i32
        %dma_wait3A_1765 = tpu.memref_slice %arg12[%dma_wait3A] : memref<512xf32, #tpu.memory_space<vmem_shared>> -> memref<256xf32, #tpu.memory_space<vmem_shared>>
        %dma_wait3A_1766 = arith.constant 256 : i32
        %dma_wait3A_1767 = tpu.memref_slice %arg12[%dma_wait3A_1766] : memref<512xf32, #tpu.memory_space<vmem_shared>> -> memref<256xf32, #tpu.memory_space<vmem_shared>>
        tpu.wait_dma2 semaphore(%run_scoped3A : memref<!tpu.dma_semaphore, #tpu.memory_space<semaphore_mem>>) src(%dma_wait3A_1767 : memref<256xf32, #tpu.memory_space<vmem_shared>>) dst(%arg15 : memref<256xf32, #tpu.memory_space<vmem>>)
        tpu.yield
      }) : () -> ()
      %broadcast_in_dim3A_1426 = arith.constant 0.000000e+00 : f32
      %broadcast_in_dim3A_1427 = vector.broadcast %broadcast_in_dim3A_1426 : f32 to vector<16xf32>
      %get3A_1428 = arith.constant 0 : index
      %get3A_1429 = tpu.vector_load %arg15[%get3A_1428] {strides = array<i32>} : memref<256xf32, #tpu.memory_space<vmem>>, vector<16xf32>,
      %get3A_1430 = vector.shape_cast %get3A_1429 : vector<16xf32> to vector<16xf32>
      %add3A_1431 = arith.addf %broadcast_in_dim3A_1427, %get3A_1430 : vector<16xf32>
      %get3A_1432 = arith.constant 16 : index
      %get3A_1433 = tpu.vector_load %arg15[%get3A_1432] {strides = array<i32>} : memref<256xf32, #tpu.memory_space<vmem>>, vector<16xf32>,
      %get3A_1434 = vector.shape_cast %get3A_1433 : vector<16xf32> to vector<16xf32>
      %add3A_1435 = arith.addf %add3A_1431, %get3A_1434 : vector<16xf32>
      %get3A_1436 = arith.constant 32 : index
      %get3A_1437 = tpu.vector_load %arg15[%get3A_1436] {strides = array<i32>} : memref<256xf32, #tpu.memory_space<vmem>>, vector<16xf32>,
      %get3A_1438 = vector.shape_cast %get3A_1437 : vector<16xf32> to vector<16xf32>
      %add3A_1439 = arith.addf %add3A_1435, %get3A_1438 : vector<16xf32>
      %get3A_1440 = arith.constant 48 : index
      %get3A_1441 = tpu.vector_load %arg15[%get3A_1440] {strides = array<i32>} : memref<256xf32, #tpu.memory_space<vmem>>, vector<16xf32>,
      %get3A_1442 = vector.shape_cast %get3A_1441 : vector<16xf32> to vector<16xf32>
      %add3A_1443 = arith.addf %add3A_1439, %get3A_1442 : vector<16xf32>
      %get3A_1444 = arith.constant 64 : index
      %get3A_1445 = tpu.vector_load %arg15[%get3A_1444] {strides = array<i32>} : memref<256xf32, #tpu.memory_space<vmem>>, vector<16xf32>,
      %get3A_1446 = vector.shape_cast %get3A_1445 : vector<16xf32> to vector<16xf32>
      %add3A_1447 = arith.addf %add3A_1443, %get3A_1446 : vector<16xf32>
      %get3A_1448 = arith.constant 80 : index
      %get3A_1449 = tpu.vector_load %arg15[%get3A_1448] {strides = array<i32>} : memref<256xf32, #tpu.memory_space<vmem>>, vector<16xf32>,
      %get3A_1450 = vector.shape_cast %get3A_1449 : vector<16xf32> to vector<16xf32>
      %add3A_1451 = arith.addf %add3A_1447, %get3A_1450 : vector<16xf32>
      %get3A_1452 = arith.constant 96 : index
      %get3A_1453 = tpu.vector_load %arg15[%get3A_1452] {strides = array<i32>} : memref<256xf32, #tpu.memory_space<vmem>>, vector<16xf32>,
      %get3A_1454 = vector.shape_cast %get3A_1453 : vector<16xf32> to vector<16xf32>
      %add3A_1455 = arith.addf %add3A_1451, %get3A_1454 : vector<16xf32>
      %get3A_1456 = arith.constant 112 : index
      %get3A_1457 = tpu.vector_load %arg15[%get3A_1456] {strides = array<i32>} : memref<256xf32, #tpu.memory_space<vmem>>, vector<16xf32>,
      %get3A_1458 = vector.shape_cast %get3A_1457 : vector<16xf32> to vector<16xf32>
      %add3A_1459 = arith.addf %add3A_1455, %get3A_1458 : vector<16xf32>
      %get3A_1460 = arith.constant 128 : index
      %get3A_1461 = tpu.vector_load %arg15[%get3A_1460] {strides = array<i32>} : memref<256xf32, #tpu.memory_space<vmem>>, vector<16xf32>,
      %get3A_1462 = vector.shape_cast %get3A_1461 : vector<16xf32> to vector<16xf32>
      %add3A_1463 = arith.addf %add3A_1459, %get3A_1462 : vector<16xf32>
      %get3A_1464 = arith.constant 144 : index
      %get3A_1465 = tpu.vector_load %arg15[%get3A_1464] {strides = array<i32>} : memref<256xf32, #tpu.memory_space<vmem>>, vector<16xf32>,
      %get3A_1466 = vector.shape_cast %get3A_1465 : vector<16xf32> to vector<16xf32>
      %add3A_1467 = arith.addf %add3A_1463, %get3A_1466 : vector<16xf32>
      %get3A_1468 = arith.constant 160 : index
      %get3A_1469 = tpu.vector_load %arg15[%get3A_1468] {strides = array<i32>} : memref<256xf32, #tpu.memory_space<vmem>>, vector<16xf32>,
      %get3A_1470 = vector.shape_cast %get3A_1469 : vector<16xf32> to vector<16xf32>
      %add3A_1471 = arith.addf %add3A_1467, %get3A_1470 : vector<16xf32>
      %get3A_1472 = arith.constant 176 : index
      %get3A_1473 = tpu.vector_load %arg15[%get3A_1472] {strides = array<i32>} : memref<256xf32, #tpu.memory_space<vmem>>, vector<16xf32>,
      %get3A_1474 = vector.shape_cast %get3A_1473 : vector<16xf32> to vector<16xf32>
      %add3A_1475 = arith.addf %add3A_1471, %get3A_1474 : vector<16xf32>
      %get3A_1476 = arith.constant 192 : index
      %get3A_1477 = tpu.vector_load %arg15[%get3A_1476] {strides = array<i32>} : memref<256xf32, #tpu.memory_space<vmem>>, vector<16xf32>,
      %get3A_1478 = vector.shape_cast %get3A_1477 : vector<16xf32> to vector<16xf32>
      %add3A_1479 = arith.addf %add3A_1475, %get3A_1478 : vector<16xf32>
      %get3A_1480 = arith.constant 208 : index
      %get3A_1481 = tpu.vector_load %arg15[%get3A_1480] {strides = array<i32>} : memref<256xf32, #tpu.memory_space<vmem>>, vector<16xf32>,
      %get3A_1482 = vector.shape_cast %get3A_1481 : vector<16xf32> to vector<16xf32>
      %add3A_1483 = arith.addf %add3A_1479, %get3A_1482 : vector<16xf32>
      %get3A_1484 = arith.constant 224 : index
      %get3A_1485 = tpu.vector_load %arg15[%get3A_1484] {strides = array<i32>} : memref<256xf32, #tpu.memory_space<vmem>>, vector<16xf32>,
      %get3A_1486 = vector.shape_cast %get3A_1485 : vector<16xf32> to vector<16xf32>
      %add3A_1487 = arith.addf %add3A_1483, %get3A_1486 : vector<16xf32>
      %get3A_1488 = arith.constant 240 : index
      %get3A_1489 = tpu.vector_load %arg15[%get3A_1488] {strides = array<i32>} : memref<256xf32, #tpu.memory_space<vmem>>, vector<16xf32>,
      %get3A_1490 = vector.shape_cast %get3A_1489 : vector<16xf32> to vector<16xf32>
      %add3A_1491 = arith.addf %add3A_1487, %get3A_1490 : vector<16xf32>
      %iota3A_1492 = tpu.iota {dimensions = array<i32: 0>} : vector<16xi32>
      %xor3A_1493 = arith.constant 1 : i32
      %xor3A_1494 = vector.broadcast %xor3A_1493 : i32 to vector<16xi32>
      %xor3A_1495 = arith.xori %iota3A_1492, %xor3A_1494 : vector<16xi32>
      %broadcast_in_dim3A_1496 = vector.shape_cast %xor3A_1495 : vector<16xi32> to vector<16x1xi32>
      %gather3A_1497 = vector.shape_cast %broadcast_in_dim3A_1496 : vector<16x1xi32> to vector<16xi32>
      %gather3A_1498 = tpu.dynamic_gather %add3A_1491[%gather3A_1497] in [0] : vector<16xf32>, vector<16xi32> -> vector<16xf32>
      %add3A_1499 = arith.addf %add3A_1491, %gather3A_1498 : vector<16xf32>
      %xor3A_1500 = arith.constant 2 : i32
      %xor3A_1501 = vector.broadcast %xor3A_1500 : i32 to vector<16xi32>
      %xor3A_1502 = arith.xori %iota3A_1492, %xor3A_1501 : vector<16xi32>
      %broadcast_in_dim3A_1503 = vector.shape_cast %xor3A_1502 : vector<16xi32> to vector<16x1xi32>
      %gather3A_1504 = vector.shape_cast %broadcast_in_dim3A_1503 : vector<16x1xi32> to vector<16xi32>
      %gather3A_1505 = tpu.dynamic_gather %add3A_1499[%gather3A_1504] in [0] : vector<16xf32>, vector<16xi32> -> vector<16xf32>
      %add3A_1506 = arith.addf %add3A_1499, %gather3A_1505 : vector<16xf32>
      %broadcast_in_dim3A_1507 = vector.shape_cast %broadcast_in_dim3A_20 : vector<16xi32> to vector<16x1xi32>
      %gather3A_1508 = vector.shape_cast %broadcast_in_dim3A_1507 : vector<16x1xi32> to vector<16xi32>
      %gather3A_1509 = tpu.dynamic_gather %add3A_1506[%gather3A_1508] in [0] : vector<16xf32>, vector<16xi32> -> vector<16xf32>
      %broadcast_in_dim3A_1510 = vector.shape_cast %broadcast_in_dim3A_22 : vector<16xi32> to vector<16x1xi32>
      %gather3A_1511 = vector.shape_cast %broadcast_in_dim3A_1510 : vector<16x1xi32> to vector<16xi32>
      %gather3A_1512 = tpu.dynamic_gather %add3A_1506[%gather3A_1511] in [0] : vector<16xf32>, vector<16xi32> -> vector<16xf32>
      %broadcast_in_dim3A_1513 = vector.shape_cast %broadcast_in_dim3A_24 : vector<16xi32> to vector<16x1xi32>
      %gather3A_1514 = vector.shape_cast %broadcast_in_dim3A_1513 : vector<16x1xi32> to vector<16xi32>
      %gather3A_1515 = tpu.dynamic_gather %add3A_1506[%gather3A_1514] in [0] : vector<16xf32>, vector<16xi32> -> vector<16xf32>
      %lt3A_1516 = arith.cmpf olt, %gather3A_1509, %broadcast_in_dim3A_5 : vector<16xf32>
      %jit3A_1517 = arith.constant 65536 : i32
      %jit3A_1518 = arith.constant 0 : i32
      %broadcast_in_dim3A_1519 = vector.broadcast %jit3A_1517 : i32 to vector<16xi32>
      %broadcast_in_dim3A_1520 = vector.broadcast %jit3A_1518 : i32 to vector<16xi32>
      %select_n3A_1521 = arith.select %lt3A_1516, %broadcast_in_dim3A_1519, %broadcast_in_dim3A_1520 : vector<16xi1>, vector<16xi32>
      %add3A_1522 = arith.addi %add3A_1338, %select_n3A_1521 : vector<16xi32>
      %lt3A_1523 = arith.cmpf olt, %gather3A_1512, %broadcast_in_dim3A_5 : vector<16xf32>
      %jit3A_1524 = arith.constant 65536 : i32
      %jit3A_1525 = arith.constant 0 : i32
      %broadcast_in_dim3A_1526 = vector.broadcast %jit3A_1524 : i32 to vector<16xi32>
      %broadcast_in_dim3A_1527 = vector.broadcast %jit3A_1525 : i32 to vector<16xi32>
      %select_n3A_1528 = arith.select %lt3A_1523, %broadcast_in_dim3A_1526, %broadcast_in_dim3A_1527 : vector<16xi1>, vector<16xi32>
      %add3A_1529 = arith.addi %add3A_1522, %select_n3A_1528 : vector<16xi32>
      %lt3A_1530 = arith.cmpf olt, %gather3A_1515, %broadcast_in_dim3A_5 : vector<16xf32>
      %jit3A_1531 = arith.constant 65536 : i32
      %jit3A_1532 = arith.constant 0 : i32
      %broadcast_in_dim3A_1533 = vector.broadcast %jit3A_1531 : i32 to vector<16xi32>
      %broadcast_in_dim3A_1534 = vector.broadcast %jit3A_1532 : i32 to vector<16xi32>
      %select_n3A_1535 = arith.select %lt3A_1530, %broadcast_in_dim3A_1533, %broadcast_in_dim3A_1534 : vector<16xi1>, vector<16xi32>
      %add3A_1536 = arith.addi %add3A_1529, %select_n3A_1535 : vector<16xi32>
      %add3A_1537 = arith.constant 16384 : i32
      %add3A_1538 = vector.broadcast %add3A_1537 : i32 to vector<16xi32>
      %add3A_1539 = arith.addi %add3A_1536, %add3A_1538 : vector<16xi32>
      %mul3A_1540 = arith.constant 2 : i32
      %mul3A_1541 = arith.constant 16384 : i32
      %mul3A_1542 = arith.muli %mul3A_1540, %mul3A_1541 : i32
      %add3A_1543 = vector.broadcast %mul3A_1542 : i32 to vector<16xi32>
      %add3A_1544 = arith.addi %add3A_1536, %add3A_1543 : vector<16xi32>
      %mul3A_1545 = arith.constant 3 : i32
      %mul3A_1546 = arith.constant 16384 : i32
      %mul3A_1547 = arith.muli %mul3A_1545, %mul3A_1546 : i32
      %add3A_1548 = vector.broadcast %mul3A_1547 : i32 to vector<16xi32>
      %add3A_1549 = arith.addi %add3A_1536, %add3A_1548 : vector<16xi32>
      %broadcast_in_dim3A_1550 = arith.constant 0.000000e+00 : f32
      %broadcast_in_dim3A_1551 = vector.broadcast %broadcast_in_dim3A_1550 : f32 to vector<16xf32>
      %parallel_loop3A_1552 = arith.constant 0 : i32
      %parallel_loop3A_1553 = arith.constant 64 : i32
      %parallel_loop3A_1554 = arith.constant 1 : i32
      %parallel_loop3A_1555:3 = scf.for %parallel_loop3A_1762 = %parallel_loop3A_1552 to %parallel_loop3A_1553 step %parallel_loop3A_1554 iter_args(%parallel_loop3A_1763 = %broadcast_in_dim3A_1551, %parallel_loop3A_1764 = %broadcast_in_dim3A_1551, %parallel_loop3A_1765 = %broadcast_in_dim3A_1551) -> (vector<16xf32>, vector<16xf32>, vector<16xf32>)  : i32 {
        %parallel_loop3A_1766 = arith.constant 16 : i32
        %parallel_loop3A_1767 = arith.muli %parallel_loop3A_1762, %parallel_loop3A_1766 : i32
        %parallel_loop3A_1768 = arith.index_cast %parallel_loop3A_1767 : i32 to index
        %parallel_loop3A_1769 = tpu.vector_load %arg10[%parallel_loop3A_1768] {strides = array<i32>} : memref<1024xi32, #tpu.memory_space<vmem>>, vector<16xi32>,
        %parallel_loop3A_1770 = vector.shape_cast %parallel_loop3A_1769 : vector<16xi32> to vector<16xi32>
        %parallel_loop3A_1771 = arith.cmpi slt, %parallel_loop3A_1770, %add3A_1539 : vector<16xi32>
        %parallel_loop3A_1772 = arith.constant 1.000000e+00 : f32
        %parallel_loop3A_1773 = arith.constant 0.000000e+00 : f32
        %parallel_loop3A_1774 = vector.broadcast %parallel_loop3A_1772 : f32 to vector<16xf32>
        %parallel_loop3A_1775 = vector.broadcast %parallel_loop3A_1773 : f32 to vector<16xf32>
        %parallel_loop3A_1776 = arith.select %parallel_loop3A_1771, %parallel_loop3A_1774, %parallel_loop3A_1775 : vector<16xi1>, vector<16xf32>
        %parallel_loop3A_1777 = arith.addf %parallel_loop3A_1763, %parallel_loop3A_1776 : vector<16xf32>
        %parallel_loop3A_1778 = arith.cmpi slt, %parallel_loop3A_1770, %add3A_1544 : vector<16xi32>
        %parallel_loop3A_1779 = arith.constant 1.000000e+00 : f32
        %parallel_loop3A_1780 = arith.constant 0.000000e+00 : f32
        %parallel_loop3A_1781 = vector.broadcast %parallel_loop3A_1779 : f32 to vector<16xf32>
        %parallel_loop3A_1782 = vector.broadcast %parallel_loop3A_1780 : f32 to vector<16xf32>
        %parallel_loop3A_1783 = arith.select %parallel_loop3A_1778, %parallel_loop3A_1781, %parallel_loop3A_1782 : vector<16xi1>, vector<16xf32>
        %parallel_loop3A_1784 = arith.addf %parallel_loop3A_1764, %parallel_loop3A_1783 : vector<16xf32>
        %parallel_loop3A_1785 = arith.cmpi slt, %parallel_loop3A_1770, %add3A_1549 : vector<16xi32>
        %parallel_loop3A_1786 = arith.constant 1.000000e+00 : f32
        %parallel_loop3A_1787 = arith.constant 0.000000e+00 : f32
        %parallel_loop3A_1788 = vector.broadcast %parallel_loop3A_1786 : f32 to vector<16xf32>
        %parallel_loop3A_1789 = vector.broadcast %parallel_loop3A_1787 : f32 to vector<16xf32>
        %parallel_loop3A_1790 = arith.select %parallel_loop3A_1785, %parallel_loop3A_1788, %parallel_loop3A_1789 : vector<16xi1>, vector<16xf32>
        %parallel_loop3A_1791 = arith.addf %parallel_loop3A_1765, %parallel_loop3A_1790 : vector<16xf32>
        scf.yield %parallel_loop3A_1777, %parallel_loop3A_1784, %parallel_loop3A_1791 : vector<16xf32>, vector<16xf32>, vector<16xf32>
      } {sc.loop_unroll_factor = 8 : i64, sc.parallel_access}
      %iota3A_1556 = tpu.iota {dimensions = array<i32: 0>} : vector<16xi32>
      %xor3A_1557 = arith.constant 1 : i32
      %xor3A_1558 = vector.broadcast %xor3A_1557 : i32 to vector<16xi32>
      %xor3A_1559 = arith.xori %iota3A_1556, %xor3A_1558 : vector<16xi32>
      %broadcast_in_dim3A_1560 = vector.shape_cast %xor3A_1559 : vector<16xi32> to vector<16x1xi32>
      %gather3A_1561 = vector.shape_cast %broadcast_in_dim3A_1560 : vector<16x1xi32> to vector<16xi32>
      %gather3A_1562 = tpu.dynamic_gather %parallel_loop3A_1555#0[%gather3A_1561] in [0] : vector<16xf32>, vector<16xi32> -> vector<16xf32>
      %add3A_1563 = arith.addf %parallel_loop3A_1555#0, %gather3A_1562 : vector<16xf32>
      %xor3A_1564 = arith.constant 2 : i32
      %xor3A_1565 = vector.broadcast %xor3A_1564 : i32 to vector<16xi32>
      %xor3A_1566 = arith.xori %iota3A_1556, %xor3A_1565 : vector<16xi32>
      %broadcast_in_dim3A_1567 = vector.shape_cast %xor3A_1566 : vector<16xi32> to vector<16x1xi32>
      %gather3A_1568 = vector.shape_cast %broadcast_in_dim3A_1567 : vector<16x1xi32> to vector<16xi32>
      %gather3A_1569 = tpu.dynamic_gather %add3A_1563[%gather3A_1568] in [0] : vector<16xf32>, vector<16xi32> -> vector<16xf32>
      %add3A_1570 = arith.addf %add3A_1563, %gather3A_1569 : vector<16xf32>
      %broadcast_in_dim3A_1571 = vector.shape_cast %mul3A_10 : vector<16xi32> to vector<16x1xi32>
      %gather3A_1572 = vector.shape_cast %broadcast_in_dim3A_1571 : vector<16x1xi32> to vector<16xi32>
      %gather3A_1573 = tpu.dynamic_gather %add3A_1570[%gather3A_1572] in [0] : vector<16xf32>, vector<16xi32> -> vector<16xf32>
      %iota3A_1574 = tpu.iota {dimensions = array<i32: 0>} : vector<16xi32>
      %xor3A_1575 = arith.constant 1 : i32
      %xor3A_1576 = vector.broadcast %xor3A_1575 : i32 to vector<16xi32>
      %xor3A_1577 = arith.xori %iota3A_1574, %xor3A_1576 : vector<16xi32>
      %broadcast_in_dim3A_1578 = vector.shape_cast %xor3A_1577 : vector<16xi32> to vector<16x1xi32>
      %gather3A_1579 = vector.shape_cast %broadcast_in_dim3A_1578 : vector<16x1xi32> to vector<16xi32>
      %gather3A_1580 = tpu.dynamic_gather %parallel_loop3A_1555#1[%gather3A_1579] in [0] : vector<16xf32>, vector<16xi32> -> vector<16xf32>
      %add3A_1581 = arith.addf %parallel_loop3A_1555#1, %gather3A_1580 : vector<16xf32>
      %xor3A_1582 = arith.constant 2 : i32
      %xor3A_1583 = vector.broadcast %xor3A_1582 : i32 to vector<16xi32>
      %xor3A_1584 = arith.xori %iota3A_1574, %xor3A_1583 : vector<16xi32>
      %broadcast_in_dim3A_1585 = vector.shape_cast %xor3A_1584 : vector<16xi32> to vector<16x1xi32>
      %gather3A_1586 = vector.shape_cast %broadcast_in_dim3A_1585 : vector<16x1xi32> to vector<16xi32>
      %gather3A_1587 = tpu.dynamic_gather %add3A_1581[%gather3A_1586] in [0] : vector<16xf32>, vector<16xi32> -> vector<16xf32>
      %add3A_1588 = arith.addf %add3A_1581, %gather3A_1587 : vector<16xf32>
      %broadcast_in_dim3A_1589 = vector.shape_cast %mul3A_10 : vector<16xi32> to vector<16x1xi32>
      %gather3A_1590 = vector.shape_cast %broadcast_in_dim3A_1589 : vector<16x1xi32> to vector<16xi32>
      %gather3A_1591 = tpu.dynamic_gather %add3A_1588[%gather3A_1590] in [0] : vector<16xf32>, vector<16xi32> -> vector<16xf32>
      %iota3A_1592 = tpu.iota {dimensions = array<i32: 0>} : vector<16xi32>
      %xor3A_1593 = arith.constant 1 : i32
      %xor3A_1594 = vector.broadcast %xor3A_1593 : i32 to vector<16xi32>
      %xor3A_1595 = arith.xori %iota3A_1592, %xor3A_1594 : vector<16xi32>
      %broadcast_in_dim3A_1596 = vector.shape_cast %xor3A_1595 : vector<16xi32> to vector<16x1xi32>
      %gather3A_1597 = vector.shape_cast %broadcast_in_dim3A_1596 : vector<16x1xi32> to vector<16xi32>
      %gather3A_1598 = tpu.dynamic_gather %parallel_loop3A_1555#2[%gather3A_1597] in [0] : vector<16xf32>, vector<16xi32> -> vector<16xf32>
      %add3A_1599 = arith.addf %parallel_loop3A_1555#2, %gather3A_1598 : vector<16xf32>
      %xor3A_1600 = arith.constant 2 : i32
      %xor3A_1601 = vector.broadcast %xor3A_1600 : i32 to vector<16xi32>
      %xor3A_1602 = arith.xori %iota3A_1592, %xor3A_1601 : vector<16xi32>
      %broadcast_in_dim3A_1603 = vector.shape_cast %xor3A_1602 : vector<16xi32> to vector<16x1xi32>
      %gather3A_1604 = vector.shape_cast %broadcast_in_dim3A_1603 : vector<16x1xi32> to vector<16xi32>
      %gather3A_1605 = tpu.dynamic_gather %add3A_1599[%gather3A_1604] in [0] : vector<16xf32>, vector<16xi32> -> vector<16xf32>
      %add3A_1606 = arith.addf %add3A_1599, %gather3A_1605 : vector<16xf32>
      %broadcast_in_dim3A_1607 = vector.shape_cast %mul3A_10 : vector<16xi32> to vector<16x1xi32>
      %gather3A_1608 = vector.shape_cast %broadcast_in_dim3A_1607 : vector<16x1xi32> to vector<16xi32>
      %gather3A_1609 = tpu.dynamic_gather %add3A_1606[%gather3A_1608] in [0] : vector<16xf32>, vector<16xi32> -> vector<16xf32>
      %jit3A_1610 = arith.constant 0.000000e+00 : f32
      %broadcast_in_dim3A_1611 = vector.broadcast %jit3A_1610 : f32 to vector<16xf32>
      %select_n3A_1612 = arith.select %lt3A_18, %gather3A_1609, %broadcast_in_dim3A_1611 : vector<16xi1>, vector<16xf32>
      %select_n3A_1613 = arith.select %lt3A_15, %gather3A_1591, %select_n3A_1612 : vector<16xi1>, vector<16xf32>
      %select_n3A_1614 = arith.select %lt3A_12, %gather3A_1573, %select_n3A_1613 : vector<16xi1>, vector<16xf32>
      %swap3A_1615 = arith.constant 0 : index
      %swap3A_1616 = tpu.vector_load %arg11[%swap3A_1615] {strides = array<i32>} : memref<16xf32, #tpu.memory_space<vmem>>, vector<16xf32>,
      %swap3A_1617 = vector.shape_cast %swap3A_1616 : vector<16xf32> to vector<16xf32>
      %swap3A_1618 = vector.shape_cast %select_n3A_1614 : vector<16xf32> to vector<16xf32>
      tpu.vector_store %arg11[%swap3A_1615], %swap3A_1618 {strides = array<i32>} : memref<16xf32, #tpu.memory_space<vmem>>, vector<16xf32>,
      %mul3A_1619 = arith.constant 16 : i32
      %mul3A_1620 = arith.muli %arg1, %mul3A_1619 : i32
      %add3A_1621 = arith.constant 0 : i32
      %add3A_1622 = arith.addi %add3A_1621, %mul3A_1620 : i32
      "tpu.region"() ({
        %run_scoped3A = tpu.sem_alloc : memref<!tpu.dma_semaphore, #tpu.memory_space<semaphore_mem>>
        %dma_start3A = tpu.memref_slice %arg12[%add3A_1622] : memref<512xf32, #tpu.memory_space<vmem_shared>> -> memref<16xf32, #tpu.memory_space<vmem_shared>>
        %dma_start3A_1762 = tpu.memref_slice %arg12[%add3A_1622] : memref<512xf32, #tpu.memory_space<vmem_shared>> -> memref<16xf32, #tpu.memory_space<vmem_shared>>
        tpu.enqueue_dma source(%arg11 : memref<16xf32, #tpu.memory_space<vmem>>) target(%dma_start3A_1762 : memref<16xf32, #tpu.memory_space<vmem_shared>>) target_semaphore(%run_scoped3A : memref<!tpu.dma_semaphore, #tpu.memory_space<semaphore_mem>>)
        %dma_wait3A = tpu.memref_slice %arg12[%add3A_1622] : memref<512xf32, #tpu.memory_space<vmem_shared>> -> memref<16xf32, #tpu.memory_space<vmem_shared>>
        %dma_wait3A_1763 = tpu.memref_slice %arg12[%add3A_1622] : memref<512xf32, #tpu.memory_space<vmem_shared>> -> memref<16xf32, #tpu.memory_space<vmem_shared>>
        tpu.wait_dma2 semaphore(%run_scoped3A : memref<!tpu.dma_semaphore, #tpu.memory_space<semaphore_mem>>) src(%arg11 : memref<16xf32, #tpu.memory_space<vmem>>) dst(%dma_wait3A_1763 : memref<16xf32, #tpu.memory_space<vmem_shared>>)
        tpu.yield
      }) : () -> ()
      %barrier3A_1623 = arith.constant 0 : index
      tpu.barrier barrier_id(%barrier3A_1623)
      "tpu.region"() ({
        %run_scoped3A = tpu.sem_alloc : memref<!tpu.dma_semaphore, #tpu.memory_space<semaphore_mem>>
        %dma_start3A = arith.constant 0 : i32
        %dma_start3A_1762 = tpu.memref_slice %arg12[%dma_start3A] : memref<512xf32, #tpu.memory_space<vmem_shared>> -> memref<256xf32, #tpu.memory_space<vmem_shared>>
        %dma_start3A_1763 = arith.constant 0 : i32
        %dma_start3A_1764 = tpu.memref_slice %arg12[%dma_start3A_1763] : memref<512xf32, #tpu.memory_space<vmem_shared>> -> memref<256xf32, #tpu.memory_space<vmem_shared>>
        tpu.enqueue_dma source(%dma_start3A_1764 : memref<256xf32, #tpu.memory_space<vmem_shared>>) target(%arg15 : memref<256xf32, #tpu.memory_space<vmem>>) target_semaphore(%run_scoped3A : memref<!tpu.dma_semaphore, #tpu.memory_space<semaphore_mem>>)
        %dma_wait3A = arith.constant 0 : i32
        %dma_wait3A_1765 = tpu.memref_slice %arg12[%dma_wait3A] : memref<512xf32, #tpu.memory_space<vmem_shared>> -> memref<256xf32, #tpu.memory_space<vmem_shared>>
        %dma_wait3A_1766 = arith.constant 0 : i32
        %dma_wait3A_1767 = tpu.memref_slice %arg12[%dma_wait3A_1766] : memref<512xf32, #tpu.memory_space<vmem_shared>> -> memref<256xf32, #tpu.memory_space<vmem_shared>>
        tpu.wait_dma2 semaphore(%run_scoped3A : memref<!tpu.dma_semaphore, #tpu.memory_space<semaphore_mem>>) src(%dma_wait3A_1767 : memref<256xf32, #tpu.memory_space<vmem_shared>>) dst(%arg15 : memref<256xf32, #tpu.memory_space<vmem>>)
        tpu.yield
      }) : () -> ()
      %broadcast_in_dim3A_1624 = arith.constant 0.000000e+00 : f32
      %broadcast_in_dim3A_1625 = vector.broadcast %broadcast_in_dim3A_1624 : f32 to vector<16xf32>
      %get3A_1626 = arith.constant 0 : index
      %get3A_1627 = tpu.vector_load %arg15[%get3A_1626] {strides = array<i32>} : memref<256xf32, #tpu.memory_space<vmem>>, vector<16xf32>,
      %get3A_1628 = vector.shape_cast %get3A_1627 : vector<16xf32> to vector<16xf32>
      %add3A_1629 = arith.addf %broadcast_in_dim3A_1625, %get3A_1628 : vector<16xf32>
      %get3A_1630 = arith.constant 16 : index
      %get3A_1631 = tpu.vector_load %arg15[%get3A_1630] {strides = array<i32>} : memref<256xf32, #tpu.memory_space<vmem>>, vector<16xf32>,
      %get3A_1632 = vector.shape_cast %get3A_1631 : vector<16xf32> to vector<16xf32>
      %add3A_1633 = arith.addf %add3A_1629, %get3A_1632 : vector<16xf32>
      %get3A_1634 = arith.constant 32 : index
      %get3A_1635 = tpu.vector_load %arg15[%get3A_1634] {strides = array<i32>} : memref<256xf32, #tpu.memory_space<vmem>>, vector<16xf32>,
      %get3A_1636 = vector.shape_cast %get3A_1635 : vector<16xf32> to vector<16xf32>
      %add3A_1637 = arith.addf %add3A_1633, %get3A_1636 : vector<16xf32>
      %get3A_1638 = arith.constant 48 : index
      %get3A_1639 = tpu.vector_load %arg15[%get3A_1638] {strides = array<i32>} : memref<256xf32, #tpu.memory_space<vmem>>, vector<16xf32>,
      %get3A_1640 = vector.shape_cast %get3A_1639 : vector<16xf32> to vector<16xf32>
      %add3A_1641 = arith.addf %add3A_1637, %get3A_1640 : vector<16xf32>
      %get3A_1642 = arith.constant 64 : index
      %get3A_1643 = tpu.vector_load %arg15[%get3A_1642] {strides = array<i32>} : memref<256xf32, #tpu.memory_space<vmem>>, vector<16xf32>,
      %get3A_1644 = vector.shape_cast %get3A_1643 : vector<16xf32> to vector<16xf32>
      %add3A_1645 = arith.addf %add3A_1641, %get3A_1644 : vector<16xf32>
      %get3A_1646 = arith.constant 80 : index
      %get3A_1647 = tpu.vector_load %arg15[%get3A_1646] {strides = array<i32>} : memref<256xf32, #tpu.memory_space<vmem>>, vector<16xf32>,
      %get3A_1648 = vector.shape_cast %get3A_1647 : vector<16xf32> to vector<16xf32>
      %add3A_1649 = arith.addf %add3A_1645, %get3A_1648 : vector<16xf32>
      %get3A_1650 = arith.constant 96 : index
      %get3A_1651 = tpu.vector_load %arg15[%get3A_1650] {strides = array<i32>} : memref<256xf32, #tpu.memory_space<vmem>>, vector<16xf32>,
      %get3A_1652 = vector.shape_cast %get3A_1651 : vector<16xf32> to vector<16xf32>
      %add3A_1653 = arith.addf %add3A_1649, %get3A_1652 : vector<16xf32>
      %get3A_1654 = arith.constant 112 : index
      %get3A_1655 = tpu.vector_load %arg15[%get3A_1654] {strides = array<i32>} : memref<256xf32, #tpu.memory_space<vmem>>, vector<16xf32>,
      %get3A_1656 = vector.shape_cast %get3A_1655 : vector<16xf32> to vector<16xf32>
      %add3A_1657 = arith.addf %add3A_1653, %get3A_1656 : vector<16xf32>
      %get3A_1658 = arith.constant 128 : index
      %get3A_1659 = tpu.vector_load %arg15[%get3A_1658] {strides = array<i32>} : memref<256xf32, #tpu.memory_space<vmem>>, vector<16xf32>,
      %get3A_1660 = vector.shape_cast %get3A_1659 : vector<16xf32> to vector<16xf32>
      %add3A_1661 = arith.addf %add3A_1657, %get3A_1660 : vector<16xf32>
      %get3A_1662 = arith.constant 144 : index
      %get3A_1663 = tpu.vector_load %arg15[%get3A_1662] {strides = array<i32>} : memref<256xf32, #tpu.memory_space<vmem>>, vector<16xf32>,
      %get3A_1664 = vector.shape_cast %get3A_1663 : vector<16xf32> to vector<16xf32>
      %add3A_1665 = arith.addf %add3A_1661, %get3A_1664 : vector<16xf32>
      %get3A_1666 = arith.constant 160 : index
      %get3A_1667 = tpu.vector_load %arg15[%get3A_1666] {strides = array<i32>} : memref<256xf32, #tpu.memory_space<vmem>>, vector<16xf32>,
      %get3A_1668 = vector.shape_cast %get3A_1667 : vector<16xf32> to vector<16xf32>
      %add3A_1669 = arith.addf %add3A_1665, %get3A_1668 : vector<16xf32>
      %get3A_1670 = arith.constant 176 : index
      %get3A_1671 = tpu.vector_load %arg15[%get3A_1670] {strides = array<i32>} : memref<256xf32, #tpu.memory_space<vmem>>, vector<16xf32>,
      %get3A_1672 = vector.shape_cast %get3A_1671 : vector<16xf32> to vector<16xf32>
      %add3A_1673 = arith.addf %add3A_1669, %get3A_1672 : vector<16xf32>
      %get3A_1674 = arith.constant 192 : index
      %get3A_1675 = tpu.vector_load %arg15[%get3A_1674] {strides = array<i32>} : memref<256xf32, #tpu.memory_space<vmem>>, vector<16xf32>,
      %get3A_1676 = vector.shape_cast %get3A_1675 : vector<16xf32> to vector<16xf32>
      %add3A_1677 = arith.addf %add3A_1673, %get3A_1676 : vector<16xf32>
      %get3A_1678 = arith.constant 208 : index
      %get3A_1679 = tpu.vector_load %arg15[%get3A_1678] {strides = array<i32>} : memref<256xf32, #tpu.memory_space<vmem>>, vector<16xf32>,
      %get3A_1680 = vector.shape_cast %get3A_1679 : vector<16xf32> to vector<16xf32>
      %add3A_1681 = arith.addf %add3A_1677, %get3A_1680 : vector<16xf32>
      %get3A_1682 = arith.constant 224 : index
      %get3A_1683 = tpu.vector_load %arg15[%get3A_1682] {strides = array<i32>} : memref<256xf32, #tpu.memory_space<vmem>>, vector<16xf32>,
      %get3A_1684 = vector.shape_cast %get3A_1683 : vector<16xf32> to vector<16xf32>
      %add3A_1685 = arith.addf %add3A_1681, %get3A_1684 : vector<16xf32>
      %get3A_1686 = arith.constant 240 : index
      %get3A_1687 = tpu.vector_load %arg15[%get3A_1686] {strides = array<i32>} : memref<256xf32, #tpu.memory_space<vmem>>, vector<16xf32>,
      %get3A_1688 = vector.shape_cast %get3A_1687 : vector<16xf32> to vector<16xf32>
      %add3A_1689 = arith.addf %add3A_1685, %get3A_1688 : vector<16xf32>
      %iota3A_1690 = tpu.iota {dimensions = array<i32: 0>} : vector<16xi32>
      %xor3A_1691 = arith.constant 1 : i32
      %xor3A_1692 = vector.broadcast %xor3A_1691 : i32 to vector<16xi32>
      %xor3A_1693 = arith.xori %iota3A_1690, %xor3A_1692 : vector<16xi32>
      %broadcast_in_dim3A_1694 = vector.shape_cast %xor3A_1693 : vector<16xi32> to vector<16x1xi32>
      %gather3A_1695 = vector.shape_cast %broadcast_in_dim3A_1694 : vector<16x1xi32> to vector<16xi32>
      %gather3A_1696 = tpu.dynamic_gather %add3A_1689[%gather3A_1695] in [0] : vector<16xf32>, vector<16xi32> -> vector<16xf32>
      %add3A_1697 = arith.addf %add3A_1689, %gather3A_1696 : vector<16xf32>
      %xor3A_1698 = arith.constant 2 : i32
      %xor3A_1699 = vector.broadcast %xor3A_1698 : i32 to vector<16xi32>
      %xor3A_1700 = arith.xori %iota3A_1690, %xor3A_1699 : vector<16xi32>
      %broadcast_in_dim3A_1701 = vector.shape_cast %xor3A_1700 : vector<16xi32> to vector<16x1xi32>
      %gather3A_1702 = vector.shape_cast %broadcast_in_dim3A_1701 : vector<16x1xi32> to vector<16xi32>
      %gather3A_1703 = tpu.dynamic_gather %add3A_1697[%gather3A_1702] in [0] : vector<16xf32>, vector<16xi32> -> vector<16xf32>
      %add3A_1704 = arith.addf %add3A_1697, %gather3A_1703 : vector<16xf32>
      %broadcast_in_dim3A_1705 = vector.shape_cast %broadcast_in_dim3A_20 : vector<16xi32> to vector<16x1xi32>
      %gather3A_1706 = vector.shape_cast %broadcast_in_dim3A_1705 : vector<16x1xi32> to vector<16xi32>
      %gather3A_1707 = tpu.dynamic_gather %add3A_1704[%gather3A_1706] in [0] : vector<16xf32>, vector<16xi32> -> vector<16xf32>
      %broadcast_in_dim3A_1708 = vector.shape_cast %broadcast_in_dim3A_22 : vector<16xi32> to vector<16x1xi32>
      %gather3A_1709 = vector.shape_cast %broadcast_in_dim3A_1708 : vector<16x1xi32> to vector<16xi32>
      %gather3A_1710 = tpu.dynamic_gather %add3A_1704[%gather3A_1709] in [0] : vector<16xf32>, vector<16xi32> -> vector<16xf32>
      %broadcast_in_dim3A_1711 = vector.shape_cast %broadcast_in_dim3A_24 : vector<16xi32> to vector<16x1xi32>
      %gather3A_1712 = vector.shape_cast %broadcast_in_dim3A_1711 : vector<16x1xi32> to vector<16xi32>
      %gather3A_1713 = tpu.dynamic_gather %add3A_1704[%gather3A_1712] in [0] : vector<16xf32>, vector<16xi32> -> vector<16xf32>
      %lt3A_1714 = arith.cmpf olt, %gather3A_1707, %broadcast_in_dim3A_5 : vector<16xf32>
      %jit3A_1715 = arith.constant 16384 : i32
      %jit3A_1716 = arith.constant 0 : i32
      %broadcast_in_dim3A_1717 = vector.broadcast %jit3A_1715 : i32 to vector<16xi32>
      %broadcast_in_dim3A_1718 = vector.broadcast %jit3A_1716 : i32 to vector<16xi32>
      %select_n3A_1719 = arith.select %lt3A_1714, %broadcast_in_dim3A_1717, %broadcast_in_dim3A_1718 : vector<16xi1>, vector<16xi32>
      %add3A_1720 = arith.addi %add3A_1536, %select_n3A_1719 : vector<16xi32>
      %lt3A_1721 = arith.cmpf olt, %gather3A_1710, %broadcast_in_dim3A_5 : vector<16xf32>
      %jit3A_1722 = arith.constant 16384 : i32
      %jit3A_1723 = arith.constant 0 : i32
      %broadcast_in_dim3A_1724 = vector.broadcast %jit3A_1722 : i32 to vector<16xi32>
      %broadcast_in_dim3A_1725 = vector.broadcast %jit3A_1723 : i32 to vector<16xi32>
      %select_n3A_1726 = arith.select %lt3A_1721, %broadcast_in_dim3A_1724, %broadcast_in_dim3A_1725 : vector<16xi1>, vector<16xi32>
      %add3A_1727 = arith.addi %add3A_1720, %select_n3A_1726 : vector<16xi32>
      %lt3A_1728 = arith.cmpf olt, %gather3A_1713, %broadcast_in_dim3A_5 : vector<16xf32>
      %jit3A_1729 = arith.constant 16384 : i32
      %jit3A_1730 = arith.constant 0 : i32
      %broadcast_in_dim3A_1731 = vector.broadcast %jit3A_1729 : i32 to vector<16xi32>
      %broadcast_in_dim3A_1732 = vector.broadcast %jit3A_1730 : i32 to vector<16xi32>
      %select_n3A_1733 = arith.select %lt3A_1728, %broadcast_in_dim3A_1731, %broadcast_in_dim3A_1732 : vector<16xi1>, vector<16xi32>
      %add3A_1734 = arith.addi %add3A_1727, %select_n3A_1733 : vector<16xi32>
      %add3A_1735 = arith.constant 16384 : i32
      %add3A_1736 = vector.broadcast %add3A_1735 : i32 to vector<16xi32>
      %add3A_1737 = arith.addi %add3A_1734, %add3A_1736 : vector<16xi32>
      %broadcast_in_dim3A_1738 = arith.constant 0.000000e+00 : f32
      %broadcast_in_dim3A_1739 = vector.broadcast %broadcast_in_dim3A_1738 : f32 to vector<16xf32>
      %parallel_loop3A_1740 = arith.constant 0 : i32
      %parallel_loop3A_1741 = arith.constant 64 : i32
      %parallel_loop3A_1742 = arith.constant 1 : i32
      %parallel_loop3A_1743:3 = scf.for %parallel_loop3A_1762 = %parallel_loop3A_1740 to %parallel_loop3A_1741 step %parallel_loop3A_1742 iter_args(%parallel_loop3A_1763 = %broadcast_in_dim3A_1739, %parallel_loop3A_1764 = %broadcast_in_dim3A_1739, %parallel_loop3A_1765 = %broadcast_in_dim3A_1739) -> (vector<16xf32>, vector<16xf32>, vector<16xf32>)  : i32 {
        %parallel_loop3A_1766 = arith.constant 16 : i32
        %parallel_loop3A_1767 = arith.muli %parallel_loop3A_1762, %parallel_loop3A_1766 : i32
        %parallel_loop3A_1768 = arith.index_cast %parallel_loop3A_1767 : i32 to index
        %parallel_loop3A_1769 = tpu.vector_load %arg10[%parallel_loop3A_1768] {strides = array<i32>} : memref<1024xi32, #tpu.memory_space<vmem>>, vector<16xi32>,
        %parallel_loop3A_1770 = vector.shape_cast %parallel_loop3A_1769 : vector<16xi32> to vector<16xi32>
        %parallel_loop3A_1771 = arith.index_cast %parallel_loop3A_1767 : i32 to index
        %parallel_loop3A_1772 = tpu.vector_load %arg7[%parallel_loop3A_1771] {strides = array<i32>} : memref<1024xf32, #tpu.memory_space<vmem>>, vector<16xf32>,
        %parallel_loop3A_1773 = vector.shape_cast %parallel_loop3A_1772 : vector<16xf32> to vector<16xf32>
        %parallel_loop3A_1774 = arith.cmpi slt, %parallel_loop3A_1770, %add3A_1737 : vector<16xi32>
        %parallel_loop3A_1775 = arith.constant 0.000000e+00 : f32
        %parallel_loop3A_1776 = vector.broadcast %parallel_loop3A_1775 : f32 to vector<16xf32>
        %parallel_loop3A_1777 = arith.select %parallel_loop3A_1774, %parallel_loop3A_1773, %parallel_loop3A_1776 : vector<16xi1>, vector<16xf32>
        %parallel_loop3A_1778 = arith.addf %parallel_loop3A_1763, %parallel_loop3A_1777 : vector<16xf32>
        %parallel_loop3A_1779 = arith.constant 1.000000e+00 : f32
        %parallel_loop3A_1780 = arith.constant 0.000000e+00 : f32
        %parallel_loop3A_1781 = vector.broadcast %parallel_loop3A_1779 : f32 to vector<16xf32>
        %parallel_loop3A_1782 = vector.broadcast %parallel_loop3A_1780 : f32 to vector<16xf32>
        %parallel_loop3A_1783 = arith.select %parallel_loop3A_1774, %parallel_loop3A_1781, %parallel_loop3A_1782 : vector<16xi1>, vector<16xf32>
        %parallel_loop3A_1784 = arith.addf %parallel_loop3A_1764, %parallel_loop3A_1783 : vector<16xf32>
        %parallel_loop3A_1785 = arith.cmpi sle, %parallel_loop3A_1770, %add3A_1737 : vector<16xi32>
        %parallel_loop3A_1786 = arith.constant 0.000000e+00 : f32
        %parallel_loop3A_1787 = vector.broadcast %parallel_loop3A_1786 : f32 to vector<16xf32>
        %parallel_loop3A_1788 = arith.select %parallel_loop3A_1785, %parallel_loop3A_1773, %parallel_loop3A_1787 : vector<16xi1>, vector<16xf32>
        %parallel_loop3A_1789 = arith.maximumf %parallel_loop3A_1765, %parallel_loop3A_1788 : vector<16xf32>
        scf.yield %parallel_loop3A_1778, %parallel_loop3A_1784, %parallel_loop3A_1789 : vector<16xf32>, vector<16xf32>, vector<16xf32>
      } {sc.loop_unroll_factor = 8 : i64, sc.parallel_access}
      %swap3A_1744 = arith.constant 0 : index
      %swap3A_1745 = tpu.vector_load %arg11[%swap3A_1744] {strides = array<i32>} : memref<16xf32, #tpu.memory_space<vmem>>, vector<16xf32>,
      %swap3A_1746 = vector.shape_cast %swap3A_1745 : vector<16xf32> to vector<16xf32>
      %swap3A_1747 = vector.shape_cast %parallel_loop3A_1743#0 : vector<16xf32> to vector<16xf32>
      tpu.vector_store %arg11[%swap3A_1744], %swap3A_1747 {strides = array<i32>} : memref<16xf32, #tpu.memory_space<vmem>>, vector<16xf32>,
      "tpu.region"() ({
        %run_scoped3A = tpu.sem_alloc : memref<!tpu.dma_semaphore, #tpu.memory_space<semaphore_mem>>
        %dma_start3A = tpu.memref_slice %arg13[%mul3A_28] : memref<256xf32, #tpu.memory_space<vmem_shared>> -> memref<16xf32, #tpu.memory_space<vmem_shared>>
        %dma_start3A_1762 = tpu.memref_slice %arg13[%mul3A_28] : memref<256xf32, #tpu.memory_space<vmem_shared>> -> memref<16xf32, #tpu.memory_space<vmem_shared>>
        tpu.enqueue_dma source(%arg11 : memref<16xf32, #tpu.memory_space<vmem>>) target(%dma_start3A_1762 : memref<16xf32, #tpu.memory_space<vmem_shared>>) target_semaphore(%run_scoped3A : memref<!tpu.dma_semaphore, #tpu.memory_space<semaphore_mem>>)
        %dma_wait3A = tpu.memref_slice %arg13[%mul3A_28] : memref<256xf32, #tpu.memory_space<vmem_shared>> -> memref<16xf32, #tpu.memory_space<vmem_shared>>
        %dma_wait3A_1763 = tpu.memref_slice %arg13[%mul3A_28] : memref<256xf32, #tpu.memory_space<vmem_shared>> -> memref<16xf32, #tpu.memory_space<vmem_shared>>
        tpu.wait_dma2 semaphore(%run_scoped3A : memref<!tpu.dma_semaphore, #tpu.memory_space<semaphore_mem>>) src(%arg11 : memref<16xf32, #tpu.memory_space<vmem>>) dst(%dma_wait3A_1763 : memref<16xf32, #tpu.memory_space<vmem_shared>>)
        tpu.yield
      }) : () -> ()
      %swap3A_1748 = arith.constant 0 : index
      %swap3A_1749 = tpu.vector_load %arg11[%swap3A_1748] {strides = array<i32>} : memref<16xf32, #tpu.memory_space<vmem>>, vector<16xf32>,
      %swap3A_1750 = vector.shape_cast %swap3A_1749 : vector<16xf32> to vector<16xf32>
      %swap3A_1751 = vector.shape_cast %parallel_loop3A_1743#1 : vector<16xf32> to vector<16xf32>
      tpu.vector_store %arg11[%swap3A_1748], %swap3A_1751 {strides = array<i32>} : memref<16xf32, #tpu.memory_space<vmem>>, vector<16xf32>,
      "tpu.region"() ({
        %run_scoped3A = tpu.sem_alloc : memref<!tpu.dma_semaphore, #tpu.memory_space<semaphore_mem>>
        %dma_start3A = tpu.memref_slice %arg14[%mul3A_28] : memref<256xf32, #tpu.memory_space<vmem_shared>> -> memref<16xf32, #tpu.memory_space<vmem_shared>>
        %dma_start3A_1762 = tpu.memref_slice %arg14[%mul3A_28] : memref<256xf32, #tpu.memory_space<vmem_shared>> -> memref<16xf32, #tpu.memory_space<vmem_shared>>
        tpu.enqueue_dma source(%arg11 : memref<16xf32, #tpu.memory_space<vmem>>) target(%dma_start3A_1762 : memref<16xf32, #tpu.memory_space<vmem_shared>>) target_semaphore(%run_scoped3A : memref<!tpu.dma_semaphore, #tpu.memory_space<semaphore_mem>>)
        %dma_wait3A = tpu.memref_slice %arg14[%mul3A_28] : memref<256xf32, #tpu.memory_space<vmem_shared>> -> memref<16xf32, #tpu.memory_space<vmem_shared>>
        %dma_wait3A_1763 = tpu.memref_slice %arg14[%mul3A_28] : memref<256xf32, #tpu.memory_space<vmem_shared>> -> memref<16xf32, #tpu.memory_space<vmem_shared>>
        tpu.wait_dma2 semaphore(%run_scoped3A : memref<!tpu.dma_semaphore, #tpu.memory_space<semaphore_mem>>) src(%arg11 : memref<16xf32, #tpu.memory_space<vmem>>) dst(%dma_wait3A_1763 : memref<16xf32, #tpu.memory_space<vmem_shared>>)
        tpu.yield
      }) : () -> ()
      %swap3A_1752 = arith.constant 0 : index
      %swap3A_1753 = tpu.vector_load %arg11[%swap3A_1752] {strides = array<i32>} : memref<16xf32, #tpu.memory_space<vmem>>, vector<16xf32>,
      %swap3A_1754 = vector.shape_cast %swap3A_1753 : vector<16xf32> to vector<16xf32>
      %swap3A_1755 = vector.shape_cast %parallel_loop3A_1743#2 : vector<16xf32> to vector<16xf32>
      tpu.vector_store %arg11[%swap3A_1752], %swap3A_1755 {strides = array<i32>} : memref<16xf32, #tpu.memory_space<vmem>>, vector<16xf32>,
      "tpu.region"() ({
        %run_scoped3A = tpu.sem_alloc : memref<!tpu.dma_semaphore, #tpu.memory_space<semaphore_mem>>
        %dma_start3A = tpu.memref_slice %arg12[%mul3A_28] : memref<512xf32, #tpu.memory_space<vmem_shared>> -> memref<16xf32, #tpu.memory_space<vmem_shared>>
        %dma_start3A_1762 = tpu.memref_slice %arg12[%mul3A_28] : memref<512xf32, #tpu.memory_space<vmem_shared>> -> memref<16xf32, #tpu.memory_space<vmem_shared>>
        tpu.enqueue_dma source(%arg11 : memref<16xf32, #tpu.memory_space<vmem>>) target(%dma_start3A_1762 : memref<16xf32, #tpu.memory_space<vmem_shared>>) target_semaphore(%run_scoped3A : memref<!tpu.dma_semaphore, #tpu.memory_space<semaphore_mem>>)
        %dma_wait3A = tpu.memref_slice %arg12[%mul3A_28] : memref<512xf32, #tpu.memory_space<vmem_shared>> -> memref<16xf32, #tpu.memory_space<vmem_shared>>
        %dma_wait3A_1763 = tpu.memref_slice %arg12[%mul3A_28] : memref<512xf32, #tpu.memory_space<vmem_shared>> -> memref<16xf32, #tpu.memory_space<vmem_shared>>
        tpu.wait_dma2 semaphore(%run_scoped3A : memref<!tpu.dma_semaphore, #tpu.memory_space<semaphore_mem>>) src(%arg11 : memref<16xf32, #tpu.memory_space<vmem>>) dst(%dma_wait3A_1763 : memref<16xf32, #tpu.memory_space<vmem_shared>>)
        tpu.yield
      }) : () -> ()
      %barrier3A_1756 = arith.constant 0 : index
      tpu.barrier barrier_id(%barrier3A_1756)
      %eq3A_1757 = arith.constant 0 : i32
      %eq3A_1758 = arith.cmpi eq, %arg1, %eq3A_1757 : i32
      %convert_element_type3A_1759 = arith.extui %eq3A_1758 : i1 to i32
      %cond3A_1760 = arith.constant 0 : i32
      %cond3A_1761 = arith.cmpi ne, %convert_element_type3A_1759, %cond3A_1760 : i32
      scf.if %cond3A_1761 {
        "tpu.region"() ({
          %run_scoped3A = tpu.sem_alloc : memref<!tpu.dma_semaphore, #tpu.memory_space<semaphore_mem>>
          %dma_start3A = arith.constant 0 : i32
          %dma_start3A_2054 = tpu.memref_slice %arg13[%dma_start3A] : memref<256xf32, #tpu.memory_space<vmem_shared>> -> memref<256xf32, #tpu.memory_space<vmem_shared>>
          %dma_start3A_2055 = arith.constant 0 : i32
          %dma_start3A_2056 = tpu.memref_slice %arg13[%dma_start3A_2055] : memref<256xf32, #tpu.memory_space<vmem_shared>> -> memref<256xf32, #tpu.memory_space<vmem_shared>>
          tpu.enqueue_dma source(%dma_start3A_2056 : memref<256xf32, #tpu.memory_space<vmem_shared>>) target(%arg15 : memref<256xf32, #tpu.memory_space<vmem>>) target_semaphore(%run_scoped3A : memref<!tpu.dma_semaphore, #tpu.memory_space<semaphore_mem>>)
          %dma_wait3A = arith.constant 0 : i32
          %dma_wait3A_2057 = tpu.memref_slice %arg13[%dma_wait3A] : memref<256xf32, #tpu.memory_space<vmem_shared>> -> memref<256xf32, #tpu.memory_space<vmem_shared>>
          %dma_wait3A_2058 = arith.constant 0 : i32
          %dma_wait3A_2059 = tpu.memref_slice %arg13[%dma_wait3A_2058] : memref<256xf32, #tpu.memory_space<vmem_shared>> -> memref<256xf32, #tpu.memory_space<vmem_shared>>
          tpu.wait_dma2 semaphore(%run_scoped3A : memref<!tpu.dma_semaphore, #tpu.memory_space<semaphore_mem>>) src(%dma_wait3A_2059 : memref<256xf32, #tpu.memory_space<vmem_shared>>) dst(%arg15 : memref<256xf32, #tpu.memory_space<vmem>>)
          tpu.yield
        }) : () -> ()
        "tpu.region"() ({
          %run_scoped3A = tpu.sem_alloc : memref<!tpu.dma_semaphore, #tpu.memory_space<semaphore_mem>>
          %dma_start3A = arith.constant 0 : i32
          %dma_start3A_2054 = tpu.memref_slice %arg14[%dma_start3A] : memref<256xf32, #tpu.memory_space<vmem_shared>> -> memref<256xf32, #tpu.memory_space<vmem_shared>>
          %dma_start3A_2055 = arith.constant 0 : i32
          %dma_start3A_2056 = tpu.memref_slice %arg14[%dma_start3A_2055] : memref<256xf32, #tpu.memory_space<vmem_shared>> -> memref<256xf32, #tpu.memory_space<vmem_shared>>
          tpu.enqueue_dma source(%dma_start3A_2056 : memref<256xf32, #tpu.memory_space<vmem_shared>>) target(%arg16 : memref<256xf32, #tpu.memory_space<vmem>>) target_semaphore(%run_scoped3A : memref<!tpu.dma_semaphore, #tpu.memory_space<semaphore_mem>>)
          %dma_wait3A = arith.constant 0 : i32
          %dma_wait3A_2057 = tpu.memref_slice %arg14[%dma_wait3A] : memref<256xf32, #tpu.memory_space<vmem_shared>> -> memref<256xf32, #tpu.memory_space<vmem_shared>>
          %dma_wait3A_2058 = arith.constant 0 : i32
          %dma_wait3A_2059 = tpu.memref_slice %arg14[%dma_wait3A_2058] : memref<256xf32, #tpu.memory_space<vmem_shared>> -> memref<256xf32, #tpu.memory_space<vmem_shared>>
          tpu.wait_dma2 semaphore(%run_scoped3A : memref<!tpu.dma_semaphore, #tpu.memory_space<semaphore_mem>>) src(%dma_wait3A_2059 : memref<256xf32, #tpu.memory_space<vmem_shared>>) dst(%arg16 : memref<256xf32, #tpu.memory_space<vmem>>)
          tpu.yield
        }) : () -> ()
        "tpu.region"() ({
          %run_scoped3A = tpu.sem_alloc : memref<!tpu.dma_semaphore, #tpu.memory_space<semaphore_mem>>
          %dma_start3A = arith.constant 0 : i32
          %dma_start3A_2054 = tpu.memref_slice %arg12[%dma_start3A] : memref<512xf32, #tpu.memory_space<vmem_shared>> -> memref<256xf32, #tpu.memory_space<vmem_shared>>
          %dma_start3A_2055 = arith.constant 0 : i32
          %dma_start3A_2056 = tpu.memref_slice %arg12[%dma_start3A_2055] : memref<512xf32, #tpu.memory_space<vmem_shared>> -> memref<256xf32, #tpu.memory_space<vmem_shared>>
          tpu.enqueue_dma source(%dma_start3A_2056 : memref<256xf32, #tpu.memory_space<vmem_shared>>) target(%arg17 : memref<256xf32, #tpu.memory_space<vmem>>) target_semaphore(%run_scoped3A : memref<!tpu.dma_semaphore, #tpu.memory_space<semaphore_mem>>)
          %dma_wait3A = arith.constant 0 : i32
          %dma_wait3A_2057 = tpu.memref_slice %arg12[%dma_wait3A] : memref<512xf32, #tpu.memory_space<vmem_shared>> -> memref<256xf32, #tpu.memory_space<vmem_shared>>
          %dma_wait3A_2058 = arith.constant 0 : i32
          %dma_wait3A_2059 = tpu.memref_slice %arg12[%dma_wait3A_2058] : memref<512xf32, #tpu.memory_space<vmem_shared>> -> memref<256xf32, #tpu.memory_space<vmem_shared>>
          tpu.wait_dma2 semaphore(%run_scoped3A : memref<!tpu.dma_semaphore, #tpu.memory_space<semaphore_mem>>) src(%dma_wait3A_2059 : memref<256xf32, #tpu.memory_space<vmem_shared>>) dst(%arg17 : memref<256xf32, #tpu.memory_space<vmem>>)
          tpu.yield
        }) : () -> ()
        %broadcast_in_dim3A_1762 = arith.constant 0.000000e+00 : f32
        %broadcast_in_dim3A_1763 = vector.broadcast %broadcast_in_dim3A_1762 : f32 to vector<16xf32>
        %broadcast_in_dim3A_1764 = arith.constant 0.000000e+00 : f32
        %broadcast_in_dim3A_1765 = vector.broadcast %broadcast_in_dim3A_1764 : f32 to vector<16xf32>
        %broadcast_in_dim3A_1766 = arith.constant 0.000000e+00 : f32
        %broadcast_in_dim3A_1767 = vector.broadcast %broadcast_in_dim3A_1766 : f32 to vector<16xf32>
        %get3A_1768 = arith.constant 0 : index
        %get3A_1769 = tpu.vector_load %arg15[%get3A_1768] {strides = array<i32>} : memref<256xf32, #tpu.memory_space<vmem>>, vector<16xf32>,
        %get3A_1770 = vector.shape_cast %get3A_1769 : vector<16xf32> to vector<16xf32>
        %add3A_1771 = arith.addf %broadcast_in_dim3A_1763, %get3A_1770 : vector<16xf32>
        %get3A_1772 = arith.constant 0 : index
        %get3A_1773 = tpu.vector_load %arg16[%get3A_1772] {strides = array<i32>} : memref<256xf32, #tpu.memory_space<vmem>>, vector<16xf32>,
        %get3A_1774 = vector.shape_cast %get3A_1773 : vector<16xf32> to vector<16xf32>
        %add3A_1775 = arith.addf %broadcast_in_dim3A_1765, %get3A_1774 : vector<16xf32>
        %get3A_1776 = arith.constant 0 : index
        %get3A_1777 = tpu.vector_load %arg17[%get3A_1776] {strides = array<i32>} : memref<256xf32, #tpu.memory_space<vmem>>, vector<16xf32>,
        %get3A_1778 = vector.shape_cast %get3A_1777 : vector<16xf32> to vector<16xf32>
        %max3A = arith.maximumf %broadcast_in_dim3A_1767, %get3A_1778 : vector<16xf32>
        %get3A_1779 = arith.constant 16 : index
        %get3A_1780 = tpu.vector_load %arg15[%get3A_1779] {strides = array<i32>} : memref<256xf32, #tpu.memory_space<vmem>>, vector<16xf32>,
        %get3A_1781 = vector.shape_cast %get3A_1780 : vector<16xf32> to vector<16xf32>
        %add3A_1782 = arith.addf %add3A_1771, %get3A_1781 : vector<16xf32>
        %get3A_1783 = arith.constant 16 : index
        %get3A_1784 = tpu.vector_load %arg16[%get3A_1783] {strides = array<i32>} : memref<256xf32, #tpu.memory_space<vmem>>, vector<16xf32>,
        %get3A_1785 = vector.shape_cast %get3A_1784 : vector<16xf32> to vector<16xf32>
        %add3A_1786 = arith.addf %add3A_1775, %get3A_1785 : vector<16xf32>
        %get3A_1787 = arith.constant 16 : index
        %get3A_1788 = tpu.vector_load %arg17[%get3A_1787] {strides = array<i32>} : memref<256xf32, #tpu.memory_space<vmem>>, vector<16xf32>,
        %get3A_1789 = vector.shape_cast %get3A_1788 : vector<16xf32> to vector<16xf32>
        %max3A_1790 = arith.maximumf %max3A, %get3A_1789 : vector<16xf32>
        %get3A_1791 = arith.constant 32 : index
        %get3A_1792 = tpu.vector_load %arg15[%get3A_1791] {strides = array<i32>} : memref<256xf32, #tpu.memory_space<vmem>>, vector<16xf32>,
        %get3A_1793 = vector.shape_cast %get3A_1792 : vector<16xf32> to vector<16xf32>
        %add3A_1794 = arith.addf %add3A_1782, %get3A_1793 : vector<16xf32>
        %get3A_1795 = arith.constant 32 : index
        %get3A_1796 = tpu.vector_load %arg16[%get3A_1795] {strides = array<i32>} : memref<256xf32, #tpu.memory_space<vmem>>, vector<16xf32>,
        %get3A_1797 = vector.shape_cast %get3A_1796 : vector<16xf32> to vector<16xf32>
        %add3A_1798 = arith.addf %add3A_1786, %get3A_1797 : vector<16xf32>
        %get3A_1799 = arith.constant 32 : index
        %get3A_1800 = tpu.vector_load %arg17[%get3A_1799] {strides = array<i32>} : memref<256xf32, #tpu.memory_space<vmem>>, vector<16xf32>,
        %get3A_1801 = vector.shape_cast %get3A_1800 : vector<16xf32> to vector<16xf32>
        %max3A_1802 = arith.maximumf %max3A_1790, %get3A_1801 : vector<16xf32>
        %get3A_1803 = arith.constant 48 : index
        %get3A_1804 = tpu.vector_load %arg15[%get3A_1803] {strides = array<i32>} : memref<256xf32, #tpu.memory_space<vmem>>, vector<16xf32>,
        %get3A_1805 = vector.shape_cast %get3A_1804 : vector<16xf32> to vector<16xf32>
        %add3A_1806 = arith.addf %add3A_1794, %get3A_1805 : vector<16xf32>
        %get3A_1807 = arith.constant 48 : index
        %get3A_1808 = tpu.vector_load %arg16[%get3A_1807] {strides = array<i32>} : memref<256xf32, #tpu.memory_space<vmem>>, vector<16xf32>,
        %get3A_1809 = vector.shape_cast %get3A_1808 : vector<16xf32> to vector<16xf32>
        %add3A_1810 = arith.addf %add3A_1798, %get3A_1809 : vector<16xf32>
        %get3A_1811 = arith.constant 48 : index
        %get3A_1812 = tpu.vector_load %arg17[%get3A_1811] {strides = array<i32>} : memref<256xf32, #tpu.memory_space<vmem>>, vector<16xf32>,
        %get3A_1813 = vector.shape_cast %get3A_1812 : vector<16xf32> to vector<16xf32>
        %max3A_1814 = arith.maximumf %max3A_1802, %get3A_1813 : vector<16xf32>
        %get3A_1815 = arith.constant 64 : index
        %get3A_1816 = tpu.vector_load %arg15[%get3A_1815] {strides = array<i32>} : memref<256xf32, #tpu.memory_space<vmem>>, vector<16xf32>,
        %get3A_1817 = vector.shape_cast %get3A_1816 : vector<16xf32> to vector<16xf32>
        %add3A_1818 = arith.addf %add3A_1806, %get3A_1817 : vector<16xf32>
        %get3A_1819 = arith.constant 64 : index
        %get3A_1820 = tpu.vector_load %arg16[%get3A_1819] {strides = array<i32>} : memref<256xf32, #tpu.memory_space<vmem>>, vector<16xf32>,
        %get3A_1821 = vector.shape_cast %get3A_1820 : vector<16xf32> to vector<16xf32>
        %add3A_1822 = arith.addf %add3A_1810, %get3A_1821 : vector<16xf32>
        %get3A_1823 = arith.constant 64 : index
        %get3A_1824 = tpu.vector_load %arg17[%get3A_1823] {strides = array<i32>} : memref<256xf32, #tpu.memory_space<vmem>>, vector<16xf32>,
        %get3A_1825 = vector.shape_cast %get3A_1824 : vector<16xf32> to vector<16xf32>
        %max3A_1826 = arith.maximumf %max3A_1814, %get3A_1825 : vector<16xf32>
        %get3A_1827 = arith.constant 80 : index
        %get3A_1828 = tpu.vector_load %arg15[%get3A_1827] {strides = array<i32>} : memref<256xf32, #tpu.memory_space<vmem>>, vector<16xf32>,
        %get3A_1829 = vector.shape_cast %get3A_1828 : vector<16xf32> to vector<16xf32>
        %add3A_1830 = arith.addf %add3A_1818, %get3A_1829 : vector<16xf32>
        %get3A_1831 = arith.constant 80 : index
        %get3A_1832 = tpu.vector_load %arg16[%get3A_1831] {strides = array<i32>} : memref<256xf32, #tpu.memory_space<vmem>>, vector<16xf32>,
        %get3A_1833 = vector.shape_cast %get3A_1832 : vector<16xf32> to vector<16xf32>
        %add3A_1834 = arith.addf %add3A_1822, %get3A_1833 : vector<16xf32>
        %get3A_1835 = arith.constant 80 : index
        %get3A_1836 = tpu.vector_load %arg17[%get3A_1835] {strides = array<i32>} : memref<256xf32, #tpu.memory_space<vmem>>, vector<16xf32>,
        %get3A_1837 = vector.shape_cast %get3A_1836 : vector<16xf32> to vector<16xf32>
        %max3A_1838 = arith.maximumf %max3A_1826, %get3A_1837 : vector<16xf32>
        %get3A_1839 = arith.constant 96 : index
        %get3A_1840 = tpu.vector_load %arg15[%get3A_1839] {strides = array<i32>} : memref<256xf32, #tpu.memory_space<vmem>>, vector<16xf32>,
        %get3A_1841 = vector.shape_cast %get3A_1840 : vector<16xf32> to vector<16xf32>
        %add3A_1842 = arith.addf %add3A_1830, %get3A_1841 : vector<16xf32>
        %get3A_1843 = arith.constant 96 : index
        %get3A_1844 = tpu.vector_load %arg16[%get3A_1843] {strides = array<i32>} : memref<256xf32, #tpu.memory_space<vmem>>, vector<16xf32>,
        %get3A_1845 = vector.shape_cast %get3A_1844 : vector<16xf32> to vector<16xf32>
        %add3A_1846 = arith.addf %add3A_1834, %get3A_1845 : vector<16xf32>
        %get3A_1847 = arith.constant 96 : index
        %get3A_1848 = tpu.vector_load %arg17[%get3A_1847] {strides = array<i32>} : memref<256xf32, #tpu.memory_space<vmem>>, vector<16xf32>,
        %get3A_1849 = vector.shape_cast %get3A_1848 : vector<16xf32> to vector<16xf32>
        %max3A_1850 = arith.maximumf %max3A_1838, %get3A_1849 : vector<16xf32>
        %get3A_1851 = arith.constant 112 : index
        %get3A_1852 = tpu.vector_load %arg15[%get3A_1851] {strides = array<i32>} : memref<256xf32, #tpu.memory_space<vmem>>, vector<16xf32>,
        %get3A_1853 = vector.shape_cast %get3A_1852 : vector<16xf32> to vector<16xf32>
        %add3A_1854 = arith.addf %add3A_1842, %get3A_1853 : vector<16xf32>
        %get3A_1855 = arith.constant 112 : index
        %get3A_1856 = tpu.vector_load %arg16[%get3A_1855] {strides = array<i32>} : memref<256xf32, #tpu.memory_space<vmem>>, vector<16xf32>,
        %get3A_1857 = vector.shape_cast %get3A_1856 : vector<16xf32> to vector<16xf32>
        %add3A_1858 = arith.addf %add3A_1846, %get3A_1857 : vector<16xf32>
        %get3A_1859 = arith.constant 112 : index
        %get3A_1860 = tpu.vector_load %arg17[%get3A_1859] {strides = array<i32>} : memref<256xf32, #tpu.memory_space<vmem>>, vector<16xf32>,
        %get3A_1861 = vector.shape_cast %get3A_1860 : vector<16xf32> to vector<16xf32>
        %max3A_1862 = arith.maximumf %max3A_1850, %get3A_1861 : vector<16xf32>
        %get3A_1863 = arith.constant 128 : index
        %get3A_1864 = tpu.vector_load %arg15[%get3A_1863] {strides = array<i32>} : memref<256xf32, #tpu.memory_space<vmem>>, vector<16xf32>,
        %get3A_1865 = vector.shape_cast %get3A_1864 : vector<16xf32> to vector<16xf32>
        %add3A_1866 = arith.addf %add3A_1854, %get3A_1865 : vector<16xf32>
        %get3A_1867 = arith.constant 128 : index
        %get3A_1868 = tpu.vector_load %arg16[%get3A_1867] {strides = array<i32>} : memref<256xf32, #tpu.memory_space<vmem>>, vector<16xf32>,
        %get3A_1869 = vector.shape_cast %get3A_1868 : vector<16xf32> to vector<16xf32>
        %add3A_1870 = arith.addf %add3A_1858, %get3A_1869 : vector<16xf32>
        %get3A_1871 = arith.constant 128 : index
        %get3A_1872 = tpu.vector_load %arg17[%get3A_1871] {strides = array<i32>} : memref<256xf32, #tpu.memory_space<vmem>>, vector<16xf32>,
        %get3A_1873 = vector.shape_cast %get3A_1872 : vector<16xf32> to vector<16xf32>
        %max3A_1874 = arith.maximumf %max3A_1862, %get3A_1873 : vector<16xf32>
        %get3A_1875 = arith.constant 144 : index
        %get3A_1876 = tpu.vector_load %arg15[%get3A_1875] {strides = array<i32>} : memref<256xf32, #tpu.memory_space<vmem>>, vector<16xf32>,
        %get3A_1877 = vector.shape_cast %get3A_1876 : vector<16xf32> to vector<16xf32>
        %add3A_1878 = arith.addf %add3A_1866, %get3A_1877 : vector<16xf32>
        %get3A_1879 = arith.constant 144 : index
        %get3A_1880 = tpu.vector_load %arg16[%get3A_1879] {strides = array<i32>} : memref<256xf32, #tpu.memory_space<vmem>>, vector<16xf32>,
        %get3A_1881 = vector.shape_cast %get3A_1880 : vector<16xf32> to vector<16xf32>
        %add3A_1882 = arith.addf %add3A_1870, %get3A_1881 : vector<16xf32>
        %get3A_1883 = arith.constant 144 : index
        %get3A_1884 = tpu.vector_load %arg17[%get3A_1883] {strides = array<i32>} : memref<256xf32, #tpu.memory_space<vmem>>, vector<16xf32>,
        %get3A_1885 = vector.shape_cast %get3A_1884 : vector<16xf32> to vector<16xf32>
        %max3A_1886 = arith.maximumf %max3A_1874, %get3A_1885 : vector<16xf32>
        %get3A_1887 = arith.constant 160 : index
        %get3A_1888 = tpu.vector_load %arg15[%get3A_1887] {strides = array<i32>} : memref<256xf32, #tpu.memory_space<vmem>>, vector<16xf32>,
        %get3A_1889 = vector.shape_cast %get3A_1888 : vector<16xf32> to vector<16xf32>
        %add3A_1890 = arith.addf %add3A_1878, %get3A_1889 : vector<16xf32>
        %get3A_1891 = arith.constant 160 : index
        %get3A_1892 = tpu.vector_load %arg16[%get3A_1891] {strides = array<i32>} : memref<256xf32, #tpu.memory_space<vmem>>, vector<16xf32>,
        %get3A_1893 = vector.shape_cast %get3A_1892 : vector<16xf32> to vector<16xf32>
        %add3A_1894 = arith.addf %add3A_1882, %get3A_1893 : vector<16xf32>
        %get3A_1895 = arith.constant 160 : index
        %get3A_1896 = tpu.vector_load %arg17[%get3A_1895] {strides = array<i32>} : memref<256xf32, #tpu.memory_space<vmem>>, vector<16xf32>,
        %get3A_1897 = vector.shape_cast %get3A_1896 : vector<16xf32> to vector<16xf32>
        %max3A_1898 = arith.maximumf %max3A_1886, %get3A_1897 : vector<16xf32>
        %get3A_1899 = arith.constant 176 : index
        %get3A_1900 = tpu.vector_load %arg15[%get3A_1899] {strides = array<i32>} : memref<256xf32, #tpu.memory_space<vmem>>, vector<16xf32>,
        %get3A_1901 = vector.shape_cast %get3A_1900 : vector<16xf32> to vector<16xf32>
        %add3A_1902 = arith.addf %add3A_1890, %get3A_1901 : vector<16xf32>
        %get3A_1903 = arith.constant 176 : index
        %get3A_1904 = tpu.vector_load %arg16[%get3A_1903] {strides = array<i32>} : memref<256xf32, #tpu.memory_space<vmem>>, vector<16xf32>,
        %get3A_1905 = vector.shape_cast %get3A_1904 : vector<16xf32> to vector<16xf32>
        %add3A_1906 = arith.addf %add3A_1894, %get3A_1905 : vector<16xf32>
        %get3A_1907 = arith.constant 176 : index
        %get3A_1908 = tpu.vector_load %arg17[%get3A_1907] {strides = array<i32>} : memref<256xf32, #tpu.memory_space<vmem>>, vector<16xf32>,
        %get3A_1909 = vector.shape_cast %get3A_1908 : vector<16xf32> to vector<16xf32>
        %max3A_1910 = arith.maximumf %max3A_1898, %get3A_1909 : vector<16xf32>
        %get3A_1911 = arith.constant 192 : index
        %get3A_1912 = tpu.vector_load %arg15[%get3A_1911] {strides = array<i32>} : memref<256xf32, #tpu.memory_space<vmem>>, vector<16xf32>,
        %get3A_1913 = vector.shape_cast %get3A_1912 : vector<16xf32> to vector<16xf32>
        %add3A_1914 = arith.addf %add3A_1902, %get3A_1913 : vector<16xf32>
        %get3A_1915 = arith.constant 192 : index
        %get3A_1916 = tpu.vector_load %arg16[%get3A_1915] {strides = array<i32>} : memref<256xf32, #tpu.memory_space<vmem>>, vector<16xf32>,
        %get3A_1917 = vector.shape_cast %get3A_1916 : vector<16xf32> to vector<16xf32>
        %add3A_1918 = arith.addf %add3A_1906, %get3A_1917 : vector<16xf32>
        %get3A_1919 = arith.constant 192 : index
        %get3A_1920 = tpu.vector_load %arg17[%get3A_1919] {strides = array<i32>} : memref<256xf32, #tpu.memory_space<vmem>>, vector<16xf32>,
        %get3A_1921 = vector.shape_cast %get3A_1920 : vector<16xf32> to vector<16xf32>
        %max3A_1922 = arith.maximumf %max3A_1910, %get3A_1921 : vector<16xf32>
        %get3A_1923 = arith.constant 208 : index
        %get3A_1924 = tpu.vector_load %arg15[%get3A_1923] {strides = array<i32>} : memref<256xf32, #tpu.memory_space<vmem>>, vector<16xf32>,
        %get3A_1925 = vector.shape_cast %get3A_1924 : vector<16xf32> to vector<16xf32>
        %add3A_1926 = arith.addf %add3A_1914, %get3A_1925 : vector<16xf32>
        %get3A_1927 = arith.constant 208 : index
        %get3A_1928 = tpu.vector_load %arg16[%get3A_1927] {strides = array<i32>} : memref<256xf32, #tpu.memory_space<vmem>>, vector<16xf32>,
        %get3A_1929 = vector.shape_cast %get3A_1928 : vector<16xf32> to vector<16xf32>
        %add3A_1930 = arith.addf %add3A_1918, %get3A_1929 : vector<16xf32>
        %get3A_1931 = arith.constant 208 : index
        %get3A_1932 = tpu.vector_load %arg17[%get3A_1931] {strides = array<i32>} : memref<256xf32, #tpu.memory_space<vmem>>, vector<16xf32>,
        %get3A_1933 = vector.shape_cast %get3A_1932 : vector<16xf32> to vector<16xf32>
        %max3A_1934 = arith.maximumf %max3A_1922, %get3A_1933 : vector<16xf32>
        %get3A_1935 = arith.constant 224 : index
        %get3A_1936 = tpu.vector_load %arg15[%get3A_1935] {strides = array<i32>} : memref<256xf32, #tpu.memory_space<vmem>>, vector<16xf32>,
        %get3A_1937 = vector.shape_cast %get3A_1936 : vector<16xf32> to vector<16xf32>
        %add3A_1938 = arith.addf %add3A_1926, %get3A_1937 : vector<16xf32>
        %get3A_1939 = arith.constant 224 : index
        %get3A_1940 = tpu.vector_load %arg16[%get3A_1939] {strides = array<i32>} : memref<256xf32, #tpu.memory_space<vmem>>, vector<16xf32>,
        %get3A_1941 = vector.shape_cast %get3A_1940 : vector<16xf32> to vector<16xf32>
        %add3A_1942 = arith.addf %add3A_1930, %get3A_1941 : vector<16xf32>
        %get3A_1943 = arith.constant 224 : index
        %get3A_1944 = tpu.vector_load %arg17[%get3A_1943] {strides = array<i32>} : memref<256xf32, #tpu.memory_space<vmem>>, vector<16xf32>,
        %get3A_1945 = vector.shape_cast %get3A_1944 : vector<16xf32> to vector<16xf32>
        %max3A_1946 = arith.maximumf %max3A_1934, %get3A_1945 : vector<16xf32>
        %get3A_1947 = arith.constant 240 : index
        %get3A_1948 = tpu.vector_load %arg15[%get3A_1947] {strides = array<i32>} : memref<256xf32, #tpu.memory_space<vmem>>, vector<16xf32>,
        %get3A_1949 = vector.shape_cast %get3A_1948 : vector<16xf32> to vector<16xf32>
        %add3A_1950 = arith.addf %add3A_1938, %get3A_1949 : vector<16xf32>
        %get3A_1951 = arith.constant 240 : index
        %get3A_1952 = tpu.vector_load %arg16[%get3A_1951] {strides = array<i32>} : memref<256xf32, #tpu.memory_space<vmem>>, vector<16xf32>,
        %get3A_1953 = vector.shape_cast %get3A_1952 : vector<16xf32> to vector<16xf32>
        %add3A_1954 = arith.addf %add3A_1942, %get3A_1953 : vector<16xf32>
        %get3A_1955 = arith.constant 240 : index
        %get3A_1956 = tpu.vector_load %arg17[%get3A_1955] {strides = array<i32>} : memref<256xf32, #tpu.memory_space<vmem>>, vector<16xf32>,
        %get3A_1957 = vector.shape_cast %get3A_1956 : vector<16xf32> to vector<16xf32>
        %max3A_1958 = arith.maximumf %max3A_1946, %get3A_1957 : vector<16xf32>
        %iota3A_1959 = tpu.iota {dimensions = array<i32: 0>} : vector<16xi32>
        %xor3A_1960 = arith.constant 1 : i32
        %xor3A_1961 = vector.broadcast %xor3A_1960 : i32 to vector<16xi32>
        %xor3A_1962 = arith.xori %iota3A_1959, %xor3A_1961 : vector<16xi32>
        %broadcast_in_dim3A_1963 = vector.shape_cast %xor3A_1962 : vector<16xi32> to vector<16x1xi32>
        %gather3A_1964 = vector.shape_cast %broadcast_in_dim3A_1963 : vector<16x1xi32> to vector<16xi32>
        %gather3A_1965 = tpu.dynamic_gather %add3A_1950[%gather3A_1964] in [0] : vector<16xf32>, vector<16xi32> -> vector<16xf32>
        %add3A_1966 = arith.addf %add3A_1950, %gather3A_1965 : vector<16xf32>
        %xor3A_1967 = arith.constant 2 : i32
        %xor3A_1968 = vector.broadcast %xor3A_1967 : i32 to vector<16xi32>
        %xor3A_1969 = arith.xori %iota3A_1959, %xor3A_1968 : vector<16xi32>
        %broadcast_in_dim3A_1970 = vector.shape_cast %xor3A_1969 : vector<16xi32> to vector<16x1xi32>
        %gather3A_1971 = vector.shape_cast %broadcast_in_dim3A_1970 : vector<16x1xi32> to vector<16xi32>
        %gather3A_1972 = tpu.dynamic_gather %add3A_1966[%gather3A_1971] in [0] : vector<16xf32>, vector<16xi32> -> vector<16xf32>
        %add3A_1973 = arith.addf %add3A_1966, %gather3A_1972 : vector<16xf32>
        %xor3A_1974 = arith.constant 4 : i32
        %xor3A_1975 = vector.broadcast %xor3A_1974 : i32 to vector<16xi32>
        %xor3A_1976 = arith.xori %iota3A_1959, %xor3A_1975 : vector<16xi32>
        %broadcast_in_dim3A_1977 = vector.shape_cast %xor3A_1976 : vector<16xi32> to vector<16x1xi32>
        %gather3A_1978 = vector.shape_cast %broadcast_in_dim3A_1977 : vector<16x1xi32> to vector<16xi32>
        %gather3A_1979 = tpu.dynamic_gather %add3A_1973[%gather3A_1978] in [0] : vector<16xf32>, vector<16xi32> -> vector<16xf32>
        %add3A_1980 = arith.addf %add3A_1973, %gather3A_1979 : vector<16xf32>
        %xor3A_1981 = arith.constant 8 : i32
        %xor3A_1982 = vector.broadcast %xor3A_1981 : i32 to vector<16xi32>
        %xor3A_1983 = arith.xori %iota3A_1959, %xor3A_1982 : vector<16xi32>
        %broadcast_in_dim3A_1984 = vector.shape_cast %xor3A_1983 : vector<16xi32> to vector<16x1xi32>
        %gather3A_1985 = vector.shape_cast %broadcast_in_dim3A_1984 : vector<16x1xi32> to vector<16xi32>
        %gather3A_1986 = tpu.dynamic_gather %add3A_1980[%gather3A_1985] in [0] : vector<16xf32>, vector<16xi32> -> vector<16xf32>
        %add3A_1987 = arith.addf %add3A_1980, %gather3A_1986 : vector<16xf32>
        %iota3A_1988 = tpu.iota {dimensions = array<i32: 0>} : vector<16xi32>
        %xor3A_1989 = arith.constant 1 : i32
        %xor3A_1990 = vector.broadcast %xor3A_1989 : i32 to vector<16xi32>
        %xor3A_1991 = arith.xori %iota3A_1988, %xor3A_1990 : vector<16xi32>
        %broadcast_in_dim3A_1992 = vector.shape_cast %xor3A_1991 : vector<16xi32> to vector<16x1xi32>
        %gather3A_1993 = vector.shape_cast %broadcast_in_dim3A_1992 : vector<16x1xi32> to vector<16xi32>
        %gather3A_1994 = tpu.dynamic_gather %add3A_1954[%gather3A_1993] in [0] : vector<16xf32>, vector<16xi32> -> vector<16xf32>
        %add3A_1995 = arith.addf %add3A_1954, %gather3A_1994 : vector<16xf32>
        %xor3A_1996 = arith.constant 2 : i32
        %xor3A_1997 = vector.broadcast %xor3A_1996 : i32 to vector<16xi32>
        %xor3A_1998 = arith.xori %iota3A_1988, %xor3A_1997 : vector<16xi32>
        %broadcast_in_dim3A_1999 = vector.shape_cast %xor3A_1998 : vector<16xi32> to vector<16x1xi32>
        %gather3A_2000 = vector.shape_cast %broadcast_in_dim3A_1999 : vector<16x1xi32> to vector<16xi32>
        %gather3A_2001 = tpu.dynamic_gather %add3A_1995[%gather3A_2000] in [0] : vector<16xf32>, vector<16xi32> -> vector<16xf32>
        %add3A_2002 = arith.addf %add3A_1995, %gather3A_2001 : vector<16xf32>
        %xor3A_2003 = arith.constant 4 : i32
        %xor3A_2004 = vector.broadcast %xor3A_2003 : i32 to vector<16xi32>
        %xor3A_2005 = arith.xori %iota3A_1988, %xor3A_2004 : vector<16xi32>
        %broadcast_in_dim3A_2006 = vector.shape_cast %xor3A_2005 : vector<16xi32> to vector<16x1xi32>
        %gather3A_2007 = vector.shape_cast %broadcast_in_dim3A_2006 : vector<16x1xi32> to vector<16xi32>
        %gather3A_2008 = tpu.dynamic_gather %add3A_2002[%gather3A_2007] in [0] : vector<16xf32>, vector<16xi32> -> vector<16xf32>
        %add3A_2009 = arith.addf %add3A_2002, %gather3A_2008 : vector<16xf32>
        %xor3A_2010 = arith.constant 8 : i32
        %xor3A_2011 = vector.broadcast %xor3A_2010 : i32 to vector<16xi32>
        %xor3A_2012 = arith.xori %iota3A_1988, %xor3A_2011 : vector<16xi32>
        %broadcast_in_dim3A_2013 = vector.shape_cast %xor3A_2012 : vector<16xi32> to vector<16x1xi32>
        %gather3A_2014 = vector.shape_cast %broadcast_in_dim3A_2013 : vector<16x1xi32> to vector<16xi32>
        %gather3A_2015 = tpu.dynamic_gather %add3A_2009[%gather3A_2014] in [0] : vector<16xf32>, vector<16xi32> -> vector<16xf32>
        %add3A_2016 = arith.addf %add3A_2009, %gather3A_2015 : vector<16xf32>
        %iota3A_2017 = tpu.iota {dimensions = array<i32: 0>} : vector<16xi32>
        %xor3A_2018 = arith.constant 1 : i32
        %xor3A_2019 = vector.broadcast %xor3A_2018 : i32 to vector<16xi32>
        %xor3A_2020 = arith.xori %iota3A_2017, %xor3A_2019 : vector<16xi32>
        %broadcast_in_dim3A_2021 = vector.shape_cast %xor3A_2020 : vector<16xi32> to vector<16x1xi32>
        %gather3A_2022 = vector.shape_cast %broadcast_in_dim3A_2021 : vector<16x1xi32> to vector<16xi32>
        %gather3A_2023 = tpu.dynamic_gather %max3A_1958[%gather3A_2022] in [0] : vector<16xf32>, vector<16xi32> -> vector<16xf32>
        %max3A_2024 = arith.maximumf %max3A_1958, %gather3A_2023 : vector<16xf32>
        %xor3A_2025 = arith.constant 2 : i32
        %xor3A_2026 = vector.broadcast %xor3A_2025 : i32 to vector<16xi32>
        %xor3A_2027 = arith.xori %iota3A_2017, %xor3A_2026 : vector<16xi32>
        %broadcast_in_dim3A_2028 = vector.shape_cast %xor3A_2027 : vector<16xi32> to vector<16x1xi32>
        %gather3A_2029 = vector.shape_cast %broadcast_in_dim3A_2028 : vector<16x1xi32> to vector<16xi32>
        %gather3A_2030 = tpu.dynamic_gather %max3A_2024[%gather3A_2029] in [0] : vector<16xf32>, vector<16xi32> -> vector<16xf32>
        %max3A_2031 = arith.maximumf %max3A_2024, %gather3A_2030 : vector<16xf32>
        %xor3A_2032 = arith.constant 4 : i32
        %xor3A_2033 = vector.broadcast %xor3A_2032 : i32 to vector<16xi32>
        %xor3A_2034 = arith.xori %iota3A_2017, %xor3A_2033 : vector<16xi32>
        %broadcast_in_dim3A_2035 = vector.shape_cast %xor3A_2034 : vector<16xi32> to vector<16x1xi32>
        %gather3A_2036 = vector.shape_cast %broadcast_in_dim3A_2035 : vector<16x1xi32> to vector<16xi32>
        %gather3A_2037 = tpu.dynamic_gather %max3A_2031[%gather3A_2036] in [0] : vector<16xf32>, vector<16xi32> -> vector<16xf32>
        %max3A_2038 = arith.maximumf %max3A_2031, %gather3A_2037 : vector<16xf32>
        %xor3A_2039 = arith.constant 8 : i32
        %xor3A_2040 = vector.broadcast %xor3A_2039 : i32 to vector<16xi32>
        %xor3A_2041 = arith.xori %iota3A_2017, %xor3A_2040 : vector<16xi32>
        %broadcast_in_dim3A_2042 = vector.shape_cast %xor3A_2041 : vector<16xi32> to vector<16x1xi32>
        %gather3A_2043 = vector.shape_cast %broadcast_in_dim3A_2042 : vector<16x1xi32> to vector<16xi32>
        %gather3A_2044 = tpu.dynamic_gather %max3A_2038[%gather3A_2043] in [0] : vector<16xf32>, vector<16xi32> -> vector<16xf32>
        %max3A_2045 = arith.maximumf %max3A_2038, %gather3A_2044 : vector<16xf32>
        %sub3A = arith.subf %broadcast_in_dim3A_5, %add3A_2016 : vector<16xf32>
        %mul3A_2046 = arith.mulf %max3A_2045, %sub3A : vector<16xf32>
        %add3A_2047 = arith.addf %add3A_1987, %mul3A_2046 : vector<16xf32>
        %div3A = arith.constant 1.146800e+04 : f32
        %div3A_2048 = vector.broadcast %div3A : f32 to vector<16xf32>
        %div3A_2049 = arith.divf %add3A_2047, %div3A_2048 : vector<16xf32>
        %swap3A_2050 = arith.constant 0 : index
        %swap3A_2051 = tpu.vector_load %arg18[%swap3A_2050] {strides = array<i32>} : memref<16xf32, #tpu.memory_space<vmem>>, vector<16xf32>,
        %swap3A_2052 = vector.shape_cast %swap3A_2051 : vector<16xf32> to vector<16xf32>
        %swap3A_2053 = vector.shape_cast %div3A_2049 : vector<16xf32> to vector<16xf32>
        tpu.vector_store %arg18[%swap3A_2050], %swap3A_2053 {strides = array<i32>} : memref<16xf32, #tpu.memory_space<vmem>>, vector<16xf32>,
        "tpu.region"() ({
          %run_scoped3A = tpu.sem_alloc : memref<!tpu.dma_semaphore, #tpu.memory_space<semaphore_mem>>
          tpu.enqueue_dma source(%arg18 : memref<16xf32, #tpu.memory_space<vmem>>) target(%arg5 : memref<16xf32, #tpu.memory_space<hbm>>) target_semaphore(%run_scoped3A : memref<!tpu.dma_semaphore, #tpu.memory_space<semaphore_mem>>)
          tpu.wait_dma2 semaphore(%run_scoped3A : memref<!tpu.dma_semaphore, #tpu.memory_space<semaphore_mem>>) src(%arg18 : memref<16xf32, #tpu.memory_space<vmem>>) dst(%arg5 : memref<16xf32, #tpu.memory_space<hbm>>)
          tpu.yield
        }) : () -> ()
      } else {
      }
    } else {
    }
    return
  }
}

</mosaic_0001>

<sc_bundles>
// kernel: kernel.3.cloned.1.call-start
scs
__scs_entry_jumppad:
0x0: {  	(pc) =	sbr.rel $0x88, $3  }
0x1: {  	(tag) =	ssettag $0x0;
	lr =	simm.s32 $0x1  }
0x2: {  	[smem:$0x3F9F] =	sst lr;
	_ =	strace $0xD0000000  }
0x3: {  	_ = 	snop  }
0x4: {  	_ = 	snop  }
0x5: {  	_ = 	snop  }
0x6: {  	_ = 	snop  }
0x7: {  	_ = 	snop  }
__scs_overlays_trampoline_lowered:
0x8: {  	[smem:$0x3FAE] =	sst s0  }
0x9: {  	[smem:$0x3FAF] =	sst s1  }
0xa: {  	[smem:$0x3FB0] =	sst s2  }
0xb: {  	[smem:$0x3FB1] =	sst s3  }
0xc: {  	[smem:$0x3FB2] =	sst s4  }
0xd: {  	[smem:$0x3FB3] =	sst s5  }
0xe: {  	[smem:$0x3FB4] =	sst s6  }
0xf: {  	[smem:$0x3FB5] =	sst s7  }
0x10: {  	[smem:$0x3FB6] =	sst s8  }
0x11: {  	[smem:$0x3FB7] =	sst s9;
	s0 =	simm.s32 @!p0 $0x0  }
0x12: {  	s1 =	sld [smem:$0x3F9D];
	s0 =	simm.s32 @p0 $0x1  }
0x13: {  	[smem:$0x3FB8] =	sst s0;
	s0 =	simm.s32 @!p1 $0x0  }
0x14: {  	s2 =	sld [smem:$0x3F9C];
	s0 =	simm.s32 @p1 $0x1  }
0x15: {  	[smem:$0x3FB9] =	sst s0;
	s0 =	simm.s32 @!p2 $0x0  }
0x16: {  	s3 =	sld [smem:$0x3FDB];
	s0 =	simm.s32 @p2 $0x1  }
0x17: {  	s4 =	simm.s32 $0x1BF5;
	[smem:$0x3FBB] =	sst s0  }
0x18: {  	s0 =	sld [smem:$0x3F9E];
	_ =	swait.ge [sflag:s4], $0x0  }
0x19: {  	s7 =	sld [smem:$0x3F9F]  }
0x1a: {  	s8 =	sadd.s32 $0xFFFFE003, lr  }
0x1b: {  	s9 =	sadd.s32 $0xFFFFFEF7, lr;
	s5 =	simm.s32 $0xFFFFFFFF;
	p2 =	slt.u32 s8, $0xFFFFF086  }
0x1c: {  	p1 =	slt.u32 s9, $0xF7A;
	s5 =	simm.s32 @!p2 $0x0  }
0x1d: {  	s5 =	simm.s32 @p1 $0x1;
	p0 =	seq.s32 s7, s2  }
0x1e: {  	s7 =	smul.u32 @!p0 $0xF7A, s2;
	p2 =	seq.s32 @!p0 s5, $0x0  }
0x1f: {  	s9 =	smul.u32 $0xF7A, s1;
	s8 =	simm.s32 @!p0 $0x1BF5;
	p2 =	por !p2, p0  }
0x20: {  	[sflag:s8] =	ssyncset.s32 @!p0 $0xFFFFF086;
	s6 =	sadd.s32 @!p0 s3, s7;
	s7 =	simm.s32 @!p0 $0x108  }
0x21: {  	s3 =	sadd.s32 s3, s9;
	s6 =	sadd.s32 @!p0 $0x88, s6;
	s7 =	simm.s32 @p2 $0x1082  }
0x22: {  	[simem:s7], [sflag:s8] =	dma.local @!p0 [hbm:s6], $0xF7A  }
0x23: {  	s9 =	sor.u32 $0xD0000000, s2;
	s6 =	simm.s32 $0x108;
	_ =	swait.ge @!p0 [sflag:s8], $0x0  }
0x24: {  	s3 =	sadd.s32 $0x88, s3;
	s6 =	simm.s32 @!p1 $0x1082;
	[sflag:s4] =	ssyncset.s32 $0xFFFFF086  }
0x25: {  	[simem:s6], [sflag:s4] =	dma.local [hbm:s3], $0xF7A  }
0x26: {  	[smem:$0x3F9F] =	sst s1;
	(tag) =	ssettag s2;
	_ =	strace s9  }
0x27: {  	s1 =	sld [smem:$0x3FAF]  }
0x28: {  	s2 =	sld [smem:$0x3FB0]  }
0x29: {  	s4 =	sld [smem:$0x3FB2]  }
0x2a: {  	p0 =	seq.s32 s5, $0x0;
	s5 =	sld [smem:$0x3FB3]  }
0x2b: {  	s6 =	sld [smem:$0x3FB4]  }
0x2c: {  	s7 =	sld [smem:$0x3FB5]  }
0x2d: {  	s3 =	simm.s32 $0x108;
	s8 =	sld [smem:$0x3FB6]  }
0x2e: {  	s3 =	simm.s32 @!p0 $0x1082;
	s9 =	sld [smem:$0x3FB7]  }
0x2f: {  	lr =	sadd.s32 s0, s3;
	s0 =	sld [smem:$0x3FAE]  }
0x30: {  	s3 =	sld [smem:$0x3FB1]  }
0x31: {  	[smem:$0x3FBA] =	sst s10  }
0x32: {  	s10 =	sld [smem:$0x3FB8];
	_ =	sdelay $0x3  }
0x33: {  	p0 =	seq.s32 s10, $0x1;
	s10 =	sld [smem:$0x3FBA];
	_ =	sdelay $0x3  }
0x34: {  	[smem:$0x3FBA] =	sst s10  }
0x35: {  	s10 =	sld [smem:$0x3FB9];
	_ =	sdelay $0x3  }
0x36: {  	p1 =	seq.s32 s10, $0x1;
	s10 =	sld [smem:$0x3FBA];
	_ =	sdelay $0x3  }
0x37: {  	[smem:$0x3FBA] =	sst s10  }
0x38: {  	s10 =	sld [smem:$0x3FBB]  }
0x39: {  	_ = 	snop;
	(pc) =	sbr.ind lr, $3  }
0x3a: {  	_ = 	snop  }
0x3b: {  	_ = 	snop  }
0x3c: {  	p2 =	seq.s32 s10, $0x1;
	s10 =	sld [smem:$0x3FBA]  }
0x3d: {  	_ =	shalt  }
0x3e: {  	_ =	shalt  }
0x3f: {  	_ =	shalt  }
0x40: {  	_ =	shalt  }
0x41: {  	_ =	shalt  }
0x42: {  	_ =	shalt  }
0x43: {  	_ =	shalt  }
0x44: {  	_ =	shalt  }
0x45: {  	_ =	shalt  }
0x46: {  	_ =	shalt  }
0x47: {  	_ =	shalt  }
0x48: {  	_ =	shalt  }
0x49: {  	_ =	shalt  }
0x4a: {  	_ =	shalt  }
0x4b: {  	_ =	shalt  }
0x4c: {  	_ =	shalt  }
0x4d: {  	_ =	shalt  }
0x4e: {  	_ =	shalt  }
0x4f: {  	_ =	shalt  }
0x50: {  	_ =	shalt  }
0x51: {  	_ =	shalt  }
0x52: {  	_ =	shalt  }
0x53: {  	_ =	shalt  }
0x54: {  	_ =	shalt  }
0x55: {  	_ =	shalt  }
0x56: {  	_ =	shalt  }
0x57: {  	_ =	shalt  }
0x58: {  	_ =	shalt  }
0x59: {  	_ =	shalt  }
0x5a: {  	_ =	shalt  }
0x5b: {  	_ =	shalt  }
0x5c: {  	_ =	shalt  }
0x5d: {  	_ =	shalt  }
0x5e: {  	_ =	shalt  }
0x5f: {  	_ =	shalt  }
0x60: {  	_ =	shalt  }
0x61: {  	_ =	shalt  }
0x62: {  	_ =	shalt  }
0x63: {  	_ =	shalt  }
0x64: {  	_ =	shalt  }
0x65: {  	_ =	shalt  }
0x66: {  	_ =	shalt  }
0x67: {  	_ =	shalt  }
0x68: {  	_ =	shalt  }
0x69: {  	_ =	shalt  }
0x6a: {  	_ =	shalt  }
0x6b: {  	_ =	shalt  }
0x6c: {  	_ =	shalt  }
0x6d: {  	_ =	shalt  }
0x6e: {  	_ =	shalt  }
0x6f: {  	_ =	shalt  }
0x70: {  	_ =	shalt  }
0x71: {  	_ =	shalt  }
0x72: {  	_ =	shalt  }
0x73: {  	_ =	shalt  }
0x74: {  	_ =	shalt  }
0x75: {  	_ =	shalt  }
0x76: {  	_ =	shalt  }
0x77: {  	_ =	shalt  }
0x78: {  	_ =	shalt  }
0x79: {  	_ =	shalt  }
0x7a: {  	_ =	shalt  }
0x7b: {  	_ =	shalt  }
0x7c: {  	_ =	shalt  }
0x7d: {  	_ =	shalt  }
0x7e: {  	_ =	shalt  }
0x7f: {  	_ =	shalt  }
0x80: {  	_ =	shalt  }
0x81: {  	_ =	shalt  }
0x82: {  	_ =	shalt  }
0x83: {  	_ =	shalt  }
0x84: {  	_ =	shalt  }
0x85: {  	_ =	shalt  }
0x86: {  	_ =	shalt  }
0x87: {  	_ =	shalt  }
.Lfunc_end0:
.L_simem_size_0:
called_computation_lowered:
.L_overlay_start_0:
0x88: {  	s0 =	sld [smem:$0x3FD9]  }
0x89: {  	s1 =	sld [smem:$0x3FFE];
	_ =	sdelay $0x3  }
0x8a: {  	s0 =	sadd.s32 s1, s0  }
0x8b: {  	[smem:$0x3FC6] =	sst s0  }
0x8c: {  	_ = 	snop  }
0x8d: {  	s0 =	sld [smem:$0x3FC9]  }
0x8e: {  	s16 =	sld [smem:$0x3FD0];
	(tm) =	ssettm $0x1  }
0x8f: {  	s2 =	sld [smem:$0x3FFB];
	_ =	sdelay $0x3  }
0x90: {  	_ =	strace s2  }
0x91: {  	s2 =	sld [smem:$0x3FFC];
	_ =	sdelay $0x3  }
0x92: {  	_ =	strace s2  }
0x93: {  	s2 =	sld [smem:$0x3FFD];
	_ =	sdelay $0x3  }
0x94: {  	_ =	strace s2  }
0x95: {  	_ =	strace $0x8FFFFFFF  }
0x96: {  	s17 =	sld [smem:$0x3FDB];
	_ =	sdelay $0x1  }
0x97: {  	s3 =	simm.s32 $_scs_section_size  }
0x98: {  	s4 =	simm.s32 $_size__tile_overlayer_lowered;
	s5 =	simm.s32 $_tile_overlayer_lowered  }
0x99: {  	s20 =	simm.s32 $0x1BFF;
	s19 =	sshll.u32 s5, $0x1;
	s2 =	sadd.s32 s3, s17  }
0x9a: {  	s6 =	simm.s32 $0x0;
	s18 =	sshll.u32 s4, $0x1;
	s4 =	sadd.s32 s19, s2  }
0x9b: {  	[timem:s6], [sflag:s20] =	dma.local [hbm:s4], s18  }
0x9c: {  	_ =	swait.ge [sflag:s20], s18  }
0x9d: {  	s3 =	ssub.s32 $0x0, s18;
	[sflag:s20] =	ssyncset.done $0x0  }
0x9e: {  	[sflag:s20] =	ssyncadd.s32 s3;
	_ =	sdelay $0x1  }
0x9f: {  	s21 =	simm.s32 $0x1B8B  }
0xa0: {  	_ =	swait.ge [sflag:s21], $0x1  }
0xa1: {  	[sflag:s21] =	ssyncset.done $0x0  }
0xa2: {  	s23 =	simm.s32 $0x1B8E;
	s22 =	sld [smem:$0x3FFE];
	[sflag:s21] =	ssyncadd.s32 $0xFFFFFFFF  }
0xa3: {  	s24 =	simm.s32 $execute0_lowered;
	[smem:$0x3FD2] =	sst s23  }
0xa4: {  	s4 =	sshll.u32 s24, $0x1;
	_ =	strace $0x80000046;
	[dreg:$0x1] =	wrdreg $0xFFFFFFFF  }
0xa5: {  	s25 =	simm.s32 $_size_execute0_lowered;
	s2 =	sadd.s32 s2, s4;
	[dreg:$0x0] =	wrdreg $0x0  }
0xa6: {  	s4 =	sshll.u32 s25, $0x1;
	[dreg:$0x2] =	wrdreg s2  }
0xa7: {  	[dreg:$0x3] =	wrdreg s4  }
0xa8: {  	[dreg:$0x4] =	wrdreg $0xC0  }
0xa9: {  	_ =	task [dreg:s6], $0x5FFFF  }
0xaa: {  	[dreg:$0x1] =	wrdreg $0xFFFFFFFF  }
0xab: {  	[dreg:$0x0] =	wrdreg $0x60  }
0xac: {  	[dreg:$0x2] =	wrdreg s0  }
0xad: {  	[dreg:$0x3] =	wrdreg s22  }
0xae: {  	[dreg:$0x4] =	wrdreg s16  }
0xaf: {  	[dreg:$0x5] =	wrdreg $0x14800  }
0xb0: {  	[dreg:$0x6] =	wrdreg $0x14A00  }
0xb1: {  	[dreg:$0x7] =	wrdreg $0x14B00  }
0xb2: {  	[dreg:$0x8] =	wrdreg $0x9  }
0xb3: {  	_ =	task.clear_ibuf [dreg:s6], $0x9FFFF;
	_ =	strace $0x90000046  }
0xb4: {  	s26 =	simm.s32 $0x9;
	_ =	strace $0x80000048  }
0xb5: {  	_ =	swait.ge [sflag:s26], $0x1  }
0xb6: {  	[sflag:s26] =	ssyncadd.s32 $0xFFFFFFFF  }
0xb7: {  	_ =	strace $0x90000048  }
0xb8: {  	_ =	sfence  }
0xb9: {  	s28 =	sld [smem:$0x0];
	_ =	sdelay $0x1  }
0xba: {  	s29 =	srdreg.scid  }
0xbb: {  	s30 =	sshll.u32 s29, $0xD;
	s31 =	sshrl.u32 s29, $0x2  }
0xbc: {  	s1 =	sand.u32 $0x1, s29;
	s2 =	sand.u32 $0x4000, s30;
	s0 =	sadd.s32 s31, s28  }
0xbd: {  	s1 =	sor.u32 s2, s1;
	s0 =	sshll.u32 s0, $0x11  }
0xbe: {  	s0 =	sor.u32 s0, s1  }
0xbf: {  	s0 =	sadd.s32 $0x8F2B, s0  }
0xc0: {  	[sflag:s0] =	ssyncadd.remote.s32 $0x1  }
0xc1: {  	_ =	sfence.sel $0xFFFF  }
0xc2: {  	[dreg:$0x0] =	wrdreg $0xFFFFFFFF;
	(pc) =	sbr.abs _section_cstart, $3  }
0xc3: {  	[dreg:$0x1] =	wrdreg $0xFFFFFFFF  }
0xc4: {  	_ =	task.clear_ibuf [dreg:s6], $0x2FFFF;
	_ =	strace $0x9FFFFFFF  }
0xc5: {  	(tm) =	ssettm $0x7FFFFFFF  }
tec
execute0_lowered:
.L_overlay_start_1:
0x0: {  	(tag) =	ssettag $0x1  }
0x1: {  	s6 =	rddreg [dreg:$0x0]  }
0x2: {  	s7 =	rddreg [dreg:$0x1]  }
0x3: {  	s1 =	rddreg [dreg:$0x2]  }
0x4: {  	s2 =	rddreg [dreg:$0x3]  }
0x5: {  	s4 =	rddreg [dreg:$0x4]  }
0x6: {  	s3 =	rddreg [dreg:$0x5]  }
0x7: {  	s0 =	rddreg [dreg:$0x6];
	s8 =	simm.s32 $0x0;
	s5 =	stileid.u32  }
0x8: {  	[smem:$0x7FF] =	sst s8;
	s9 =	sshll.u32 s5, $0x7  }
0x9: {  	s24 =	simm.s32 $0x1;
	_ =	strace $0x80000047;
	s6 =	sadd.s32 s6, s9  }
0xa: {  	[tilespmem:s8], [sflag:$0x1] =	stream.linear.gather [hbm4b:s6+s8], $0x400, $0x38;
	[tilespmem:$0x1840] =	vst v63  }
0xb: {  	_ =	swait.ge [sflag:s24], $0x400  }
0xc: {  	s7 =	sadd.s32 s9, s7;
	[sflag:s24] =	ssyncset.done $0x0  }
0xd: {  	s10 =	simm.s32 $0x800;
	s9 =	sadd.s32 $0xE00, s7;
	[sflag:s24] =	ssyncadd.s32 $0xFFFFFC00  }
0xe: {  	[tilespmem:s10], [sflag:$0x1] =	stream.linear.gather [hbm4b:s9+s8], $0x400, $0x38;
	[tilespmem:$0x1840] =	vst v63  }
0xf: {  	_ =	swait.ge [sflag:s24], $0x400  }
0x10: {  	[sflag:s24] =	ssyncset.done $0x0  }
0x11: {  	s25 =	simm.s32 $0xC00;
	s7 =	sadd.s32 $0x600, s7;
	[sflag:s24] =	ssyncadd.s32 $0xFFFFFC00  }
0x12: {  	[tilespmem:s25], [sflag:$0x1] =	stream.linear.gather [hbm4b:s7+s8], $0x400, $0x38;
	[tilespmem:$0x1840] =	vst v63  }
0x13: {  	_ =	swait.ge [sflag:s24], $0x400  }
0x14: {  	[sflag:s24] =	ssyncset.done $0x0  }
0x15: {  	s26 =	simm.s32 $0x20;
	[sflag:s24] =	ssyncadd.s32 $0xFFFFFC00  }
0x16: {  	v0 =	vld [tilespmem:s26+$0x10]  }
0x17: {  	v2 =	vld [tilespmem:s26+$0xFFFFFFF0];
	_ =	sdelay $0x2  }
0x18: {  	v3 =	vld [tilespmem:s26+$0xFFFFFFE0]  }
0x19: {  	v1 =	vand.u32 $0x7FFFFFFF, v0  }
0x1a: {  	v4 =	vld [tilespmem:s26+$0x0];
	v5 =	vand.u32 $0x7FFFFFFF, v2;
	v1 =	vsub.f32 $0.0e+00, v1  }
0x1b: {  	v5 =	vsub.f32 $0.0e+00, v5  }
0x1c: {  	v1 =	vmul.f32 $1.442695020e+00, v1  }
0x1d: {  	v6 =	vand.u32 $0x7FFFFFFF, v3;
	v5 =	vmul.f32 $1.442695020e+00, v5  }
0x1e: {  	v6 =	vsub.f32 $0.0e+00, v6;
	(erf) = vpow2.f32 v1  }
0x1f: {  	v1 =	vand.u32 $0x7FFFFFFF, v4;
	(erf) = vpow2.f32 v5  }
0x20: {  	v6 =	vmul.f32 $1.442695020e+00, v6;
	v1 =	vsub.f32 $0.0e+00, v1;
	_ =	sdelay $0x1  }
0x21: {  	(erf) = vpow2.f32 v6;
	v1 =	vmul.f32 $1.442695020e+00, v1;
	_ =	sdelay $0x1  }
0x22: {  	(erf) = vpow2.f32 v1;
	_ =	sdelay $0x2  }
0x23: {  	v1 =	vpop (erf)  }
0x24: {  	v5 =	vadd.f32 $2.000000000e+00, v1;
	v6 =	vpop (erf)  }
0x25: {  	v7 =	vadd.f32 $2.000000000e+00, v6  }
0x26: {  	(erf) = vrcp.f32 v5  }
0x27: {  	v8 =	vpop (erf)  }
0x28: {  	v5 =	vadd.f32 $2.000000000e+00, v8  }
0x29: {  	(erf) = vrcp.f32 v7;
	v7 =	vpop (erf)  }
0x2a: {  	(erf) = vrcp.f32 v5;
	v5 =	vadd.f32 $2.000000000e+00, v7;
	_ =	sdelay $0x1  }
0x2b: {  	(erf) = vrcp.f32 v5  }
0x2c: {  	s28 =	simm.s32 $0x60  }
0x2d: {  	v14 =	vld [tilespmem:s28+$0xFFFFFFF0]  }
0x2e: {  	v22 =	vld [tilespmem:s28+$0x0];
	v5 =	vpop (erf)  }
0x2f: {  	s29 =	simm.s32 $0xC20;
	v16 =	vld [tilespmem:s28+$0xFFFFFFE0];
	v5 =	vmul.f32 v5, v1  }
0x30: {  	s30 =	simm.s32 $0x820;
	v27 =	vld [tilespmem:s29+$0x10]  }
0x31: {  	v28 =	vld [tilespmem:s30+$0x10];
	v10 =	vsub.f32 $0.0e+00, v2;
	v11 =	vsub.f32 $0.0e+00, v4;
	v12 =	vmul.f32 v5, v5  }
0x32: {  	v19 =	vmax.f32 v3, $0.0e+00;
	v2 =	vmax.f32 v2, $0.0e+00;
	v20 =	vmax.f32 v4, $0.0e+00;
	v9 =	vpop (erf)  }
0x33: {  	v24 =	vand.u32 $0x7FFFFFFF, v14;
	v18 =	vmax.f32 v10, $0.0e+00;
	v13 =	vpop (erf);
	v10 =	vmul.f32 $7.692307980e-02, v12  }
0x34: {  	v25 =	vand.u32 $0x7FFFFFFF, v22;
	v1 =	vsub.f32 $0.0e+00, v3;
	v3 =	vmul.f32 v9, v6;
	v6 =	vld [tilespmem:s28+$0x10];
	v9 =	vpop (erf)  }
0x35: {  	v26 =	vand.u32 $0x7FFFFFFF, v16;
	v7 =	vmul.f32 v9, v7;
	v9 =	vadd.f32 $9.090909360e-02, v10  }
0x36: {  	v35 =	vld [tilespmem:s29+$0xFFFFFFF0];
	v30 =	vsub.f32 $0.0e+00, v0;
	vm0 =	vgt.f32 v27, v28;
	v8 =	vmul.f32 v13, v8  }
0x37: {  	s6 =	simm.s32 $0xC60;
	v63 =	vld [tilespmem:s30+$0xFFFFFFF0];
	v21 =	vmul.f32 v3, v3;
	v4 =	vadd.f32 v3, v3;
	v3 =	vmul.f32 v9, v12  }
0x38: {  	s7 =	simm.s32 $0x860;
	v52 =	vld [tilespmem:s6+$0x10];
	v0 =	vmax.f32 v0, $0.0e+00;
	v24 =	vsub.f32 $0.0e+00, v24;
	v17 =	vmul.f32 v8, v8  }
0x39: {  	v54 =	vld [tilespmem:s7+$0x10];
	v26 =	vsub.f32 $0.0e+00, v26;
	v13 =	vand.u32 $0x7FFFFFFF, v6;
	v3 =	vadd.f32 $1.111111120e-01, v3  }
0x3a: {  	v57 =	vld [tilespmem:s6+$0xFFFFFFE0];
	v24 =	vmul.f32 $1.442695020e+00, v24;
	v10 =	vmul.f32 $7.692307980e-02, v17;
	v13 =	vsub.f32 $0.0e+00, v13  }
0x3b: {  	v38 =	vld [tilespmem:s7+$0xFFFFFFE0];
	v15 =	vmax.f32 v1, $0.0e+00;
	v23 =	vmul.f32 v7, v7;
	v3 =	vmul.f32 v3, v12  }
0x3c: {  	v9 =	vmul.f32 $7.692307980e-02, v21;
	v10 =	vadd.f32 $9.090909360e-02, v10;
	v13 =	vmul.f32 $1.442695020e+00, v13  }
0x3d: {  	v1 =	vmax.f32 v11, $0.0e+00;
	v11 =	vmul.f32 $7.692307980e-02, v23;
	v3 =	vadd.f32 $1.428571490e-01, v3  }
0x3e: {  	v10 =	vmul.f32 v10, v17;
	v9 =	vadd.f32 $9.090909360e-02, v9;
	(erf) = vpow2.f32 v13  }
0x3f: {  	vm1 =	vgt.f32 v35, v63;
	v13 =	vmul.f32 $1.442695020e+00, v26;
	v26 =	vmul.f32 v3, v12  }
0x40: {  	v59 =	vld [tilespmem:s6+$0xFFFFFFF0];
	v3 =	vadd.f32 v7, v7;
	v7 =	vmul.f32 v9, v21;
	v9 =	vadd.f32 $1.111111120e-01, v10  }
0x41: {  	v61 =	vld [tilespmem:s7+$0xFFFFFFF0];
	vm12 =	vgt.f32 v52, v54;
	vm13 =	vgt.f32 v57, v38;
	v25 =	vsub.f32 $0.0e+00, v25  }
0x42: {  	v11 =	vadd.f32 $9.090909360e-02, v11;
	(erf) = vpow2.f32 v24;
	v9 =	vmul.f32 v9, v17  }
0x43: {  	v25 =	vmul.f32 $1.442695020e+00, v25;
	(erf) = vpow2.f32 v13;
	v13 =	vadd.f32 $2.000000030e-01, v26  }
0x44: {  	v5 =	vadd.f32 v5, v5;
	v10 =	vmul.f32 v11, v23;
	v26 =	vadd.f32 $1.428571490e-01, v9  }
0x45: {  	(erf) = vpow2.f32 v25;
	v7 =	vadd.f32 $1.111111120e-01, v7;
	v13 =	vmul.f32 v13, v12  }
0x46: {  	vm14 =	vgt.f32 v59, v61;
	v24 =	vsub.f32 $0.0e+00, v14;
	v10 =	vadd.f32 $1.111111120e-01, v10  }
0x47: {  	v8 =	vadd.f32 v8, v8;
	v7 =	vmul.f32 v7, v21;
	v13 =	vadd.f32 $3.333333430e-01, v13  }
0x48: {  	v10 =	vmul.f32 v10, v23;
	v9 =	vmax.f32 v24, $0.0e+00;
	v24 =	vmul.f32 v26, v17;
	v26 =	vpop (erf)  }
0x49: {  	v7 =	vadd.f32 $1.428571490e-01, v7;
	v12 =	vmul.f32 v13, v12;
	v13 =	vadd.f32 $2.000000000e+00, v26  }
0x4a: {  	v58 =	vsub.f32 $0.0e+00, v6;
	v6 =	vmax.f32 v6, $0.0e+00;
	v25 =	vsub.f32 $0.0e+00, v22  }
0x4b: {  	v32 =	vld [tilespmem:s30+$0xFFFFFFE0];
	v29 =	vadd.f32 $1.428571490e-01, v10;
	v7 =	vmul.f32 v7, v21;
	(erf) = vrcp.f32 v13  }
0x4c: {  	v11 =	vsub.f32 $0.0e+00, v16;
	v10 =	vmax.f32 v25, $0.0e+00;
	v25 =	vld [tilespmem:s29+$0xFFFFFFE0];
	v31 =	vpop (erf);
	v12 =	vadd.f32 $1.000000000e+00, v12  }
0x4d: {  	v29 =	vmul.f32 v29, v23;
	v33 =	vadd.f32 $2.000000000e+00, v31;
	v34 =	vpop (erf);
	v7 =	vadd.f32 $2.000000030e-01, v7  }
0x4e: {  	v27 =	vpop (erf);
	v13 =	vadd.f32 $2.000000000e+00, v34;
	v5 =	vmul.f32 v12, v5;
	v12 =	vadd.f32 $2.000000030e-01, v24  }
0x4f: {  	v29 =	vadd.f32 $2.000000030e-01, v29;
	v36 =	vadd.f32 $2.000000000e+00, v27;
	(erf) = vrcp.f32 v33  }
0x50: {  	(erf) = vrcp.f32 v13;
	v13 =	vmax.f32 v30, $0.0e+00;
	v12 =	vmul.f32 v12, v17  }
0x51: {  	s31 =	simm.s32 $0xA0;
	v40 =	vld [tilespmem:s29+$0x0];
	vm11 =	vgt.f32 v25, v32;
	(erf) = vrcp.f32 v36;
	v0 =	vsel vm0, v13, v0  }
0x52: {  	v25 =	vld [tilespmem:s31+$0xFFFFFFF0];
	v13 =	vadd.f32 v5, v0;
	v0 =	vmul.f32 v7, v21;
	v5 =	vmul.f32 v29, v23  }
0x53: {  	v14 =	vmax.f32 v14, $0.0e+00;
	v16 =	vmax.f32 v16, $0.0e+00;
	v24 =	vld [tilespmem:s30+$0x0];
	v7 =	vadd.f32 $3.333333430e-01, v12  }
0x54: {  	v11 =	vmax.f32 v11, $0.0e+00;
	v0 =	vadd.f32 $3.333333430e-01, v0;
	v5 =	vadd.f32 $3.333333430e-01, v5;
	v12 =	vpop (erf)  }
0x55: {  	v7 =	vmul.f32 v7, v17;
	v17 =	vmax.f32 v22, $0.0e+00;
	v22 =	vmul.f32 v12, v26  }
0x56: {  	v19 =	vsel vm11, v15, v19;
	v15 =	vsel vm1, v18, v2;
	v5 =	vmul.f32 v5, v23  }
0x57: {  	v48 =	vsub.f32 $0.0e+00, v25;
	v0 =	vmul.f32 v0, v21;
	v21 =	vmul.f32 v22, v22  }
0x58: {  	vm2 =	vgt.f32 v40, v24;
	v7 =	vadd.f32 $1.000000000e+00, v7;
	v12 =	vpop (erf);
	v5 =	vadd.f32 $1.000000000e+00, v5  }
0x59: {  	v18 =	vmul.f32 v12, v31;
	v2 =	vpop (erf);
	v12 =	vsel vm2, v1, v20;
	v23 =	vmul.f32 $7.692307980e-02, v21  }
0x5a: {  	v7 =	vmul.f32 v7, v8;
	v8 =	vadd.f32 $1.000000000e+00, v0;
	v20 =	vmul.f32 v2, v34;
	v1 =	vpop (erf);
	v2 =	vld [tilespmem:s31+$0x10]  }
0x5b: {  	v53 =	vmul.f32 v5, v3;
	v0 =	vmul.f32 v1, v27;
	v23 =	vadd.f32 $9.090909360e-02, v23  }
0x5c: {  	v26 =	vmul.f32 v18, v18;
	v19 =	vadd.f32 v7, v19;
	v7 =	vld [tilespmem:s31+$0xFFFFFFE0];
	v31 =	vmul.f32 v8, v4  }
0x5d: {  	v1 =	vadd.f32 v18, v18;
	v24 =	vmul.f32 v20, v20;
	v23 =	vmul.f32 v23, v21  }
0x5e: {  	v18 =	vadd.f32 v20, v20;
	v20 =	vld [tilespmem:s31+$0x0];
	v27 =	vmul.f32 v0, v0;
	v42 =	vmul.f32 $7.692307980e-02, v26  }
0x5f: {  	v41 =	vmul.f32 $7.692307980e-02, v24;
	v4 =	vand.u32 $0x7FFFFFFF, v2;
	v8 =	vadd.f32 $1.111111120e-01, v23  }
0x60: {  	v43 =	vmul.f32 $7.692307980e-02, v27;
	v4 =	vsub.f32 $0.0e+00, v4;
	v23 =	vand.u32 $0x7FFFFFFF, v25  }
0x61: {  	v45 =	vand.u32 $0x7FFFFFFF, v7;
	v23 =	vsub.f32 $0.0e+00, v23;
	v8 =	vmul.f32 v8, v21  }
0x62: {  	v28 =	vadd.f32 $9.090909360e-02, v41;
	v33 =	vsub.f32 $0.0e+00, v45;
	v4 =	vmul.f32 $1.442695020e+00, v4  }
0x63: {  	v44 =	vand.u32 $0x7FFFFFFF, v20;
	v23 =	vmul.f32 $1.442695020e+00, v23;
	v8 =	vadd.f32 $1.428571490e-01, v8  }
0x64: {  	v32 =	vsub.f32 $0.0e+00, v44;
	v46 =	vmul.f32 $1.442695020e+00, v33;
	(erf) = vpow2.f32 v4  }
0x65: {  	v30 =	vadd.f32 $9.090909360e-02, v43;
	(erf) = vpow2.f32 v23;
	v8 =	vmul.f32 v8, v21  }
0x66: {  	v29 =	vadd.f32 $9.090909360e-02, v42;
	v28 =	vmul.f32 v28, v24;
	v32 =	vmul.f32 $1.442695020e+00, v32  }
0x67: {  	v49 =	vmul.f32 v30, v27;
	(erf) = vpow2.f32 v46;
	v8 =	vadd.f32 $2.000000030e-01, v8  }
0x68: {  	v22 =	vadd.f32 v22, v22;
	v23 =	vmul.f32 v29, v26;
	(erf) = vpow2.f32 v32  }
0x69: {  	v4 =	vadd.f32 $1.111111120e-01, v28;
	v28 =	vadd.f32 $1.111111120e-01, v49;
	v8 =	vmul.f32 v8, v21  }
0x6a: {  	v5 =	vmax.f32 v48, $0.0e+00;
	v0 =	vadd.f32 v0, v0;
	v23 =	vadd.f32 $1.111111120e-01, v23  }
0x6b: {  	v4 =	vmul.f32 v4, v24;
	v28 =	vmul.f32 v28, v27;
	v8 =	vadd.f32 $3.333333430e-01, v8  }
0x6c: {  	v47 =	vsub.f32 $0.0e+00, v7;
	v50 =	vsub.f32 $0.0e+00, v20;
	v23 =	vmul.f32 v23, v26  }
0x6d: {  	v51 =	vadd.f32 $1.428571490e-01, v4;
	v28 =	vadd.f32 $1.428571490e-01, v28;
	v56 =	vpop (erf);
	v8 =	vmul.f32 v8, v21  }
0x6e: {  	v3 =	vmax.f32 v50, $0.0e+00;
	v23 =	vadd.f32 $1.428571490e-01, v23;
	v21 =	vadd.f32 $2.000000000e+00, v56;
	v37 =	vpop (erf)  }
0x6f: {  	v55 =	vmul.f32 v51, v24;
	v39 =	vadd.f32 $2.000000000e+00, v37;
	v8 =	vadd.f32 $1.000000000e+00, v8  }
0x70: {  	v23 =	vmul.f32 v23, v26;
	v60 =	vpop (erf);
	(erf) = vrcp.f32 v21;
	v21 =	vmax.f32 v58, $0.0e+00  }
0x71: {  	v62 =	vld [tilespmem:s7+$0x0];
	v40 =	vpop (erf);
	(erf) = vrcp.f32 v39;
	v8 =	vmul.f32 v8, v22;
	v22 =	vadd.f32 $2.000000000e+00, v60  }
0x72: {  	v28 =	vmul.f32 v28, v27;
	v6 =	vsel vm12, v21, v6;
	v21 =	vld [tilespmem:s6+$0x0];
	v41 =	vadd.f32 $2.000000000e+00, v40  }
0x73: {  	v29 =	vadd.f32 $2.000000030e-01, v55;
	(erf) = vrcp.f32 v22;
	v22 =	vadd.f32 $2.000000030e-01, v23  }
0x74: {  	v4 =	vmax.f32 v47, $0.0e+00;
	v23 =	vadd.f32 $2.000000030e-01, v28;
	(erf) = vrcp.f32 v41  }
0x75: {  	v63 =	vadd.f32 v8, v6;
	v8 =	vmul.f32 v29, v24;
	v22 =	vmul.f32 v22, v26  }
0x76: {  	s11 =	simm.s32 $0x420;
	v6 =	vmax.f32 v7, $0.0e+00;
	v7 =	vmax.f32 v25, $0.0e+00;
	v23 =	vmul.f32 v23, v27  }
0x77: {  	s10 =	simm.s32 $0x1020;
	[tilespmem:s11+$0x10] =	vst v13;
	v25 =	vadd.f32 $3.333333430e-01, v8;
	vm15 =	vgt.f32 v21, v62;
	v22 =	vadd.f32 $3.333333430e-01, v22  }
0x78: {  	[tilespmem:s10+$0x10] =	vst v13;
	v8 =	vmax.f32 v20, $0.0e+00;
	v20 =	vsel vm14, v9, v14;
	v23 =	vadd.f32 $3.333333430e-01, v23  }
0x79: {  	[tilespmem:s11+$0xFFFFFFE0] =	vst v19;
	v21 =	vmul.f32 v25, v24;
	v25 =	vsel vm13, v11, v16;
	v11 =	vpop (erf);
	v13 =	vmul.f32 v22, v26  }
0x7a: {  	[tilespmem:s10+$0xFFFFFFE0] =	vst v19;
	v19 =	vsel vm15, v10, v17;
	v16 =	vmul.f32 v23, v27;
	v9 =	vmul.f32 v11, v56;
	v14 =	vpop (erf)  }
0x7b: {  	s8 =	simm.s32 $0x460;
	v11 =	vadd.f32 $1.000000000e+00, v21;
	v21 =	vmul.f32 v14, v37;
	v23 =	vadd.f32 $1.000000000e+00, v13  }
0x7c: {  	s9 =	simm.s32 $0x1060;
	[tilespmem:s8+$0x10] =	vst v63;
	v10 =	vadd.f32 $1.000000000e+00, v16;
	v13 =	vmul.f32 v9, v9;
	v16 =	vadd.f32 v31, v15;
	v14 =	vpop (erf)  }
0x7d: {  	[tilespmem:s9+$0x10] =	vst v63;
	v18 =	vmul.f32 v11, v18;
	v22 =	vadd.f32 v21, v21;
	v15 =	vmul.f32 v14, v60;
	v17 =	vpop (erf)  }
0x7e: {  	s12 =	simm.s32 $0x8;
	s13 =	simm.s32 $0xE0;
	v14 =	vadd.f32 v53, v12;
	v26 =	vmul.f32 $7.692307980e-02, v13;
	[tilespmem:s11+$0xFFFFFFF0] =	vst v16;
	v12 =	vmul.f32 v17, v40  }
.LBB2_1:
0x7f: {  	v24 =	vld [tilespmem:s13+$0x10];
	v17 =	vmul.f32 v15, v15;
	v11 =	vadd.f32 v15, v15;
	v15 =	vmul.f32 v21, v21;
	[tilespmem:s10+$0xFFFFFFF0] =	vst v16  }
0x80: {  	v21 =	vld [tilespmem:s13+$0xFFFFFFF0];
	v16 =	vmul.f32 v12, v12;
	v27 =	vadd.f32 v12, v12;
	v26 =	vadd.f32 $9.090909360e-02, v26;
	[tilespmem:s11+$0x0] =	vst v14;
	v12 =	vmovc v20;
	s11 =	smov.u32 s8  }
0x81: {  	s12 =	sadd.s32 $0x4, s12;
	v25 =	vadd.f32 v18, v25;
	v20 =	vld [tilespmem:s13+$0x0];
	v28 =	vmul.f32 $7.692307980e-02, v17;
	v29 =	vmul.f32 $7.692307980e-02, v15;
	[tilespmem:s10+$0x0] =	vst v14;
	v14 =	vmovc v19;
	s10 =	smov.u32 s9  }
0x82: {  	p0 =	slt.u32 s12, $0x3C;
	v19 =	vld [tilespmem:s13+$0xFFFFFFE0];
	v30 =	vmul.f32 $7.692307980e-02, v16;
	v26 =	vmul.f32 v26, v13  }
0x83: {  	v18 =	vmul.f32 v23, v1;
	v1 =	vmovc v22;
	v28 =	vadd.f32 $9.090909360e-02, v28;
	v29 =	vadd.f32 $9.090909360e-02, v29;
	[tilespmem:s8+$0xFFFFFFE0] =	vst v25  }
0x84: {  	v22 =	vand.u32 $0x7FFFFFFF, v24;
	v23 =	vadd.f32 $9.090909360e-02, v30;
	v26 =	vadd.f32 $1.111111120e-01, v26  }
0x85: {  	v30 =	vand.u32 $0x7FFFFFFF, v21;
	v22 =	vsub.f32 $0.0e+00, v22;
	v28 =	vmul.f32 v28, v17;
	[tilespmem:s9+$0xFFFFFFE0] =	vst v25  }
0x86: {  	v25 =	vsub.f32 $0.0e+00, v30;
	v30 =	vand.u32 $0x7FFFFFFF, v20;
	v26 =	vmul.f32 v26, v13  }
0x87: {  	v31 =	vand.u32 $0x7FFFFFFF, v19;
	v30 =	vsub.f32 $0.0e+00, v30;
	v22 =	vmul.f32 $1.442695020e+00, v22  }
0x88: {  	v31 =	vsub.f32 $0.0e+00, v31;
	v25 =	vmul.f32 $1.442695020e+00, v25;
	v26 =	vadd.f32 $1.428571490e-01, v26  }
0x89: {  	v30 =	vmul.f32 $1.442695020e+00, v30;
	(erf) = vpow2.f32 v22;
	v22 =	vadd.f32 $1.111111120e-01, v28  }
0x8a: {  	v28 =	vmul.f32 $1.442695020e+00, v31;
	v31 =	vsub.f32 $0.0e+00, v19;
	v26 =	vmul.f32 v26, v13  }
0x8b: {  	v32 =	vsub.f32 $0.0e+00, v21;
	(erf) = vpow2.f32 v25;
	v25 =	vmul.f32 v29, v15  }
0x8c: {  	v23 =	vmul.f32 v23, v16;
	(erf) = vpow2.f32 v28;
	v26 =	vadd.f32 $2.000000030e-01, v26  }
0x8d: {  	v22 =	vmul.f32 v22, v17;
	(erf) = vpow2.f32 v30;
	v25 =	vadd.f32 $1.111111120e-01, v25  }
0x8e: {  	s6 =	sadd.s32 $0x40, s6;
	v23 =	vadd.f32 $1.111111120e-01, v23;
	v28 =	vsub.f32 $0.0e+00, v20;
	v26 =	vmul.f32 v26, v13  }
0x8f: {  	s7 =	sadd.s32 $0x40, s7;
	v22 =	vadd.f32 $1.428571490e-01, v22;
	v30 =	vmul.f32 v10, v0;
	v0 =	vmovc v27;
	v25 =	vmul.f32 v25, v15;
	v29 =	vld [tilespmem:s6+$0x10]  }
0x90: {  	v23 =	vmul.f32 v23, v16;
	v10 =	vmax.f32 v31, $0.0e+00;
	v26 =	vadd.f32 $3.333333430e-01, v26;
	v27 =	vld [tilespmem:s7+$0x10]  }
0x91: {  	v31 =	vmax.f32 v32, $0.0e+00;
	v22 =	vmul.f32 v22, v17;
	v32 =	vld [tilespmem:s6+$0xFFFFFFE0];
	v25 =	vadd.f32 $1.428571490e-01, v25  }
0x92: {  	v23 =	vadd.f32 $1.428571490e-01, v23;
	v28 =	vmax.f32 v28, $0.0e+00;
	v33 =	vpop (erf);
	v34 =	vld [tilespmem:s7+$0xFFFFFFE0];
	v13 =	vmul.f32 v26, v13  }
0x93: {  	v36 =	vsub.f32 $0.0e+00, v2;
	v26 =	vadd.f32 $2.000000000e+00, v33;
	v25 =	vmul.f32 v25, v15;
	v35 =	vld [tilespmem:s6+$0xFFFFFFF0]  }
0x94: {  	v9 =	vadd.f32 v9, v9;
	v23 =	vmul.f32 v23, v16;
	v37 =	vpop (erf);
	v38 =	vld [tilespmem:s7+$0xFFFFFFF0];
	v13 =	vadd.f32 $1.000000000e+00, v13  }
0x95: {  	v42 =	vmax.f32 v2, $0.0e+00;
	v39 =	vadd.f32 $2.000000000e+00, v37;
	v40 =	vpop (erf);
	v41 =	vld [tilespmem:s6+$0x0];
	vm0 =	vgt.f32 v29, v27  }
0x96: {  	v27 =	vpop (erf);
	(erf) = vrcp.f32 v26;
	v26 =	vld [tilespmem:s7+$0x0];
	v9 =	vmul.f32 v13, v9;
	v13 =	vmax.f32 v36, $0.0e+00  }
0x97: {  	v2 =	vmovc v24;
	v29 =	vadd.f32 $2.000000000e+00, v40;
	v36 =	vadd.f32 $2.000000000e+00, v27;
	v13 =	vsel vm0, v13, v42  }
0x98: {  	v22 =	vadd.f32 $2.000000030e-01, v22;
	(erf) = vrcp.f32 v39;
	v9 =	vadd.f32 v9, v13  }
0x99: {  	s8 =	sadd.s32 $0x40, s8;
	v23 =	vadd.f32 $2.000000030e-01, v23;
	v13 =	vadd.f32 $2.000000030e-01, v25;
	(erf) = vrcp.f32 v29  }
0x9a: {  	s9 =	sadd.s32 $0x40, s9;
	v22 =	vmul.f32 v22, v17;
	vm0 =	vgt.f32 v32, v34;
	(erf) = vrcp.f32 v36;
	[tilespmem:s8+$0x10] =	vst v9  }
0x9b: {  	v19 =	vmax.f32 v19, $0.0e+00;
	v23 =	vmul.f32 v23, v16;
	v13 =	vmul.f32 v13, v15;
	[tilespmem:s9+$0x10] =	vst v9  }
0x9c: {  	v21 =	vmax.f32 v21, $0.0e+00;
	v29 =	vadd.f32 $3.333333430e-01, v22;
	vm1 =	vgt.f32 v35, v38  }
0x9d: {  	v22 =	vadd.f32 $3.333333430e-01, v23;
	vm2 =	vgt.f32 v41, v26;
	v13 =	vadd.f32 $3.333333430e-01, v13  }
0x9e: {  	v24 =	vmax.f32 v20, $0.0e+00;
	v25 =	vsel vm0, v4, v6;
	v4 =	vmovc v10;
	v6 =	vmovc v19;
	v17 =	vmul.f32 v29, v17  }
0x9f: {  	v20 =	vsel vm1, v5, v7;
	v10 =	vmul.f32 v13, v15;
	v13 =	vmul.f32 v22, v16;
	v9 =	vpop (erf)  }
.Ltmp0:
0xa0: {  	v5 =	vmovc v31;
	v19 =	vsel vm2, v3, v8;
	v3 =	vmovc v28;
	v17 =	vadd.f32 $1.000000000e+00, v17;
	v9 =	vmul.f32 v9, v33;
	(pc) =	sbr.rel @p0 .LBB2_1-.Ltmp0, $4  }
0xa1: {  	v7 =	vmov v21;
	v23 =	vadd.f32 $1.000000000e+00, v10;
	v10 =	vadd.f32 $1.000000000e+00, v13;
	v8 =	vpop (erf)  }
0xa2: {  	v16 =	vadd.f32 v18, v12;
	v21 =	vmul.f32 v8, v37;
	v13 =	vmul.f32 v9, v9;
	v8 =	vpop (erf)  }
0xa3: {  	v14 =	vadd.f32 v30, v14;
	v18 =	vmul.f32 v17, v11;
	v15 =	vmul.f32 v8, v40;
	v8 =	vpop (erf)  }
0xa4: {  	s13 =	sadd.s32 $0x40, s13;
	v22 =	vadd.f32 v21, v21;
	v12 =	vmul.f32 v8, v27;
	v26 =	vmul.f32 $7.692307980e-02, v13;
	[tilespmem:s11+$0xFFFFFFF0] =	vst v16;
	v8 =	vmovc v24  }
0xa5: {  	_ = 	snop  }
0xa6: {  	v11 =	vadd.f32 $9.090909360e-02, v26  }
0xa7: {  	v17 =	vmul.f32 v15, v15  }
0xa8: {  	v11 =	vmul.f32 v11, v13  }
0xa9: {  	v21 =	vmul.f32 v21, v21;
	v24 =	vmul.f32 $7.692307980e-02, v17  }
0xaa: {  	v11 =	vadd.f32 $1.111111120e-01, v11  }
0xab: {  	v46 =	vmul.f32 v12, v12;
	v27 =	vmul.f32 $7.692307980e-02, v21;
	v24 =	vadd.f32 $9.090909360e-02, v24  }
0xac: {  	v11 =	vmul.f32 v11, v13  }
0xad: {  	v28 =	vmul.f32 $7.692307980e-02, v46;
	v27 =	vadd.f32 $9.090909360e-02, v27;
	v24 =	vmul.f32 v24, v17  }
0xae: {  	v11 =	vadd.f32 $1.428571490e-01, v11  }
0xaf: {  	v28 =	vadd.f32 $9.090909360e-02, v28;
	v27 =	vmul.f32 v27, v21;
	v24 =	vadd.f32 $1.111111120e-01, v24  }
0xb0: {  	v11 =	vmul.f32 v11, v13  }
0xb1: {  	v28 =	vmul.f32 v28, v46;
	v27 =	vadd.f32 $1.111111120e-01, v27;
	v24 =	vmul.f32 v24, v17  }
0xb2: {  	v11 =	vadd.f32 $2.000000030e-01, v11  }
0xb3: {  	s6 =	sadd.s32 $0x40, s6;
	v28 =	vadd.f32 $1.111111120e-01, v28;
	v27 =	vmul.f32 v27, v21;
	v24 =	vadd.f32 $1.428571490e-01, v24  }
0xb4: {  	s7 =	sadd.s32 $0x40, s7;
	v18 =	vadd.f32 v18, v25;
	v49 =	vsub.f32 $0.0e+00, v2;
	v29 =	vld [tilespmem:s6+$0x10];
	v11 =	vmul.f32 v11, v13  }
0xb5: {  	v30 =	vld [tilespmem:s7+$0x10];
	v28 =	vmul.f32 v28, v46;
	v27 =	vadd.f32 $1.428571490e-01, v27;
	v24 =	vmul.f32 v24, v17  }
0xb6: {  	v9 =	vadd.f32 v9, v9;
	v11 =	vadd.f32 $3.333333430e-01, v11  }
0xb7: {  	v47 =	vadd.f32 $1.428571490e-01, v28;
	v48 =	vmul.f32 v27, v21;
	v24 =	vadd.f32 $2.000000030e-01, v24  }
0xb8: {  	v2 =	vmax.f32 v2, $0.0e+00;
	v1 =	vmul.f32 v23, v1;
	v11 =	vmul.f32 v11, v13  }
0xb9: {  	v25 =	vmul.f32 v47, v46;
	v24 =	vmul.f32 v24, v17;
	v13 =	vadd.f32 $2.000000030e-01, v48  }
0xba: {  	[tilespmem:s10+$0xFFFFFFF0] =	vst v16;
	v50 =	vld [tilespmem:s6+$0xFFFFFFE0];
	vm0 =	vgt.f32 v29, v30;
	v27 =	vmax.f32 v49, $0.0e+00;
	v11 =	vadd.f32 $1.000000000e+00, v11  }
0xbb: {  	[tilespmem:s11+$0x0] =	vst v14;
	v52 =	vld [tilespmem:s7+$0xFFFFFFE0];
	v51 =	vadd.f32 $2.000000030e-01, v25;
	v24 =	vadd.f32 $3.333333430e-01, v24;
	v13 =	vmul.f32 v13, v21  }
0xbc: {  	[tilespmem:s10+$0x0] =	vst v14;
	v53 =	vld [tilespmem:s6+$0xFFFFFFF0];
	v1 =	vadd.f32 v1, v20;
	v2 =	vsel vm0, v27, v2;
	v9 =	vmul.f32 v11, v9  }
0xbd: {  	v54 =	vld [tilespmem:s7+$0xFFFFFFF0];
	[tilespmem:s8+$0xFFFFFFE0] =	vst v18;
	v56 =	vmul.f32 v24, v17;
	v11 =	vmul.f32 v51, v46;
	v55 =	vadd.f32 $3.333333430e-01, v13  }
0xbe: {  	v57 =	vadd.f32 v15, v15;
	v0 =	vmul.f32 v10, v0;
	[tilespmem:s9+$0xFFFFFFE0] =	vst v18;
	v2 =	vadd.f32 v9, v2  }
0xbf: {  	s29 =	sadd.s32 $0x40, s8;
	v59 =	vld [tilespmem:s6+$0x0];
	[tilespmem:s8+$0xFFFFFFF0] =	vst v1;
	v13 =	vadd.f32 $1.000000000e+00, v56;
	v58 =	vadd.f32 $3.333333430e-01, v11;
	v9 =	vmul.f32 v55, v21  }
0xc0: {  	s30 =	sadd.s32 $0x40, s9;
	v60 =	vld [tilespmem:s7+$0x0];
	v0 =	vadd.f32 v0, v19;
	vm14 =	vgt.f32 v50, v52;
	[tilespmem:s29+$0x10] =	vst v2  }
0xc1: {  	v61 =	vmul.f32 v13, v57;
	v9 =	vadd.f32 $1.000000000e+00, v9;
	[tilespmem:s30+$0x10] =	vst v2;
	v2 =	vmul.f32 v58, v46  }
0xc2: {  	v62 =	vadd.f32 v12, v12;
	[tilespmem:s8+$0x0] =	vst v0;
	vm1 =	vgt.f32 v53, v54;
	v4 =	vsel vm14, v4, v6  }
0xc3: {  	[tilespmem:s9+$0xFFFFFFF0] =	vst v1;
	v63 =	vmul.f32 v9, v22;
	v1 =	vadd.f32 $1.000000000e+00, v2;
	v2 =	vadd.f32 v61, v4  }
0xc4: {  	[tilespmem:s9+$0x0] =	vst v0;
	v5 =	vsel vm1, v5, v7  }
0xc5: {  	vm15 =	vgt.f32 v59, v60;
	[tilespmem:s29+$0xFFFFFFE0] =	vst v2;
	v0 =	vmul.f32 v1, v62;
	v1 =	vadd.f32 v63, v5  }
0xc6: {  	v3 =	vsel vm15, v3, v8;
	[tilespmem:s30+$0xFFFFFFE0] =	vst v2  }
0xc7: {  	v0 =	vadd.f32 v0, v3;
	[tilespmem:s29+$0xFFFFFFF0] =	vst v1  }
0xc8: {  	[tilespmem:s30+$0xFFFFFFF0] =	vst v1  }
0xc9: {  	[tilespmem:s29+$0x0] =	vst v0  }
0xca: {  	s31 =	simm.s32 $0x0;
	[tilespmem:s30+$0x0] =	vst v0  }
0xcb: {  	v2 =	vld [tilespmem:s31+$0x1000]  }
0xcc: {  	s6 =	simm.s32 $0x40;
	v1 =	vimm.f32 $0.0e+00;
	v0 =	vimm.f32 $0.0e+00  }
.LBB2_3:
0xcd: {  	p0 =	sne.s32 s6, $0xFC0  }
.Ltmp1:
0xce: {  	_ = 	snop;
	(pc) =	sbr.rel @p0 .LBB2_3-.Ltmp1, $4  }
0xcf: {  	_ = 	snop  }
0xd0: {  	s7 =	sshra.s32 s6, $0x2;
	s6 =	sadd.s32 $0x40, s6;
	vm0 =	vlt.s32 v2, $0x40000000  }
0xd1: {  	v2 =	vld [tilespmem:s7+$0x1000];
	v3 =	vsel vm0, $0x3F800000, v1  }
0xd2: {  	v0 =	vadd.f32 v3, v0  }
0xd3: {  	v3 =	vimm.s32 $0xEFCDAB89;
	v4 =	vimm.s32 $0x67452301  }
0xd4: {  	v3 =	vunpack.c.l.s4.s8 v3;
	v4 =	vunpack.c.l.s4.s8 v4;
	_ =	sdelay $0x1  }
0xd5: {  	vm0 =	vlt.s32 v2, $0x40000000;
	v2 =	vunpack.c.0.s8.s32 v3;
	v3 =	vunpack.c.0.s8.s32 v4  }
0xd6: {  	v5 =	vimm.s32 $0x54761032;
	v4 =	vimm.s32 $0xDCFE98BA;
	v1 =	vsel vm0, $0x3F800000, v1  }
0xd7: {  	v2 =	vcombine.low v3, v2;
	v3 =	vunpack.c.l.s4.s8 v4;
	v4 =	vunpack.c.l.s4.s8 v5  }
0xd8: {  	v0 =	vadd.f32 v1, v0  }
0xd9: {  	v1 =	vand.u32 $0xF, v2;
	v2 =	vunpack.c.0.s8.s32 v3;
	v3 =	vunpack.c.0.s8.s32 v4  }
0xda: {  	v4 =	vperm.xlane v0, v1  }
0xdb: {  	v2 =	vcombine.low v3, v2  }
0xdc: {  	v0 =	vadd.f32 v4, v0  }
0xdd: {  	v2 =	vand.u32 $0xF, v2  }
0xde: {  	v4 =	vlaneseq.u32;
	v3 =	vperm.xlane v0, v2  }
0xdf: {  	v4 =	vand.u32 $0x3, v4  }
0xe0: {  	v0 =	vadd.f32 v3, v0;
	v3 =	vmul.u32 $0x4, v4;
	_ =	sdelay $0x1  }
0xe1: {  	v0 =	vperm.xlane v0, v3  }
0xe2: {  	vm0 =	vmmov $0xf  }
0xe3: {  	s7 =	sshll.u32 s5, $0x4;
	v0 =	vnsel vm0, $0x0, v0  }
0xe4: {  	s8 =	simm.s32 $0x1400;
	s30 =	simm.s32 $0x1;
	s6 =	sadd.s32 s7, s2;
	[tilespmem:$0x1400] =	vst v0  }
0xe5: {  	[spmem:s6] =	stream.linear.scatter [tilespmem:s8], [sflag:$0x1], $0x10, $0x38;
	[tilespmem:$0x1840] =	vst v63  }
0xe6: {  	_ =	swait.ge [sflag:s30], $0x10  }
0xe7: {  	[sflag:s30] =	ssyncset.done $0x0  }
0xe8: {  	[sflag:s30] =	ssyncadd.s32 $0xFFFFFFF0  }
0xe9: {  	s9 =	simm.s32 $0x14C0;
	[bflag:$0x0] =	sbarrier.arrive $0xFFFF  }
0xea: {  	[tilespmem:s9], [sflag:$0x1] =	stream.linear.gather [spmem:s2], $0x100, $0x38;
	[tilespmem:$0x1840] =	vst v63  }
0xeb: {  	_ =	swait.ge [sflag:s30], $0x100  }
0xec: {  	[sflag:s30] =	ssyncset.done $0x0  }
0xed: {  	[sflag:s30] =	ssyncadd.s32 $0xFFFFFF00  }
0xee: {  	v0 =	vld [tilespmem:$0x14C0];
	_ =	sdelay $0x1  }
0xef: {  	v3 =	vld [tilespmem:$0x14D0];
	_ =	sdelay $0x1  }
0xf0: {  	v4 =	vld [tilespmem:$0x14E0]  }
0xf1: {  	v0 =	vadd.f32 $0.0e+00, v0  }
0xf2: {  	v5 =	vld [tilespmem:$0x14F0]  }
0xf3: {  	v0 =	vadd.f32 v3, v0  }
0xf4: {  	v3 =	vld [tilespmem:$0x1500]  }
0xf5: {  	v0 =	vadd.f32 v4, v0  }
0xf6: {  	v4 =	vld [tilespmem:$0x1510]  }
0xf7: {  	v0 =	vadd.f32 v5, v0  }
0xf8: {  	v5 =	vld [tilespmem:$0x1520]  }
0xf9: {  	v0 =	vadd.f32 v3, v0  }
0xfa: {  	v3 =	vld [tilespmem:$0x1530]  }
0xfb: {  	v0 =	vadd.f32 v4, v0  }
0xfc: {  	v4 =	vld [tilespmem:$0x1540]  }
0xfd: {  	v0 =	vadd.f32 v5, v0  }
0xfe: {  	v5 =	vld [tilespmem:$0x1550]  }
0xff: {  	v0 =	vadd.f32 v3, v0  }
0x100: {  	v3 =	vld [tilespmem:$0x1560]  }
0x101: {  	v0 =	vadd.f32 v4, v0  }
0x102: {  	v4 =	vld [tilespmem:$0x1570]  }
0x103: {  	v0 =	vadd.f32 v5, v0  }
0x104: {  	v5 =	vld [tilespmem:$0x1580]  }
0x105: {  	v0 =	vadd.f32 v3, v0  }
0x106: {  	v3 =	vld [tilespmem:$0x1590]  }
0x107: {  	v0 =	vadd.f32 v4, v0  }
0x108: {  	v4 =	vld [tilespmem:$0x15A0]  }
0x109: {  	v0 =	vadd.f32 v5, v0  }
0x10a: {  	v5 =	vld [tilespmem:$0x15B0]  }
0x10b: {  	v0 =	vadd.f32 v3, v0;
	_ =	sdelay $0x1  }
0x10c: {  	v0 =	vadd.f32 v4, v0;
	_ =	sdelay $0x1  }
0x10d: {  	v0 =	vadd.f32 v5, v0;
	_ =	sdelay $0x1  }
0x10e: {  	v1 =	vperm.xlane v0, v1;
	_ =	sdelay $0x1  }
0x10f: {  	v0 =	vadd.f32 v1, v0;
	_ =	sdelay $0x1  }
0x110: {  	v1 =	vperm.xlane v0, v2;
	_ =	sdelay $0x1  }
0x111: {  	v0 =	vadd.f32 v1, v0  }
0x112: {  	v2 =	vimm.s32 $0x0  }
0x113: {  	v0 =	vperm.xlane v0, v2;
	_ =	sdelay $0x1  }
0x114: {  	v3 =	vimm.f32 $0.0e+00;
	v4 =	vimm.f32 $0.0e+00;
	vm1 =	vlt.f32 v0, $1.146800000e+04  }
0x115: {  	s31 =	simm.s32 $0x0;
	v1 =	vimm.f32 $0.0e+00;
	v0 =	vsel vm1, $0x40000000, v2;
	v2 =	vimm.f32 $0.0e+00  }
0x116: {  	s8 =	simm.s32 $0x40;
	v8 =	vld [tilespmem:s31+$0x1000];
	v5 =	vor.u32 $0x10000000, v0;
	v7 =	vor.u32 $0x20000000, v0;
	v6 =	vor.u32 $0x30000000, v0  }
.LBB2_5:
0x117: {  	_ =	sdelay $0x1  }
0x118: {  	p0 =	sne.s32 s8, $0xFC0  }
.Ltmp2:
0x119: {  	_ = 	snop;
	(pc) =	sbr.rel @p0 .LBB2_5-.Ltmp2, $4  }
0x11a: {  	vm1 =	vlt.s32 v8, v5  }
0x11b: {  	vm2 =	vlt.s32 v8, v7;
	vm3 =	vlt.s32 v8, v6;
	v9 =	vsel vm1, $0x3F800000, v1  }
0x11c: {  	s9 =	sshra.s32 s8, $0x2;
	v10 =	vsel vm2, $0x3F800000, v1;
	v11 =	vsel vm3, $0x3F800000, v1;
	v2 =	vadd.f32 v9, v2  }
0x11d: {  	s8 =	sadd.s32 $0x40, s8;
	v8 =	vld [tilespmem:s9+$0x1000];
	v4 =	vadd.f32 v11, v4;
	v3 =	vadd.f32 v10, v3  }
0x11e: {  	_ = 	snop  }
0x11f: {  	v9 =	vimm.s32 $0xEFCDAB89;
	v10 =	vimm.s32 $0x67452301  }
0x120: {  	v9 =	vunpack.c.l.s4.s8 v9;
	v10 =	vunpack.c.l.s4.s8 v10;
	_ =	sdelay $0x1  }
0x121: {  	vm1 =	vlt.s32 v8, v7;
	v7 =	vunpack.c.0.s8.s32 v9;
	v9 =	vunpack.c.0.s8.s32 v10  }
0x122: {  	vm2 =	vlt.s32 v8, v5;
	vm3 =	vlt.s32 v8, v6;
	v8 =	vimm.s32 $0x54761032  }
0x123: {  	v5 =	vsel vm1, $0x3F800000, v1;
	v6 =	vcombine.low v9, v7;
	v7 =	vimm.s32 $0xDCFE98BA  }
0x124: {  	v8 =	vunpack.c.l.s4.s8 v8;
	v9 =	vsel vm3, $0x3F800000, v1;
	v7 =	vunpack.c.l.s4.s8 v7  }
0x125: {  	v1 =	vsel vm2, $0x3F800000, v1;
	v3 =	vadd.f32 v5, v3;
	v4 =	vadd.f32 v9, v4  }
0x126: {  	v5 =	vand.u32 $0xF, v6;
	v6 =	vunpack.c.0.s8.s32 v7;
	v7 =	vunpack.c.0.s8.s32 v8  }
0x127: {  	v1 =	vadd.f32 v1, v2;
	v2 =	vperm.xlane v4, v5  }
0x128: {  	v6 =	vcombine.low v7, v6;
	v7 =	vperm.xlane v3, v5  }
0x129: {  	v8 =	vperm.xlane v1, v5;
	v2 =	vadd.f32 v2, v4  }
0x12a: {  	v4 =	vand.u32 $0xF, v6;
	v3 =	vadd.f32 v7, v3  }
0x12b: {  	v1 =	vadd.f32 v8, v1;
	v6 =	vlaneseq.u32;
	v7 =	vperm.xlane v2, v4  }
0x12c: {  	v6 =	vand.u32 $0x3, v6;
	v8 =	vperm.xlane v3, v4  }
0x12d: {  	v6 =	vmul.u32 $0x4, v6;
	v2 =	vadd.f32 v7, v2;
	v7 =	vperm.xlane v1, v4  }
0x12e: {  	v3 =	vadd.f32 v8, v3  }
0x12f: {  	v1 =	vadd.f32 v7, v1;
	v2 =	vperm.xlane v2, v6  }
0x130: {  	vm1 =	vcmask $0x2F20;
	v3 =	vperm.xlane v3, v6  }
0x131: {  	vm2 =	vcmask $0x1F10;
	v1 =	vperm.xlane v1, v6;
	v2 =	vnsel vm1, $0x0, v2  }
0x132: {  	v2 =	vsel vm2, v3, v2  }
0x133: {  	v1 =	vsel vm0, v1, v2  }
0x134: {  	s8 =	sadd.s32 $0x100, s6;
	s9 =	simm.s32 $0x1400;
	s10 =	simm.s32 $0x1;
	[tilespmem:$0x1400] =	vst v1  }
0x135: {  	[spmem:s8] =	stream.linear.scatter [tilespmem:s9], [sflag:$0x1], $0x10, $0x38;
	[tilespmem:$0x1840] =	vst v63  }
0x136: {  	_ =	swait.ge [sflag:s10], $0x10  }
0x137: {  	[sflag:s10] =	ssyncset.done $0x0  }
0x138: {  	[sflag:s10] =	ssyncadd.s32 $0xFFFFFFF0  }
0x139: {  	s11 =	simm.s32 $0x14C0;
	s9 =	sadd.s32 $0x100, s2;
	[bflag:$0x0] =	sbarrier.arrive $0xFFFF  }
0x13a: {  	[tilespmem:s11], [sflag:$0x1] =	stream.linear.gather [spmem:s9], $0x100, $0x38;
	[tilespmem:$0x1840] =	vst v63  }
0x13b: {  	_ =	swait.ge [sflag:s10], $0x100  }
0x13c: {  	[sflag:s10] =	ssyncset.done $0x0  }
0x13d: {  	[sflag:s10] =	ssyncadd.s32 $0xFFFFFF00  }
0x13e: {  	v1 =	vld [tilespmem:$0x14C0];
	_ =	sdelay $0x1  }
0x13f: {  	v2 =	vld [tilespmem:$0x14D0];
	_ =	sdelay $0x1  }
0x140: {  	v3 =	vld [tilespmem:$0x14E0]  }
0x141: {  	v1 =	vadd.f32 $0.0e+00, v1  }
0x142: {  	v6 =	vld [tilespmem:$0x14F0]  }
0x143: {  	v1 =	vadd.f32 v2, v1  }
0x144: {  	v2 =	vld [tilespmem:$0x1500]  }
0x145: {  	v1 =	vadd.f32 v3, v1  }
0x146: {  	v3 =	vld [tilespmem:$0x1510]  }
0x147: {  	v1 =	vadd.f32 v6, v1  }
0x148: {  	v6 =	vld [tilespmem:$0x1520]  }
0x149: {  	v1 =	vadd.f32 v2, v1  }
0x14a: {  	v2 =	vld [tilespmem:$0x1530]  }
0x14b: {  	v1 =	vadd.f32 v3, v1  }
0x14c: {  	v3 =	vld [tilespmem:$0x1540]  }
0x14d: {  	v1 =	vadd.f32 v6, v1  }
0x14e: {  	v6 =	vld [tilespmem:$0x1550]  }
0x14f: {  	v1 =	vadd.f32 v2, v1  }
0x150: {  	v2 =	vld [tilespmem:$0x1560]  }
0x151: {  	v1 =	vadd.f32 v3, v1  }
0x152: {  	v3 =	vld [tilespmem:$0x1570]  }
0x153: {  	v1 =	vadd.f32 v6, v1  }
0x154: {  	v6 =	vld [tilespmem:$0x1580]  }
0x155: {  	v1 =	vadd.f32 v2, v1  }
0x156: {  	v2 =	vld [tilespmem:$0x1590]  }
0x157: {  	v1 =	vadd.f32 v3, v1  }
0x158: {  	v3 =	vld [tilespmem:$0x15A0]  }
0x159: {  	v1 =	vadd.f32 v6, v1  }
0x15a: {  	v6 =	vld [tilespmem:$0x15B0]  }
0x15b: {  	v1 =	vadd.f32 v2, v1;
	_ =	sdelay $0x1  }
0x15c: {  	v1 =	vadd.f32 v3, v1;
	_ =	sdelay $0x1  }
0x15d: {  	v1 =	vadd.f32 v6, v1;
	_ =	sdelay $0x1  }
0x15e: {  	v2 =	vperm.xlane v1, v5;
	_ =	sdelay $0x1  }
0x15f: {  	v1 =	vadd.f32 v2, v1;
	_ =	sdelay $0x1  }
0x160: {  	v2 =	vperm.xlane v1, v4;
	_ =	sdelay $0x1  }
0x161: {  	v1 =	vadd.f32 v2, v1  }
0x162: {  	v2 =	vimm.s32 $0x0  }
0x163: {  	v4 =	vimm.s32 $0x4;
	v3 =	vperm.xlane v1, v2  }
0x164: {  	v5 =	vimm.s32 $0x8;
	v4 =	vperm.xlane v1, v4  }
0x165: {  	v1 =	vperm.xlane v1, v5;
	vm3 =	vlt.f32 v3, $1.146800000e+04  }
0x166: {  	v3 =	vsel vm3, $0x10000000, v2;
	vm3 =	vlt.f32 v4, $1.146800000e+04;
	v4 =	vimm.f32 $0.0e+00  }
0x167: {  	v0 =	vor.u32 v0, v3;
	v3 =	vsel vm3, $0x10000000, v2;
	vm3 =	vlt.f32 v1, $1.146800000e+04  }
0x168: {  	v1 =	vimm.f32 $0.0e+00;
	v0 =	vadd.s32 v3, v0;
	v2 =	vsel vm3, $0x10000000, v2  }
0x169: {  	s31 =	simm.s32 $0x0;
	v3 =	vimm.f32 $0.0e+00;
	v0 =	vadd.s32 v2, v0;
	v2 =	vimm.f32 $0.0e+00  }
0x16a: {  	s10 =	simm.s32 $0x40;
	v8 =	vld [tilespmem:s31+$0x1000];
	v5 =	vor.u32 $0x4000000, v0;
	v7 =	vor.u32 $0x8000000, v0;
	v6 =	vor.u32 $0xC000000, v0  }
.LBB2_7:
0x16b: {  	_ =	sdelay $0x1  }
0x16c: {  	p0 =	sne.s32 s10, $0xFC0  }
.Ltmp3:
0x16d: {  	_ = 	snop;
	(pc) =	sbr.rel @p0 .LBB2_7-.Ltmp3, $4  }
0x16e: {  	vm3 =	vlt.s32 v8, v5  }
0x16f: {  	vm4 =	vlt.s32 v8, v7;
	vm5 =	vlt.s32 v8, v6;
	v9 =	vsel vm3, $0x3F800000, v1  }
0x170: {  	s11 =	sshra.s32 s10, $0x2;
	v10 =	vsel vm4, $0x3F800000, v1;
	v11 =	vsel vm5, $0x3F800000, v1;
	v2 =	vadd.f32 v9, v2  }
0x171: {  	s10 =	sadd.s32 $0x40, s10;
	v8 =	vld [tilespmem:s11+$0x1000];
	v4 =	vadd.f32 v11, v4;
	v3 =	vadd.f32 v10, v3  }
0x172: {  	_ = 	snop  }
0x173: {  	v9 =	vimm.s32 $0xEFCDAB89;
	v10 =	vimm.s32 $0x67452301  }
0x174: {  	v9 =	vunpack.c.l.s4.s8 v9;
	v10 =	vunpack.c.l.s4.s8 v10;
	_ =	sdelay $0x1  }
0x175: {  	vm3 =	vlt.s32 v8, v7;
	v7 =	vunpack.c.0.s8.s32 v9;
	v9 =	vunpack.c.0.s8.s32 v10  }
0x176: {  	vm4 =	vlt.s32 v8, v5;
	vm5 =	vlt.s32 v8, v6;
	v8 =	vimm.s32 $0x54761032  }
0x177: {  	v5 =	vsel vm3, $0x3F800000, v1;
	v6 =	vcombine.low v9, v7;
	v7 =	vimm.s32 $0xDCFE98BA  }
0x178: {  	v8 =	vunpack.c.l.s4.s8 v8;
	v9 =	vsel vm5, $0x3F800000, v1;
	v7 =	vunpack.c.l.s4.s8 v7  }
0x179: {  	v1 =	vsel vm4, $0x3F800000, v1;
	v3 =	vadd.f32 v5, v3;
	v4 =	vadd.f32 v9, v4  }
0x17a: {  	v5 =	vand.u32 $0xF, v6;
	v6 =	vunpack.c.0.s8.s32 v7;
	v7 =	vunpack.c.0.s8.s32 v8  }
0x17b: {  	v1 =	vadd.f32 v1, v2;
	v2 =	vperm.xlane v4, v5  }
0x17c: {  	v6 =	vcombine.low v7, v6;
	v7 =	vperm.xlane v3, v5  }
0x17d: {  	v8 =	vperm.xlane v1, v5;
	v2 =	vadd.f32 v2, v4  }
0x17e: {  	v4 =	vand.u32 $0xF, v6;
	v3 =	vadd.f32 v7, v3  }
0x17f: {  	v1 =	vadd.f32 v8, v1;
	v6 =	vlaneseq.u32;
	v7 =	vperm.xlane v2, v4  }
0x180: {  	v6 =	vand.u32 $0x3, v6;
	v8 =	vperm.xlane v3, v4  }
0x181: {  	v6 =	vmul.u32 $0x4, v6;
	v2 =	vadd.f32 v7, v2;
	v7 =	vperm.xlane v1, v4  }
0x182: {  	v3 =	vadd.f32 v8, v3  }
0x183: {  	v1 =	vadd.f32 v7, v1;
	v2 =	vperm.xlane v2, v6  }
0x184: {  	v3 =	vperm.xlane v3, v6  }
0x185: {  	v1 =	vperm.xlane v1, v6;
	v2 =	vnsel vm1, $0x0, v2  }
0x186: {  	v2 =	vsel vm2, v3, v2  }
0x187: {  	v1 =	vsel vm0, v1, v2  }
0x188: {  	s10 =	simm.s32 $0x1400;
	s30 =	simm.s32 $0x1;
	[tilespmem:$0x1400] =	vst v1  }
0x189: {  	[spmem:s6] =	stream.linear.scatter [tilespmem:s10], [sflag:$0x1], $0x10, $0x38;
	[tilespmem:$0x1840] =	vst v63  }
0x18a: {  	_ =	swait.ge [sflag:s30], $0x10  }
0x18b: {  	[sflag:s30] =	ssyncset.done $0x0  }
0x18c: {  	[sflag:s30] =	ssyncadd.s32 $0xFFFFFFF0  }
0x18d: {  	s11 =	simm.s32 $0x14C0;
	[bflag:$0x0] =	sbarrier.arrive $0xFFFF  }
0x18e: {  	[tilespmem:s11], [sflag:$0x1] =	stream.linear.gather [spmem:s2], $0x100, $0x38;
	[tilespmem:$0x1840] =	vst v63  }
0x18f: {  	_ =	swait.ge [sflag:s30], $0x100  }
0x190: {  	[sflag:s30] =	ssyncset.done $0x0  }
0x191: {  	[sflag:s30] =	ssyncadd.s32 $0xFFFFFF00  }
0x192: {  	v1 =	vld [tilespmem:$0x14C0];
	_ =	sdelay $0x1  }
0x193: {  	v2 =	vld [tilespmem:$0x14D0];
	_ =	sdelay $0x1  }
0x194: {  	v3 =	vld [tilespmem:$0x14E0]  }
0x195: {  	v1 =	vadd.f32 $0.0e+00, v1  }
0x196: {  	v6 =	vld [tilespmem:$0x14F0]  }
0x197: {  	v1 =	vadd.f32 v2, v1  }
0x198: {  	v2 =	vld [tilespmem:$0x1500]  }
0x199: {  	v1 =	vadd.f32 v3, v1  }
0x19a: {  	v3 =	vld [tilespmem:$0x1510]  }
0x19b: {  	v1 =	vadd.f32 v6, v1  }
0x19c: {  	v6 =	vld [tilespmem:$0x1520]  }
0x19d: {  	v1 =	vadd.f32 v2, v1  }
0x19e: {  	v2 =	vld [tilespmem:$0x1530]  }
0x19f: {  	v1 =	vadd.f32 v3, v1  }
0x1a0: {  	v3 =	vld [tilespmem:$0x1540]  }
0x1a1: {  	v1 =	vadd.f32 v6, v1  }
0x1a2: {  	v6 =	vld [tilespmem:$0x1550]  }
0x1a3: {  	v1 =	vadd.f32 v2, v1  }
0x1a4: {  	v2 =	vld [tilespmem:$0x1560]  }
0x1a5: {  	v1 =	vadd.f32 v3, v1  }
0x1a6: {  	v3 =	vld [tilespmem:$0x1570]  }
0x1a7: {  	v1 =	vadd.f32 v6, v1  }
0x1a8: {  	v6 =	vld [tilespmem:$0x1580]  }
0x1a9: {  	v1 =	vadd.f32 v2, v1  }
0x1aa: {  	v2 =	vld [tilespmem:$0x1590]  }
0x1ab: {  	v1 =	vadd.f32 v3, v1  }
0x1ac: {  	v3 =	vld [tilespmem:$0x15A0]  }
0x1ad: {  	v1 =	vadd.f32 v6, v1  }
0x1ae: {  	v6 =	vld [tilespmem:$0x15B0]  }
0x1af: {  	v1 =	vadd.f32 v2, v1;
	_ =	sdelay $0x1  }
0x1b0: {  	v1 =	vadd.f32 v3, v1;
	_ =	sdelay $0x1  }
0x1b1: {  	v1 =	vadd.f32 v6, v1;
	_ =	sdelay $0x1  }
0x1b2: {  	v2 =	vperm.xlane v1, v5;
	_ =	sdelay $0x1  }
0x1b3: {  	v1 =	vadd.f32 v2, v1;
	_ =	sdelay $0x1  }
0x1b4: {  	v2 =	vperm.xlane v1, v4;
	_ =	sdelay $0x1  }
0x1b5: {  	v1 =	vadd.f32 v2, v1  }
0x1b6: {  	v2 =	vimm.s32 $0x0  }
0x1b7: {  	v4 =	vimm.s32 $0x4;
	v3 =	vperm.xlane v1, v2  }
0x1b8: {  	v5 =	vimm.s32 $0x8;
	v4 =	vperm.xlane v1, v4  }
0x1b9: {  	v1 =	vperm.xlane v1, v5;
	vm3 =	vlt.f32 v3, $1.146800000e+04  }
0x1ba: {  	v3 =	vsel vm3, $0x4000000, v2;
	vm3 =	vlt.f32 v4, $1.146800000e+04;
	v4 =	vimm.f32 $0.0e+00  }
0x1bb: {  	v0 =	vor.u32 v0, v3;
	v3 =	vsel vm3, $0x4000000, v2;
	vm3 =	vlt.f32 v1, $1.146800000e+04  }
0x1bc: {  	v1 =	vimm.f32 $0.0e+00;
	v0 =	vadd.s32 v3, v0;
	v2 =	vsel vm3, $0x4000000, v2  }
0x1bd: {  	s31 =	simm.s32 $0x0;
	v3 =	vimm.f32 $0.0e+00;
	v0 =	vadd.s32 v2, v0;
	v2 =	vimm.f32 $0.0e+00  }
0x1be: {  	s10 =	simm.s32 $0x40;
	v8 =	vld [tilespmem:s31+$0x1000];
	v5 =	vadd.s32 $0x1000000, v0;
	v7 =	vadd.s32 $0x2000000, v0;
	v6 =	vadd.s32 $0x3000000, v0  }
.LBB2_9:
0x1bf: {  	_ =	sdelay $0x1  }
0x1c0: {  	p0 =	sne.s32 s10, $0xFC0  }
.Ltmp4:
0x1c1: {  	_ = 	snop;
	(pc) =	sbr.rel @p0 .LBB2_9-.Ltmp4, $4  }
0x1c2: {  	vm3 =	vlt.s32 v8, v5  }
0x1c3: {  	vm4 =	vlt.s32 v8, v7;
	vm5 =	vlt.s32 v8, v6;
	v9 =	vsel vm3, $0x3F800000, v1  }
0x1c4: {  	s11 =	sshra.s32 s10, $0x2;
	v10 =	vsel vm4, $0x3F800000, v1;
	v11 =	vsel vm5, $0x3F800000, v1;
	v2 =	vadd.f32 v9, v2  }
0x1c5: {  	s10 =	sadd.s32 $0x40, s10;
	v8 =	vld [tilespmem:s11+$0x1000];
	v4 =	vadd.f32 v11, v4;
	v3 =	vadd.f32 v10, v3  }
0x1c6: {  	_ = 	snop  }
0x1c7: {  	v9 =	vimm.s32 $0xEFCDAB89;
	v10 =	vimm.s32 $0x67452301  }
0x1c8: {  	v9 =	vunpack.c.l.s4.s8 v9;
	v10 =	vunpack.c.l.s4.s8 v10;
	_ =	sdelay $0x1  }
0x1c9: {  	vm3 =	vlt.s32 v8, v7;
	v7 =	vunpack.c.0.s8.s32 v9;
	v9 =	vunpack.c.0.s8.s32 v10  }
0x1ca: {  	vm4 =	vlt.s32 v8, v5;
	vm5 =	vlt.s32 v8, v6;
	v8 =	vimm.s32 $0x54761032  }
0x1cb: {  	v5 =	vsel vm3, $0x3F800000, v1;
	v6 =	vcombine.low v9, v7;
	v7 =	vimm.s32 $0xDCFE98BA  }
0x1cc: {  	v8 =	vunpack.c.l.s4.s8 v8;
	v9 =	vsel vm5, $0x3F800000, v1;
	v7 =	vunpack.c.l.s4.s8 v7  }
0x1cd: {  	v1 =	vsel vm4, $0x3F800000, v1;
	v3 =	vadd.f32 v5, v3;
	v4 =	vadd.f32 v9, v4  }
0x1ce: {  	v5 =	vand.u32 $0xF, v6;
	v6 =	vunpack.c.0.s8.s32 v7;
	v7 =	vunpack.c.0.s8.s32 v8  }
0x1cf: {  	v1 =	vadd.f32 v1, v2;
	v2 =	vperm.xlane v4, v5  }
0x1d0: {  	v6 =	vcombine.low v7, v6;
	v7 =	vperm.xlane v3, v5  }
0x1d1: {  	v8 =	vperm.xlane v1, v5;
	v2 =	vadd.f32 v2, v4  }
0x1d2: {  	v4 =	vand.u32 $0xF, v6;
	v3 =	vadd.f32 v7, v3  }
0x1d3: {  	v1 =	vadd.f32 v8, v1;
	v6 =	vlaneseq.u32;
	v7 =	vperm.xlane v2, v4  }
0x1d4: {  	v6 =	vand.u32 $0x3, v6;
	v8 =	vperm.xlane v3, v4  }
0x1d5: {  	v6 =	vmul.u32 $0x4, v6;
	v2 =	vadd.f32 v7, v2;
	v7 =	vperm.xlane v1, v4  }
0x1d6: {  	v3 =	vadd.f32 v8, v3  }
0x1d7: {  	v1 =	vadd.f32 v7, v1;
	v2 =	vperm.xlane v2, v6  }
0x1d8: {  	v3 =	vperm.xlane v3, v6  }
0x1d9: {  	v1 =	vperm.xlane v1, v6;
	v2 =	vnsel vm1, $0x0, v2  }
0x1da: {  	v2 =	vsel vm2, v3, v2  }
0x1db: {  	v1 =	vsel vm0, v1, v2  }
0x1dc: {  	s10 =	simm.s32 $0x1400;
	s30 =	simm.s32 $0x1;
	[tilespmem:$0x1400] =	vst v1  }
0x1dd: {  	[spmem:s8] =	stream.linear.scatter [tilespmem:s10], [sflag:$0x1], $0x10, $0x38;
	[tilespmem:$0x1840] =	vst v63  }
0x1de: {  	_ =	swait.ge [sflag:s30], $0x10  }
0x1df: {  	[sflag:s30] =	ssyncset.done $0x0  }
0x1e0: {  	[sflag:s30] =	ssyncadd.s32 $0xFFFFFFF0  }
0x1e1: {  	s11 =	simm.s32 $0x14C0;
	[bflag:$0x0] =	sbarrier.arrive $0xFFFF  }
0x1e2: {  	[tilespmem:s11], [sflag:$0x1] =	stream.linear.gather [spmem:s9], $0x100, $0x38;
	[tilespmem:$0x1840] =	vst v63  }
0x1e3: {  	_ =	swait.ge [sflag:s30], $0x100  }
0x1e4: {  	[sflag:s30] =	ssyncset.done $0x0  }
0x1e5: {  	[sflag:s30] =	ssyncadd.s32 $0xFFFFFF00  }
0x1e6: {  	v1 =	vld [tilespmem:$0x14C0];
	_ =	sdelay $0x1  }
0x1e7: {  	v2 =	vld [tilespmem:$0x14D0];
	_ =	sdelay $0x1  }
0x1e8: {  	v3 =	vld [tilespmem:$0x14E0]  }
0x1e9: {  	v1 =	vadd.f32 $0.0e+00, v1  }
0x1ea: {  	v6 =	vld [tilespmem:$0x14F0]  }
0x1eb: {  	v1 =	vadd.f32 v2, v1  }
0x1ec: {  	v2 =	vld [tilespmem:$0x1500]  }
0x1ed: {  	v1 =	vadd.f32 v3, v1  }
0x1ee: {  	v3 =	vld [tilespmem:$0x1510]  }
0x1ef: {  	v1 =	vadd.f32 v6, v1  }
0x1f0: {  	v6 =	vld [tilespmem:$0x1520]  }
0x1f1: {  	v1 =	vadd.f32 v2, v1  }
0x1f2: {  	v2 =	vld [tilespmem:$0x1530]  }
0x1f3: {  	v1 =	vadd.f32 v3, v1  }
0x1f4: {  	v3 =	vld [tilespmem:$0x1540]  }
0x1f5: {  	v1 =	vadd.f32 v6, v1  }
0x1f6: {  	v6 =	vld [tilespmem:$0x1550]  }
0x1f7: {  	v1 =	vadd.f32 v2, v1  }
0x1f8: {  	v2 =	vld [tilespmem:$0x1560]  }
0x1f9: {  	v1 =	vadd.f32 v3, v1  }
0x1fa: {  	v3 =	vld [tilespmem:$0x1570]  }
0x1fb: {  	v1 =	vadd.f32 v6, v1  }
0x1fc: {  	v6 =	vld [tilespmem:$0x1580]  }
0x1fd: {  	v1 =	vadd.f32 v2, v1  }
0x1fe: {  	v2 =	vld [tilespmem:$0x1590]  }
0x1ff: {  	v1 =	vadd.f32 v3, v1  }
0x200: {  	v3 =	vld [tilespmem:$0x15A0]  }
0x201: {  	v1 =	vadd.f32 v6, v1  }
0x202: {  	v6 =	vld [tilespmem:$0x15B0]  }
0x203: {  	v1 =	vadd.f32 v2, v1;
	_ =	sdelay $0x1  }
0x204: {  	v1 =	vadd.f32 v3, v1;
	_ =	sdelay $0x1  }
0x205: {  	v1 =	vadd.f32 v6, v1;
	_ =	sdelay $0x1  }
0x206: {  	v2 =	vperm.xlane v1, v5;
	_ =	sdelay $0x1  }
0x207: {  	v1 =	vadd.f32 v2, v1;
	_ =	sdelay $0x1  }
0x208: {  	v2 =	vperm.xlane v1, v4;
	_ =	sdelay $0x1  }
0x209: {  	v1 =	vadd.f32 v2, v1  }
0x20a: {  	v2 =	vimm.s32 $0x0  }
0x20b: {  	v4 =	vimm.s32 $0x4;
	v3 =	vperm.xlane v1, v2  }
0x20c: {  	v5 =	vimm.s32 $0x8;
	v4 =	vperm.xlane v1, v4  }
0x20d: {  	v1 =	vperm.xlane v1, v5;
	vm3 =	vlt.f32 v3, $1.146800000e+04  }
0x20e: {  	v3 =	vsel vm3, $0x1000000, v2;
	vm3 =	vlt.f32 v4, $1.146800000e+04;
	v4 =	vimm.f32 $0.0e+00  }
0x20f: {  	v0 =	vadd.s32 v0, v3;
	v3 =	vsel vm3, $0x1000000, v2;
	vm3 =	vlt.f32 v1, $1.146800000e+04  }
0x210: {  	v1 =	vimm.f32 $0.0e+00;
	v0 =	vadd.s32 v3, v0;
	v2 =	vsel vm3, $0x1000000, v2  }
0x211: {  	s31 =	simm.s32 $0x0;
	v3 =	vimm.f32 $0.0e+00;
	v0 =	vadd.s32 v2, v0;
	v2 =	vimm.f32 $0.0e+00  }
0x212: {  	s10 =	simm.s32 $0x40;
	v8 =	vld [tilespmem:s31+$0x1000];
	v5 =	vadd.s32 $0x400000, v0;
	v7 =	vadd.s32 $0x800000, v0;
	v6 =	vadd.s32 $0xC00000, v0  }
.LBB2_11:
0x213: {  	_ =	sdelay $0x1  }
0x214: {  	p0 =	sne.s32 s10, $0xFC0  }
.Ltmp5:
0x215: {  	_ = 	snop;
	(pc) =	sbr.rel @p0 .LBB2_11-.Ltmp5, $4  }
0x216: {  	vm3 =	vlt.s32 v8, v5  }
0x217: {  	vm4 =	vlt.s32 v8, v7;
	vm5 =	vlt.s32 v8, v6;
	v9 =	vsel vm3, $0x3F800000, v1  }
0x218: {  	s11 =	sshra.s32 s10, $0x2;
	v10 =	vsel vm4, $0x3F800000, v1;
	v11 =	vsel vm5, $0x3F800000, v1;
	v2 =	vadd.f32 v9, v2  }
0x219: {  	s10 =	sadd.s32 $0x40, s10;
	v8 =	vld [tilespmem:s11+$0x1000];
	v4 =	vadd.f32 v11, v4;
	v3 =	vadd.f32 v10, v3  }
0x21a: {  	_ = 	snop  }
0x21b: {  	v9 =	vimm.s32 $0xEFCDAB89;
	v10 =	vimm.s32 $0x67452301  }
0x21c: {  	v9 =	vunpack.c.l.s4.s8 v9;
	v10 =	vunpack.c.l.s4.s8 v10;
	_ =	sdelay $0x1  }
0x21d: {  	vm3 =	vlt.s32 v8, v7;
	v7 =	vunpack.c.0.s8.s32 v9;
	v9 =	vunpack.c.0.s8.s32 v10  }
0x21e: {  	vm4 =	vlt.s32 v8, v5;
	vm5 =	vlt.s32 v8, v6;
	v8 =	vimm.s32 $0x54761032  }
0x21f: {  	v5 =	vsel vm3, $0x3F800000, v1;
	v6 =	vcombine.low v9, v7;
	v7 =	vimm.s32 $0xDCFE98BA  }
0x220: {  	v8 =	vunpack.c.l.s4.s8 v8;
	v9 =	vsel vm5, $0x3F800000, v1;
	v7 =	vunpack.c.l.s4.s8 v7  }
0x221: {  	v1 =	vsel vm4, $0x3F800000, v1;
	v3 =	vadd.f32 v5, v3;
	v4 =	vadd.f32 v9, v4  }
0x222: {  	v5 =	vand.u32 $0xF, v6;
	v6 =	vunpack.c.0.s8.s32 v7;
	v7 =	vunpack.c.0.s8.s32 v8  }
0x223: {  	v1 =	vadd.f32 v1, v2;
	v2 =	vperm.xlane v4, v5  }
0x224: {  	v6 =	vcombine.low v7, v6;
	v7 =	vperm.xlane v3, v5  }
0x225: {  	v8 =	vperm.xlane v1, v5;
	v2 =	vadd.f32 v2, v4  }
0x226: {  	v4 =	vand.u32 $0xF, v6;
	v3 =	vadd.f32 v7, v3  }
0x227: {  	v1 =	vadd.f32 v8, v1;
	v6 =	vlaneseq.u32;
	v7 =	vperm.xlane v2, v4  }
0x228: {  	v6 =	vand.u32 $0x3, v6;
	v8 =	vperm.xlane v3, v4  }
0x229: {  	v6 =	vmul.u32 $0x4, v6;
	v2 =	vadd.f32 v7, v2;
	v7 =	vperm.xlane v1, v4  }
0x22a: {  	v3 =	vadd.f32 v8, v3  }
0x22b: {  	v1 =	vadd.f32 v7, v1;
	v2 =	vperm.xlane v2, v6  }
0x22c: {  	v3 =	vperm.xlane v3, v6  }
0x22d: {  	v1 =	vperm.xlane v1, v6;
	v2 =	vnsel vm1, $0x0, v2  }
0x22e: {  	v2 =	vsel vm2, v3, v2  }
0x22f: {  	v1 =	vsel vm0, v1, v2  }
0x230: {  	s10 =	simm.s32 $0x1400;
	s30 =	simm.s32 $0x1;
	[tilespmem:$0x1400] =	vst v1  }
0x231: {  	[spmem:s6] =	stream.linear.scatter [tilespmem:s10], [sflag:$0x1], $0x10, $0x38;
	[tilespmem:$0x1840] =	vst v63  }
0x232: {  	_ =	swait.ge [sflag:s30], $0x10  }
0x233: {  	[sflag:s30] =	ssyncset.done $0x0  }
0x234: {  	[sflag:s30] =	ssyncadd.s32 $0xFFFFFFF0  }
0x235: {  	s11 =	simm.s32 $0x14C0;
	[bflag:$0x0] =	sbarrier.arrive $0xFFFF  }
0x236: {  	[tilespmem:s11], [sflag:$0x1] =	stream.linear.gather [spmem:s2], $0x100, $0x38;
	[tilespmem:$0x1840] =	vst v63  }
0x237: {  	_ =	swait.ge [sflag:s30], $0x100  }
0x238: {  	[sflag:s30] =	ssyncset.done $0x0  }
0x239: {  	[sflag:s30] =	ssyncadd.s32 $0xFFFFFF00  }
0x23a: {  	v1 =	vld [tilespmem:$0x14C0];
	_ =	sdelay $0x1  }
0x23b: {  	v2 =	vld [tilespmem:$0x14D0];
	_ =	sdelay $0x1  }
0x23c: {  	v3 =	vld [tilespmem:$0x14E0]  }
0x23d: {  	v1 =	vadd.f32 $0.0e+00, v1  }
0x23e: {  	v6 =	vld [tilespmem:$0x14F0]  }
0x23f: {  	v1 =	vadd.f32 v2, v1  }
0x240: {  	v2 =	vld [tilespmem:$0x1500]  }
0x241: {  	v1 =	vadd.f32 v3, v1  }
0x242: {  	v3 =	vld [tilespmem:$0x1510]  }
0x243: {  	v1 =	vadd.f32 v6, v1  }
0x244: {  	v6 =	vld [tilespmem:$0x1520]  }
0x245: {  	v1 =	vadd.f32 v2, v1  }
0x246: {  	v2 =	vld [tilespmem:$0x1530]  }
0x247: {  	v1 =	vadd.f32 v3, v1  }
0x248: {  	v3 =	vld [tilespmem:$0x1540]  }
0x249: {  	v1 =	vadd.f32 v6, v1  }
0x24a: {  	v6 =	vld [tilespmem:$0x1550]  }
0x24b: {  	v1 =	vadd.f32 v2, v1  }
0x24c: {  	v2 =	vld [tilespmem:$0x1560]  }
0x24d: {  	v1 =	vadd.f32 v3, v1  }
0x24e: {  	v3 =	vld [tilespmem:$0x1570]  }
0x24f: {  	v1 =	vadd.f32 v6, v1  }
0x250: {  	v6 =	vld [tilespmem:$0x1580]  }
0x251: {  	v1 =	vadd.f32 v2, v1  }
0x252: {  	v2 =	vld [tilespmem:$0x1590]  }
0x253: {  	v1 =	vadd.f32 v3, v1  }
0x254: {  	v3 =	vld [tilespmem:$0x15A0]  }
0x255: {  	v1 =	vadd.f32 v6, v1  }
0x256: {  	v6 =	vld [tilespmem:$0x15B0]  }
0x257: {  	v1 =	vadd.f32 v2, v1;
	_ =	sdelay $0x1  }
0x258: {  	v1 =	vadd.f32 v3, v1;
	_ =	sdelay $0x1  }
0x259: {  	v1 =	vadd.f32 v6, v1;
	_ =	sdelay $0x1  }
0x25a: {  	v2 =	vperm.xlane v1, v5;
	_ =	sdelay $0x1  }
0x25b: {  	v1 =	vadd.f32 v2, v1;
	_ =	sdelay $0x1  }
0x25c: {  	v2 =	vperm.xlane v1, v4;
	_ =	sdelay $0x1  }
0x25d: {  	v1 =	vadd.f32 v2, v1  }
0x25e: {  	v2 =	vimm.s32 $0x0  }
0x25f: {  	v4 =	vimm.s32 $0x4;
	v3 =	vperm.xlane v1, v2  }
0x260: {  	v5 =	vimm.s32 $0x8;
	v4 =	vperm.xlane v1, v4  }
0x261: {  	v1 =	vperm.xlane v1, v5;
	vm3 =	vlt.f32 v3, $1.146800000e+04  }
0x262: {  	v3 =	vsel vm3, $0x400000, v2;
	vm3 =	vlt.f32 v4, $1.146800000e+04;
	v4 =	vimm.f32 $0.0e+00  }
0x263: {  	v0 =	vadd.s32 v0, v3;
	v3 =	vsel vm3, $0x400000, v2;
	vm3 =	vlt.f32 v1, $1.146800000e+04  }
0x264: {  	v1 =	vimm.f32 $0.0e+00;
	v0 =	vadd.s32 v3, v0;
	v2 =	vsel vm3, $0x400000, v2  }
0x265: {  	s31 =	simm.s32 $0x0;
	v3 =	vimm.f32 $0.0e+00;
	v0 =	vadd.s32 v2, v0;
	v2 =	vimm.f32 $0.0e+00  }
0x266: {  	s10 =	simm.s32 $0x40;
	v8 =	vld [tilespmem:s31+$0x1000];
	v5 =	vadd.s32 $0x100000, v0;
	v7 =	vadd.s32 $0x200000, v0;
	v6 =	vadd.s32 $0x300000, v0  }
.LBB2_13:
0x267: {  	_ =	sdelay $0x1  }
0x268: {  	p0 =	sne.s32 s10, $0xFC0  }
.Ltmp6:
0x269: {  	_ = 	snop;
	(pc) =	sbr.rel @p0 .LBB2_13-.Ltmp6, $4  }
0x26a: {  	vm3 =	vlt.s32 v8, v5  }
0x26b: {  	vm4 =	vlt.s32 v8, v7;
	vm5 =	vlt.s32 v8, v6;
	v9 =	vsel vm3, $0x3F800000, v1  }
0x26c: {  	s11 =	sshra.s32 s10, $0x2;
	v10 =	vsel vm4, $0x3F800000, v1;
	v11 =	vsel vm5, $0x3F800000, v1;
	v2 =	vadd.f32 v9, v2  }
0x26d: {  	s10 =	sadd.s32 $0x40, s10;
	v8 =	vld [tilespmem:s11+$0x1000];
	v4 =	vadd.f32 v11, v4;
	v3 =	vadd.f32 v10, v3  }
0x26e: {  	_ = 	snop  }
0x26f: {  	v9 =	vimm.s32 $0xEFCDAB89;
	v10 =	vimm.s32 $0x67452301  }
0x270: {  	v9 =	vunpack.c.l.s4.s8 v9;
	v10 =	vunpack.c.l.s4.s8 v10;
	_ =	sdelay $0x1  }
0x271: {  	vm3 =	vlt.s32 v8, v7;
	v7 =	vunpack.c.0.s8.s32 v9;
	v9 =	vunpack.c.0.s8.s32 v10  }
0x272: {  	vm4 =	vlt.s32 v8, v5;
	vm5 =	vlt.s32 v8, v6;
	v8 =	vimm.s32 $0x54761032  }
0x273: {  	v5 =	vsel vm3, $0x3F800000, v1;
	v6 =	vcombine.low v9, v7;
	v7 =	vimm.s32 $0xDCFE98BA  }
0x274: {  	v8 =	vunpack.c.l.s4.s8 v8;
	v9 =	vsel vm5, $0x3F800000, v1;
	v7 =	vunpack.c.l.s4.s8 v7  }
0x275: {  	v1 =	vsel vm4, $0x3F800000, v1;
	v3 =	vadd.f32 v5, v3;
	v4 =	vadd.f32 v9, v4  }
0x276: {  	v5 =	vand.u32 $0xF, v6;
	v6 =	vunpack.c.0.s8.s32 v7;
	v7 =	vunpack.c.0.s8.s32 v8  }
0x277: {  	v1 =	vadd.f32 v1, v2;
	v2 =	vperm.xlane v4, v5  }
0x278: {  	v6 =	vcombine.low v7, v6;
	v7 =	vperm.xlane v3, v5  }
0x279: {  	v8 =	vperm.xlane v1, v5;
	v2 =	vadd.f32 v2, v4  }
0x27a: {  	v4 =	vand.u32 $0xF, v6;
	v3 =	vadd.f32 v7, v3  }
0x27b: {  	v1 =	vadd.f32 v8, v1;
	v6 =	vlaneseq.u32;
	v7 =	vperm.xlane v2, v4  }
0x27c: {  	v6 =	vand.u32 $0x3, v6;
	v8 =	vperm.xlane v3, v4  }
0x27d: {  	v6 =	vmul.u32 $0x4, v6;
	v2 =	vadd.f32 v7, v2;
	v7 =	vperm.xlane v1, v4  }
0x27e: {  	v3 =	vadd.f32 v8, v3  }
0x27f: {  	v1 =	vadd.f32 v7, v1;
	v2 =	vperm.xlane v2, v6  }
0x280: {  	v3 =	vperm.xlane v3, v6  }
0x281: {  	v1 =	vperm.xlane v1, v6;
	v2 =	vnsel vm1, $0x0, v2  }
0x282: {  	v2 =	vsel vm2, v3, v2  }
0x283: {  	v1 =	vsel vm0, v1, v2  }
0x284: {  	s10 =	simm.s32 $0x1400;
	s30 =	simm.s32 $0x1;
	[tilespmem:$0x1400] =	vst v1  }
0x285: {  	[spmem:s8] =	stream.linear.scatter [tilespmem:s10], [sflag:$0x1], $0x10, $0x38;
	[tilespmem:$0x1840] =	vst v63  }
0x286: {  	_ =	swait.ge [sflag:s30], $0x10  }
0x287: {  	[sflag:s30] =	ssyncset.done $0x0  }
0x288: {  	[sflag:s30] =	ssyncadd.s32 $0xFFFFFFF0  }
0x289: {  	s11 =	simm.s32 $0x14C0;
	[bflag:$0x0] =	sbarrier.arrive $0xFFFF  }
0x28a: {  	[tilespmem:s11], [sflag:$0x1] =	stream.linear.gather [spmem:s9], $0x100, $0x38;
	[tilespmem:$0x1840] =	vst v63  }
0x28b: {  	_ =	swait.ge [sflag:s30], $0x100  }
0x28c: {  	[sflag:s30] =	ssyncset.done $0x0  }
0x28d: {  	[sflag:s30] =	ssyncadd.s32 $0xFFFFFF00  }
0x28e: {  	v1 =	vld [tilespmem:$0x14C0];
	_ =	sdelay $0x1  }
0x28f: {  	v2 =	vld [tilespmem:$0x14D0];
	_ =	sdelay $0x1  }
0x290: {  	v3 =	vld [tilespmem:$0x14E0]  }
0x291: {  	v1 =	vadd.f32 $0.0e+00, v1  }
0x292: {  	v6 =	vld [tilespmem:$0x14F0]  }
0x293: {  	v1 =	vadd.f32 v2, v1  }
0x294: {  	v2 =	vld [tilespmem:$0x1500]  }
0x295: {  	v1 =	vadd.f32 v3, v1  }
0x296: {  	v3 =	vld [tilespmem:$0x1510]  }
0x297: {  	v1 =	vadd.f32 v6, v1  }
0x298: {  	v6 =	vld [tilespmem:$0x1520]  }
0x299: {  	v1 =	vadd.f32 v2, v1  }
0x29a: {  	v2 =	vld [tilespmem:$0x1530]  }
0x29b: {  	v1 =	vadd.f32 v3, v1  }
0x29c: {  	v3 =	vld [tilespmem:$0x1540]  }
0x29d: {  	v1 =	vadd.f32 v6, v1  }
0x29e: {  	v6 =	vld [tilespmem:$0x1550]  }
0x29f: {  	v1 =	vadd.f32 v2, v1  }
0x2a0: {  	v2 =	vld [tilespmem:$0x1560]  }
0x2a1: {  	v1 =	vadd.f32 v3, v1  }
0x2a2: {  	v3 =	vld [tilespmem:$0x1570]  }
0x2a3: {  	v1 =	vadd.f32 v6, v1  }
0x2a4: {  	v6 =	vld [tilespmem:$0x1580]  }
0x2a5: {  	v1 =	vadd.f32 v2, v1  }
0x2a6: {  	v2 =	vld [tilespmem:$0x1590]  }
0x2a7: {  	v1 =	vadd.f32 v3, v1  }
0x2a8: {  	v3 =	vld [tilespmem:$0x15A0]  }
0x2a9: {  	v1 =	vadd.f32 v6, v1  }
0x2aa: {  	v6 =	vld [tilespmem:$0x15B0]  }
0x2ab: {  	v1 =	vadd.f32 v2, v1;
	_ =	sdelay $0x1  }
0x2ac: {  	v1 =	vadd.f32 v3, v1;
	_ =	sdelay $0x1  }
0x2ad: {  	v1 =	vadd.f32 v6, v1;
	_ =	sdelay $0x1  }
0x2ae: {  	v2 =	vperm.xlane v1, v5;
	_ =	sdelay $0x1  }
0x2af: {  	v1 =	vadd.f32 v2, v1;
	_ =	sdelay $0x1  }
0x2b0: {  	v2 =	vperm.xlane v1, v4;
	_ =	sdelay $0x1  }
0x2b1: {  	v1 =	vadd.f32 v2, v1  }
0x2b2: {  	v2 =	vimm.s32 $0x0  }
0x2b3: {  	v4 =	vimm.s32 $0x4;
	v3 =	vperm.xlane v1, v2  }
0x2b4: {  	v5 =	vimm.s32 $0x8;
	v4 =	vperm.xlane v1, v4  }
0x2b5: {  	v1 =	vperm.xlane v1, v5;
	vm3 =	vlt.f32 v3, $1.146800000e+04  }
0x2b6: {  	v3 =	vsel vm3, $0x100000, v2;
	vm3 =	vlt.f32 v4, $1.146800000e+04;
	v4 =	vimm.f32 $0.0e+00  }
0x2b7: {  	v0 =	vadd.s32 v0, v3;
	v3 =	vsel vm3, $0x100000, v2;
	vm3 =	vlt.f32 v1, $1.146800000e+04  }
0x2b8: {  	v1 =	vimm.f32 $0.0e+00;
	v0 =	vadd.s32 v3, v0;
	v2 =	vsel vm3, $0x100000, v2  }
0x2b9: {  	s31 =	simm.s32 $0x0;
	v3 =	vimm.f32 $0.0e+00;
	v0 =	vadd.s32 v2, v0;
	v2 =	vimm.f32 $0.0e+00  }
0x2ba: {  	s10 =	simm.s32 $0x40;
	v8 =	vld [tilespmem:s31+$0x1000];
	v5 =	vadd.s32 $0x40000, v0;
	v7 =	vadd.s32 $0x80000, v0;
	v6 =	vadd.s32 $0xC0000, v0  }
.LBB2_15:
0x2bb: {  	_ =	sdelay $0x1  }
0x2bc: {  	p0 =	sne.s32 s10, $0xFC0  }
.Ltmp7:
0x2bd: {  	_ = 	snop;
	(pc) =	sbr.rel @p0 .LBB2_15-.Ltmp7, $4  }
0x2be: {  	vm3 =	vlt.s32 v8, v5  }
0x2bf: {  	vm4 =	vlt.s32 v8, v7;
	vm5 =	vlt.s32 v8, v6;
	v9 =	vsel vm3, $0x3F800000, v1  }
0x2c0: {  	s11 =	sshra.s32 s10, $0x2;
	v10 =	vsel vm4, $0x3F800000, v1;
	v11 =	vsel vm5, $0x3F800000, v1;
	v2 =	vadd.f32 v9, v2  }
0x2c1: {  	s10 =	sadd.s32 $0x40, s10;
	v8 =	vld [tilespmem:s11+$0x1000];
	v4 =	vadd.f32 v11, v4;
	v3 =	vadd.f32 v10, v3  }
0x2c2: {  	_ = 	snop  }
0x2c3: {  	v9 =	vimm.s32 $0xEFCDAB89;
	v10 =	vimm.s32 $0x67452301  }
0x2c4: {  	v9 =	vunpack.c.l.s4.s8 v9;
	v10 =	vunpack.c.l.s4.s8 v10;
	_ =	sdelay $0x1  }
0x2c5: {  	vm3 =	vlt.s32 v8, v7;
	v7 =	vunpack.c.0.s8.s32 v9;
	v9 =	vunpack.c.0.s8.s32 v10  }
0x2c6: {  	vm4 =	vlt.s32 v8, v5;
	vm5 =	vlt.s32 v8, v6;
	v8 =	vimm.s32 $0x54761032  }
0x2c7: {  	v5 =	vsel vm3, $0x3F800000, v1;
	v6 =	vcombine.low v9, v7;
	v7 =	vimm.s32 $0xDCFE98BA  }
0x2c8: {  	v8 =	vunpack.c.l.s4.s8 v8;
	v9 =	vsel vm5, $0x3F800000, v1;
	v7 =	vunpack.c.l.s4.s8 v7  }
0x2c9: {  	v1 =	vsel vm4, $0x3F800000, v1;
	v3 =	vadd.f32 v5, v3;
	v4 =	vadd.f32 v9, v4  }
0x2ca: {  	v5 =	vand.u32 $0xF, v6;
	v6 =	vunpack.c.0.s8.s32 v7;
	v7 =	vunpack.c.0.s8.s32 v8  }
0x2cb: {  	v1 =	vadd.f32 v1, v2;
	v2 =	vperm.xlane v4, v5  }
0x2cc: {  	v6 =	vcombine.low v7, v6;
	v7 =	vperm.xlane v3, v5  }
0x2cd: {  	v8 =	vperm.xlane v1, v5;
	v2 =	vadd.f32 v2, v4  }
0x2ce: {  	v4 =	vand.u32 $0xF, v6;
	v3 =	vadd.f32 v7, v3  }
0x2cf: {  	v1 =	vadd.f32 v8, v1;
	v6 =	vlaneseq.u32;
	v7 =	vperm.xlane v2, v4  }
0x2d0: {  	v6 =	vand.u32 $0x3, v6;
	v8 =	vperm.xlane v3, v4  }
0x2d1: {  	v6 =	vmul.u32 $0x4, v6;
	v2 =	vadd.f32 v7, v2;
	v7 =	vperm.xlane v1, v4  }
0x2d2: {  	v3 =	vadd.f32 v8, v3  }
0x2d3: {  	v1 =	vadd.f32 v7, v1;
	v2 =	vperm.xlane v2, v6  }
0x2d4: {  	v3 =	vperm.xlane v3, v6  }
0x2d5: {  	v1 =	vperm.xlane v1, v6;
	v2 =	vnsel vm1, $0x0, v2  }
0x2d6: {  	v2 =	vsel vm2, v3, v2  }
0x2d7: {  	v1 =	vsel vm0, v1, v2  }
0x2d8: {  	s10 =	simm.s32 $0x1400;
	s30 =	simm.s32 $0x1;
	[tilespmem:$0x1400] =	vst v1  }
0x2d9: {  	[spmem:s6] =	stream.linear.scatter [tilespmem:s10], [sflag:$0x1], $0x10, $0x38;
	[tilespmem:$0x1840] =	vst v63  }
0x2da: {  	_ =	swait.ge [sflag:s30], $0x10  }
0x2db: {  	[sflag:s30] =	ssyncset.done $0x0  }
0x2dc: {  	[sflag:s30] =	ssyncadd.s32 $0xFFFFFFF0  }
0x2dd: {  	s11 =	simm.s32 $0x14C0;
	[bflag:$0x0] =	sbarrier.arrive $0xFFFF  }
0x2de: {  	[tilespmem:s11], [sflag:$0x1] =	stream.linear.gather [spmem:s2], $0x100, $0x38;
	[tilespmem:$0x1840] =	vst v63  }
0x2df: {  	_ =	swait.ge [sflag:s30], $0x100  }
0x2e0: {  	[sflag:s30] =	ssyncset.done $0x0  }
0x2e1: {  	[sflag:s30] =	ssyncadd.s32 $0xFFFFFF00  }
0x2e2: {  	v1 =	vld [tilespmem:$0x14C0];
	_ =	sdelay $0x1  }
0x2e3: {  	v2 =	vld [tilespmem:$0x14D0];
	_ =	sdelay $0x1  }
0x2e4: {  	v3 =	vld [tilespmem:$0x14E0]  }
0x2e5: {  	v1 =	vadd.f32 $0.0e+00, v1  }
0x2e6: {  	v6 =	vld [tilespmem:$0x14F0]  }
0x2e7: {  	v1 =	vadd.f32 v2, v1  }
0x2e8: {  	v2 =	vld [tilespmem:$0x1500]  }
0x2e9: {  	v1 =	vadd.f32 v3, v1  }
0x2ea: {  	v3 =	vld [tilespmem:$0x1510]  }
0x2eb: {  	v1 =	vadd.f32 v6, v1  }
0x2ec: {  	v6 =	vld [tilespmem:$0x1520]  }
0x2ed: {  	v1 =	vadd.f32 v2, v1  }
0x2ee: {  	v2 =	vld [tilespmem:$0x1530]  }
0x2ef: {  	v1 =	vadd.f32 v3, v1  }
0x2f0: {  	v3 =	vld [tilespmem:$0x1540]  }
0x2f1: {  	v1 =	vadd.f32 v6, v1  }
0x2f2: {  	v6 =	vld [tilespmem:$0x1550]  }
0x2f3: {  	v1 =	vadd.f32 v2, v1  }
0x2f4: {  	v2 =	vld [tilespmem:$0x1560]  }
0x2f5: {  	v1 =	vadd.f32 v3, v1  }
0x2f6: {  	v3 =	vld [tilespmem:$0x1570]  }
0x2f7: {  	v1 =	vadd.f32 v6, v1  }
0x2f8: {  	v6 =	vld [tilespmem:$0x1580]  }
0x2f9: {  	v1 =	vadd.f32 v2, v1  }
0x2fa: {  	v2 =	vld [tilespmem:$0x1590]  }
0x2fb: {  	v1 =	vadd.f32 v3, v1  }
0x2fc: {  	v3 =	vld [tilespmem:$0x15A0]  }
0x2fd: {  	v1 =	vadd.f32 v6, v1  }
0x2fe: {  	v6 =	vld [tilespmem:$0x15B0]  }
0x2ff: {  	v1 =	vadd.f32 v2, v1;
	_ =	sdelay $0x1  }
0x300: {  	v1 =	vadd.f32 v3, v1;
	_ =	sdelay $0x1  }
0x301: {  	v1 =	vadd.f32 v6, v1;
	_ =	sdelay $0x1  }
0x302: {  	v2 =	vperm.xlane v1, v5;
	_ =	sdelay $0x1  }
0x303: {  	v1 =	vadd.f32 v2, v1;
	_ =	sdelay $0x1  }
0x304: {  	v2 =	vperm.xlane v1, v4;
	_ =	sdelay $0x1  }
0x305: {  	v1 =	vadd.f32 v2, v1  }
0x306: {  	v2 =	vimm.s32 $0x0  }
0x307: {  	v4 =	vimm.s32 $0x4;
	v3 =	vperm.xlane v1, v2  }
0x308: {  	v5 =	vimm.s32 $0x8;
	v4 =	vperm.xlane v1, v4  }
0x309: {  	v1 =	vperm.xlane v1, v5;
	vm3 =	vlt.f32 v3, $1.146800000e+04  }
0x30a: {  	v3 =	vsel vm3, $0x40000, v2;
	vm3 =	vlt.f32 v4, $1.146800000e+04;
	v4 =	vimm.f32 $0.0e+00  }
0x30b: {  	v0 =	vadd.s32 v0, v3;
	v3 =	vsel vm3, $0x40000, v2;
	vm3 =	vlt.f32 v1, $1.146800000e+04  }
0x30c: {  	v1 =	vimm.f32 $0.0e+00;
	v0 =	vadd.s32 v3, v0;
	v2 =	vsel vm3, $0x40000, v2  }
0x30d: {  	s31 =	simm.s32 $0x0;
	v3 =	vimm.f32 $0.0e+00;
	v0 =	vadd.s32 v2, v0;
	v2 =	vimm.f32 $0.0e+00  }
0x30e: {  	s10 =	simm.s32 $0x40;
	v8 =	vld [tilespmem:s31+$0x1000];
	v5 =	vadd.s32 $0x10000, v0;
	v7 =	vadd.s32 $0x20000, v0;
	v6 =	vadd.s32 $0x30000, v0  }
.LBB2_17:
0x30f: {  	_ =	sdelay $0x1  }
0x310: {  	p0 =	sne.s32 s10, $0xFC0  }
.Ltmp8:
0x311: {  	_ = 	snop;
	(pc) =	sbr.rel @p0 .LBB2_17-.Ltmp8, $4  }
0x312: {  	vm3 =	vlt.s32 v8, v5  }
0x313: {  	vm4 =	vlt.s32 v8, v7;
	vm5 =	vlt.s32 v8, v6;
	v9 =	vsel vm3, $0x3F800000, v1  }
0x314: {  	s11 =	sshra.s32 s10, $0x2;
	v10 =	vsel vm4, $0x3F800000, v1;
	v11 =	vsel vm5, $0x3F800000, v1;
	v2 =	vadd.f32 v9, v2  }
0x315: {  	s10 =	sadd.s32 $0x40, s10;
	v8 =	vld [tilespmem:s11+$0x1000];
	v4 =	vadd.f32 v11, v4;
	v3 =	vadd.f32 v10, v3  }
0x316: {  	_ = 	snop  }
0x317: {  	v9 =	vimm.s32 $0xEFCDAB89;
	v10 =	vimm.s32 $0x67452301  }
0x318: {  	v9 =	vunpack.c.l.s4.s8 v9;
	v10 =	vunpack.c.l.s4.s8 v10;
	_ =	sdelay $0x1  }
0x319: {  	v62 =	vunpack.c.0.s8.s32 v10;
	vm3 =	vlt.s32 v8, v7;
	v7 =	vunpack.c.0.s8.s32 v9  }
0x31a: {  	vm4 =	vlt.s32 v8, v5;
	vm5 =	vlt.s32 v8, v6;
	v8 =	vimm.s32 $0x54761032  }
0x31b: {  	v5 =	vsel vm3, $0x3F800000, v1;
	v6 =	vcombine.low v62, v7;
	v7 =	vimm.s32 $0xDCFE98BA  }
0x31c: {  	v63 =	vsel vm5, $0x3F800000, v1;
	v8 =	vunpack.c.l.s4.s8 v8;
	v7 =	vunpack.c.l.s4.s8 v7  }
0x31d: {  	v1 =	vsel vm4, $0x3F800000, v1;
	v4 =	vadd.f32 v63, v4;
	v3 =	vadd.f32 v5, v3  }
0x31e: {  	v5 =	vand.u32 $0xF, v6;
	v6 =	vunpack.c.0.s8.s32 v7;
	v7 =	vunpack.c.0.s8.s32 v8  }
0x31f: {  	v1 =	vadd.f32 v1, v2;
	v2 =	vperm.xlane v4, v5  }
0x320: {  	v6 =	vcombine.low v7, v6;
	v7 =	vperm.xlane v3, v5  }
0x321: {  	v8 =	vperm.xlane v1, v5;
	v2 =	vadd.f32 v2, v4  }
0x322: {  	v4 =	vand.u32 $0xF, v6;
	v3 =	vadd.f32 v7, v3  }
0x323: {  	v1 =	vadd.f32 v8, v1;
	v6 =	vlaneseq.u32;
	v7 =	vperm.xlane v2, v4  }
0x324: {  	v6 =	vand.u32 $0x3, v6;
	v8 =	vperm.xlane v3, v4  }
0x325: {  	v6 =	vmul.u32 $0x4, v6;
	v2 =	vadd.f32 v7, v2;
	v7 =	vperm.xlane v1, v4  }
0x326: {  	v3 =	vadd.f32 v8, v3  }
0x327: {  	v1 =	vadd.f32 v7, v1;
	v2 =	vperm.xlane v2, v6  }
0x328: {  	v3 =	vperm.xlane v3, v6  }
0x329: {  	v1 =	vperm.xlane v1, v6;
	v2 =	vnsel vm1, $0x0, v2  }
0x32a: {  	v2 =	vsel vm2, v3, v2  }
0x32b: {  	v1 =	vsel vm0, v1, v2  }
0x32c: {  	s10 =	simm.s32 $0x1400;
	s29 =	simm.s32 $0x1;
	[tilespmem:$0x1400] =	vst v1  }
0x32d: {  	[spmem:s8] =	stream.linear.scatter [tilespmem:s10], [sflag:$0x1], $0x10, $0x38;
	[tilespmem:$0x1840] =	vst v63  }
0x32e: {  	_ =	swait.ge [sflag:s29], $0x10  }
0x32f: {  	[sflag:s29] =	ssyncset.done $0x0  }
0x330: {  	[sflag:s29] =	ssyncadd.s32 $0xFFFFFFF0  }
0x331: {  	s30 =	simm.s32 $0x14C0;
	[bflag:$0x0] =	sbarrier.arrive $0xFFFF  }
0x332: {  	[tilespmem:s30], [sflag:$0x1] =	stream.linear.gather [spmem:s9], $0x100, $0x38;
	[tilespmem:$0x1840] =	vst v63  }
0x333: {  	_ =	swait.ge [sflag:s29], $0x100  }
0x334: {  	[sflag:s29] =	ssyncset.done $0x0  }
0x335: {  	[sflag:s29] =	ssyncadd.s32 $0xFFFFFF00  }
0x336: {  	v1 =	vld [tilespmem:$0x14C0];
	_ =	sdelay $0x1  }
0x337: {  	v2 =	vld [tilespmem:$0x14D0];
	_ =	sdelay $0x1  }
0x338: {  	v3 =	vld [tilespmem:$0x14E0]  }
0x339: {  	v1 =	vadd.f32 $0.0e+00, v1  }
0x33a: {  	v6 =	vld [tilespmem:$0x14F0]  }
0x33b: {  	v1 =	vadd.f32 v2, v1  }
0x33c: {  	v2 =	vld [tilespmem:$0x1500]  }
0x33d: {  	v1 =	vadd.f32 v3, v1  }
0x33e: {  	v3 =	vld [tilespmem:$0x1510]  }
0x33f: {  	v1 =	vadd.f32 v6, v1  }
0x340: {  	v6 =	vld [tilespmem:$0x1520]  }
0x341: {  	v1 =	vadd.f32 v2, v1  }
0x342: {  	v2 =	vld [tilespmem:$0x1530]  }
0x343: {  	v1 =	vadd.f32 v3, v1  }
0x344: {  	v3 =	vld [tilespmem:$0x1540]  }
0x345: {  	v1 =	vadd.f32 v6, v1  }
0x346: {  	v6 =	vld [tilespmem:$0x1550]  }
0x347: {  	v1 =	vadd.f32 v2, v1  }
0x348: {  	v2 =	vld [tilespmem:$0x1560]  }
0x349: {  	v1 =	vadd.f32 v3, v1  }
0x34a: {  	v3 =	vld [tilespmem:$0x1570]  }
0x34b: {  	v1 =	vadd.f32 v6, v1  }
0x34c: {  	v6 =	vld [tilespmem:$0x1580]  }
0x34d: {  	v1 =	vadd.f32 v2, v1  }
0x34e: {  	v2 =	vld [tilespmem:$0x1590]  }
0x34f: {  	v1 =	vadd.f32 v3, v1  }
0x350: {  	v3 =	vld [tilespmem:$0x15A0]  }
0x351: {  	v1 =	vadd.f32 v6, v1  }
0x352: {  	v6 =	vld [tilespmem:$0x15B0]  }
0x353: {  	v1 =	vadd.f32 v2, v1;
	_ =	sdelay $0x1  }
0x354: {  	v1 =	vadd.f32 v3, v1;
	_ =	sdelay $0x1  }
0x355: {  	v1 =	vadd.f32 v6, v1;
	_ =	sdelay $0x1  }
0x356: {  	v2 =	vperm.xlane v1, v5;
	_ =	sdelay $0x1  }
0x357: {  	v1 =	vadd.f32 v2, v1;
	_ =	sdelay $0x1  }
0x358: {  	v2 =	vperm.xlane v1, v4;
	_ =	sdelay $0x1  }
0x359: {  	v1 =	vadd.f32 v2, v1  }
0x35a: {  	v2 =	vimm.s32 $0x0  }
0x35b: {  	v4 =	vimm.s32 $0x4;
	v3 =	vperm.xlane v1, v2  }
0x35c: {  	v5 =	vimm.s32 $0x8;
	v4 =	vperm.xlane v1, v4  }
0x35d: {  	v1 =	vperm.xlane v1, v5;
	vm3 =	vlt.f32 v3, $1.146800000e+04  }
0x35e: {  	v3 =	vsel vm3, $0x10000, v2;
	vm3 =	vlt.f32 v4, $1.146800000e+04  }
0x35f: {  	v0 =	vadd.s32 v0, v3;
	v3 =	vsel vm3, $0x10000, v2;
	vm3 =	vlt.f32 v1, $1.146800000e+04  }
0x360: {  	v0 =	vadd.s32 v3, v0;
	v2 =	vsel vm3, $0x10000, v2  }
0x361: {  	v4 =	vimm.f32 $0.0e+00;
	v2 =	vadd.s32 v2, v0  }
0x362: {  	s31 =	simm.s32 $0x0;
	v1 =	vimm.f32 $0.0e+00;
	v3 =	vimm.f32 $0.0e+00;
	v0 =	vadd.s32 $0x4000, v2  }
0x363: {  	s8 =	simm.s32 $0x40;
	v7 =	vld [tilespmem:s31+$0x1000];
	v6 =	vadd.s32 $0x8000, v2;
	v5 =	vadd.s32 $0xC000, v2;
	v2 =	vimm.f32 $0.0e+00  }
.LBB2_19:
0x364: {  	_ =	sdelay $0x1  }
0x365: {  	p0 =	sne.s32 s8, $0xFC0  }
.Ltmp9:
0x366: {  	_ = 	snop;
	(pc) =	sbr.rel @p0 .LBB2_19-.Ltmp9, $4  }
0x367: {  	vm3 =	vlt.s32 v7, v0  }
0x368: {  	vm4 =	vlt.s32 v7, v6;
	vm5 =	vlt.s32 v7, v5;
	v8 =	vsel vm3, $0x3F800000, v1  }
0x369: {  	s9 =	sshra.s32 s8, $0x2;
	v9 =	vsel vm4, $0x3F800000, v1;
	v10 =	vsel vm5, $0x3F800000, v1;
	v2 =	vadd.f32 v8, v2  }
0x36a: {  	s8 =	sadd.s32 $0x40, s8;
	v7 =	vld [tilespmem:s9+$0x1000];
	v4 =	vadd.f32 v10, v4;
	v3 =	vadd.f32 v9, v3  }
0x36b: {  	_ = 	snop  }
0x36c: {  	v8 =	vimm.s32 $0xEFCDAB89;
	v9 =	vimm.s32 $0x67452301  }
0x36d: {  	v8 =	vunpack.c.l.s4.s8 v8;
	v9 =	vunpack.c.l.s4.s8 v9;
	_ =	sdelay $0x1  }
0x36e: {  	vm3 =	vlt.s32 v7, v6;
	v6 =	vunpack.c.0.s8.s32 v8;
	v8 =	vunpack.c.0.s8.s32 v9  }
0x36f: {  	vm4 =	vlt.s32 v7, v0;
	vm5 =	vlt.s32 v7, v5;
	v7 =	vimm.s32 $0xDCFE98BA  }
0x370: {  	v5 =	vsel vm3, $0x3F800000, v1;
	v6 =	vcombine.low v8, v6;
	v8 =	vimm.s32 $0x54761032  }
0x371: {  	v63 =	vsel vm5, $0x3F800000, v1;
	v7 =	vunpack.c.l.s4.s8 v7;
	v8 =	vunpack.c.l.s4.s8 v8  }
0x372: {  	v1 =	vsel vm4, $0x3F800000, v1;
	v4 =	vadd.f32 v63, v4;
	v3 =	vadd.f32 v5, v3  }
0x373: {  	v5 =	vand.u32 $0xF, v6;
	v6 =	vunpack.c.0.s8.s32 v7;
	v7 =	vunpack.c.0.s8.s32 v8  }
0x374: {  	v1 =	vadd.f32 v1, v2;
	v2 =	vperm.xlane v4, v5  }
0x375: {  	v6 =	vcombine.low v7, v6;
	v7 =	vperm.xlane v3, v5  }
0x376: {  	v8 =	vperm.xlane v1, v5;
	v2 =	vadd.f32 v2, v4  }
0x377: {  	v4 =	vand.u32 $0xF, v6;
	v3 =	vadd.f32 v7, v3  }
0x378: {  	v1 =	vadd.f32 v8, v1;
	v6 =	vlaneseq.u32;
	v7 =	vperm.xlane v2, v4  }
0x379: {  	v6 =	vand.u32 $0x3, v6;
	v8 =	vperm.xlane v3, v4  }
0x37a: {  	v6 =	vmul.u32 $0x4, v6;
	v2 =	vadd.f32 v7, v2;
	v7 =	vperm.xlane v1, v4  }
0x37b: {  	v3 =	vadd.f32 v8, v3  }
0x37c: {  	v1 =	vadd.f32 v7, v1;
	v2 =	vperm.xlane v2, v6  }
0x37d: {  	v3 =	vperm.xlane v3, v6  }
0x37e: {  	v1 =	vperm.xlane v1, v6;
	v2 =	vnsel vm1, $0x0, v2  }
0x37f: {  	v2 =	vsel vm2, v3, v2  }
0x380: {  	v1 =	vsel vm0, v1, v2  }
0x381: {  	s8 =	simm.s32 $0x1400;
	s30 =	simm.s32 $0x1;
	[tilespmem:$0x1400] =	vst v1  }
0x382: {  	[spmem:s6] =	stream.linear.scatter [tilespmem:s8], [sflag:$0x1], $0x10, $0x38;
	[tilespmem:$0x1840] =	vst v63  }
0x383: {  	_ =	swait.ge [sflag:s30], $0x10  }
0x384: {  	[sflag:s30] =	ssyncset.done $0x0  }
0x385: {  	[sflag:s30] =	ssyncadd.s32 $0xFFFFFFF0  }
0x386: {  	s9 =	simm.s32 $0x14C0;
	[bflag:$0x0] =	sbarrier.arrive $0xFFFF  }
0x387: {  	[tilespmem:s9], [sflag:$0x1] =	stream.linear.gather [spmem:s2], $0x100, $0x38;
	[tilespmem:$0x1840] =	vst v63  }
0x388: {  	_ =	swait.ge [sflag:s30], $0x100  }
0x389: {  	[sflag:s30] =	ssyncset.done $0x0  }
0x38a: {  	[sflag:s30] =	ssyncadd.s32 $0xFFFFFF00  }
0x38b: {  	v1 =	vld [tilespmem:$0x14C0];
	_ =	sdelay $0x1  }
0x38c: {  	v2 =	vld [tilespmem:$0x14D0];
	_ =	sdelay $0x1  }
0x38d: {  	v3 =	vld [tilespmem:$0x14E0]  }
0x38e: {  	v1 =	vadd.f32 $0.0e+00, v1  }
0x38f: {  	v6 =	vld [tilespmem:$0x14F0]  }
0x390: {  	v1 =	vadd.f32 v2, v1  }
0x391: {  	v2 =	vld [tilespmem:$0x1500]  }
0x392: {  	v1 =	vadd.f32 v3, v1  }
0x393: {  	v3 =	vld [tilespmem:$0x1510]  }
0x394: {  	v1 =	vadd.f32 v6, v1  }
0x395: {  	v6 =	vld [tilespmem:$0x1520]  }
0x396: {  	v1 =	vadd.f32 v2, v1  }
0x397: {  	v2 =	vld [tilespmem:$0x1530]  }
0x398: {  	v1 =	vadd.f32 v3, v1  }
0x399: {  	v3 =	vld [tilespmem:$0x1540]  }
0x39a: {  	v1 =	vadd.f32 v6, v1  }
0x39b: {  	v6 =	vld [tilespmem:$0x1550]  }
0x39c: {  	v1 =	vadd.f32 v2, v1  }
0x39d: {  	v2 =	vld [tilespmem:$0x1560]  }
0x39e: {  	v1 =	vadd.f32 v3, v1  }
0x39f: {  	v3 =	vld [tilespmem:$0x1570]  }
0x3a0: {  	v1 =	vadd.f32 v6, v1  }
0x3a1: {  	v6 =	vld [tilespmem:$0x1580]  }
0x3a2: {  	v1 =	vadd.f32 v2, v1  }
0x3a3: {  	v2 =	vld [tilespmem:$0x1590]  }
0x3a4: {  	v1 =	vadd.f32 v3, v1  }
0x3a5: {  	v3 =	vld [tilespmem:$0x15A0]  }
0x3a6: {  	v1 =	vadd.f32 v6, v1  }
0x3a7: {  	v6 =	vld [tilespmem:$0x15B0]  }
0x3a8: {  	v1 =	vadd.f32 v2, v1;
	_ =	sdelay $0x1  }
0x3a9: {  	v1 =	vadd.f32 v3, v1;
	_ =	sdelay $0x1  }
0x3aa: {  	v1 =	vadd.f32 v6, v1;
	_ =	sdelay $0x1  }
0x3ab: {  	v2 =	vperm.xlane v1, v5;
	_ =	sdelay $0x1  }
0x3ac: {  	v1 =	vadd.f32 v2, v1;
	_ =	sdelay $0x1  }
0x3ad: {  	v2 =	vperm.xlane v1, v4;
	_ =	sdelay $0x1  }
0x3ae: {  	v1 =	vadd.f32 v2, v1  }
0x3af: {  	v2 =	vimm.s32 $0x0  }
0x3b0: {  	v4 =	vimm.s32 $0x4;
	v3 =	vperm.xlane v1, v2  }
0x3b1: {  	v5 =	vimm.s32 $0x8;
	v4 =	vperm.xlane v1, v4  }
0x3b2: {  	v1 =	vperm.xlane v1, v5;
	vm13 =	vlt.f32 v3, $1.146800000e+04  }
0x3b3: {  	v6 =	vimm.f32 $0.0e+00;
	vm14 =	vlt.f32 v4, $1.146800000e+04;
	v3 =	vsel vm13, $0x4000, v2  }
0x3b4: {  	s31 =	simm.s32 $0x0;
	vm15 =	vlt.f32 v1, $1.146800000e+04;
	v4 =	vsel vm14, $0x4000, v2;
	v0 =	vadd.s32 v3, v0  }
0x3b5: {  	v5 =	vimm.f32 $0.0e+00;
	v1 =	vsel vm15, $0x4000, v2;
	v2 =	vld [tilespmem:s31+$0x1000];
	v0 =	vadd.s32 v4, v0  }
0x3b6: {  	s8 =	simm.s32 $0x40;
	v3 =	vld [tilespmem:s31+$0x400];
	v4 =	vimm.f32 $0.0e+00;
	v0 =	vadd.s32 v1, v0;
	v1 =	vimm.f32 $0.0e+00  }
.LBB2_21:
0x3b7: {  	p0 =	sne.s32 s8, $0xFC0  }
.Ltmp10:
0x3b8: {  	_ = 	snop;
	(pc) =	sbr.rel @p0 .LBB2_21-.Ltmp10, $4  }
0x3b9: {  	_ = 	snop  }
0x3ba: {  	s9 =	sshra.s32 s8, $0x2;
	s8 =	sadd.s32 $0x40, s8;
	vm0 =	vlt.s32 v2, v0;
	vm1 =	vgt.s32 v2, v0  }
0x3bb: {  	v2 =	vld [tilespmem:s9+$0x1000];
	v7 =	vnsel vm0, $0x0, v3;
	v8 =	vsel vm0, $0x3F800000, v4;
	v9 =	vsel vm1, $0x0, v3  }
0x3bc: {  	v3 =	vld [tilespmem:s9+$0x400];
	v6 =	vadd.f32 v7, v6;
	v5 =	vadd.f32 v8, v5;
	v1 =	vmax.f32 v1, v9  }
0x3bd: {  	_ =	sdelay $0x2  }
0x3be: {  	vm0 =	vlt.s32 v2, v0  }
0x3bf: {  	v7 =	vnsel vm0, $0x0, v3  }
0x3c0: {  	v6 =	vadd.f32 v7, v6;
	_ =	sdelay $0x1  }
0x3c1: {  	s8 =	sadd.s32 s7, s4;
	s9 =	simm.s32 $0x1400;
	[tilespmem:$0x1400] =	vst v6  }
0x3c2: {  	[spmem:s8] =	stream.linear.scatter [tilespmem:s9], [sflag:$0x1], $0x10, $0x38;
	[tilespmem:$0x1840] =	vst v63  }
0x3c3: {  	s8 =	simm.s32 $0x1  }
0x3c4: {  	v4 =	vsel vm0, $0x3F800000, v4;
	_ =	swait.ge [sflag:s8], $0x10  }
0x3c5: {  	v4 =	vadd.f32 v4, v5;
	[sflag:s8] =	ssyncset.done $0x0  }
0x3c6: {  	[sflag:s8] =	ssyncadd.s32 $0xFFFFFFF0  }
0x3c7: {  	s31 =	sadd.s32 s7, s3;
	[tilespmem:$0x1400] =	vst v4  }
0x3c8: {  	[spmem:s31] =	stream.linear.scatter [tilespmem:s9], [sflag:$0x1], $0x10, $0x38;
	[tilespmem:$0x1840] =	vst v63  }
0x3c9: {  	vm15 =	vgt.s32 v2, v0;
	_ =	swait.ge [sflag:s8], $0x10  }
0x3ca: {  	v0 =	vsel vm15, $0x0, v3;
	[sflag:s8] =	ssyncset.done $0x0  }
0x3cb: {  	v0 =	vmax.f32 v1, v0;
	[sflag:s8] =	ssyncadd.s32 $0xFFFFFFF0  }
0x3cc: {  	[tilespmem:$0x1400] =	vst v0  }
0x3cd: {  	[spmem:s6] =	stream.linear.scatter [tilespmem:s9], [sflag:$0x1], $0x10, $0x38;
	[tilespmem:$0x1840] =	vst v63  }
0x3ce: {  	_ =	swait.ge [sflag:s8], $0x10  }
0x3cf: {  	[sflag:s8] =	ssyncset.done $0x0  }
0x3d0: {  	[sflag:s8] =	ssyncadd.s32 $0xFFFFFFF0  }
0x3d1: {  	p0 =	sne.s32 s5, $0x0;
	[bflag:$0x0] =	sbarrier.arrive $0xFFFF  }
0x3d2: {  	_ =	sfence.sel @p0 $0x180000  }
0x3d3: {  	[bflag:$0x0] =	sbarrier.arrive @p0 $0xFFFF  }
0x3d4: {  	_ =	strace @p0 $0x90000047  }
0x3d5: {  	[bflag:$0x2] =	sbarrier.arrive @p0 $0xFFFF  }
0x3d6: {  	_ =	shalt @p0  }
.LBB2_23:
0x3d7: {  	v0 =	vimm.f32 $1.146800000e+04  }
0x3d8: {  	(erf) = vrcp.f32 v0;
	_ =	sdelay $0x7  }
0x3d9: {  	s5 =	simm.s32 $0x14C0  }
0x3da: {  	[tilespmem:s5], [sflag:$0x1] =	stream.linear.gather [spmem:s4], $0x100, $0x38;
	v0 =	vpop (erf);
	[tilespmem:$0x1840] =	vst v63  }
0x3db: {  	_ =	swait.ge [sflag:s8], $0x100  }
0x3dc: {  	[sflag:s8] =	ssyncset.done $0x0  }
0x3dd: {  	s28 =	simm.s32 $0x15C0;
	[sflag:s8] =	ssyncadd.s32 $0xFFFFFF00  }
0x3de: {  	[tilespmem:s28], [sflag:$0x1] =	stream.linear.gather [spmem:s3], $0x100, $0x38;
	[tilespmem:$0x1840] =	vst v63  }
0x3df: {  	_ =	swait.ge [sflag:s8], $0x100  }
0x3e0: {  	[sflag:s8] =	ssyncset.done $0x0  }
0x3e1: {  	s29 =	simm.s32 $0x16C0;
	[sflag:s8] =	ssyncadd.s32 $0xFFFFFF00  }
0x3e2: {  	[tilespmem:s29], [sflag:$0x1] =	stream.linear.gather [spmem:s2], $0x100, $0x38;
	[tilespmem:$0x1840] =	vst v63  }
0x3e3: {  	_ =	swait.ge [sflag:s8], $0x100  }
0x3e4: {  	[sflag:s8] =	ssyncset.done $0x0  }
0x3e5: {  	[sflag:s8] =	ssyncadd.s32 $0xFFFFFF00  }
0x3e6: {  	v1 =	vld [tilespmem:$0x14C0]  }
0x3e7: {  	v2 =	vld [tilespmem:$0x15C0]  }
0x3e8: {  	v3 =	vld [tilespmem:$0x16C0]  }
0x3e9: {  	v4 =	vld [tilespmem:$0x14D0]  }
0x3ea: {  	v5 =	vld [tilespmem:$0x15D0]  }
0x3eb: {  	v6 =	vld [tilespmem:$0x16D0]  }
0x3ec: {  	v7 =	vld [tilespmem:$0x14E0]  }
0x3ed: {  	v8 =	vld [tilespmem:$0x15E0]  }
0x3ee: {  	v9 =	vld [tilespmem:$0x16E0]  }
0x3ef: {  	v10 =	vld [tilespmem:$0x14F0]  }
0x3f0: {  	v11 =	vld [tilespmem:$0x15F0]  }
0x3f1: {  	v12 =	vld [tilespmem:$0x16F0]  }
0x3f2: {  	v13 =	vld [tilespmem:$0x1500]  }
0x3f3: {  	v14 =	vld [tilespmem:$0x1600]  }
0x3f4: {  	v15 =	vld [tilespmem:$0x1700]  }
0x3f5: {  	v16 =	vld [tilespmem:$0x1510]  }
0x3f6: {  	v17 =	vld [tilespmem:$0x1610];
	v2 =	vadd.f32 $0.0e+00, v2  }
0x3f7: {  	v18 =	vld [tilespmem:$0x1710]  }
0x3f8: {  	v19 =	vld [tilespmem:$0x1520];
	v2 =	vadd.f32 v5, v2  }
0x3f9: {  	v20 =	vld [tilespmem:$0x1620];
	v1 =	vadd.f32 $0.0e+00, v1  }
0x3fa: {  	v21 =	vld [tilespmem:$0x1720];
	v2 =	vadd.f32 v8, v2  }
0x3fb: {  	v22 =	vld [tilespmem:$0x1530];
	v1 =	vadd.f32 v4, v1  }
0x3fc: {  	v56 =	vld [tilespmem:$0x1630];
	v2 =	vadd.f32 v11, v2  }
0x3fd: {  	v57 =	vld [tilespmem:$0x1730];
	v1 =	vadd.f32 v7, v1  }
0x3fe: {  	v58 =	vld [tilespmem:$0x1540];
	v2 =	vadd.f32 v14, v2  }
0x3ff: {  	v59 =	vld [tilespmem:$0x1640];
	v1 =	vadd.f32 v10, v1  }
0x400: {  	v60 =	vld [tilespmem:$0x1740];
	v2 =	vadd.f32 v17, v2  }
0x401: {  	v61 =	vld [tilespmem:$0x1550];
	v1 =	vadd.f32 v13, v1  }
0x402: {  	v62 =	vld [tilespmem:$0x1650];
	v2 =	vadd.f32 v20, v2  }
0x403: {  	v63 =	vld [tilespmem:$0x1750];
	v1 =	vadd.f32 v16, v1  }
0x404: {  	v24 =	vld [tilespmem:$0x1560];
	v2 =	vadd.f32 v56, v2  }
0x405: {  	v25 =	vld [tilespmem:$0x1660];
	v1 =	vadd.f32 v19, v1  }
0x406: {  	v26 =	vld [tilespmem:$0x1760];
	v2 =	vadd.f32 v59, v2  }
0x407: {  	v40 =	vimm.s32 $0xEFCDAB89;
	v41 =	vimm.s32 $0x67452301;
	v28 =	vld [tilespmem:$0x1670];
	v1 =	vadd.f32 v22, v1  }
0x408: {  	v45 =	vimm.s32 $0xDCFE98BA;
	v46 =	vimm.s32 $0x54761032;
	v27 =	vld [tilespmem:$0x1570];
	v2 =	vadd.f32 v62, v2  }
0x409: {  	v50 =	vimm.s32 $0xBA98FEDC;
	v31 =	vld [tilespmem:$0x1680];
	v3 =	vmax.f32 v3, $0.0e+00;
	v1 =	vadd.f32 v58, v1  }
0x40a: {  	v51 =	vimm.s32 $0x32107654;
	v29 =	vld [tilespmem:$0x1770];
	v3 =	vmax.f32 v3, v6;
	v2 =	vadd.f32 v25, v2  }
0x40b: {  	v53 =	vunpack.c.l.s4.s8 v50;
	v34 =	vld [tilespmem:$0x1690];
	v3 =	vmax.f32 v3, v9;
	v1 =	vadd.f32 v61, v1  }
0x40c: {  	v30 =	vld [tilespmem:$0x1580];
	v9 =	vunpack.c.l.s4.s8 v41;
	v3 =	vmax.f32 v3, v12;
	v2 =	vadd.f32 v28, v2  }
0x40d: {  	v54 =	vunpack.c.l.s4.s8 v51;
	v37 =	vld [tilespmem:$0x16A0];
	v3 =	vmax.f32 v3, v15;
	v1 =	vadd.f32 v24, v1  }
0x40e: {  	v33 =	vld [tilespmem:$0x1590];
	v8 =	vunpack.c.l.s4.s8 v40;
	v44 =	vunpack.c.0.s8.s32 v9;
	v2 =	vadd.f32 v31, v2  }
0x40f: {  	v42 =	vld [tilespmem:$0x16B0];
	v9 =	vunpack.c.l.s4.s8 v46;
	v3 =	vmax.f32 v3, v18;
	v1 =	vadd.f32 v27, v1  }
0x410: {  	v36 =	vld [tilespmem:$0x15A0];
	v7 =	vunpack.c.0.s8.s32 v53;
	v3 =	vmax.f32 v3, v21;
	v2 =	vadd.f32 v34, v2  }
0x411: {  	v32 =	vld [tilespmem:$0x1780];
	v43 =	vunpack.c.0.s8.s32 v8;
	v8 =	vunpack.c.l.s4.s8 v45;
	v1 =	vadd.f32 v30, v1  }
0x412: {  	v39 =	vld [tilespmem:$0x15B0];
	v49 =	vunpack.c.0.s8.s32 v9;
	v3 =	vmax.f32 v3, v57;
	v2 =	vadd.f32 v37, v2  }
0x413: {  	v35 =	vld [tilespmem:$0x1790];
	v3 =	vmax.f32 v3, v60;
	v4 =	vcombine.low v44, v43;
	v1 =	vadd.f32 v33, v1  }
0x414: {  	v38 =	vld [tilespmem:$0x17A0];
	v48 =	vunpack.c.0.s8.s32 v8;
	v3 =	vmax.f32 v3, v63;
	v2 =	vadd.f32 v42, v2  }
0x415: {  	v47 =	vld [tilespmem:$0x17B0];
	v3 =	vmax.f32 v3, v26;
	v4 =	vand.u32 $0xF, v4;
	v1 =	vadd.f32 v36, v1  }
0x416: {  	v8 =	vunpack.c.0.s8.s32 v54;
	v3 =	vmax.f32 v3, v29;
	v52 =	vperm.xlane v2, v4  }
0x417: {  	v6 =	vcombine.low v49, v48;
	v3 =	vmax.f32 v3, v32;
	v1 =	vadd.f32 v39, v1  }
0x418: {  	v7 =	vcombine.low v8, v7;
	v3 =	vmax.f32 v3, v35;
	v2 =	vadd.f32 v52, v2  }
0x419: {  	v6 =	vand.u32 $0xF, v6;
	v3 =	vmax.f32 v3, v38;
	v55 =	vperm.xlane v1, v4  }
0x41a: {  	v56 =	vimm.s32 $0xFEDCBA98;
	v3 =	vmax.f32 v3, v47;
	v57 =	vperm.xlane v2, v6  }
0x41b: {  	v5 =	vunpack.c.l.s4.s8 v56;
	v58 =	vimm.s32 $0x76543210;
	v1 =	vadd.f32 v55, v1  }
0x41c: {  	v8 =	vunpack.c.l.s4.s8 v58;
	v4 =	vperm.xlane v3, v4;
	v2 =	vadd.f32 v57, v2  }
0x41d: {  	v7 =	vand.u32 $0xF, v7;
	v5 =	vunpack.c.0.s8.s32 v5;
	v59 =	vperm.xlane v1, v6  }
0x41e: {  	v8 =	vunpack.c.0.s8.s32 v8;
	v3 =	vmax.f32 v3, v4;
	v60 =	vperm.xlane v2, v7  }
0x41f: {  	v5 =	vand.u32 $0xF, v5;
	v6 =	vperm.xlane v3, v6;
	v1 =	vadd.f32 v59, v1  }
0x420: {  	v5 =	vcombine.low v5, v8;
	v2 =	vadd.f32 v60, v2  }
0x421: {  	v3 =	vmax.f32 v3, v6;
	v61 =	vperm.xlane v1, v7  }
0x422: {  	v7 =	vperm.xlane v3, v7;
	v62 =	vperm.xlane v2, v5;
	_ =	sdelay $0x1  }
0x423: {  	v1 =	vadd.f32 v61, v1;
	v3 =	vmax.f32 v3, v7;
	v2 =	vadd.f32 v62, v2  }
0x424: {  	v63 =	vperm.xlane v3, v5  }
0x425: {  	v5 =	vperm.xlane v1, v5;
	v2 =	vsub.f32 $1.146800000e+04, v2  }
0x426: {  	v3 =	vmax.f32 v3, v63  }
0x427: {  	v1 =	vadd.f32 v5, v1;
	v2 =	vmul.f32 v3, v2;
	_ =	sdelay $0x1  }
0x428: {  	v1 =	vadd.f32 v2, v1;
	_ =	sdelay $0x1  }
0x429: {  	v0 =	vmul.f32 v1, v0;
	_ =	sdelay $0x1  }
0x42a: {  	s30 =	simm.s32 $0x0;
	s31 =	simm.s32 $0x17C0;
	[tilespmem:$0x17C0] =	vst v0  }
0x42b: {  	[hbm4b:s1+s30] =	stream.linear.scatter [tilespmem:s31], [sflag:$0x1], $0x80, $0x38;
	[tilespmem:$0x1840] =	vst v63  }
0x42c: {  	_ =	swait.ge [sflag:s8], $0x80  }
0x42d: {  	[sflag:s8] =	ssyncset.done $0x0  }
0x42e: {  	[sflag:s8] =	ssyncadd.s32 $0xFFFFFF80  }
0x42f: {  	_ =	sfence.sel $0x180000  }
0x430: {  	[bflag:$0x0] =	sbarrier.arrive $0xFFFF  }
0x431: {  	_ =	strace $0x90000047  }
0x432: {  	s0 =	sadd.s32 $0x100000, s0;
	[bflag:$0x2] =	sbarrier.arrive $0xFFFF  }
0x433: {  	[sflag:s0] =	ssyncadd.tile.s32 $0x1;
	_ =	shalt  }
.Lfunc_end2:
_tile_overlayer_lowered:
.L_overlay_start_2:
0x434: {  	(tag) =	ssettag $0x2  }
0x435: {  	s0 =	rddreg [dreg:$0x0];
	s2 =	stileid.u32  }
0x436: {  	s1 =	rddreg [dreg:$0x1];
	p0 =	sne.s32 s2, $0x0  }
0x437: {  	s3 =	rddreg [dreg:$0x2];
	[bflag:$0x3] =	sbarrier.arrive $0xFFFF;
	s2 =	simm.s32 @!p0 $0x1C01  }
0x438: {  	[timem:s3], [sflag:s2] =	dma.local @!p0 [hbm:s0], s1  }
0x439: {  	s0 =	simm.s32 @!p0 $0x1  }
0x43a: {  	_ =	swait.ge @!p0 [sflag:s0], s1  }
0x43b: {  	s1 =	ssub.s32 @!p0 $0x0, s1;
	[sflag:s0] =	ssyncset.done @!p0 $0x0  }
0x43c: {  	[sflag:s0] =	ssyncadd.s32 @!p0 s1  }
0x43d: {  	[bflag:$0x3] =	sbarrier.arrive $0xFFFF  }
0x43e: {  	_ =	shalt  }

</sc_bundles>
